<compile_context>
chip_gen: v7x
topology: tpu7x:2x2x1
jax: 0.10.2.dev20260603
libtpu: 0.0.44.dev20260713+nightly
codegen_flags: <defaults>
</compile_context>

<pallas_src>
import jax
import jax.numpy as jnp
from jax import lax
from jax.experimental import pallas as pl
from jax.experimental.pallas import tpu as pltpu
from jax.experimental.pallas import tpu_sc as plsc

MARGIN = 0.2
K = 8
N = 4096
NW = 32
ROWS_PER_W = N // NW
CHUNK = 8
NCHUNK = ROWS_PER_W // CHUNK


def _sort16(x, descending=False):
    if descending:
        return -lax.sort(-x)
    return lax.sort(x)


def _merge(a_asc, b_desc):
    return jnp.maximum(a_asc, b_desc)


def _merge_tree_kv(items, descending):
    if len(items) == 1:
        return plsc.sort_key_val(items[0][0], items[0][1],
                                 descending=descending)
    h = len(items) // 2
    av, ai = _merge_tree_kv(items[:h], False)
    bv, bi = _merge_tree_kv(items[h:], True)
    mv = jnp.maximum(av, bv)
    mi = jnp.where(av >= bv, ai, bi)
    return plsc.sort_key_val(mv, mi, descending=descending)


def _merge_tree_v(items, descending):
    if len(items) == 1:
        return _sort16(items[0], descending)
    h = len(items) // 2
    m = _merge(_merge_tree_v(items[:h], False), _merge_tree_v(items[h:], True))
    return _sort16(m, descending)


def _body(logits_hbm, out_hbm, buf_a, buf_b, accv, sem_a, sem_b):
    f32 = jnp.float32
    i32 = jnp.int32
    cid = lax.axis_index("c")
    sid = lax.axis_index("s")
    wid = sid * 2 + cid
    base = wid * ROWS_PER_W

    lane = lax.iota(i32, 16)
    lane0 = lane == 0
    topmask = lane < K
    neg_inf = jnp.full((16,), -jnp.inf, f32)

    def row_topk(i, buf, off, acc):
        i_vec = jnp.full((16,), i, i32) + off
        p_vec = plsc.load_gather(buf, [i_vec])
        plsc.store_scatter(buf, [i_vec], neg_inf, mask=lane0)

        items = []
        for g in range(16):
            gm = buf[pl.ds(off + 256 * g, 16)]
            for k in range(1, 16):
                gm = jnp.maximum(gm, buf[pl.ds(off + 256 * g + 16 * k, 16)])
            items.append((gm, 16 * g + lane))

        _, fi = _merge_tree_kv(items, True)

        dn = lax.GatherDimensionNumbers(
            offset_dims=(), collapsed_slice_dims=(0,), start_index_map=(0,))
        vecs = []
        for k in range(K):
            bc = lax.gather(fi, jnp.full((16, 1), k, i32), dn,
                            slice_sizes=(1,),
                            mode=lax.GatherScatterMode.PROMISE_IN_BOUNDS)
            col = ((bc >> 4) << 8) + (bc & 15) + 16 * lane + off
            vecs.append(plsc.load_gather(buf, [col]))

        f = _merge_tree_v(vecs, True)

        vals = jnp.maximum(f - p_vec + MARGIN, 0.0)
        return acc + jnp.where(topmask, vals, 0.0)

    def fire_chunk(c, buf, sem):
        row0 = base + CHUNK * c
        for r in range(CHUNK):
            pltpu.async_copy(logits_hbm.at[row0 + r],
                             buf.at[pl.ds(r * N, N)], sem)

    def drain_chunk(buf, sem):
        for r in range(CHUNK):
            pltpu.make_async_copy(logits_hbm.at[base],
                                  buf.at[pl.ds(r * N, N)], sem).wait()

    def compute_drain(c, buf, sem, acc):
        row0 = base + CHUNK * c

        def rbody(r, acc):
            pltpu.make_async_copy(logits_hbm.at[base],
                                  buf.at[pl.ds(r * N, N)], sem).wait()
            return row_topk(row0 + r, buf, r * N, acc)

        return lax.fori_loop(0, CHUNK, rbody, acc)

    fire_chunk(0, buf_a, sem_a)

    def pair_body(cc, acc):
        c0 = 2 * cc
        c1 = c0 + 1
        fire_chunk(c1, buf_b, sem_b)
        acc = compute_drain(c0, buf_a, sem_a, acc)
        fire_chunk(jnp.minimum(c1 + 1, NCHUNK - 1), buf_a, sem_a)
        acc = compute_drain(c1, buf_b, sem_b, acc)
        return acc

    acc = lax.fori_loop(0, NCHUNK // 2, pair_body, jnp.zeros((16,), f32))
    drain_chunk(buf_a, sem_a)

    accv[...] = acc
    pltpu.sync_copy(accv, out_hbm.at[wid])


def kernel(logits):
    mesh = plsc.VectorSubcoreMesh(core_axis_name="c", subcore_axis_name="s")
    out = pl.kernel(
        _body,
        out_type=jax.ShapeDtypeStruct((NW, 16), jnp.float32),
        name="triplet_topk_sc",
        mesh=mesh,
        scratch_types=[
            pltpu.VMEM((CHUNK * N,), jnp.float32),
            pltpu.VMEM((CHUNK * N,), jnp.float32),
            pltpu.VMEM((16,), jnp.float32),
            pltpu.SemaphoreType.DMA,
            pltpu.SemaphoreType.DMA,
        ],
        compiler_params=pltpu.CompilerParams(needs_layout_passes=False),
    )(logits)
    return jnp.sum(out) / N

# --- scband reference (transcript-rebuilt; emitter-appended) ---
"""Pipeline reference for scband-triplet-margin-loss-37555194036371 (READ-ONLY COPY).

The authoritative reference and input builder live on the scoring server;
editing this copy changes nothing except your own understanding.
"""

import jax, jax.numpy as jnp
import numpy as np

MARGIN = 0.2
NEG_SAMPLE_NUM = 8


def setup_inputs(seed: int = 0) -> dict:
    key = jax.random.key(seed)
    logits = jax.random.normal(key, (4096, 4096), dtype=jnp.float32)
    return {"logits": logits}


def reference(logits):
    # positive = diagonal, broadcast across each row
    positive = jnp.diagonal(logits)[:, None]
    out = jnp.maximum(MARGIN + logits - positive, 0.0)
    # zero the diagonal (fill_diagonal_(0))
    n = out.shape[0]
    idx = jnp.arange(n)
    out = out.at[idx, idx].set(0.0)
    # top-k hardest negatives per row
    vals, _ = jax.lax.top_k(out, NEG_SAMPLE_NUM)
    per_row = jnp.sum(vals, axis=1)
    # reduction = 'mean'
    return jnp.mean(per_row)

if __name__ == "__main__":
    import jax
    _d = setup_inputs()
    print(jax.jit(kernel)(*tuple(_d.values())))

</pallas_src>

<mosaic_0001>
#map = affine_map<(d0, d1) -> (0, 0)>
module attributes {stable_mosaic.version = 14 : i64} {
  func.func @triplet_topk_sc(%arg0: i32, %arg1: i32, %arg2: memref<4096x4096xf32, #tpu.memory_space<hbm>>, %arg3: memref<32x16xf32, #tpu.memory_space<hbm>>, %arg4: memref<32768xf32, #tpu.memory_space<vmem>>, %arg5: memref<32768xf32, #tpu.memory_space<vmem>>, %arg6: memref<16xf32, #tpu.memory_space<vmem>>, %arg7: memref<!tpu.dma_semaphore, #tpu.memory_space<semaphore_mem>>, %arg8: memref<!tpu.dma_semaphore, #tpu.memory_space<semaphore_mem>>) attributes {dimension_semantics = [#tpu.dimension_semantics<core_parallel>, #tpu.dimension_semantics<subcore_parallel>], iteration_bounds = array<i64: 2, 16>, scalar_prefetch = 0 : i64, scratch_operands = 5 : i64, tpu.core_type = #tpu.core_type<sc_vector_subcore>, window_params = [{transform_indices = #map}, {transform_indices = #map}]} {
    %mul3A = arith.constant 2 : i32
    %mul3A_0 = arith.muli %arg1, %mul3A : i32
    %add3A = arith.addi %mul3A_0, %arg0 : i32
    %mul3A_1 = arith.constant 128 : i32
    %mul3A_2 = arith.muli %add3A, %mul3A_1 : i32
    %iota3A = tpu.iota {dimensions = array<i32: 0>} : vector<16xi32>
    %eq3A = arith.constant 0 : i32
    %eq3A_3 = vector.broadcast %eq3A : i32 to vector<16xi32>
    %eq3A_4 = arith.cmpi eq, %iota3A, %eq3A_3 : vector<16xi32>
    %lt3A = arith.constant 8 : i32
    %lt3A_5 = vector.broadcast %lt3A : i32 to vector<16xi32>
    %lt3A_6 = arith.cmpi slt, %iota3A, %lt3A_5 : vector<16xi32>
    %broadcast_in_dim3A = arith.constant 0xFF800000 : f32
    %broadcast_in_dim3A_7 = vector.broadcast %broadcast_in_dim3A : f32 to vector<16xf32>
    %add3A_8 = arith.constant 0 : i32
    %add3A_9 = arith.addi %mul3A_2, %add3A_8 : i32
    %add3A_10 = arith.constant 0 : i32
    %add3A_11 = arith.addi %add3A_9, %add3A_10 : i32
    %dma_start3A = arith.constant 0 : i32
    %dma_start3A_12 = tpu.memref_slice %arg4[%dma_start3A] : memref<32768xf32, #tpu.memory_space<vmem>> -> memref<4096xf32, #tpu.memory_space<vmem>>
    %dma_start3A_13 = arith.constant 0 : i32
    %dma_start3A_14 = tpu.memref_slice %arg2[%add3A_11, %dma_start3A_13] : memref<4096x4096xf32, #tpu.memory_space<hbm>> -> memref<1x4096xf32, #tpu.memory_space<hbm>>
    %dma_start3A_15 = tpu.memref_squeeze %dma_start3A_14 : memref<1x4096xf32, #tpu.memory_space<hbm>> -> memref<4096xf32, #tpu.memory_space<hbm>>
    %dma_start3A_16 = arith.constant 0 : i32
    %dma_start3A_17 = tpu.memref_slice %arg4[%dma_start3A_16] : memref<32768xf32, #tpu.memory_space<vmem>> -> memref<4096xf32, #tpu.memory_space<vmem>>
    %dma_start3A_18 = arith.constant 0 : i32
    %dma_start3A_19 = tpu.memref_slice %arg2[%add3A_11, %dma_start3A_18] : memref<4096x4096xf32, #tpu.memory_space<hbm>> -> memref<1x4096xf32, #tpu.memory_space<hbm>>
    %dma_start3A_20 = tpu.memref_squeeze %dma_start3A_19 : memref<1x4096xf32, #tpu.memory_space<hbm>> -> memref<4096xf32, #tpu.memory_space<hbm>>
    tpu.enqueue_dma source(%dma_start3A_20 : memref<4096xf32, #tpu.memory_space<hbm>>) target(%dma_start3A_17 : memref<4096xf32, #tpu.memory_space<vmem>>) target_semaphore(%arg7 : memref<!tpu.dma_semaphore, #tpu.memory_space<semaphore_mem>>)
    %add3A_21 = arith.constant 1 : i32
    %add3A_22 = arith.addi %add3A_9, %add3A_21 : i32
    %dma_start3A_23 = arith.constant 4096 : i32
    %dma_start3A_24 = tpu.memref_slice %arg4[%dma_start3A_23] : memref<32768xf32, #tpu.memory_space<vmem>> -> memref<4096xf32, #tpu.memory_space<vmem>>
    %dma_start3A_25 = arith.constant 0 : i32
    %dma_start3A_26 = tpu.memref_slice %arg2[%add3A_22, %dma_start3A_25] : memref<4096x4096xf32, #tpu.memory_space<hbm>> -> memref<1x4096xf32, #tpu.memory_space<hbm>>
    %dma_start3A_27 = tpu.memref_squeeze %dma_start3A_26 : memref<1x4096xf32, #tpu.memory_space<hbm>> -> memref<4096xf32, #tpu.memory_space<hbm>>
    %dma_start3A_28 = arith.constant 4096 : i32
    %dma_start3A_29 = tpu.memref_slice %arg4[%dma_start3A_28] : memref<32768xf32, #tpu.memory_space<vmem>> -> memref<4096xf32, #tpu.memory_space<vmem>>
    %dma_start3A_30 = arith.constant 0 : i32
    %dma_start3A_31 = tpu.memref_slice %arg2[%add3A_22, %dma_start3A_30] : memref<4096x4096xf32, #tpu.memory_space<hbm>> -> memref<1x4096xf32, #tpu.memory_space<hbm>>
    %dma_start3A_32 = tpu.memref_squeeze %dma_start3A_31 : memref<1x4096xf32, #tpu.memory_space<hbm>> -> memref<4096xf32, #tpu.memory_space<hbm>>
    tpu.enqueue_dma source(%dma_start3A_32 : memref<4096xf32, #tpu.memory_space<hbm>>) target(%dma_start3A_29 : memref<4096xf32, #tpu.memory_space<vmem>>) target_semaphore(%arg7 : memref<!tpu.dma_semaphore, #tpu.memory_space<semaphore_mem>>)
    %add3A_33 = arith.constant 2 : i32
    %add3A_34 = arith.addi %add3A_9, %add3A_33 : i32
    %dma_start3A_35 = arith.constant 8192 : i32
    %dma_start3A_36 = tpu.memref_slice %arg4[%dma_start3A_35] : memref<32768xf32, #tpu.memory_space<vmem>> -> memref<4096xf32, #tpu.memory_space<vmem>>
    %dma_start3A_37 = arith.constant 0 : i32
    %dma_start3A_38 = tpu.memref_slice %arg2[%add3A_34, %dma_start3A_37] : memref<4096x4096xf32, #tpu.memory_space<hbm>> -> memref<1x4096xf32, #tpu.memory_space<hbm>>
    %dma_start3A_39 = tpu.memref_squeeze %dma_start3A_38 : memref<1x4096xf32, #tpu.memory_space<hbm>> -> memref<4096xf32, #tpu.memory_space<hbm>>
    %dma_start3A_40 = arith.constant 8192 : i32
    %dma_start3A_41 = tpu.memref_slice %arg4[%dma_start3A_40] : memref<32768xf32, #tpu.memory_space<vmem>> -> memref<4096xf32, #tpu.memory_space<vmem>>
    %dma_start3A_42 = arith.constant 0 : i32
    %dma_start3A_43 = tpu.memref_slice %arg2[%add3A_34, %dma_start3A_42] : memref<4096x4096xf32, #tpu.memory_space<hbm>> -> memref<1x4096xf32, #tpu.memory_space<hbm>>
    %dma_start3A_44 = tpu.memref_squeeze %dma_start3A_43 : memref<1x4096xf32, #tpu.memory_space<hbm>> -> memref<4096xf32, #tpu.memory_space<hbm>>
    tpu.enqueue_dma source(%dma_start3A_44 : memref<4096xf32, #tpu.memory_space<hbm>>) target(%dma_start3A_41 : memref<4096xf32, #tpu.memory_space<vmem>>) target_semaphore(%arg7 : memref<!tpu.dma_semaphore, #tpu.memory_space<semaphore_mem>>)
    %add3A_45 = arith.constant 3 : i32
    %add3A_46 = arith.addi %add3A_9, %add3A_45 : i32
    %dma_start3A_47 = arith.constant 12288 : i32
    %dma_start3A_48 = tpu.memref_slice %arg4[%dma_start3A_47] : memref<32768xf32, #tpu.memory_space<vmem>> -> memref<4096xf32, #tpu.memory_space<vmem>>
    %dma_start3A_49 = arith.constant 0 : i32
    %dma_start3A_50 = tpu.memref_slice %arg2[%add3A_46, %dma_start3A_49] : memref<4096x4096xf32, #tpu.memory_space<hbm>> -> memref<1x4096xf32, #tpu.memory_space<hbm>>
    %dma_start3A_51 = tpu.memref_squeeze %dma_start3A_50 : memref<1x4096xf32, #tpu.memory_space<hbm>> -> memref<4096xf32, #tpu.memory_space<hbm>>
    %dma_start3A_52 = arith.constant 12288 : i32
    %dma_start3A_53 = tpu.memref_slice %arg4[%dma_start3A_52] : memref<32768xf32, #tpu.memory_space<vmem>> -> memref<4096xf32, #tpu.memory_space<vmem>>
    %dma_start3A_54 = arith.constant 0 : i32
    %dma_start3A_55 = tpu.memref_slice %arg2[%add3A_46, %dma_start3A_54] : memref<4096x4096xf32, #tpu.memory_space<hbm>> -> memref<1x4096xf32, #tpu.memory_space<hbm>>
    %dma_start3A_56 = tpu.memref_squeeze %dma_start3A_55 : memref<1x4096xf32, #tpu.memory_space<hbm>> -> memref<4096xf32, #tpu.memory_space<hbm>>
    tpu.enqueue_dma source(%dma_start3A_56 : memref<4096xf32, #tpu.memory_space<hbm>>) target(%dma_start3A_53 : memref<4096xf32, #tpu.memory_space<vmem>>) target_semaphore(%arg7 : memref<!tpu.dma_semaphore, #tpu.memory_space<semaphore_mem>>)
    %add3A_57 = arith.constant 4 : i32
    %add3A_58 = arith.addi %add3A_9, %add3A_57 : i32
    %dma_start3A_59 = arith.constant 16384 : i32
    %dma_start3A_60 = tpu.memref_slice %arg4[%dma_start3A_59] : memref<32768xf32, #tpu.memory_space<vmem>> -> memref<4096xf32, #tpu.memory_space<vmem>>
    %dma_start3A_61 = arith.constant 0 : i32
    %dma_start3A_62 = tpu.memref_slice %arg2[%add3A_58, %dma_start3A_61] : memref<4096x4096xf32, #tpu.memory_space<hbm>> -> memref<1x4096xf32, #tpu.memory_space<hbm>>
    %dma_start3A_63 = tpu.memref_squeeze %dma_start3A_62 : memref<1x4096xf32, #tpu.memory_space<hbm>> -> memref<4096xf32, #tpu.memory_space<hbm>>
    %dma_start3A_64 = arith.constant 16384 : i32
    %dma_start3A_65 = tpu.memref_slice %arg4[%dma_start3A_64] : memref<32768xf32, #tpu.memory_space<vmem>> -> memref<4096xf32, #tpu.memory_space<vmem>>
    %dma_start3A_66 = arith.constant 0 : i32
    %dma_start3A_67 = tpu.memref_slice %arg2[%add3A_58, %dma_start3A_66] : memref<4096x4096xf32, #tpu.memory_space<hbm>> -> memref<1x4096xf32, #tpu.memory_space<hbm>>
    %dma_start3A_68 = tpu.memref_squeeze %dma_start3A_67 : memref<1x4096xf32, #tpu.memory_space<hbm>> -> memref<4096xf32, #tpu.memory_space<hbm>>
    tpu.enqueue_dma source(%dma_start3A_68 : memref<4096xf32, #tpu.memory_space<hbm>>) target(%dma_start3A_65 : memref<4096xf32, #tpu.memory_space<vmem>>) target_semaphore(%arg7 : memref<!tpu.dma_semaphore, #tpu.memory_space<semaphore_mem>>)
    %add3A_69 = arith.constant 5 : i32
    %add3A_70 = arith.addi %add3A_9, %add3A_69 : i32
    %dma_start3A_71 = arith.constant 20480 : i32
    %dma_start3A_72 = tpu.memref_slice %arg4[%dma_start3A_71] : memref<32768xf32, #tpu.memory_space<vmem>> -> memref<4096xf32, #tpu.memory_space<vmem>>
    %dma_start3A_73 = arith.constant 0 : i32
    %dma_start3A_74 = tpu.memref_slice %arg2[%add3A_70, %dma_start3A_73] : memref<4096x4096xf32, #tpu.memory_space<hbm>> -> memref<1x4096xf32, #tpu.memory_space<hbm>>
    %dma_start3A_75 = tpu.memref_squeeze %dma_start3A_74 : memref<1x4096xf32, #tpu.memory_space<hbm>> -> memref<4096xf32, #tpu.memory_space<hbm>>
    %dma_start3A_76 = arith.constant 20480 : i32
    %dma_start3A_77 = tpu.memref_slice %arg4[%dma_start3A_76] : memref<32768xf32, #tpu.memory_space<vmem>> -> memref<4096xf32, #tpu.memory_space<vmem>>
    %dma_start3A_78 = arith.constant 0 : i32
    %dma_start3A_79 = tpu.memref_slice %arg2[%add3A_70, %dma_start3A_78] : memref<4096x4096xf32, #tpu.memory_space<hbm>> -> memref<1x4096xf32, #tpu.memory_space<hbm>>
    %dma_start3A_80 = tpu.memref_squeeze %dma_start3A_79 : memref<1x4096xf32, #tpu.memory_space<hbm>> -> memref<4096xf32, #tpu.memory_space<hbm>>
    tpu.enqueue_dma source(%dma_start3A_80 : memref<4096xf32, #tpu.memory_space<hbm>>) target(%dma_start3A_77 : memref<4096xf32, #tpu.memory_space<vmem>>) target_semaphore(%arg7 : memref<!tpu.dma_semaphore, #tpu.memory_space<semaphore_mem>>)
    %add3A_81 = arith.constant 6 : i32
    %add3A_82 = arith.addi %add3A_9, %add3A_81 : i32
    %dma_start3A_83 = arith.constant 24576 : i32
    %dma_start3A_84 = tpu.memref_slice %arg4[%dma_start3A_83] : memref<32768xf32, #tpu.memory_space<vmem>> -> memref<4096xf32, #tpu.memory_space<vmem>>
    %dma_start3A_85 = arith.constant 0 : i32
    %dma_start3A_86 = tpu.memref_slice %arg2[%add3A_82, %dma_start3A_85] : memref<4096x4096xf32, #tpu.memory_space<hbm>> -> memref<1x4096xf32, #tpu.memory_space<hbm>>
    %dma_start3A_87 = tpu.memref_squeeze %dma_start3A_86 : memref<1x4096xf32, #tpu.memory_space<hbm>> -> memref<4096xf32, #tpu.memory_space<hbm>>
    %dma_start3A_88 = arith.constant 24576 : i32
    %dma_start3A_89 = tpu.memref_slice %arg4[%dma_start3A_88] : memref<32768xf32, #tpu.memory_space<vmem>> -> memref<4096xf32, #tpu.memory_space<vmem>>
    %dma_start3A_90 = arith.constant 0 : i32
    %dma_start3A_91 = tpu.memref_slice %arg2[%add3A_82, %dma_start3A_90] : memref<4096x4096xf32, #tpu.memory_space<hbm>> -> memref<1x4096xf32, #tpu.memory_space<hbm>>
    %dma_start3A_92 = tpu.memref_squeeze %dma_start3A_91 : memref<1x4096xf32, #tpu.memory_space<hbm>> -> memref<4096xf32, #tpu.memory_space<hbm>>
    tpu.enqueue_dma source(%dma_start3A_92 : memref<4096xf32, #tpu.memory_space<hbm>>) target(%dma_start3A_89 : memref<4096xf32, #tpu.memory_space<vmem>>) target_semaphore(%arg7 : memref<!tpu.dma_semaphore, #tpu.memory_space<semaphore_mem>>)
    %add3A_93 = arith.constant 7 : i32
    %add3A_94 = arith.addi %add3A_9, %add3A_93 : i32
    %dma_start3A_95 = arith.constant 28672 : i32
    %dma_start3A_96 = tpu.memref_slice %arg4[%dma_start3A_95] : memref<32768xf32, #tpu.memory_space<vmem>> -> memref<4096xf32, #tpu.memory_space<vmem>>
    %dma_start3A_97 = arith.constant 0 : i32
    %dma_start3A_98 = tpu.memref_slice %arg2[%add3A_94, %dma_start3A_97] : memref<4096x4096xf32, #tpu.memory_space<hbm>> -> memref<1x4096xf32, #tpu.memory_space<hbm>>
    %dma_start3A_99 = tpu.memref_squeeze %dma_start3A_98 : memref<1x4096xf32, #tpu.memory_space<hbm>> -> memref<4096xf32, #tpu.memory_space<hbm>>
    %dma_start3A_100 = arith.constant 28672 : i32
    %dma_start3A_101 = tpu.memref_slice %arg4[%dma_start3A_100] : memref<32768xf32, #tpu.memory_space<vmem>> -> memref<4096xf32, #tpu.memory_space<vmem>>
    %dma_start3A_102 = arith.constant 0 : i32
    %dma_start3A_103 = tpu.memref_slice %arg2[%add3A_94, %dma_start3A_102] : memref<4096x4096xf32, #tpu.memory_space<hbm>> -> memref<1x4096xf32, #tpu.memory_space<hbm>>
    %dma_start3A_104 = tpu.memref_squeeze %dma_start3A_103 : memref<1x4096xf32, #tpu.memory_space<hbm>> -> memref<4096xf32, #tpu.memory_space<hbm>>
    tpu.enqueue_dma source(%dma_start3A_104 : memref<4096xf32, #tpu.memory_space<hbm>>) target(%dma_start3A_101 : memref<4096xf32, #tpu.memory_space<vmem>>) target_semaphore(%arg7 : memref<!tpu.dma_semaphore, #tpu.memory_space<semaphore_mem>>)
    %broadcast_in_dim3A_105 = arith.constant 0.000000e+00 : f32
    %broadcast_in_dim3A_106 = vector.broadcast %broadcast_in_dim3A_105 : f32 to vector<16xf32>
    %scan3A = arith.constant 0 : i32
    %scan3A_107 = arith.constant 8 : i32
    %scan3A_108 = arith.addi %scan3A, %scan3A_107 : i32
    %scan3A_109 = arith.constant 1 : i32
    %scan3A_110 = scf.for %scan3A_192 = %scan3A to %scan3A_108 step %scan3A_109 iter_args(%scan3A_193 = %broadcast_in_dim3A_106) -> (vector<16xf32>)  : i32 {
      %mul3A_194 = arith.constant 2 : i32
      %mul3A_195 = arith.muli %mul3A_194, %scan3A_192 : i32
      %add3A_196 = arith.constant 1 : i32
      %add3A_197 = arith.addi %mul3A_195, %add3A_196 : i32
      %mul3A_198 = arith.constant 8 : i32
      %mul3A_199 = arith.muli %mul3A_198, %add3A_197 : i32
      %add3A_200 = arith.addi %mul3A_2, %mul3A_199 : i32
      %add3A_201 = arith.constant 0 : i32
      %add3A_202 = arith.addi %add3A_200, %add3A_201 : i32
      %dma_start3A_203 = arith.constant 0 : i32
      %dma_start3A_204 = tpu.memref_slice %arg5[%dma_start3A_203] : memref<32768xf32, #tpu.memory_space<vmem>> -> memref<4096xf32, #tpu.memory_space<vmem>>
      %dma_start3A_205 = arith.constant 0 : i32
      %dma_start3A_206 = tpu.memref_slice %arg2[%add3A_202, %dma_start3A_205] : memref<4096x4096xf32, #tpu.memory_space<hbm>> -> memref<1x4096xf32, #tpu.memory_space<hbm>>
      %dma_start3A_207 = tpu.memref_squeeze %dma_start3A_206 : memref<1x4096xf32, #tpu.memory_space<hbm>> -> memref<4096xf32, #tpu.memory_space<hbm>>
      %dma_start3A_208 = arith.constant 0 : i32
      %dma_start3A_209 = tpu.memref_slice %arg5[%dma_start3A_208] : memref<32768xf32, #tpu.memory_space<vmem>> -> memref<4096xf32, #tpu.memory_space<vmem>>
      %dma_start3A_210 = arith.constant 0 : i32
      %dma_start3A_211 = tpu.memref_slice %arg2[%add3A_202, %dma_start3A_210] : memref<4096x4096xf32, #tpu.memory_space<hbm>> -> memref<1x4096xf32, #tpu.memory_space<hbm>>
      %dma_start3A_212 = tpu.memref_squeeze %dma_start3A_211 : memref<1x4096xf32, #tpu.memory_space<hbm>> -> memref<4096xf32, #tpu.memory_space<hbm>>
      tpu.enqueue_dma source(%dma_start3A_212 : memref<4096xf32, #tpu.memory_space<hbm>>) target(%dma_start3A_209 : memref<4096xf32, #tpu.memory_space<vmem>>) target_semaphore(%arg8 : memref<!tpu.dma_semaphore, #tpu.memory_space<semaphore_mem>>)
      %add3A_213 = arith.constant 1 : i32
      %add3A_214 = arith.addi %add3A_200, %add3A_213 : i32
      %dma_start3A_215 = arith.constant 4096 : i32
      %dma_start3A_216 = tpu.memref_slice %arg5[%dma_start3A_215] : memref<32768xf32, #tpu.memory_space<vmem>> -> memref<4096xf32, #tpu.memory_space<vmem>>
      %dma_start3A_217 = arith.constant 0 : i32
      %dma_start3A_218 = tpu.memref_slice %arg2[%add3A_214, %dma_start3A_217] : memref<4096x4096xf32, #tpu.memory_space<hbm>> -> memref<1x4096xf32, #tpu.memory_space<hbm>>
      %dma_start3A_219 = tpu.memref_squeeze %dma_start3A_218 : memref<1x4096xf32, #tpu.memory_space<hbm>> -> memref<4096xf32, #tpu.memory_space<hbm>>
      %dma_start3A_220 = arith.constant 4096 : i32
      %dma_start3A_221 = tpu.memref_slice %arg5[%dma_start3A_220] : memref<32768xf32, #tpu.memory_space<vmem>> -> memref<4096xf32, #tpu.memory_space<vmem>>
      %dma_start3A_222 = arith.constant 0 : i32
      %dma_start3A_223 = tpu.memref_slice %arg2[%add3A_214, %dma_start3A_222] : memref<4096x4096xf32, #tpu.memory_space<hbm>> -> memref<1x4096xf32, #tpu.memory_space<hbm>>
      %dma_start3A_224 = tpu.memref_squeeze %dma_start3A_223 : memref<1x4096xf32, #tpu.memory_space<hbm>> -> memref<4096xf32, #tpu.memory_space<hbm>>
      tpu.enqueue_dma source(%dma_start3A_224 : memref<4096xf32, #tpu.memory_space<hbm>>) target(%dma_start3A_221 : memref<4096xf32, #tpu.memory_space<vmem>>) target_semaphore(%arg8 : memref<!tpu.dma_semaphore, #tpu.memory_space<semaphore_mem>>)
      %add3A_225 = arith.constant 2 : i32
      %add3A_226 = arith.addi %add3A_200, %add3A_225 : i32
      %dma_start3A_227 = arith.constant 8192 : i32
      %dma_start3A_228 = tpu.memref_slice %arg5[%dma_start3A_227] : memref<32768xf32, #tpu.memory_space<vmem>> -> memref<4096xf32, #tpu.memory_space<vmem>>
      %dma_start3A_229 = arith.constant 0 : i32
      %dma_start3A_230 = tpu.memref_slice %arg2[%add3A_226, %dma_start3A_229] : memref<4096x4096xf32, #tpu.memory_space<hbm>> -> memref<1x4096xf32, #tpu.memory_space<hbm>>
      %dma_start3A_231 = tpu.memref_squeeze %dma_start3A_230 : memref<1x4096xf32, #tpu.memory_space<hbm>> -> memref<4096xf32, #tpu.memory_space<hbm>>
      %dma_start3A_232 = arith.constant 8192 : i32
      %dma_start3A_233 = tpu.memref_slice %arg5[%dma_start3A_232] : memref<32768xf32, #tpu.memory_space<vmem>> -> memref<4096xf32, #tpu.memory_space<vmem>>
      %dma_start3A_234 = arith.constant 0 : i32
      %dma_start3A_235 = tpu.memref_slice %arg2[%add3A_226, %dma_start3A_234] : memref<4096x4096xf32, #tpu.memory_space<hbm>> -> memref<1x4096xf32, #tpu.memory_space<hbm>>
      %dma_start3A_236 = tpu.memref_squeeze %dma_start3A_235 : memref<1x4096xf32, #tpu.memory_space<hbm>> -> memref<4096xf32, #tpu.memory_space<hbm>>
      tpu.enqueue_dma source(%dma_start3A_236 : memref<4096xf32, #tpu.memory_space<hbm>>) target(%dma_start3A_233 : memref<4096xf32, #tpu.memory_space<vmem>>) target_semaphore(%arg8 : memref<!tpu.dma_semaphore, #tpu.memory_space<semaphore_mem>>)
      %add3A_237 = arith.constant 3 : i32
      %add3A_238 = arith.addi %add3A_200, %add3A_237 : i32
      %dma_start3A_239 = arith.constant 12288 : i32
      %dma_start3A_240 = tpu.memref_slice %arg5[%dma_start3A_239] : memref<32768xf32, #tpu.memory_space<vmem>> -> memref<4096xf32, #tpu.memory_space<vmem>>
      %dma_start3A_241 = arith.constant 0 : i32
      %dma_start3A_242 = tpu.memref_slice %arg2[%add3A_238, %dma_start3A_241] : memref<4096x4096xf32, #tpu.memory_space<hbm>> -> memref<1x4096xf32, #tpu.memory_space<hbm>>
      %dma_start3A_243 = tpu.memref_squeeze %dma_start3A_242 : memref<1x4096xf32, #tpu.memory_space<hbm>> -> memref<4096xf32, #tpu.memory_space<hbm>>
      %dma_start3A_244 = arith.constant 12288 : i32
      %dma_start3A_245 = tpu.memref_slice %arg5[%dma_start3A_244] : memref<32768xf32, #tpu.memory_space<vmem>> -> memref<4096xf32, #tpu.memory_space<vmem>>
      %dma_start3A_246 = arith.constant 0 : i32
      %dma_start3A_247 = tpu.memref_slice %arg2[%add3A_238, %dma_start3A_246] : memref<4096x4096xf32, #tpu.memory_space<hbm>> -> memref<1x4096xf32, #tpu.memory_space<hbm>>
      %dma_start3A_248 = tpu.memref_squeeze %dma_start3A_247 : memref<1x4096xf32, #tpu.memory_space<hbm>> -> memref<4096xf32, #tpu.memory_space<hbm>>
      tpu.enqueue_dma source(%dma_start3A_248 : memref<4096xf32, #tpu.memory_space<hbm>>) target(%dma_start3A_245 : memref<4096xf32, #tpu.memory_space<vmem>>) target_semaphore(%arg8 : memref<!tpu.dma_semaphore, #tpu.memory_space<semaphore_mem>>)
      %add3A_249 = arith.constant 4 : i32
      %add3A_250 = arith.addi %add3A_200, %add3A_249 : i32
      %dma_start3A_251 = arith.constant 16384 : i32
      %dma_start3A_252 = tpu.memref_slice %arg5[%dma_start3A_251] : memref<32768xf32, #tpu.memory_space<vmem>> -> memref<4096xf32, #tpu.memory_space<vmem>>
      %dma_start3A_253 = arith.constant 0 : i32
      %dma_start3A_254 = tpu.memref_slice %arg2[%add3A_250, %dma_start3A_253] : memref<4096x4096xf32, #tpu.memory_space<hbm>> -> memref<1x4096xf32, #tpu.memory_space<hbm>>
      %dma_start3A_255 = tpu.memref_squeeze %dma_start3A_254 : memref<1x4096xf32, #tpu.memory_space<hbm>> -> memref<4096xf32, #tpu.memory_space<hbm>>
      %dma_start3A_256 = arith.constant 16384 : i32
      %dma_start3A_257 = tpu.memref_slice %arg5[%dma_start3A_256] : memref<32768xf32, #tpu.memory_space<vmem>> -> memref<4096xf32, #tpu.memory_space<vmem>>
      %dma_start3A_258 = arith.constant 0 : i32
      %dma_start3A_259 = tpu.memref_slice %arg2[%add3A_250, %dma_start3A_258] : memref<4096x4096xf32, #tpu.memory_space<hbm>> -> memref<1x4096xf32, #tpu.memory_space<hbm>>
      %dma_start3A_260 = tpu.memref_squeeze %dma_start3A_259 : memref<1x4096xf32, #tpu.memory_space<hbm>> -> memref<4096xf32, #tpu.memory_space<hbm>>
      tpu.enqueue_dma source(%dma_start3A_260 : memref<4096xf32, #tpu.memory_space<hbm>>) target(%dma_start3A_257 : memref<4096xf32, #tpu.memory_space<vmem>>) target_semaphore(%arg8 : memref<!tpu.dma_semaphore, #tpu.memory_space<semaphore_mem>>)
      %add3A_261 = arith.constant 5 : i32
      %add3A_262 = arith.addi %add3A_200, %add3A_261 : i32
      %dma_start3A_263 = arith.constant 20480 : i32
      %dma_start3A_264 = tpu.memref_slice %arg5[%dma_start3A_263] : memref<32768xf32, #tpu.memory_space<vmem>> -> memref<4096xf32, #tpu.memory_space<vmem>>
      %dma_start3A_265 = arith.constant 0 : i32
      %dma_start3A_266 = tpu.memref_slice %arg2[%add3A_262, %dma_start3A_265] : memref<4096x4096xf32, #tpu.memory_space<hbm>> -> memref<1x4096xf32, #tpu.memory_space<hbm>>
      %dma_start3A_267 = tpu.memref_squeeze %dma_start3A_266 : memref<1x4096xf32, #tpu.memory_space<hbm>> -> memref<4096xf32, #tpu.memory_space<hbm>>
      %dma_start3A_268 = arith.constant 20480 : i32
      %dma_start3A_269 = tpu.memref_slice %arg5[%dma_start3A_268] : memref<32768xf32, #tpu.memory_space<vmem>> -> memref<4096xf32, #tpu.memory_space<vmem>>
      %dma_start3A_270 = arith.constant 0 : i32
      %dma_start3A_271 = tpu.memref_slice %arg2[%add3A_262, %dma_start3A_270] : memref<4096x4096xf32, #tpu.memory_space<hbm>> -> memref<1x4096xf32, #tpu.memory_space<hbm>>
      %dma_start3A_272 = tpu.memref_squeeze %dma_start3A_271 : memref<1x4096xf32, #tpu.memory_space<hbm>> -> memref<4096xf32, #tpu.memory_space<hbm>>
      tpu.enqueue_dma source(%dma_start3A_272 : memref<4096xf32, #tpu.memory_space<hbm>>) target(%dma_start3A_269 : memref<4096xf32, #tpu.memory_space<vmem>>) target_semaphore(%arg8 : memref<!tpu.dma_semaphore, #tpu.memory_space<semaphore_mem>>)
      %add3A_273 = arith.constant 6 : i32
      %add3A_274 = arith.addi %add3A_200, %add3A_273 : i32
      %dma_start3A_275 = arith.constant 24576 : i32
      %dma_start3A_276 = tpu.memref_slice %arg5[%dma_start3A_275] : memref<32768xf32, #tpu.memory_space<vmem>> -> memref<4096xf32, #tpu.memory_space<vmem>>
      %dma_start3A_277 = arith.constant 0 : i32
      %dma_start3A_278 = tpu.memref_slice %arg2[%add3A_274, %dma_start3A_277] : memref<4096x4096xf32, #tpu.memory_space<hbm>> -> memref<1x4096xf32, #tpu.memory_space<hbm>>
      %dma_start3A_279 = tpu.memref_squeeze %dma_start3A_278 : memref<1x4096xf32, #tpu.memory_space<hbm>> -> memref<4096xf32, #tpu.memory_space<hbm>>
      %dma_start3A_280 = arith.constant 24576 : i32
      %dma_start3A_281 = tpu.memref_slice %arg5[%dma_start3A_280] : memref<32768xf32, #tpu.memory_space<vmem>> -> memref<4096xf32, #tpu.memory_space<vmem>>
      %dma_start3A_282 = arith.constant 0 : i32
      %dma_start3A_283 = tpu.memref_slice %arg2[%add3A_274, %dma_start3A_282] : memref<4096x4096xf32, #tpu.memory_space<hbm>> -> memref<1x4096xf32, #tpu.memory_space<hbm>>
      %dma_start3A_284 = tpu.memref_squeeze %dma_start3A_283 : memref<1x4096xf32, #tpu.memory_space<hbm>> -> memref<4096xf32, #tpu.memory_space<hbm>>
      tpu.enqueue_dma source(%dma_start3A_284 : memref<4096xf32, #tpu.memory_space<hbm>>) target(%dma_start3A_281 : memref<4096xf32, #tpu.memory_space<vmem>>) target_semaphore(%arg8 : memref<!tpu.dma_semaphore, #tpu.memory_space<semaphore_mem>>)
      %add3A_285 = arith.constant 7 : i32
      %add3A_286 = arith.addi %add3A_200, %add3A_285 : i32
      %dma_start3A_287 = arith.constant 28672 : i32
      %dma_start3A_288 = tpu.memref_slice %arg5[%dma_start3A_287] : memref<32768xf32, #tpu.memory_space<vmem>> -> memref<4096xf32, #tpu.memory_space<vmem>>
      %dma_start3A_289 = arith.constant 0 : i32
      %dma_start3A_290 = tpu.memref_slice %arg2[%add3A_286, %dma_start3A_289] : memref<4096x4096xf32, #tpu.memory_space<hbm>> -> memref<1x4096xf32, #tpu.memory_space<hbm>>
      %dma_start3A_291 = tpu.memref_squeeze %dma_start3A_290 : memref<1x4096xf32, #tpu.memory_space<hbm>> -> memref<4096xf32, #tpu.memory_space<hbm>>
      %dma_start3A_292 = arith.constant 28672 : i32
      %dma_start3A_293 = tpu.memref_slice %arg5[%dma_start3A_292] : memref<32768xf32, #tpu.memory_space<vmem>> -> memref<4096xf32, #tpu.memory_space<vmem>>
      %dma_start3A_294 = arith.constant 0 : i32
      %dma_start3A_295 = tpu.memref_slice %arg2[%add3A_286, %dma_start3A_294] : memref<4096x4096xf32, #tpu.memory_space<hbm>> -> memref<1x4096xf32, #tpu.memory_space<hbm>>
      %dma_start3A_296 = tpu.memref_squeeze %dma_start3A_295 : memref<1x4096xf32, #tpu.memory_space<hbm>> -> memref<4096xf32, #tpu.memory_space<hbm>>
      tpu.enqueue_dma source(%dma_start3A_296 : memref<4096xf32, #tpu.memory_space<hbm>>) target(%dma_start3A_293 : memref<4096xf32, #tpu.memory_space<vmem>>) target_semaphore(%arg8 : memref<!tpu.dma_semaphore, #tpu.memory_space<semaphore_mem>>)
      %mul3A_297 = arith.constant 8 : i32
      %mul3A_298 = arith.muli %mul3A_297, %mul3A_195 : i32
      %add3A_299 = arith.addi %mul3A_2, %mul3A_298 : i32
      %scan3A_300 = arith.constant 0 : i32
      %scan3A_301 = arith.constant 8 : i32
      %scan3A_302 = arith.addi %scan3A_300, %scan3A_301 : i32
      %scan3A_303 = arith.constant 1 : i32
      %scan3A_304 = scf.for %scan3A_417 = %scan3A_300 to %scan3A_302 step %scan3A_303 iter_args(%scan3A_418 = %scan3A_193) -> (vector<16xf32>)  : i32 {
        %mul3A_419 = arith.constant 4096 : i32
        %mul3A_420 = arith.muli %scan3A_417, %mul3A_419 : i32
        %dma_wait3A_421 = tpu.memref_slice %arg4[%mul3A_420] : memref<32768xf32, #tpu.memory_space<vmem>> -> memref<4096xf32, #tpu.memory_space<vmem>>
        %dma_wait3A_422 = arith.constant 0 : i32
        %dma_wait3A_423 = tpu.memref_slice %arg2[%mul3A_2, %dma_wait3A_422] : memref<4096x4096xf32, #tpu.memory_space<hbm>> -> memref<1x4096xf32, #tpu.memory_space<hbm>>
        %dma_wait3A_424 = tpu.memref_squeeze %dma_wait3A_423 : memref<1x4096xf32, #tpu.memory_space<hbm>> -> memref<4096xf32, #tpu.memory_space<hbm>>
        %dma_wait3A_425 = tpu.memref_slice %arg4[%mul3A_420] : memref<32768xf32, #tpu.memory_space<vmem>> -> memref<4096xf32, #tpu.memory_space<vmem>>
        %dma_wait3A_426 = arith.constant 0 : i32
        %dma_wait3A_427 = tpu.memref_slice %arg2[%mul3A_2, %dma_wait3A_426] : memref<4096x4096xf32, #tpu.memory_space<hbm>> -> memref<1x4096xf32, #tpu.memory_space<hbm>>
        %dma_wait3A_428 = tpu.memref_squeeze %dma_wait3A_427 : memref<1x4096xf32, #tpu.memory_space<hbm>> -> memref<4096xf32, #tpu.memory_space<hbm>>
        tpu.wait_dma2 semaphore(%arg7 : memref<!tpu.dma_semaphore, #tpu.memory_space<semaphore_mem>>) src(%dma_wait3A_428 : memref<4096xf32, #tpu.memory_space<hbm>>) dst(%dma_wait3A_425 : memref<4096xf32, #tpu.memory_space<vmem>>)
        %add3A_429 = arith.addi %add3A_299, %scan3A_417 : i32
        %mul3A_430 = arith.constant 4096 : i32
        %mul3A_431 = arith.muli %scan3A_417, %mul3A_430 : i32
        %broadcast_in_dim3A_432 = vector.broadcast %add3A_429 : i32 to vector<16xi32>
        %add3A_433 = vector.broadcast %mul3A_431 : i32 to vector<16xi32>
        %add3A_434 = arith.addi %broadcast_in_dim3A_432, %add3A_433 : vector<16xi32>
        %gather3A = tpu.vector_load_idx %arg4[%add3A_434] : memref<32768xf32, #tpu.memory_space<vmem>>[vector<16xi32>], vector<16xf32>,
        tpu.vector_store_idx %arg4[%add3A_434], %broadcast_in_dim3A_7 masked %eq3A_4 : memref<32768xf32, #tpu.memory_space<vmem>>[vector<16xi32>], vector<16xf32>, vector<16xi1>
        %add3A_435 = arith.constant 0 : i32
        %add3A_436 = arith.addi %mul3A_431, %add3A_435 : i32
        %get3A = arith.index_cast %add3A_436 : i32 to index
        %get3A_437 = tpu.vector_load %arg4[%get3A] {strides = array<i32>} : memref<32768xf32, #tpu.memory_space<vmem>>, vector<16xf32>,
        %add3A_438 = arith.constant 0 : i32
        %add3A_439 = arith.addi %mul3A_431, %add3A_438 : i32
        %add3A_440 = arith.constant 16 : i32
        %add3A_441 = arith.addi %add3A_439, %add3A_440 : i32
        %get3A_442 = arith.index_cast %add3A_441 : i32 to index
        %get3A_443 = tpu.vector_load %arg4[%get3A_442] {strides = array<i32>} : memref<32768xf32, #tpu.memory_space<vmem>>, vector<16xf32>,
        %max3A = arith.maximumf %get3A_437, %get3A_443 : vector<16xf32>
        %add3A_444 = arith.constant 0 : i32
        %add3A_445 = arith.addi %mul3A_431, %add3A_444 : i32
        %add3A_446 = arith.constant 32 : i32
        %add3A_447 = arith.addi %add3A_445, %add3A_446 : i32
        %get3A_448 = arith.index_cast %add3A_447 : i32 to index
        %get3A_449 = tpu.vector_load %arg4[%get3A_448] {strides = array<i32>} : memref<32768xf32, #tpu.memory_space<vmem>>, vector<16xf32>,
        %max3A_450 = arith.maximumf %max3A, %get3A_449 : vector<16xf32>
        %add3A_451 = arith.constant 0 : i32
        %add3A_452 = arith.addi %mul3A_431, %add3A_451 : i32
        %add3A_453 = arith.constant 48 : i32
        %add3A_454 = arith.addi %add3A_452, %add3A_453 : i32
        %get3A_455 = arith.index_cast %add3A_454 : i32 to index
        %get3A_456 = tpu.vector_load %arg4[%get3A_455] {strides = array<i32>} : memref<32768xf32, #tpu.memory_space<vmem>>, vector<16xf32>,
        %max3A_457 = arith.maximumf %max3A_450, %get3A_456 : vector<16xf32>
        %add3A_458 = arith.constant 0 : i32
        %add3A_459 = arith.addi %mul3A_431, %add3A_458 : i32
        %add3A_460 = arith.constant 64 : i32
        %add3A_461 = arith.addi %add3A_459, %add3A_460 : i32
        %get3A_462 = arith.index_cast %add3A_461 : i32 to index
        %get3A_463 = tpu.vector_load %arg4[%get3A_462] {strides = array<i32>} : memref<32768xf32, #tpu.memory_space<vmem>>, vector<16xf32>,
        %max3A_464 = arith.maximumf %max3A_457, %get3A_463 : vector<16xf32>
        %add3A_465 = arith.constant 0 : i32
        %add3A_466 = arith.addi %mul3A_431, %add3A_465 : i32
        %add3A_467 = arith.constant 80 : i32
        %add3A_468 = arith.addi %add3A_466, %add3A_467 : i32
        %get3A_469 = arith.index_cast %add3A_468 : i32 to index
        %get3A_470 = tpu.vector_load %arg4[%get3A_469] {strides = array<i32>} : memref<32768xf32, #tpu.memory_space<vmem>>, vector<16xf32>,
        %max3A_471 = arith.maximumf %max3A_464, %get3A_470 : vector<16xf32>
        %add3A_472 = arith.constant 0 : i32
        %add3A_473 = arith.addi %mul3A_431, %add3A_472 : i32
        %add3A_474 = arith.constant 96 : i32
        %add3A_475 = arith.addi %add3A_473, %add3A_474 : i32
        %get3A_476 = arith.index_cast %add3A_475 : i32 to index
        %get3A_477 = tpu.vector_load %arg4[%get3A_476] {strides = array<i32>} : memref<32768xf32, #tpu.memory_space<vmem>>, vector<16xf32>,
        %max3A_478 = arith.maximumf %max3A_471, %get3A_477 : vector<16xf32>
        %add3A_479 = arith.constant 0 : i32
        %add3A_480 = arith.addi %mul3A_431, %add3A_479 : i32
        %add3A_481 = arith.constant 112 : i32
        %add3A_482 = arith.addi %add3A_480, %add3A_481 : i32
        %get3A_483 = arith.index_cast %add3A_482 : i32 to index
        %get3A_484 = tpu.vector_load %arg4[%get3A_483] {strides = array<i32>} : memref<32768xf32, #tpu.memory_space<vmem>>, vector<16xf32>,
        %max3A_485 = arith.maximumf %max3A_478, %get3A_484 : vector<16xf32>
        %add3A_486 = arith.constant 0 : i32
        %add3A_487 = arith.addi %mul3A_431, %add3A_486 : i32
        %add3A_488 = arith.constant 128 : i32
        %add3A_489 = arith.addi %add3A_487, %add3A_488 : i32
        %get3A_490 = arith.index_cast %add3A_489 : i32 to index
        %get3A_491 = tpu.vector_load %arg4[%get3A_490] {strides = array<i32>} : memref<32768xf32, #tpu.memory_space<vmem>>, vector<16xf32>,
        %max3A_492 = arith.maximumf %max3A_485, %get3A_491 : vector<16xf32>
        %add3A_493 = arith.constant 0 : i32
        %add3A_494 = arith.addi %mul3A_431, %add3A_493 : i32
        %add3A_495 = arith.constant 144 : i32
        %add3A_496 = arith.addi %add3A_494, %add3A_495 : i32
        %get3A_497 = arith.index_cast %add3A_496 : i32 to index
        %get3A_498 = tpu.vector_load %arg4[%get3A_497] {strides = array<i32>} : memref<32768xf32, #tpu.memory_space<vmem>>, vector<16xf32>,
        %max3A_499 = arith.maximumf %max3A_492, %get3A_498 : vector<16xf32>
        %add3A_500 = arith.constant 0 : i32
        %add3A_501 = arith.addi %mul3A_431, %add3A_500 : i32
        %add3A_502 = arith.constant 160 : i32
        %add3A_503 = arith.addi %add3A_501, %add3A_502 : i32
        %get3A_504 = arith.index_cast %add3A_503 : i32 to index
        %get3A_505 = tpu.vector_load %arg4[%get3A_504] {strides = array<i32>} : memref<32768xf32, #tpu.memory_space<vmem>>, vector<16xf32>,
        %max3A_506 = arith.maximumf %max3A_499, %get3A_505 : vector<16xf32>
        %add3A_507 = arith.constant 0 : i32
        %add3A_508 = arith.addi %mul3A_431, %add3A_507 : i32
        %add3A_509 = arith.constant 176 : i32
        %add3A_510 = arith.addi %add3A_508, %add3A_509 : i32
        %get3A_511 = arith.index_cast %add3A_510 : i32 to index
        %get3A_512 = tpu.vector_load %arg4[%get3A_511] {strides = array<i32>} : memref<32768xf32, #tpu.memory_space<vmem>>, vector<16xf32>,
        %max3A_513 = arith.maximumf %max3A_506, %get3A_512 : vector<16xf32>
        %add3A_514 = arith.constant 0 : i32
        %add3A_515 = arith.addi %mul3A_431, %add3A_514 : i32
        %add3A_516 = arith.constant 192 : i32
        %add3A_517 = arith.addi %add3A_515, %add3A_516 : i32
        %get3A_518 = arith.index_cast %add3A_517 : i32 to index
        %get3A_519 = tpu.vector_load %arg4[%get3A_518] {strides = array<i32>} : memref<32768xf32, #tpu.memory_space<vmem>>, vector<16xf32>,
        %max3A_520 = arith.maximumf %max3A_513, %get3A_519 : vector<16xf32>
        %add3A_521 = arith.constant 0 : i32
        %add3A_522 = arith.addi %mul3A_431, %add3A_521 : i32
        %add3A_523 = arith.constant 208 : i32
        %add3A_524 = arith.addi %add3A_522, %add3A_523 : i32
        %get3A_525 = arith.index_cast %add3A_524 : i32 to index
        %get3A_526 = tpu.vector_load %arg4[%get3A_525] {strides = array<i32>} : memref<32768xf32, #tpu.memory_space<vmem>>, vector<16xf32>,
        %max3A_527 = arith.maximumf %max3A_520, %get3A_526 : vector<16xf32>
        %add3A_528 = arith.constant 0 : i32
        %add3A_529 = arith.addi %mul3A_431, %add3A_528 : i32
        %add3A_530 = arith.constant 224 : i32
        %add3A_531 = arith.addi %add3A_529, %add3A_530 : i32
        %get3A_532 = arith.index_cast %add3A_531 : i32 to index
        %get3A_533 = tpu.vector_load %arg4[%get3A_532] {strides = array<i32>} : memref<32768xf32, #tpu.memory_space<vmem>>, vector<16xf32>,
        %max3A_534 = arith.maximumf %max3A_527, %get3A_533 : vector<16xf32>
        %add3A_535 = arith.constant 0 : i32
        %add3A_536 = arith.addi %mul3A_431, %add3A_535 : i32
        %add3A_537 = arith.constant 240 : i32
        %add3A_538 = arith.addi %add3A_536, %add3A_537 : i32
        %get3A_539 = arith.index_cast %add3A_538 : i32 to index
        %get3A_540 = tpu.vector_load %arg4[%get3A_539] {strides = array<i32>} : memref<32768xf32, #tpu.memory_space<vmem>>, vector<16xf32>,
        %max3A_541 = arith.maximumf %max3A_534, %get3A_540 : vector<16xf32>
        %add3A_542 = arith.constant 0 : i32
        %add3A_543 = vector.broadcast %add3A_542 : i32 to vector<16xi32>
        %add3A_544 = arith.addi %add3A_543, %iota3A : vector<16xi32>
        %add3A_545 = arith.constant 256 : i32
        %add3A_546 = arith.addi %mul3A_431, %add3A_545 : i32
        %get3A_547 = arith.index_cast %add3A_546 : i32 to index
        %get3A_548 = tpu.vector_load %arg4[%get3A_547] {strides = array<i32>} : memref<32768xf32, #tpu.memory_space<vmem>>, vector<16xf32>,
        %add3A_549 = arith.constant 256 : i32
        %add3A_550 = arith.addi %mul3A_431, %add3A_549 : i32
        %add3A_551 = arith.constant 16 : i32
        %add3A_552 = arith.addi %add3A_550, %add3A_551 : i32
        %get3A_553 = arith.index_cast %add3A_552 : i32 to index
        %get3A_554 = tpu.vector_load %arg4[%get3A_553] {strides = array<i32>} : memref<32768xf32, #tpu.memory_space<vmem>>, vector<16xf32>,
        %max3A_555 = arith.maximumf %get3A_548, %get3A_554 : vector<16xf32>
        %add3A_556 = arith.constant 256 : i32
        %add3A_557 = arith.addi %mul3A_431, %add3A_556 : i32
        %add3A_558 = arith.constant 32 : i32
        %add3A_559 = arith.addi %add3A_557, %add3A_558 : i32
        %get3A_560 = arith.index_cast %add3A_559 : i32 to index
        %get3A_561 = tpu.vector_load %arg4[%get3A_560] {strides = array<i32>} : memref<32768xf32, #tpu.memory_space<vmem>>, vector<16xf32>,
        %max3A_562 = arith.maximumf %max3A_555, %get3A_561 : vector<16xf32>
        %add3A_563 = arith.constant 256 : i32
        %add3A_564 = arith.addi %mul3A_431, %add3A_563 : i32
        %add3A_565 = arith.constant 48 : i32
        %add3A_566 = arith.addi %add3A_564, %add3A_565 : i32
        %get3A_567 = arith.index_cast %add3A_566 : i32 to index
        %get3A_568 = tpu.vector_load %arg4[%get3A_567] {strides = array<i32>} : memref<32768xf32, #tpu.memory_space<vmem>>, vector<16xf32>,
        %max3A_569 = arith.maximumf %max3A_562, %get3A_568 : vector<16xf32>
        %add3A_570 = arith.constant 256 : i32
        %add3A_571 = arith.addi %mul3A_431, %add3A_570 : i32
        %add3A_572 = arith.constant 64 : i32
        %add3A_573 = arith.addi %add3A_571, %add3A_572 : i32
        %get3A_574 = arith.index_cast %add3A_573 : i32 to index
        %get3A_575 = tpu.vector_load %arg4[%get3A_574] {strides = array<i32>} : memref<32768xf32, #tpu.memory_space<vmem>>, vector<16xf32>,
        %max3A_576 = arith.maximumf %max3A_569, %get3A_575 : vector<16xf32>
        %add3A_577 = arith.constant 256 : i32
        %add3A_578 = arith.addi %mul3A_431, %add3A_577 : i32
        %add3A_579 = arith.constant 80 : i32
        %add3A_580 = arith.addi %add3A_578, %add3A_579 : i32
        %get3A_581 = arith.index_cast %add3A_580 : i32 to index
        %get3A_582 = tpu.vector_load %arg4[%get3A_581] {strides = array<i32>} : memref<32768xf32, #tpu.memory_space<vmem>>, vector<16xf32>,
        %max3A_583 = arith.maximumf %max3A_576, %get3A_582 : vector<16xf32>
        %add3A_584 = arith.constant 256 : i32
        %add3A_585 = arith.addi %mul3A_431, %add3A_584 : i32
        %add3A_586 = arith.constant 96 : i32
        %add3A_587 = arith.addi %add3A_585, %add3A_586 : i32
        %get3A_588 = arith.index_cast %add3A_587 : i32 to index
        %get3A_589 = tpu.vector_load %arg4[%get3A_588] {strides = array<i32>} : memref<32768xf32, #tpu.memory_space<vmem>>, vector<16xf32>,
        %max3A_590 = arith.maximumf %max3A_583, %get3A_589 : vector<16xf32>
        %add3A_591 = arith.constant 256 : i32
        %add3A_592 = arith.addi %mul3A_431, %add3A_591 : i32
        %add3A_593 = arith.constant 112 : i32
        %add3A_594 = arith.addi %add3A_592, %add3A_593 : i32
        %get3A_595 = arith.index_cast %add3A_594 : i32 to index
        %get3A_596 = tpu.vector_load %arg4[%get3A_595] {strides = array<i32>} : memref<32768xf32, #tpu.memory_space<vmem>>, vector<16xf32>,
        %max3A_597 = arith.maximumf %max3A_590, %get3A_596 : vector<16xf32>
        %add3A_598 = arith.constant 256 : i32
        %add3A_599 = arith.addi %mul3A_431, %add3A_598 : i32
        %add3A_600 = arith.constant 128 : i32
        %add3A_601 = arith.addi %add3A_599, %add3A_600 : i32
        %get3A_602 = arith.index_cast %add3A_601 : i32 to index
        %get3A_603 = tpu.vector_load %arg4[%get3A_602] {strides = array<i32>} : memref<32768xf32, #tpu.memory_space<vmem>>, vector<16xf32>,
        %max3A_604 = arith.maximumf %max3A_597, %get3A_603 : vector<16xf32>
        %add3A_605 = arith.constant 256 : i32
        %add3A_606 = arith.addi %mul3A_431, %add3A_605 : i32
        %add3A_607 = arith.constant 144 : i32
        %add3A_608 = arith.addi %add3A_606, %add3A_607 : i32
        %get3A_609 = arith.index_cast %add3A_608 : i32 to index
        %get3A_610 = tpu.vector_load %arg4[%get3A_609] {strides = array<i32>} : memref<32768xf32, #tpu.memory_space<vmem>>, vector<16xf32>,
        %max3A_611 = arith.maximumf %max3A_604, %get3A_610 : vector<16xf32>
        %add3A_612 = arith.constant 256 : i32
        %add3A_613 = arith.addi %mul3A_431, %add3A_612 : i32
        %add3A_614 = arith.constant 160 : i32
        %add3A_615 = arith.addi %add3A_613, %add3A_614 : i32
        %get3A_616 = arith.index_cast %add3A_615 : i32 to index
        %get3A_617 = tpu.vector_load %arg4[%get3A_616] {strides = array<i32>} : memref<32768xf32, #tpu.memory_space<vmem>>, vector<16xf32>,
        %max3A_618 = arith.maximumf %max3A_611, %get3A_617 : vector<16xf32>
        %add3A_619 = arith.constant 256 : i32
        %add3A_620 = arith.addi %mul3A_431, %add3A_619 : i32
        %add3A_621 = arith.constant 176 : i32
        %add3A_622 = arith.addi %add3A_620, %add3A_621 : i32
        %get3A_623 = arith.index_cast %add3A_622 : i32 to index
        %get3A_624 = tpu.vector_load %arg4[%get3A_623] {strides = array<i32>} : memref<32768xf32, #tpu.memory_space<vmem>>, vector<16xf32>,
        %max3A_625 = arith.maximumf %max3A_618, %get3A_624 : vector<16xf32>
        %add3A_626 = arith.constant 256 : i32
        %add3A_627 = arith.addi %mul3A_431, %add3A_626 : i32
        %add3A_628 = arith.constant 192 : i32
        %add3A_629 = arith.addi %add3A_627, %add3A_628 : i32
        %get3A_630 = arith.index_cast %add3A_629 : i32 to index
        %get3A_631 = tpu.vector_load %arg4[%get3A_630] {strides = array<i32>} : memref<32768xf32, #tpu.memory_space<vmem>>, vector<16xf32>,
        %max3A_632 = arith.maximumf %max3A_625, %get3A_631 : vector<16xf32>
        %add3A_633 = arith.constant 256 : i32
        %add3A_634 = arith.addi %mul3A_431, %add3A_633 : i32
        %add3A_635 = arith.constant 208 : i32
        %add3A_636 = arith.addi %add3A_634, %add3A_635 : i32
        %get3A_637 = arith.index_cast %add3A_636 : i32 to index
        %get3A_638 = tpu.vector_load %arg4[%get3A_637] {strides = array<i32>} : memref<32768xf32, #tpu.memory_space<vmem>>, vector<16xf32>,
        %max3A_639 = arith.maximumf %max3A_632, %get3A_638 : vector<16xf32>
        %add3A_640 = arith.constant 256 : i32
        %add3A_641 = arith.addi %mul3A_431, %add3A_640 : i32
        %add3A_642 = arith.constant 224 : i32
        %add3A_643 = arith.addi %add3A_641, %add3A_642 : i32
        %get3A_644 = arith.index_cast %add3A_643 : i32 to index
        %get3A_645 = tpu.vector_load %arg4[%get3A_644] {strides = array<i32>} : memref<32768xf32, #tpu.memory_space<vmem>>, vector<16xf32>,
        %max3A_646 = arith.maximumf %max3A_639, %get3A_645 : vector<16xf32>
        %add3A_647 = arith.constant 256 : i32
        %add3A_648 = arith.addi %mul3A_431, %add3A_647 : i32
        %add3A_649 = arith.constant 240 : i32
        %add3A_650 = arith.addi %add3A_648, %add3A_649 : i32
        %get3A_651 = arith.index_cast %add3A_650 : i32 to index
        %get3A_652 = tpu.vector_load %arg4[%get3A_651] {strides = array<i32>} : memref<32768xf32, #tpu.memory_space<vmem>>, vector<16xf32>,
        %max3A_653 = arith.maximumf %max3A_646, %get3A_652 : vector<16xf32>
        %add3A_654 = arith.constant 16 : i32
        %add3A_655 = vector.broadcast %add3A_654 : i32 to vector<16xi32>
        %add3A_656 = arith.addi %add3A_655, %iota3A : vector<16xi32>
        %add3A_657 = arith.constant 512 : i32
        %add3A_658 = arith.addi %mul3A_431, %add3A_657 : i32
        %get3A_659 = arith.index_cast %add3A_658 : i32 to index
        %get3A_660 = tpu.vector_load %arg4[%get3A_659] {strides = array<i32>} : memref<32768xf32, #tpu.memory_space<vmem>>, vector<16xf32>,
        %add3A_661 = arith.constant 512 : i32
        %add3A_662 = arith.addi %mul3A_431, %add3A_661 : i32
        %add3A_663 = arith.constant 16 : i32
        %add3A_664 = arith.addi %add3A_662, %add3A_663 : i32
        %get3A_665 = arith.index_cast %add3A_664 : i32 to index
        %get3A_666 = tpu.vector_load %arg4[%get3A_665] {strides = array<i32>} : memref<32768xf32, #tpu.memory_space<vmem>>, vector<16xf32>,
        %max3A_667 = arith.maximumf %get3A_660, %get3A_666 : vector<16xf32>
        %add3A_668 = arith.constant 512 : i32
        %add3A_669 = arith.addi %mul3A_431, %add3A_668 : i32
        %add3A_670 = arith.constant 32 : i32
        %add3A_671 = arith.addi %add3A_669, %add3A_670 : i32
        %get3A_672 = arith.index_cast %add3A_671 : i32 to index
        %get3A_673 = tpu.vector_load %arg4[%get3A_672] {strides = array<i32>} : memref<32768xf32, #tpu.memory_space<vmem>>, vector<16xf32>,
        %max3A_674 = arith.maximumf %max3A_667, %get3A_673 : vector<16xf32>
        %add3A_675 = arith.constant 512 : i32
        %add3A_676 = arith.addi %mul3A_431, %add3A_675 : i32
        %add3A_677 = arith.constant 48 : i32
        %add3A_678 = arith.addi %add3A_676, %add3A_677 : i32
        %get3A_679 = arith.index_cast %add3A_678 : i32 to index
        %get3A_680 = tpu.vector_load %arg4[%get3A_679] {strides = array<i32>} : memref<32768xf32, #tpu.memory_space<vmem>>, vector<16xf32>,
        %max3A_681 = arith.maximumf %max3A_674, %get3A_680 : vector<16xf32>
        %add3A_682 = arith.constant 512 : i32
        %add3A_683 = arith.addi %mul3A_431, %add3A_682 : i32
        %add3A_684 = arith.constant 64 : i32
        %add3A_685 = arith.addi %add3A_683, %add3A_684 : i32
        %get3A_686 = arith.index_cast %add3A_685 : i32 to index
        %get3A_687 = tpu.vector_load %arg4[%get3A_686] {strides = array<i32>} : memref<32768xf32, #tpu.memory_space<vmem>>, vector<16xf32>,
        %max3A_688 = arith.maximumf %max3A_681, %get3A_687 : vector<16xf32>
        %add3A_689 = arith.constant 512 : i32
        %add3A_690 = arith.addi %mul3A_431, %add3A_689 : i32
        %add3A_691 = arith.constant 80 : i32
        %add3A_692 = arith.addi %add3A_690, %add3A_691 : i32
        %get3A_693 = arith.index_cast %add3A_692 : i32 to index
        %get3A_694 = tpu.vector_load %arg4[%get3A_693] {strides = array<i32>} : memref<32768xf32, #tpu.memory_space<vmem>>, vector<16xf32>,
        %max3A_695 = arith.maximumf %max3A_688, %get3A_694 : vector<16xf32>
        %add3A_696 = arith.constant 512 : i32
        %add3A_697 = arith.addi %mul3A_431, %add3A_696 : i32
        %add3A_698 = arith.constant 96 : i32
        %add3A_699 = arith.addi %add3A_697, %add3A_698 : i32
        %get3A_700 = arith.index_cast %add3A_699 : i32 to index
        %get3A_701 = tpu.vector_load %arg4[%get3A_700] {strides = array<i32>} : memref<32768xf32, #tpu.memory_space<vmem>>, vector<16xf32>,
        %max3A_702 = arith.maximumf %max3A_695, %get3A_701 : vector<16xf32>
        %add3A_703 = arith.constant 512 : i32
        %add3A_704 = arith.addi %mul3A_431, %add3A_703 : i32
        %add3A_705 = arith.constant 112 : i32
        %add3A_706 = arith.addi %add3A_704, %add3A_705 : i32
        %get3A_707 = arith.index_cast %add3A_706 : i32 to index
        %get3A_708 = tpu.vector_load %arg4[%get3A_707] {strides = array<i32>} : memref<32768xf32, #tpu.memory_space<vmem>>, vector<16xf32>,
        %max3A_709 = arith.maximumf %max3A_702, %get3A_708 : vector<16xf32>
        %add3A_710 = arith.constant 512 : i32
        %add3A_711 = arith.addi %mul3A_431, %add3A_710 : i32
        %add3A_712 = arith.constant 128 : i32
        %add3A_713 = arith.addi %add3A_711, %add3A_712 : i32
        %get3A_714 = arith.index_cast %add3A_713 : i32 to index
        %get3A_715 = tpu.vector_load %arg4[%get3A_714] {strides = array<i32>} : memref<32768xf32, #tpu.memory_space<vmem>>, vector<16xf32>,
        %max3A_716 = arith.maximumf %max3A_709, %get3A_715 : vector<16xf32>
        %add3A_717 = arith.constant 512 : i32
        %add3A_718 = arith.addi %mul3A_431, %add3A_717 : i32
        %add3A_719 = arith.constant 144 : i32
        %add3A_720 = arith.addi %add3A_718, %add3A_719 : i32
        %get3A_721 = arith.index_cast %add3A_720 : i32 to index
        %get3A_722 = tpu.vector_load %arg4[%get3A_721] {strides = array<i32>} : memref<32768xf32, #tpu.memory_space<vmem>>, vector<16xf32>,
        %max3A_723 = arith.maximumf %max3A_716, %get3A_722 : vector<16xf32>
        %add3A_724 = arith.constant 512 : i32
        %add3A_725 = arith.addi %mul3A_431, %add3A_724 : i32
        %add3A_726 = arith.constant 160 : i32
        %add3A_727 = arith.addi %add3A_725, %add3A_726 : i32
        %get3A_728 = arith.index_cast %add3A_727 : i32 to index
        %get3A_729 = tpu.vector_load %arg4[%get3A_728] {strides = array<i32>} : memref<32768xf32, #tpu.memory_space<vmem>>, vector<16xf32>,
        %max3A_730 = arith.maximumf %max3A_723, %get3A_729 : vector<16xf32>
        %add3A_731 = arith.constant 512 : i32
        %add3A_732 = arith.addi %mul3A_431, %add3A_731 : i32
        %add3A_733 = arith.constant 176 : i32
        %add3A_734 = arith.addi %add3A_732, %add3A_733 : i32
        %get3A_735 = arith.index_cast %add3A_734 : i32 to index
        %get3A_736 = tpu.vector_load %arg4[%get3A_735] {strides = array<i32>} : memref<32768xf32, #tpu.memory_space<vmem>>, vector<16xf32>,
        %max3A_737 = arith.maximumf %max3A_730, %get3A_736 : vector<16xf32>
        %add3A_738 = arith.constant 512 : i32
        %add3A_739 = arith.addi %mul3A_431, %add3A_738 : i32
        %add3A_740 = arith.constant 192 : i32
        %add3A_741 = arith.addi %add3A_739, %add3A_740 : i32
        %get3A_742 = arith.index_cast %add3A_741 : i32 to index
        %get3A_743 = tpu.vector_load %arg4[%get3A_742] {strides = array<i32>} : memref<32768xf32, #tpu.memory_space<vmem>>, vector<16xf32>,
        %max3A_744 = arith.maximumf %max3A_737, %get3A_743 : vector<16xf32>
        %add3A_745 = arith.constant 512 : i32
        %add3A_746 = arith.addi %mul3A_431, %add3A_745 : i32
        %add3A_747 = arith.constant 208 : i32
        %add3A_748 = arith.addi %add3A_746, %add3A_747 : i32
        %get3A_749 = arith.index_cast %add3A_748 : i32 to index
        %get3A_750 = tpu.vector_load %arg4[%get3A_749] {strides = array<i32>} : memref<32768xf32, #tpu.memory_space<vmem>>, vector<16xf32>,
        %max3A_751 = arith.maximumf %max3A_744, %get3A_750 : vector<16xf32>
        %add3A_752 = arith.constant 512 : i32
        %add3A_753 = arith.addi %mul3A_431, %add3A_752 : i32
        %add3A_754 = arith.constant 224 : i32
        %add3A_755 = arith.addi %add3A_753, %add3A_754 : i32
        %get3A_756 = arith.index_cast %add3A_755 : i32 to index
        %get3A_757 = tpu.vector_load %arg4[%get3A_756] {strides = array<i32>} : memref<32768xf32, #tpu.memory_space<vmem>>, vector<16xf32>,
        %max3A_758 = arith.maximumf %max3A_751, %get3A_757 : vector<16xf32>
        %add3A_759 = arith.constant 512 : i32
        %add3A_760 = arith.addi %mul3A_431, %add3A_759 : i32
        %add3A_761 = arith.constant 240 : i32
        %add3A_762 = arith.addi %add3A_760, %add3A_761 : i32
        %get3A_763 = arith.index_cast %add3A_762 : i32 to index
        %get3A_764 = tpu.vector_load %arg4[%get3A_763] {strides = array<i32>} : memref<32768xf32, #tpu.memory_space<vmem>>, vector<16xf32>,
        %max3A_765 = arith.maximumf %max3A_758, %get3A_764 : vector<16xf32>
        %add3A_766 = arith.constant 32 : i32
        %add3A_767 = vector.broadcast %add3A_766 : i32 to vector<16xi32>
        %add3A_768 = arith.addi %add3A_767, %iota3A : vector<16xi32>
        %add3A_769 = arith.constant 768 : i32
        %add3A_770 = arith.addi %mul3A_431, %add3A_769 : i32
        %get3A_771 = arith.index_cast %add3A_770 : i32 to index
        %get3A_772 = tpu.vector_load %arg4[%get3A_771] {strides = array<i32>} : memref<32768xf32, #tpu.memory_space<vmem>>, vector<16xf32>,
        %add3A_773 = arith.constant 768 : i32
        %add3A_774 = arith.addi %mul3A_431, %add3A_773 : i32
        %add3A_775 = arith.constant 16 : i32
        %add3A_776 = arith.addi %add3A_774, %add3A_775 : i32
        %get3A_777 = arith.index_cast %add3A_776 : i32 to index
        %get3A_778 = tpu.vector_load %arg4[%get3A_777] {strides = array<i32>} : memref<32768xf32, #tpu.memory_space<vmem>>, vector<16xf32>,
        %max3A_779 = arith.maximumf %get3A_772, %get3A_778 : vector<16xf32>
        %add3A_780 = arith.constant 768 : i32
        %add3A_781 = arith.addi %mul3A_431, %add3A_780 : i32
        %add3A_782 = arith.constant 32 : i32
        %add3A_783 = arith.addi %add3A_781, %add3A_782 : i32
        %get3A_784 = arith.index_cast %add3A_783 : i32 to index
        %get3A_785 = tpu.vector_load %arg4[%get3A_784] {strides = array<i32>} : memref<32768xf32, #tpu.memory_space<vmem>>, vector<16xf32>,
        %max3A_786 = arith.maximumf %max3A_779, %get3A_785 : vector<16xf32>
        %add3A_787 = arith.constant 768 : i32
        %add3A_788 = arith.addi %mul3A_431, %add3A_787 : i32
        %add3A_789 = arith.constant 48 : i32
        %add3A_790 = arith.addi %add3A_788, %add3A_789 : i32
        %get3A_791 = arith.index_cast %add3A_790 : i32 to index
        %get3A_792 = tpu.vector_load %arg4[%get3A_791] {strides = array<i32>} : memref<32768xf32, #tpu.memory_space<vmem>>, vector<16xf32>,
        %max3A_793 = arith.maximumf %max3A_786, %get3A_792 : vector<16xf32>
        %add3A_794 = arith.constant 768 : i32
        %add3A_795 = arith.addi %mul3A_431, %add3A_794 : i32
        %add3A_796 = arith.constant 64 : i32
        %add3A_797 = arith.addi %add3A_795, %add3A_796 : i32
        %get3A_798 = arith.index_cast %add3A_797 : i32 to index
        %get3A_799 = tpu.vector_load %arg4[%get3A_798] {strides = array<i32>} : memref<32768xf32, #tpu.memory_space<vmem>>, vector<16xf32>,
        %max3A_800 = arith.maximumf %max3A_793, %get3A_799 : vector<16xf32>
        %add3A_801 = arith.constant 768 : i32
        %add3A_802 = arith.addi %mul3A_431, %add3A_801 : i32
        %add3A_803 = arith.constant 80 : i32
        %add3A_804 = arith.addi %add3A_802, %add3A_803 : i32
        %get3A_805 = arith.index_cast %add3A_804 : i32 to index
        %get3A_806 = tpu.vector_load %arg4[%get3A_805] {strides = array<i32>} : memref<32768xf32, #tpu.memory_space<vmem>>, vector<16xf32>,
        %max3A_807 = arith.maximumf %max3A_800, %get3A_806 : vector<16xf32>
        %add3A_808 = arith.constant 768 : i32
        %add3A_809 = arith.addi %mul3A_431, %add3A_808 : i32
        %add3A_810 = arith.constant 96 : i32
        %add3A_811 = arith.addi %add3A_809, %add3A_810 : i32
        %get3A_812 = arith.index_cast %add3A_811 : i32 to index
        %get3A_813 = tpu.vector_load %arg4[%get3A_812] {strides = array<i32>} : memref<32768xf32, #tpu.memory_space<vmem>>, vector<16xf32>,
        %max3A_814 = arith.maximumf %max3A_807, %get3A_813 : vector<16xf32>
        %add3A_815 = arith.constant 768 : i32
        %add3A_816 = arith.addi %mul3A_431, %add3A_815 : i32
        %add3A_817 = arith.constant 112 : i32
        %add3A_818 = arith.addi %add3A_816, %add3A_817 : i32
        %get3A_819 = arith.index_cast %add3A_818 : i32 to index
        %get3A_820 = tpu.vector_load %arg4[%get3A_819] {strides = array<i32>} : memref<32768xf32, #tpu.memory_space<vmem>>, vector<16xf32>,
        %max3A_821 = arith.maximumf %max3A_814, %get3A_820 : vector<16xf32>
        %add3A_822 = arith.constant 768 : i32
        %add3A_823 = arith.addi %mul3A_431, %add3A_822 : i32
        %add3A_824 = arith.constant 128 : i32
        %add3A_825 = arith.addi %add3A_823, %add3A_824 : i32
        %get3A_826 = arith.index_cast %add3A_825 : i32 to index
        %get3A_827 = tpu.vector_load %arg4[%get3A_826] {strides = array<i32>} : memref<32768xf32, #tpu.memory_space<vmem>>, vector<16xf32>,
        %max3A_828 = arith.maximumf %max3A_821, %get3A_827 : vector<16xf32>
        %add3A_829 = arith.constant 768 : i32
        %add3A_830 = arith.addi %mul3A_431, %add3A_829 : i32
        %add3A_831 = arith.constant 144 : i32
        %add3A_832 = arith.addi %add3A_830, %add3A_831 : i32
        %get3A_833 = arith.index_cast %add3A_832 : i32 to index
        %get3A_834 = tpu.vector_load %arg4[%get3A_833] {strides = array<i32>} : memref<32768xf32, #tpu.memory_space<vmem>>, vector<16xf32>,
        %max3A_835 = arith.maximumf %max3A_828, %get3A_834 : vector<16xf32>
        %add3A_836 = arith.constant 768 : i32
        %add3A_837 = arith.addi %mul3A_431, %add3A_836 : i32
        %add3A_838 = arith.constant 160 : i32
        %add3A_839 = arith.addi %add3A_837, %add3A_838 : i32
        %get3A_840 = arith.index_cast %add3A_839 : i32 to index
        %get3A_841 = tpu.vector_load %arg4[%get3A_840] {strides = array<i32>} : memref<32768xf32, #tpu.memory_space<vmem>>, vector<16xf32>,
        %max3A_842 = arith.maximumf %max3A_835, %get3A_841 : vector<16xf32>
        %add3A_843 = arith.constant 768 : i32
        %add3A_844 = arith.addi %mul3A_431, %add3A_843 : i32
        %add3A_845 = arith.constant 176 : i32
        %add3A_846 = arith.addi %add3A_844, %add3A_845 : i32
        %get3A_847 = arith.index_cast %add3A_846 : i32 to index
        %get3A_848 = tpu.vector_load %arg4[%get3A_847] {strides = array<i32>} : memref<32768xf32, #tpu.memory_space<vmem>>, vector<16xf32>,
        %max3A_849 = arith.maximumf %max3A_842, %get3A_848 : vector<16xf32>
        %add3A_850 = arith.constant 768 : i32
        %add3A_851 = arith.addi %mul3A_431, %add3A_850 : i32
        %add3A_852 = arith.constant 192 : i32
        %add3A_853 = arith.addi %add3A_851, %add3A_852 : i32
        %get3A_854 = arith.index_cast %add3A_853 : i32 to index
        %get3A_855 = tpu.vector_load %arg4[%get3A_854] {strides = array<i32>} : memref<32768xf32, #tpu.memory_space<vmem>>, vector<16xf32>,
        %max3A_856 = arith.maximumf %max3A_849, %get3A_855 : vector<16xf32>
        %add3A_857 = arith.constant 768 : i32
        %add3A_858 = arith.addi %mul3A_431, %add3A_857 : i32
        %add3A_859 = arith.constant 208 : i32
        %add3A_860 = arith.addi %add3A_858, %add3A_859 : i32
        %get3A_861 = arith.index_cast %add3A_860 : i32 to index
        %get3A_862 = tpu.vector_load %arg4[%get3A_861] {strides = array<i32>} : memref<32768xf32, #tpu.memory_space<vmem>>, vector<16xf32>,
        %max3A_863 = arith.maximumf %max3A_856, %get3A_862 : vector<16xf32>
        %add3A_864 = arith.constant 768 : i32
        %add3A_865 = arith.addi %mul3A_431, %add3A_864 : i32
        %add3A_866 = arith.constant 224 : i32
        %add3A_867 = arith.addi %add3A_865, %add3A_866 : i32
        %get3A_868 = arith.index_cast %add3A_867 : i32 to index
        %get3A_869 = tpu.vector_load %arg4[%get3A_868] {strides = array<i32>} : memref<32768xf32, #tpu.memory_space<vmem>>, vector<16xf32>,
        %max3A_870 = arith.maximumf %max3A_863, %get3A_869 : vector<16xf32>
        %add3A_871 = arith.constant 768 : i32
        %add3A_872 = arith.addi %mul3A_431, %add3A_871 : i32
        %add3A_873 = arith.constant 240 : i32
        %add3A_874 = arith.addi %add3A_872, %add3A_873 : i32
        %get3A_875 = arith.index_cast %add3A_874 : i32 to index
        %get3A_876 = tpu.vector_load %arg4[%get3A_875] {strides = array<i32>} : memref<32768xf32, #tpu.memory_space<vmem>>, vector<16xf32>,
        %max3A_877 = arith.maximumf %max3A_870, %get3A_876 : vector<16xf32>
        %add3A_878 = arith.constant 48 : i32
        %add3A_879 = vector.broadcast %add3A_878 : i32 to vector<16xi32>
        %add3A_880 = arith.addi %add3A_879, %iota3A : vector<16xi32>
        %add3A_881 = arith.constant 1024 : i32
        %add3A_882 = arith.addi %mul3A_431, %add3A_881 : i32
        %get3A_883 = arith.index_cast %add3A_882 : i32 to index
        %get3A_884 = tpu.vector_load %arg4[%get3A_883] {strides = array<i32>} : memref<32768xf32, #tpu.memory_space<vmem>>, vector<16xf32>,
        %add3A_885 = arith.constant 1024 : i32
        %add3A_886 = arith.addi %mul3A_431, %add3A_885 : i32
        %add3A_887 = arith.constant 16 : i32
        %add3A_888 = arith.addi %add3A_886, %add3A_887 : i32
        %get3A_889 = arith.index_cast %add3A_888 : i32 to index
        %get3A_890 = tpu.vector_load %arg4[%get3A_889] {strides = array<i32>} : memref<32768xf32, #tpu.memory_space<vmem>>, vector<16xf32>,
        %max3A_891 = arith.maximumf %get3A_884, %get3A_890 : vector<16xf32>
        %add3A_892 = arith.constant 1024 : i32
        %add3A_893 = arith.addi %mul3A_431, %add3A_892 : i32
        %add3A_894 = arith.constant 32 : i32
        %add3A_895 = arith.addi %add3A_893, %add3A_894 : i32
        %get3A_896 = arith.index_cast %add3A_895 : i32 to index
        %get3A_897 = tpu.vector_load %arg4[%get3A_896] {strides = array<i32>} : memref<32768xf32, #tpu.memory_space<vmem>>, vector<16xf32>,
        %max3A_898 = arith.maximumf %max3A_891, %get3A_897 : vector<16xf32>
        %add3A_899 = arith.constant 1024 : i32
        %add3A_900 = arith.addi %mul3A_431, %add3A_899 : i32
        %add3A_901 = arith.constant 48 : i32
        %add3A_902 = arith.addi %add3A_900, %add3A_901 : i32
        %get3A_903 = arith.index_cast %add3A_902 : i32 to index
        %get3A_904 = tpu.vector_load %arg4[%get3A_903] {strides = array<i32>} : memref<32768xf32, #tpu.memory_space<vmem>>, vector<16xf32>,
        %max3A_905 = arith.maximumf %max3A_898, %get3A_904 : vector<16xf32>
        %add3A_906 = arith.constant 1024 : i32
        %add3A_907 = arith.addi %mul3A_431, %add3A_906 : i32
        %add3A_908 = arith.constant 64 : i32
        %add3A_909 = arith.addi %add3A_907, %add3A_908 : i32
        %get3A_910 = arith.index_cast %add3A_909 : i32 to index
        %get3A_911 = tpu.vector_load %arg4[%get3A_910] {strides = array<i32>} : memref<32768xf32, #tpu.memory_space<vmem>>, vector<16xf32>,
        %max3A_912 = arith.maximumf %max3A_905, %get3A_911 : vector<16xf32>
        %add3A_913 = arith.constant 1024 : i32
        %add3A_914 = arith.addi %mul3A_431, %add3A_913 : i32
        %add3A_915 = arith.constant 80 : i32
        %add3A_916 = arith.addi %add3A_914, %add3A_915 : i32
        %get3A_917 = arith.index_cast %add3A_916 : i32 to index
        %get3A_918 = tpu.vector_load %arg4[%get3A_917] {strides = array<i32>} : memref<32768xf32, #tpu.memory_space<vmem>>, vector<16xf32>,
        %max3A_919 = arith.maximumf %max3A_912, %get3A_918 : vector<16xf32>
        %add3A_920 = arith.constant 1024 : i32
        %add3A_921 = arith.addi %mul3A_431, %add3A_920 : i32
        %add3A_922 = arith.constant 96 : i32
        %add3A_923 = arith.addi %add3A_921, %add3A_922 : i32
        %get3A_924 = arith.index_cast %add3A_923 : i32 to index
        %get3A_925 = tpu.vector_load %arg4[%get3A_924] {strides = array<i32>} : memref<32768xf32, #tpu.memory_space<vmem>>, vector<16xf32>,
        %max3A_926 = arith.maximumf %max3A_919, %get3A_925 : vector<16xf32>
        %add3A_927 = arith.constant 1024 : i32
        %add3A_928 = arith.addi %mul3A_431, %add3A_927 : i32
        %add3A_929 = arith.constant 112 : i32
        %add3A_930 = arith.addi %add3A_928, %add3A_929 : i32
        %get3A_931 = arith.index_cast %add3A_930 : i32 to index
        %get3A_932 = tpu.vector_load %arg4[%get3A_931] {strides = array<i32>} : memref<32768xf32, #tpu.memory_space<vmem>>, vector<16xf32>,
        %max3A_933 = arith.maximumf %max3A_926, %get3A_932 : vector<16xf32>
        %add3A_934 = arith.constant 1024 : i32
        %add3A_935 = arith.addi %mul3A_431, %add3A_934 : i32
        %add3A_936 = arith.constant 128 : i32
        %add3A_937 = arith.addi %add3A_935, %add3A_936 : i32
        %get3A_938 = arith.index_cast %add3A_937 : i32 to index
        %get3A_939 = tpu.vector_load %arg4[%get3A_938] {strides = array<i32>} : memref<32768xf32, #tpu.memory_space<vmem>>, vector<16xf32>,
        %max3A_940 = arith.maximumf %max3A_933, %get3A_939 : vector<16xf32>
        %add3A_941 = arith.constant 1024 : i32
        %add3A_942 = arith.addi %mul3A_431, %add3A_941 : i32
        %add3A_943 = arith.constant 144 : i32
        %add3A_944 = arith.addi %add3A_942, %add3A_943 : i32
        %get3A_945 = arith.index_cast %add3A_944 : i32 to index
        %get3A_946 = tpu.vector_load %arg4[%get3A_945] {strides = array<i32>} : memref<32768xf32, #tpu.memory_space<vmem>>, vector<16xf32>,
        %max3A_947 = arith.maximumf %max3A_940, %get3A_946 : vector<16xf32>
        %add3A_948 = arith.constant 1024 : i32
        %add3A_949 = arith.addi %mul3A_431, %add3A_948 : i32
        %add3A_950 = arith.constant 160 : i32
        %add3A_951 = arith.addi %add3A_949, %add3A_950 : i32
        %get3A_952 = arith.index_cast %add3A_951 : i32 to index
        %get3A_953 = tpu.vector_load %arg4[%get3A_952] {strides = array<i32>} : memref<32768xf32, #tpu.memory_space<vmem>>, vector<16xf32>,
        %max3A_954 = arith.maximumf %max3A_947, %get3A_953 : vector<16xf32>
        %add3A_955 = arith.constant 1024 : i32
        %add3A_956 = arith.addi %mul3A_431, %add3A_955 : i32
        %add3A_957 = arith.constant 176 : i32
        %add3A_958 = arith.addi %add3A_956, %add3A_957 : i32
        %get3A_959 = arith.index_cast %add3A_958 : i32 to index
        %get3A_960 = tpu.vector_load %arg4[%get3A_959] {strides = array<i32>} : memref<32768xf32, #tpu.memory_space<vmem>>, vector<16xf32>,
        %max3A_961 = arith.maximumf %max3A_954, %get3A_960 : vector<16xf32>
        %add3A_962 = arith.constant 1024 : i32
        %add3A_963 = arith.addi %mul3A_431, %add3A_962 : i32
        %add3A_964 = arith.constant 192 : i32
        %add3A_965 = arith.addi %add3A_963, %add3A_964 : i32
        %get3A_966 = arith.index_cast %add3A_965 : i32 to index
        %get3A_967 = tpu.vector_load %arg4[%get3A_966] {strides = array<i32>} : memref<32768xf32, #tpu.memory_space<vmem>>, vector<16xf32>,
        %max3A_968 = arith.maximumf %max3A_961, %get3A_967 : vector<16xf32>
        %add3A_969 = arith.constant 1024 : i32
        %add3A_970 = arith.addi %mul3A_431, %add3A_969 : i32
        %add3A_971 = arith.constant 208 : i32
        %add3A_972 = arith.addi %add3A_970, %add3A_971 : i32
        %get3A_973 = arith.index_cast %add3A_972 : i32 to index
        %get3A_974 = tpu.vector_load %arg4[%get3A_973] {strides = array<i32>} : memref<32768xf32, #tpu.memory_space<vmem>>, vector<16xf32>,
        %max3A_975 = arith.maximumf %max3A_968, %get3A_974 : vector<16xf32>
        %add3A_976 = arith.constant 1024 : i32
        %add3A_977 = arith.addi %mul3A_431, %add3A_976 : i32
        %add3A_978 = arith.constant 224 : i32
        %add3A_979 = arith.addi %add3A_977, %add3A_978 : i32
        %get3A_980 = arith.index_cast %add3A_979 : i32 to index
        %get3A_981 = tpu.vector_load %arg4[%get3A_980] {strides = array<i32>} : memref<32768xf32, #tpu.memory_space<vmem>>, vector<16xf32>,
        %max3A_982 = arith.maximumf %max3A_975, %get3A_981 : vector<16xf32>
        %add3A_983 = arith.constant 1024 : i32
        %add3A_984 = arith.addi %mul3A_431, %add3A_983 : i32
        %add3A_985 = arith.constant 240 : i32
        %add3A_986 = arith.addi %add3A_984, %add3A_985 : i32
        %get3A_987 = arith.index_cast %add3A_986 : i32 to index
        %get3A_988 = tpu.vector_load %arg4[%get3A_987] {strides = array<i32>} : memref<32768xf32, #tpu.memory_space<vmem>>, vector<16xf32>,
        %max3A_989 = arith.maximumf %max3A_982, %get3A_988 : vector<16xf32>
        %add3A_990 = arith.constant 64 : i32
        %add3A_991 = vector.broadcast %add3A_990 : i32 to vector<16xi32>
        %add3A_992 = arith.addi %add3A_991, %iota3A : vector<16xi32>
        %add3A_993 = arith.constant 1280 : i32
        %add3A_994 = arith.addi %mul3A_431, %add3A_993 : i32
        %get3A_995 = arith.index_cast %add3A_994 : i32 to index
        %get3A_996 = tpu.vector_load %arg4[%get3A_995] {strides = array<i32>} : memref<32768xf32, #tpu.memory_space<vmem>>, vector<16xf32>,
        %add3A_997 = arith.constant 1280 : i32
        %add3A_998 = arith.addi %mul3A_431, %add3A_997 : i32
        %add3A_999 = arith.constant 16 : i32
        %add3A_1000 = arith.addi %add3A_998, %add3A_999 : i32
        %get3A_1001 = arith.index_cast %add3A_1000 : i32 to index
        %get3A_1002 = tpu.vector_load %arg4[%get3A_1001] {strides = array<i32>} : memref<32768xf32, #tpu.memory_space<vmem>>, vector<16xf32>,
        %max3A_1003 = arith.maximumf %get3A_996, %get3A_1002 : vector<16xf32>
        %add3A_1004 = arith.constant 1280 : i32
        %add3A_1005 = arith.addi %mul3A_431, %add3A_1004 : i32
        %add3A_1006 = arith.constant 32 : i32
        %add3A_1007 = arith.addi %add3A_1005, %add3A_1006 : i32
        %get3A_1008 = arith.index_cast %add3A_1007 : i32 to index
        %get3A_1009 = tpu.vector_load %arg4[%get3A_1008] {strides = array<i32>} : memref<32768xf32, #tpu.memory_space<vmem>>, vector<16xf32>,
        %max3A_1010 = arith.maximumf %max3A_1003, %get3A_1009 : vector<16xf32>
        %add3A_1011 = arith.constant 1280 : i32
        %add3A_1012 = arith.addi %mul3A_431, %add3A_1011 : i32
        %add3A_1013 = arith.constant 48 : i32
        %add3A_1014 = arith.addi %add3A_1012, %add3A_1013 : i32
        %get3A_1015 = arith.index_cast %add3A_1014 : i32 to index
        %get3A_1016 = tpu.vector_load %arg4[%get3A_1015] {strides = array<i32>} : memref<32768xf32, #tpu.memory_space<vmem>>, vector<16xf32>,
        %max3A_1017 = arith.maximumf %max3A_1010, %get3A_1016 : vector<16xf32>
        %add3A_1018 = arith.constant 1280 : i32
        %add3A_1019 = arith.addi %mul3A_431, %add3A_1018 : i32
        %add3A_1020 = arith.constant 64 : i32
        %add3A_1021 = arith.addi %add3A_1019, %add3A_1020 : i32
        %get3A_1022 = arith.index_cast %add3A_1021 : i32 to index
        %get3A_1023 = tpu.vector_load %arg4[%get3A_1022] {strides = array<i32>} : memref<32768xf32, #tpu.memory_space<vmem>>, vector<16xf32>,
        %max3A_1024 = arith.maximumf %max3A_1017, %get3A_1023 : vector<16xf32>
        %add3A_1025 = arith.constant 1280 : i32
        %add3A_1026 = arith.addi %mul3A_431, %add3A_1025 : i32
        %add3A_1027 = arith.constant 80 : i32
        %add3A_1028 = arith.addi %add3A_1026, %add3A_1027 : i32
        %get3A_1029 = arith.index_cast %add3A_1028 : i32 to index
        %get3A_1030 = tpu.vector_load %arg4[%get3A_1029] {strides = array<i32>} : memref<32768xf32, #tpu.memory_space<vmem>>, vector<16xf32>,
        %max3A_1031 = arith.maximumf %max3A_1024, %get3A_1030 : vector<16xf32>
        %add3A_1032 = arith.constant 1280 : i32
        %add3A_1033 = arith.addi %mul3A_431, %add3A_1032 : i32
        %add3A_1034 = arith.constant 96 : i32
        %add3A_1035 = arith.addi %add3A_1033, %add3A_1034 : i32
        %get3A_1036 = arith.index_cast %add3A_1035 : i32 to index
        %get3A_1037 = tpu.vector_load %arg4[%get3A_1036] {strides = array<i32>} : memref<32768xf32, #tpu.memory_space<vmem>>, vector<16xf32>,
        %max3A_1038 = arith.maximumf %max3A_1031, %get3A_1037 : vector<16xf32>
        %add3A_1039 = arith.constant 1280 : i32
        %add3A_1040 = arith.addi %mul3A_431, %add3A_1039 : i32
        %add3A_1041 = arith.constant 112 : i32
        %add3A_1042 = arith.addi %add3A_1040, %add3A_1041 : i32
        %get3A_1043 = arith.index_cast %add3A_1042 : i32 to index
        %get3A_1044 = tpu.vector_load %arg4[%get3A_1043] {strides = array<i32>} : memref<32768xf32, #tpu.memory_space<vmem>>, vector<16xf32>,
        %max3A_1045 = arith.maximumf %max3A_1038, %get3A_1044 : vector<16xf32>
        %add3A_1046 = arith.constant 1280 : i32
        %add3A_1047 = arith.addi %mul3A_431, %add3A_1046 : i32
        %add3A_1048 = arith.constant 128 : i32
        %add3A_1049 = arith.addi %add3A_1047, %add3A_1048 : i32
        %get3A_1050 = arith.index_cast %add3A_1049 : i32 to index
        %get3A_1051 = tpu.vector_load %arg4[%get3A_1050] {strides = array<i32>} : memref<32768xf32, #tpu.memory_space<vmem>>, vector<16xf32>,
        %max3A_1052 = arith.maximumf %max3A_1045, %get3A_1051 : vector<16xf32>
        %add3A_1053 = arith.constant 1280 : i32
        %add3A_1054 = arith.addi %mul3A_431, %add3A_1053 : i32
        %add3A_1055 = arith.constant 144 : i32
        %add3A_1056 = arith.addi %add3A_1054, %add3A_1055 : i32
        %get3A_1057 = arith.index_cast %add3A_1056 : i32 to index
        %get3A_1058 = tpu.vector_load %arg4[%get3A_1057] {strides = array<i32>} : memref<32768xf32, #tpu.memory_space<vmem>>, vector<16xf32>,
        %max3A_1059 = arith.maximumf %max3A_1052, %get3A_1058 : vector<16xf32>
        %add3A_1060 = arith.constant 1280 : i32
        %add3A_1061 = arith.addi %mul3A_431, %add3A_1060 : i32
        %add3A_1062 = arith.constant 160 : i32
        %add3A_1063 = arith.addi %add3A_1061, %add3A_1062 : i32
        %get3A_1064 = arith.index_cast %add3A_1063 : i32 to index
        %get3A_1065 = tpu.vector_load %arg4[%get3A_1064] {strides = array<i32>} : memref<32768xf32, #tpu.memory_space<vmem>>, vector<16xf32>,
        %max3A_1066 = arith.maximumf %max3A_1059, %get3A_1065 : vector<16xf32>
        %add3A_1067 = arith.constant 1280 : i32
        %add3A_1068 = arith.addi %mul3A_431, %add3A_1067 : i32
        %add3A_1069 = arith.constant 176 : i32
        %add3A_1070 = arith.addi %add3A_1068, %add3A_1069 : i32
        %get3A_1071 = arith.index_cast %add3A_1070 : i32 to index
        %get3A_1072 = tpu.vector_load %arg4[%get3A_1071] {strides = array<i32>} : memref<32768xf32, #tpu.memory_space<vmem>>, vector<16xf32>,
        %max3A_1073 = arith.maximumf %max3A_1066, %get3A_1072 : vector<16xf32>
        %add3A_1074 = arith.constant 1280 : i32
        %add3A_1075 = arith.addi %mul3A_431, %add3A_1074 : i32
        %add3A_1076 = arith.constant 192 : i32
        %add3A_1077 = arith.addi %add3A_1075, %add3A_1076 : i32
        %get3A_1078 = arith.index_cast %add3A_1077 : i32 to index
        %get3A_1079 = tpu.vector_load %arg4[%get3A_1078] {strides = array<i32>} : memref<32768xf32, #tpu.memory_space<vmem>>, vector<16xf32>,
        %max3A_1080 = arith.maximumf %max3A_1073, %get3A_1079 : vector<16xf32>
        %add3A_1081 = arith.constant 1280 : i32
        %add3A_1082 = arith.addi %mul3A_431, %add3A_1081 : i32
        %add3A_1083 = arith.constant 208 : i32
        %add3A_1084 = arith.addi %add3A_1082, %add3A_1083 : i32
        %get3A_1085 = arith.index_cast %add3A_1084 : i32 to index
        %get3A_1086 = tpu.vector_load %arg4[%get3A_1085] {strides = array<i32>} : memref<32768xf32, #tpu.memory_space<vmem>>, vector<16xf32>,
        %max3A_1087 = arith.maximumf %max3A_1080, %get3A_1086 : vector<16xf32>
        %add3A_1088 = arith.constant 1280 : i32
        %add3A_1089 = arith.addi %mul3A_431, %add3A_1088 : i32
        %add3A_1090 = arith.constant 224 : i32
        %add3A_1091 = arith.addi %add3A_1089, %add3A_1090 : i32
        %get3A_1092 = arith.index_cast %add3A_1091 : i32 to index
        %get3A_1093 = tpu.vector_load %arg4[%get3A_1092] {strides = array<i32>} : memref<32768xf32, #tpu.memory_space<vmem>>, vector<16xf32>,
        %max3A_1094 = arith.maximumf %max3A_1087, %get3A_1093 : vector<16xf32>
        %add3A_1095 = arith.constant 1280 : i32
        %add3A_1096 = arith.addi %mul3A_431, %add3A_1095 : i32
        %add3A_1097 = arith.constant 240 : i32
        %add3A_1098 = arith.addi %add3A_1096, %add3A_1097 : i32
        %get3A_1099 = arith.index_cast %add3A_1098 : i32 to index
        %get3A_1100 = tpu.vector_load %arg4[%get3A_1099] {strides = array<i32>} : memref<32768xf32, #tpu.memory_space<vmem>>, vector<16xf32>,
        %max3A_1101 = arith.maximumf %max3A_1094, %get3A_1100 : vector<16xf32>
        %add3A_1102 = arith.constant 80 : i32
        %add3A_1103 = vector.broadcast %add3A_1102 : i32 to vector<16xi32>
        %add3A_1104 = arith.addi %add3A_1103, %iota3A : vector<16xi32>
        %add3A_1105 = arith.constant 1536 : i32
        %add3A_1106 = arith.addi %mul3A_431, %add3A_1105 : i32
        %get3A_1107 = arith.index_cast %add3A_1106 : i32 to index
        %get3A_1108 = tpu.vector_load %arg4[%get3A_1107] {strides = array<i32>} : memref<32768xf32, #tpu.memory_space<vmem>>, vector<16xf32>,
        %add3A_1109 = arith.constant 1536 : i32
        %add3A_1110 = arith.addi %mul3A_431, %add3A_1109 : i32
        %add3A_1111 = arith.constant 16 : i32
        %add3A_1112 = arith.addi %add3A_1110, %add3A_1111 : i32
        %get3A_1113 = arith.index_cast %add3A_1112 : i32 to index
        %get3A_1114 = tpu.vector_load %arg4[%get3A_1113] {strides = array<i32>} : memref<32768xf32, #tpu.memory_space<vmem>>, vector<16xf32>,
        %max3A_1115 = arith.maximumf %get3A_1108, %get3A_1114 : vector<16xf32>
        %add3A_1116 = arith.constant 1536 : i32
        %add3A_1117 = arith.addi %mul3A_431, %add3A_1116 : i32
        %add3A_1118 = arith.constant 32 : i32
        %add3A_1119 = arith.addi %add3A_1117, %add3A_1118 : i32
        %get3A_1120 = arith.index_cast %add3A_1119 : i32 to index
        %get3A_1121 = tpu.vector_load %arg4[%get3A_1120] {strides = array<i32>} : memref<32768xf32, #tpu.memory_space<vmem>>, vector<16xf32>,
        %max3A_1122 = arith.maximumf %max3A_1115, %get3A_1121 : vector<16xf32>
        %add3A_1123 = arith.constant 1536 : i32
        %add3A_1124 = arith.addi %mul3A_431, %add3A_1123 : i32
        %add3A_1125 = arith.constant 48 : i32
        %add3A_1126 = arith.addi %add3A_1124, %add3A_1125 : i32
        %get3A_1127 = arith.index_cast %add3A_1126 : i32 to index
        %get3A_1128 = tpu.vector_load %arg4[%get3A_1127] {strides = array<i32>} : memref<32768xf32, #tpu.memory_space<vmem>>, vector<16xf32>,
        %max3A_1129 = arith.maximumf %max3A_1122, %get3A_1128 : vector<16xf32>
        %add3A_1130 = arith.constant 1536 : i32
        %add3A_1131 = arith.addi %mul3A_431, %add3A_1130 : i32
        %add3A_1132 = arith.constant 64 : i32
        %add3A_1133 = arith.addi %add3A_1131, %add3A_1132 : i32
        %get3A_1134 = arith.index_cast %add3A_1133 : i32 to index
        %get3A_1135 = tpu.vector_load %arg4[%get3A_1134] {strides = array<i32>} : memref<32768xf32, #tpu.memory_space<vmem>>, vector<16xf32>,
        %max3A_1136 = arith.maximumf %max3A_1129, %get3A_1135 : vector<16xf32>
        %add3A_1137 = arith.constant 1536 : i32
        %add3A_1138 = arith.addi %mul3A_431, %add3A_1137 : i32
        %add3A_1139 = arith.constant 80 : i32
        %add3A_1140 = arith.addi %add3A_1138, %add3A_1139 : i32
        %get3A_1141 = arith.index_cast %add3A_1140 : i32 to index
        %get3A_1142 = tpu.vector_load %arg4[%get3A_1141] {strides = array<i32>} : memref<32768xf32, #tpu.memory_space<vmem>>, vector<16xf32>,
        %max3A_1143 = arith.maximumf %max3A_1136, %get3A_1142 : vector<16xf32>
        %add3A_1144 = arith.constant 1536 : i32
        %add3A_1145 = arith.addi %mul3A_431, %add3A_1144 : i32
        %add3A_1146 = arith.constant 96 : i32
        %add3A_1147 = arith.addi %add3A_1145, %add3A_1146 : i32
        %get3A_1148 = arith.index_cast %add3A_1147 : i32 to index
        %get3A_1149 = tpu.vector_load %arg4[%get3A_1148] {strides = array<i32>} : memref<32768xf32, #tpu.memory_space<vmem>>, vector<16xf32>,
        %max3A_1150 = arith.maximumf %max3A_1143, %get3A_1149 : vector<16xf32>
        %add3A_1151 = arith.constant 1536 : i32
        %add3A_1152 = arith.addi %mul3A_431, %add3A_1151 : i32
        %add3A_1153 = arith.constant 112 : i32
        %add3A_1154 = arith.addi %add3A_1152, %add3A_1153 : i32
        %get3A_1155 = arith.index_cast %add3A_1154 : i32 to index
        %get3A_1156 = tpu.vector_load %arg4[%get3A_1155] {strides = array<i32>} : memref<32768xf32, #tpu.memory_space<vmem>>, vector<16xf32>,
        %max3A_1157 = arith.maximumf %max3A_1150, %get3A_1156 : vector<16xf32>
        %add3A_1158 = arith.constant 1536 : i32
        %add3A_1159 = arith.addi %mul3A_431, %add3A_1158 : i32
        %add3A_1160 = arith.constant 128 : i32
        %add3A_1161 = arith.addi %add3A_1159, %add3A_1160 : i32
        %get3A_1162 = arith.index_cast %add3A_1161 : i32 to index
        %get3A_1163 = tpu.vector_load %arg4[%get3A_1162] {strides = array<i32>} : memref<32768xf32, #tpu.memory_space<vmem>>, vector<16xf32>,
        %max3A_1164 = arith.maximumf %max3A_1157, %get3A_1163 : vector<16xf32>
        %add3A_1165 = arith.constant 1536 : i32
        %add3A_1166 = arith.addi %mul3A_431, %add3A_1165 : i32
        %add3A_1167 = arith.constant 144 : i32
        %add3A_1168 = arith.addi %add3A_1166, %add3A_1167 : i32
        %get3A_1169 = arith.index_cast %add3A_1168 : i32 to index
        %get3A_1170 = tpu.vector_load %arg4[%get3A_1169] {strides = array<i32>} : memref<32768xf32, #tpu.memory_space<vmem>>, vector<16xf32>,
        %max3A_1171 = arith.maximumf %max3A_1164, %get3A_1170 : vector<16xf32>
        %add3A_1172 = arith.constant 1536 : i32
        %add3A_1173 = arith.addi %mul3A_431, %add3A_1172 : i32
        %add3A_1174 = arith.constant 160 : i32
        %add3A_1175 = arith.addi %add3A_1173, %add3A_1174 : i32
        %get3A_1176 = arith.index_cast %add3A_1175 : i32 to index
        %get3A_1177 = tpu.vector_load %arg4[%get3A_1176] {strides = array<i32>} : memref<32768xf32, #tpu.memory_space<vmem>>, vector<16xf32>,
        %max3A_1178 = arith.maximumf %max3A_1171, %get3A_1177 : vector<16xf32>
        %add3A_1179 = arith.constant 1536 : i32
        %add3A_1180 = arith.addi %mul3A_431, %add3A_1179 : i32
        %add3A_1181 = arith.constant 176 : i32
        %add3A_1182 = arith.addi %add3A_1180, %add3A_1181 : i32
        %get3A_1183 = arith.index_cast %add3A_1182 : i32 to index
        %get3A_1184 = tpu.vector_load %arg4[%get3A_1183] {strides = array<i32>} : memref<32768xf32, #tpu.memory_space<vmem>>, vector<16xf32>,
        %max3A_1185 = arith.maximumf %max3A_1178, %get3A_1184 : vector<16xf32>
        %add3A_1186 = arith.constant 1536 : i32
        %add3A_1187 = arith.addi %mul3A_431, %add3A_1186 : i32
        %add3A_1188 = arith.constant 192 : i32
        %add3A_1189 = arith.addi %add3A_1187, %add3A_1188 : i32
        %get3A_1190 = arith.index_cast %add3A_1189 : i32 to index
        %get3A_1191 = tpu.vector_load %arg4[%get3A_1190] {strides = array<i32>} : memref<32768xf32, #tpu.memory_space<vmem>>, vector<16xf32>,
        %max3A_1192 = arith.maximumf %max3A_1185, %get3A_1191 : vector<16xf32>
        %add3A_1193 = arith.constant 1536 : i32
        %add3A_1194 = arith.addi %mul3A_431, %add3A_1193 : i32
        %add3A_1195 = arith.constant 208 : i32
        %add3A_1196 = arith.addi %add3A_1194, %add3A_1195 : i32
        %get3A_1197 = arith.index_cast %add3A_1196 : i32 to index
        %get3A_1198 = tpu.vector_load %arg4[%get3A_1197] {strides = array<i32>} : memref<32768xf32, #tpu.memory_space<vmem>>, vector<16xf32>,
        %max3A_1199 = arith.maximumf %max3A_1192, %get3A_1198 : vector<16xf32>
        %add3A_1200 = arith.constant 1536 : i32
        %add3A_1201 = arith.addi %mul3A_431, %add3A_1200 : i32
        %add3A_1202 = arith.constant 224 : i32
        %add3A_1203 = arith.addi %add3A_1201, %add3A_1202 : i32
        %get3A_1204 = arith.index_cast %add3A_1203 : i32 to index
        %get3A_1205 = tpu.vector_load %arg4[%get3A_1204] {strides = array<i32>} : memref<32768xf32, #tpu.memory_space<vmem>>, vector<16xf32>,
        %max3A_1206 = arith.maximumf %max3A_1199, %get3A_1205 : vector<16xf32>
        %add3A_1207 = arith.constant 1536 : i32
        %add3A_1208 = arith.addi %mul3A_431, %add3A_1207 : i32
        %add3A_1209 = arith.constant 240 : i32
        %add3A_1210 = arith.addi %add3A_1208, %add3A_1209 : i32
        %get3A_1211 = arith.index_cast %add3A_1210 : i32 to index
        %get3A_1212 = tpu.vector_load %arg4[%get3A_1211] {strides = array<i32>} : memref<32768xf32, #tpu.memory_space<vmem>>, vector<16xf32>,
        %max3A_1213 = arith.maximumf %max3A_1206, %get3A_1212 : vector<16xf32>
        %add3A_1214 = arith.constant 96 : i32
        %add3A_1215 = vector.broadcast %add3A_1214 : i32 to vector<16xi32>
        %add3A_1216 = arith.addi %add3A_1215, %iota3A : vector<16xi32>
        %add3A_1217 = arith.constant 1792 : i32
        %add3A_1218 = arith.addi %mul3A_431, %add3A_1217 : i32
        %get3A_1219 = arith.index_cast %add3A_1218 : i32 to index
        %get3A_1220 = tpu.vector_load %arg4[%get3A_1219] {strides = array<i32>} : memref<32768xf32, #tpu.memory_space<vmem>>, vector<16xf32>,
        %add3A_1221 = arith.constant 1792 : i32
        %add3A_1222 = arith.addi %mul3A_431, %add3A_1221 : i32
        %add3A_1223 = arith.constant 16 : i32
        %add3A_1224 = arith.addi %add3A_1222, %add3A_1223 : i32
        %get3A_1225 = arith.index_cast %add3A_1224 : i32 to index
        %get3A_1226 = tpu.vector_load %arg4[%get3A_1225] {strides = array<i32>} : memref<32768xf32, #tpu.memory_space<vmem>>, vector<16xf32>,
        %max3A_1227 = arith.maximumf %get3A_1220, %get3A_1226 : vector<16xf32>
        %add3A_1228 = arith.constant 1792 : i32
        %add3A_1229 = arith.addi %mul3A_431, %add3A_1228 : i32
        %add3A_1230 = arith.constant 32 : i32
        %add3A_1231 = arith.addi %add3A_1229, %add3A_1230 : i32
        %get3A_1232 = arith.index_cast %add3A_1231 : i32 to index
        %get3A_1233 = tpu.vector_load %arg4[%get3A_1232] {strides = array<i32>} : memref<32768xf32, #tpu.memory_space<vmem>>, vector<16xf32>,
        %max3A_1234 = arith.maximumf %max3A_1227, %get3A_1233 : vector<16xf32>
        %add3A_1235 = arith.constant 1792 : i32
        %add3A_1236 = arith.addi %mul3A_431, %add3A_1235 : i32
        %add3A_1237 = arith.constant 48 : i32
        %add3A_1238 = arith.addi %add3A_1236, %add3A_1237 : i32
        %get3A_1239 = arith.index_cast %add3A_1238 : i32 to index
        %get3A_1240 = tpu.vector_load %arg4[%get3A_1239] {strides = array<i32>} : memref<32768xf32, #tpu.memory_space<vmem>>, vector<16xf32>,
        %max3A_1241 = arith.maximumf %max3A_1234, %get3A_1240 : vector<16xf32>
        %add3A_1242 = arith.constant 1792 : i32
        %add3A_1243 = arith.addi %mul3A_431, %add3A_1242 : i32
        %add3A_1244 = arith.constant 64 : i32
        %add3A_1245 = arith.addi %add3A_1243, %add3A_1244 : i32
        %get3A_1246 = arith.index_cast %add3A_1245 : i32 to index
        %get3A_1247 = tpu.vector_load %arg4[%get3A_1246] {strides = array<i32>} : memref<32768xf32, #tpu.memory_space<vmem>>, vector<16xf32>,
        %max3A_1248 = arith.maximumf %max3A_1241, %get3A_1247 : vector<16xf32>
        %add3A_1249 = arith.constant 1792 : i32
        %add3A_1250 = arith.addi %mul3A_431, %add3A_1249 : i32
        %add3A_1251 = arith.constant 80 : i32
        %add3A_1252 = arith.addi %add3A_1250, %add3A_1251 : i32
        %get3A_1253 = arith.index_cast %add3A_1252 : i32 to index
        %get3A_1254 = tpu.vector_load %arg4[%get3A_1253] {strides = array<i32>} : memref<32768xf32, #tpu.memory_space<vmem>>, vector<16xf32>,
        %max3A_1255 = arith.maximumf %max3A_1248, %get3A_1254 : vector<16xf32>
        %add3A_1256 = arith.constant 1792 : i32
        %add3A_1257 = arith.addi %mul3A_431, %add3A_1256 : i32
        %add3A_1258 = arith.constant 96 : i32
        %add3A_1259 = arith.addi %add3A_1257, %add3A_1258 : i32
        %get3A_1260 = arith.index_cast %add3A_1259 : i32 to index
        %get3A_1261 = tpu.vector_load %arg4[%get3A_1260] {strides = array<i32>} : memref<32768xf32, #tpu.memory_space<vmem>>, vector<16xf32>,
        %max3A_1262 = arith.maximumf %max3A_1255, %get3A_1261 : vector<16xf32>
        %add3A_1263 = arith.constant 1792 : i32
        %add3A_1264 = arith.addi %mul3A_431, %add3A_1263 : i32
        %add3A_1265 = arith.constant 112 : i32
        %add3A_1266 = arith.addi %add3A_1264, %add3A_1265 : i32
        %get3A_1267 = arith.index_cast %add3A_1266 : i32 to index
        %get3A_1268 = tpu.vector_load %arg4[%get3A_1267] {strides = array<i32>} : memref<32768xf32, #tpu.memory_space<vmem>>, vector<16xf32>,
        %max3A_1269 = arith.maximumf %max3A_1262, %get3A_1268 : vector<16xf32>
        %add3A_1270 = arith.constant 1792 : i32
        %add3A_1271 = arith.addi %mul3A_431, %add3A_1270 : i32
        %add3A_1272 = arith.constant 128 : i32
        %add3A_1273 = arith.addi %add3A_1271, %add3A_1272 : i32
        %get3A_1274 = arith.index_cast %add3A_1273 : i32 to index
        %get3A_1275 = tpu.vector_load %arg4[%get3A_1274] {strides = array<i32>} : memref<32768xf32, #tpu.memory_space<vmem>>, vector<16xf32>,
        %max3A_1276 = arith.maximumf %max3A_1269, %get3A_1275 : vector<16xf32>
        %add3A_1277 = arith.constant 1792 : i32
        %add3A_1278 = arith.addi %mul3A_431, %add3A_1277 : i32
        %add3A_1279 = arith.constant 144 : i32
        %add3A_1280 = arith.addi %add3A_1278, %add3A_1279 : i32
        %get3A_1281 = arith.index_cast %add3A_1280 : i32 to index
        %get3A_1282 = tpu.vector_load %arg4[%get3A_1281] {strides = array<i32>} : memref<32768xf32, #tpu.memory_space<vmem>>, vector<16xf32>,
        %max3A_1283 = arith.maximumf %max3A_1276, %get3A_1282 : vector<16xf32>
        %add3A_1284 = arith.constant 1792 : i32
        %add3A_1285 = arith.addi %mul3A_431, %add3A_1284 : i32
        %add3A_1286 = arith.constant 160 : i32
        %add3A_1287 = arith.addi %add3A_1285, %add3A_1286 : i32
        %get3A_1288 = arith.index_cast %add3A_1287 : i32 to index
        %get3A_1289 = tpu.vector_load %arg4[%get3A_1288] {strides = array<i32>} : memref<32768xf32, #tpu.memory_space<vmem>>, vector<16xf32>,
        %max3A_1290 = arith.maximumf %max3A_1283, %get3A_1289 : vector<16xf32>
        %add3A_1291 = arith.constant 1792 : i32
        %add3A_1292 = arith.addi %mul3A_431, %add3A_1291 : i32
        %add3A_1293 = arith.constant 176 : i32
        %add3A_1294 = arith.addi %add3A_1292, %add3A_1293 : i32
        %get3A_1295 = arith.index_cast %add3A_1294 : i32 to index
        %get3A_1296 = tpu.vector_load %arg4[%get3A_1295] {strides = array<i32>} : memref<32768xf32, #tpu.memory_space<vmem>>, vector<16xf32>,
        %max3A_1297 = arith.maximumf %max3A_1290, %get3A_1296 : vector<16xf32>
        %add3A_1298 = arith.constant 1792 : i32
        %add3A_1299 = arith.addi %mul3A_431, %add3A_1298 : i32
        %add3A_1300 = arith.constant 192 : i32
        %add3A_1301 = arith.addi %add3A_1299, %add3A_1300 : i32
        %get3A_1302 = arith.index_cast %add3A_1301 : i32 to index
        %get3A_1303 = tpu.vector_load %arg4[%get3A_1302] {strides = array<i32>} : memref<32768xf32, #tpu.memory_space<vmem>>, vector<16xf32>,
        %max3A_1304 = arith.maximumf %max3A_1297, %get3A_1303 : vector<16xf32>
        %add3A_1305 = arith.constant 1792 : i32
        %add3A_1306 = arith.addi %mul3A_431, %add3A_1305 : i32
        %add3A_1307 = arith.constant 208 : i32
        %add3A_1308 = arith.addi %add3A_1306, %add3A_1307 : i32
        %get3A_1309 = arith.index_cast %add3A_1308 : i32 to index
        %get3A_1310 = tpu.vector_load %arg4[%get3A_1309] {strides = array<i32>} : memref<32768xf32, #tpu.memory_space<vmem>>, vector<16xf32>,
        %max3A_1311 = arith.maximumf %max3A_1304, %get3A_1310 : vector<16xf32>
        %add3A_1312 = arith.constant 1792 : i32
        %add3A_1313 = arith.addi %mul3A_431, %add3A_1312 : i32
        %add3A_1314 = arith.constant 224 : i32
        %add3A_1315 = arith.addi %add3A_1313, %add3A_1314 : i32
        %get3A_1316 = arith.index_cast %add3A_1315 : i32 to index
        %get3A_1317 = tpu.vector_load %arg4[%get3A_1316] {strides = array<i32>} : memref<32768xf32, #tpu.memory_space<vmem>>, vector<16xf32>,
        %max3A_1318 = arith.maximumf %max3A_1311, %get3A_1317 : vector<16xf32>
        %add3A_1319 = arith.constant 1792 : i32
        %add3A_1320 = arith.addi %mul3A_431, %add3A_1319 : i32
        %add3A_1321 = arith.constant 240 : i32
        %add3A_1322 = arith.addi %add3A_1320, %add3A_1321 : i32
        %get3A_1323 = arith.index_cast %add3A_1322 : i32 to index
        %get3A_1324 = tpu.vector_load %arg4[%get3A_1323] {strides = array<i32>} : memref<32768xf32, #tpu.memory_space<vmem>>, vector<16xf32>,
        %max3A_1325 = arith.maximumf %max3A_1318, %get3A_1324 : vector<16xf32>
        %add3A_1326 = arith.constant 112 : i32
        %add3A_1327 = vector.broadcast %add3A_1326 : i32 to vector<16xi32>
        %add3A_1328 = arith.addi %add3A_1327, %iota3A : vector<16xi32>
        %add3A_1329 = arith.constant 2048 : i32
        %add3A_1330 = arith.addi %mul3A_431, %add3A_1329 : i32
        %get3A_1331 = arith.index_cast %add3A_1330 : i32 to index
        %get3A_1332 = tpu.vector_load %arg4[%get3A_1331] {strides = array<i32>} : memref<32768xf32, #tpu.memory_space<vmem>>, vector<16xf32>,
        %add3A_1333 = arith.constant 2048 : i32
        %add3A_1334 = arith.addi %mul3A_431, %add3A_1333 : i32
        %add3A_1335 = arith.constant 16 : i32
        %add3A_1336 = arith.addi %add3A_1334, %add3A_1335 : i32
        %get3A_1337 = arith.index_cast %add3A_1336 : i32 to index
        %get3A_1338 = tpu.vector_load %arg4[%get3A_1337] {strides = array<i32>} : memref<32768xf32, #tpu.memory_space<vmem>>, vector<16xf32>,
        %max3A_1339 = arith.maximumf %get3A_1332, %get3A_1338 : vector<16xf32>
        %add3A_1340 = arith.constant 2048 : i32
        %add3A_1341 = arith.addi %mul3A_431, %add3A_1340 : i32
        %add3A_1342 = arith.constant 32 : i32
        %add3A_1343 = arith.addi %add3A_1341, %add3A_1342 : i32
        %get3A_1344 = arith.index_cast %add3A_1343 : i32 to index
        %get3A_1345 = tpu.vector_load %arg4[%get3A_1344] {strides = array<i32>} : memref<32768xf32, #tpu.memory_space<vmem>>, vector<16xf32>,
        %max3A_1346 = arith.maximumf %max3A_1339, %get3A_1345 : vector<16xf32>
        %add3A_1347 = arith.constant 2048 : i32
        %add3A_1348 = arith.addi %mul3A_431, %add3A_1347 : i32
        %add3A_1349 = arith.constant 48 : i32
        %add3A_1350 = arith.addi %add3A_1348, %add3A_1349 : i32
        %get3A_1351 = arith.index_cast %add3A_1350 : i32 to index
        %get3A_1352 = tpu.vector_load %arg4[%get3A_1351] {strides = array<i32>} : memref<32768xf32, #tpu.memory_space<vmem>>, vector<16xf32>,
        %max3A_1353 = arith.maximumf %max3A_1346, %get3A_1352 : vector<16xf32>
        %add3A_1354 = arith.constant 2048 : i32
        %add3A_1355 = arith.addi %mul3A_431, %add3A_1354 : i32
        %add3A_1356 = arith.constant 64 : i32
        %add3A_1357 = arith.addi %add3A_1355, %add3A_1356 : i32
        %get3A_1358 = arith.index_cast %add3A_1357 : i32 to index
        %get3A_1359 = tpu.vector_load %arg4[%get3A_1358] {strides = array<i32>} : memref<32768xf32, #tpu.memory_space<vmem>>, vector<16xf32>,
        %max3A_1360 = arith.maximumf %max3A_1353, %get3A_1359 : vector<16xf32>
        %add3A_1361 = arith.constant 2048 : i32
        %add3A_1362 = arith.addi %mul3A_431, %add3A_1361 : i32
        %add3A_1363 = arith.constant 80 : i32
        %add3A_1364 = arith.addi %add3A_1362, %add3A_1363 : i32
        %get3A_1365 = arith.index_cast %add3A_1364 : i32 to index
        %get3A_1366 = tpu.vector_load %arg4[%get3A_1365] {strides = array<i32>} : memref<32768xf32, #tpu.memory_space<vmem>>, vector<16xf32>,
        %max3A_1367 = arith.maximumf %max3A_1360, %get3A_1366 : vector<16xf32>
        %add3A_1368 = arith.constant 2048 : i32
        %add3A_1369 = arith.addi %mul3A_431, %add3A_1368 : i32
        %add3A_1370 = arith.constant 96 : i32
        %add3A_1371 = arith.addi %add3A_1369, %add3A_1370 : i32
        %get3A_1372 = arith.index_cast %add3A_1371 : i32 to index
        %get3A_1373 = tpu.vector_load %arg4[%get3A_1372] {strides = array<i32>} : memref<32768xf32, #tpu.memory_space<vmem>>, vector<16xf32>,
        %max3A_1374 = arith.maximumf %max3A_1367, %get3A_1373 : vector<16xf32>
        %add3A_1375 = arith.constant 2048 : i32
        %add3A_1376 = arith.addi %mul3A_431, %add3A_1375 : i32
        %add3A_1377 = arith.constant 112 : i32
        %add3A_1378 = arith.addi %add3A_1376, %add3A_1377 : i32
        %get3A_1379 = arith.index_cast %add3A_1378 : i32 to index
        %get3A_1380 = tpu.vector_load %arg4[%get3A_1379] {strides = array<i32>} : memref<32768xf32, #tpu.memory_space<vmem>>, vector<16xf32>,
        %max3A_1381 = arith.maximumf %max3A_1374, %get3A_1380 : vector<16xf32>
        %add3A_1382 = arith.constant 2048 : i32
        %add3A_1383 = arith.addi %mul3A_431, %add3A_1382 : i32
        %add3A_1384 = arith.constant 128 : i32
        %add3A_1385 = arith.addi %add3A_1383, %add3A_1384 : i32
        %get3A_1386 = arith.index_cast %add3A_1385 : i32 to index
        %get3A_1387 = tpu.vector_load %arg4[%get3A_1386] {strides = array<i32>} : memref<32768xf32, #tpu.memory_space<vmem>>, vector<16xf32>,
        %max3A_1388 = arith.maximumf %max3A_1381, %get3A_1387 : vector<16xf32>
        %add3A_1389 = arith.constant 2048 : i32
        %add3A_1390 = arith.addi %mul3A_431, %add3A_1389 : i32
        %add3A_1391 = arith.constant 144 : i32
        %add3A_1392 = arith.addi %add3A_1390, %add3A_1391 : i32
        %get3A_1393 = arith.index_cast %add3A_1392 : i32 to index
        %get3A_1394 = tpu.vector_load %arg4[%get3A_1393] {strides = array<i32>} : memref<32768xf32, #tpu.memory_space<vmem>>, vector<16xf32>,
        %max3A_1395 = arith.maximumf %max3A_1388, %get3A_1394 : vector<16xf32>
        %add3A_1396 = arith.constant 2048 : i32
        %add3A_1397 = arith.addi %mul3A_431, %add3A_1396 : i32
        %add3A_1398 = arith.constant 160 : i32
        %add3A_1399 = arith.addi %add3A_1397, %add3A_1398 : i32
        %get3A_1400 = arith.index_cast %add3A_1399 : i32 to index
        %get3A_1401 = tpu.vector_load %arg4[%get3A_1400] {strides = array<i32>} : memref<32768xf32, #tpu.memory_space<vmem>>, vector<16xf32>,
        %max3A_1402 = arith.maximumf %max3A_1395, %get3A_1401 : vector<16xf32>
        %add3A_1403 = arith.constant 2048 : i32
        %add3A_1404 = arith.addi %mul3A_431, %add3A_1403 : i32
        %add3A_1405 = arith.constant 176 : i32
        %add3A_1406 = arith.addi %add3A_1404, %add3A_1405 : i32
        %get3A_1407 = arith.index_cast %add3A_1406 : i32 to index
        %get3A_1408 = tpu.vector_load %arg4[%get3A_1407] {strides = array<i32>} : memref<32768xf32, #tpu.memory_space<vmem>>, vector<16xf32>,
        %max3A_1409 = arith.maximumf %max3A_1402, %get3A_1408 : vector<16xf32>
        %add3A_1410 = arith.constant 2048 : i32
        %add3A_1411 = arith.addi %mul3A_431, %add3A_1410 : i32
        %add3A_1412 = arith.constant 192 : i32
        %add3A_1413 = arith.addi %add3A_1411, %add3A_1412 : i32
        %get3A_1414 = arith.index_cast %add3A_1413 : i32 to index
        %get3A_1415 = tpu.vector_load %arg4[%get3A_1414] {strides = array<i32>} : memref<32768xf32, #tpu.memory_space<vmem>>, vector<16xf32>,
        %max3A_1416 = arith.maximumf %max3A_1409, %get3A_1415 : vector<16xf32>
        %add3A_1417 = arith.constant 2048 : i32
        %add3A_1418 = arith.addi %mul3A_431, %add3A_1417 : i32
        %add3A_1419 = arith.constant 208 : i32
        %add3A_1420 = arith.addi %add3A_1418, %add3A_1419 : i32
        %get3A_1421 = arith.index_cast %add3A_1420 : i32 to index
        %get3A_1422 = tpu.vector_load %arg4[%get3A_1421] {strides = array<i32>} : memref<32768xf32, #tpu.memory_space<vmem>>, vector<16xf32>,
        %max3A_1423 = arith.maximumf %max3A_1416, %get3A_1422 : vector<16xf32>
        %add3A_1424 = arith.constant 2048 : i32
        %add3A_1425 = arith.addi %mul3A_431, %add3A_1424 : i32
        %add3A_1426 = arith.constant 224 : i32
        %add3A_1427 = arith.addi %add3A_1425, %add3A_1426 : i32
        %get3A_1428 = arith.index_cast %add3A_1427 : i32 to index
        %get3A_1429 = tpu.vector_load %arg4[%get3A_1428] {strides = array<i32>} : memref<32768xf32, #tpu.memory_space<vmem>>, vector<16xf32>,
        %max3A_1430 = arith.maximumf %max3A_1423, %get3A_1429 : vector<16xf32>
        %add3A_1431 = arith.constant 2048 : i32
        %add3A_1432 = arith.addi %mul3A_431, %add3A_1431 : i32
        %add3A_1433 = arith.constant 240 : i32
        %add3A_1434 = arith.addi %add3A_1432, %add3A_1433 : i32
        %get3A_1435 = arith.index_cast %add3A_1434 : i32 to index
        %get3A_1436 = tpu.vector_load %arg4[%get3A_1435] {strides = array<i32>} : memref<32768xf32, #tpu.memory_space<vmem>>, vector<16xf32>,
        %max3A_1437 = arith.maximumf %max3A_1430, %get3A_1436 : vector<16xf32>
        %add3A_1438 = arith.constant 128 : i32
        %add3A_1439 = vector.broadcast %add3A_1438 : i32 to vector<16xi32>
        %add3A_1440 = arith.addi %add3A_1439, %iota3A : vector<16xi32>
        %add3A_1441 = arith.constant 2304 : i32
        %add3A_1442 = arith.addi %mul3A_431, %add3A_1441 : i32
        %get3A_1443 = arith.index_cast %add3A_1442 : i32 to index
        %get3A_1444 = tpu.vector_load %arg4[%get3A_1443] {strides = array<i32>} : memref<32768xf32, #tpu.memory_space<vmem>>, vector<16xf32>,
        %add3A_1445 = arith.constant 2304 : i32
        %add3A_1446 = arith.addi %mul3A_431, %add3A_1445 : i32
        %add3A_1447 = arith.constant 16 : i32
        %add3A_1448 = arith.addi %add3A_1446, %add3A_1447 : i32
        %get3A_1449 = arith.index_cast %add3A_1448 : i32 to index
        %get3A_1450 = tpu.vector_load %arg4[%get3A_1449] {strides = array<i32>} : memref<32768xf32, #tpu.memory_space<vmem>>, vector<16xf32>,
        %max3A_1451 = arith.maximumf %get3A_1444, %get3A_1450 : vector<16xf32>
        %add3A_1452 = arith.constant 2304 : i32
        %add3A_1453 = arith.addi %mul3A_431, %add3A_1452 : i32
        %add3A_1454 = arith.constant 32 : i32
        %add3A_1455 = arith.addi %add3A_1453, %add3A_1454 : i32
        %get3A_1456 = arith.index_cast %add3A_1455 : i32 to index
        %get3A_1457 = tpu.vector_load %arg4[%get3A_1456] {strides = array<i32>} : memref<32768xf32, #tpu.memory_space<vmem>>, vector<16xf32>,
        %max3A_1458 = arith.maximumf %max3A_1451, %get3A_1457 : vector<16xf32>
        %add3A_1459 = arith.constant 2304 : i32
        %add3A_1460 = arith.addi %mul3A_431, %add3A_1459 : i32
        %add3A_1461 = arith.constant 48 : i32
        %add3A_1462 = arith.addi %add3A_1460, %add3A_1461 : i32
        %get3A_1463 = arith.index_cast %add3A_1462 : i32 to index
        %get3A_1464 = tpu.vector_load %arg4[%get3A_1463] {strides = array<i32>} : memref<32768xf32, #tpu.memory_space<vmem>>, vector<16xf32>,
        %max3A_1465 = arith.maximumf %max3A_1458, %get3A_1464 : vector<16xf32>
        %add3A_1466 = arith.constant 2304 : i32
        %add3A_1467 = arith.addi %mul3A_431, %add3A_1466 : i32
        %add3A_1468 = arith.constant 64 : i32
        %add3A_1469 = arith.addi %add3A_1467, %add3A_1468 : i32
        %get3A_1470 = arith.index_cast %add3A_1469 : i32 to index
        %get3A_1471 = tpu.vector_load %arg4[%get3A_1470] {strides = array<i32>} : memref<32768xf32, #tpu.memory_space<vmem>>, vector<16xf32>,
        %max3A_1472 = arith.maximumf %max3A_1465, %get3A_1471 : vector<16xf32>
        %add3A_1473 = arith.constant 2304 : i32
        %add3A_1474 = arith.addi %mul3A_431, %add3A_1473 : i32
        %add3A_1475 = arith.constant 80 : i32
        %add3A_1476 = arith.addi %add3A_1474, %add3A_1475 : i32
        %get3A_1477 = arith.index_cast %add3A_1476 : i32 to index
        %get3A_1478 = tpu.vector_load %arg4[%get3A_1477] {strides = array<i32>} : memref<32768xf32, #tpu.memory_space<vmem>>, vector<16xf32>,
        %max3A_1479 = arith.maximumf %max3A_1472, %get3A_1478 : vector<16xf32>
        %add3A_1480 = arith.constant 2304 : i32
        %add3A_1481 = arith.addi %mul3A_431, %add3A_1480 : i32
        %add3A_1482 = arith.constant 96 : i32
        %add3A_1483 = arith.addi %add3A_1481, %add3A_1482 : i32
        %get3A_1484 = arith.index_cast %add3A_1483 : i32 to index
        %get3A_1485 = tpu.vector_load %arg4[%get3A_1484] {strides = array<i32>} : memref<32768xf32, #tpu.memory_space<vmem>>, vector<16xf32>,
        %max3A_1486 = arith.maximumf %max3A_1479, %get3A_1485 : vector<16xf32>
        %add3A_1487 = arith.constant 2304 : i32
        %add3A_1488 = arith.addi %mul3A_431, %add3A_1487 : i32
        %add3A_1489 = arith.constant 112 : i32
        %add3A_1490 = arith.addi %add3A_1488, %add3A_1489 : i32
        %get3A_1491 = arith.index_cast %add3A_1490 : i32 to index
        %get3A_1492 = tpu.vector_load %arg4[%get3A_1491] {strides = array<i32>} : memref<32768xf32, #tpu.memory_space<vmem>>, vector<16xf32>,
        %max3A_1493 = arith.maximumf %max3A_1486, %get3A_1492 : vector<16xf32>
        %add3A_1494 = arith.constant 2304 : i32
        %add3A_1495 = arith.addi %mul3A_431, %add3A_1494 : i32
        %add3A_1496 = arith.constant 128 : i32
        %add3A_1497 = arith.addi %add3A_1495, %add3A_1496 : i32
        %get3A_1498 = arith.index_cast %add3A_1497 : i32 to index
        %get3A_1499 = tpu.vector_load %arg4[%get3A_1498] {strides = array<i32>} : memref<32768xf32, #tpu.memory_space<vmem>>, vector<16xf32>,
        %max3A_1500 = arith.maximumf %max3A_1493, %get3A_1499 : vector<16xf32>
        %add3A_1501 = arith.constant 2304 : i32
        %add3A_1502 = arith.addi %mul3A_431, %add3A_1501 : i32
        %add3A_1503 = arith.constant 144 : i32
        %add3A_1504 = arith.addi %add3A_1502, %add3A_1503 : i32
        %get3A_1505 = arith.index_cast %add3A_1504 : i32 to index
        %get3A_1506 = tpu.vector_load %arg4[%get3A_1505] {strides = array<i32>} : memref<32768xf32, #tpu.memory_space<vmem>>, vector<16xf32>,
        %max3A_1507 = arith.maximumf %max3A_1500, %get3A_1506 : vector<16xf32>
        %add3A_1508 = arith.constant 2304 : i32
        %add3A_1509 = arith.addi %mul3A_431, %add3A_1508 : i32
        %add3A_1510 = arith.constant 160 : i32
        %add3A_1511 = arith.addi %add3A_1509, %add3A_1510 : i32
        %get3A_1512 = arith.index_cast %add3A_1511 : i32 to index
        %get3A_1513 = tpu.vector_load %arg4[%get3A_1512] {strides = array<i32>} : memref<32768xf32, #tpu.memory_space<vmem>>, vector<16xf32>,
        %max3A_1514 = arith.maximumf %max3A_1507, %get3A_1513 : vector<16xf32>
        %add3A_1515 = arith.constant 2304 : i32
        %add3A_1516 = arith.addi %mul3A_431, %add3A_1515 : i32
        %add3A_1517 = arith.constant 176 : i32
        %add3A_1518 = arith.addi %add3A_1516, %add3A_1517 : i32
        %get3A_1519 = arith.index_cast %add3A_1518 : i32 to index
        %get3A_1520 = tpu.vector_load %arg4[%get3A_1519] {strides = array<i32>} : memref<32768xf32, #tpu.memory_space<vmem>>, vector<16xf32>,
        %max3A_1521 = arith.maximumf %max3A_1514, %get3A_1520 : vector<16xf32>
        %add3A_1522 = arith.constant 2304 : i32
        %add3A_1523 = arith.addi %mul3A_431, %add3A_1522 : i32
        %add3A_1524 = arith.constant 192 : i32
        %add3A_1525 = arith.addi %add3A_1523, %add3A_1524 : i32
        %get3A_1526 = arith.index_cast %add3A_1525 : i32 to index
        %get3A_1527 = tpu.vector_load %arg4[%get3A_1526] {strides = array<i32>} : memref<32768xf32, #tpu.memory_space<vmem>>, vector<16xf32>,
        %max3A_1528 = arith.maximumf %max3A_1521, %get3A_1527 : vector<16xf32>
        %add3A_1529 = arith.constant 2304 : i32
        %add3A_1530 = arith.addi %mul3A_431, %add3A_1529 : i32
        %add3A_1531 = arith.constant 208 : i32
        %add3A_1532 = arith.addi %add3A_1530, %add3A_1531 : i32
        %get3A_1533 = arith.index_cast %add3A_1532 : i32 to index
        %get3A_1534 = tpu.vector_load %arg4[%get3A_1533] {strides = array<i32>} : memref<32768xf32, #tpu.memory_space<vmem>>, vector<16xf32>,
        %max3A_1535 = arith.maximumf %max3A_1528, %get3A_1534 : vector<16xf32>
        %add3A_1536 = arith.constant 2304 : i32
        %add3A_1537 = arith.addi %mul3A_431, %add3A_1536 : i32
        %add3A_1538 = arith.constant 224 : i32
        %add3A_1539 = arith.addi %add3A_1537, %add3A_1538 : i32
        %get3A_1540 = arith.index_cast %add3A_1539 : i32 to index
        %get3A_1541 = tpu.vector_load %arg4[%get3A_1540] {strides = array<i32>} : memref<32768xf32, #tpu.memory_space<vmem>>, vector<16xf32>,
        %max3A_1542 = arith.maximumf %max3A_1535, %get3A_1541 : vector<16xf32>
        %add3A_1543 = arith.constant 2304 : i32
        %add3A_1544 = arith.addi %mul3A_431, %add3A_1543 : i32
        %add3A_1545 = arith.constant 240 : i32
        %add3A_1546 = arith.addi %add3A_1544, %add3A_1545 : i32
        %get3A_1547 = arith.index_cast %add3A_1546 : i32 to index
        %get3A_1548 = tpu.vector_load %arg4[%get3A_1547] {strides = array<i32>} : memref<32768xf32, #tpu.memory_space<vmem>>, vector<16xf32>,
        %max3A_1549 = arith.maximumf %max3A_1542, %get3A_1548 : vector<16xf32>
        %add3A_1550 = arith.constant 144 : i32
        %add3A_1551 = vector.broadcast %add3A_1550 : i32 to vector<16xi32>
        %add3A_1552 = arith.addi %add3A_1551, %iota3A : vector<16xi32>
        %add3A_1553 = arith.constant 2560 : i32
        %add3A_1554 = arith.addi %mul3A_431, %add3A_1553 : i32
        %get3A_1555 = arith.index_cast %add3A_1554 : i32 to index
        %get3A_1556 = tpu.vector_load %arg4[%get3A_1555] {strides = array<i32>} : memref<32768xf32, #tpu.memory_space<vmem>>, vector<16xf32>,
        %add3A_1557 = arith.constant 2560 : i32
        %add3A_1558 = arith.addi %mul3A_431, %add3A_1557 : i32
        %add3A_1559 = arith.constant 16 : i32
        %add3A_1560 = arith.addi %add3A_1558, %add3A_1559 : i32
        %get3A_1561 = arith.index_cast %add3A_1560 : i32 to index
        %get3A_1562 = tpu.vector_load %arg4[%get3A_1561] {strides = array<i32>} : memref<32768xf32, #tpu.memory_space<vmem>>, vector<16xf32>,
        %max3A_1563 = arith.maximumf %get3A_1556, %get3A_1562 : vector<16xf32>
        %add3A_1564 = arith.constant 2560 : i32
        %add3A_1565 = arith.addi %mul3A_431, %add3A_1564 : i32
        %add3A_1566 = arith.constant 32 : i32
        %add3A_1567 = arith.addi %add3A_1565, %add3A_1566 : i32
        %get3A_1568 = arith.index_cast %add3A_1567 : i32 to index
        %get3A_1569 = tpu.vector_load %arg4[%get3A_1568] {strides = array<i32>} : memref<32768xf32, #tpu.memory_space<vmem>>, vector<16xf32>,
        %max3A_1570 = arith.maximumf %max3A_1563, %get3A_1569 : vector<16xf32>
        %add3A_1571 = arith.constant 2560 : i32
        %add3A_1572 = arith.addi %mul3A_431, %add3A_1571 : i32
        %add3A_1573 = arith.constant 48 : i32
        %add3A_1574 = arith.addi %add3A_1572, %add3A_1573 : i32
        %get3A_1575 = arith.index_cast %add3A_1574 : i32 to index
        %get3A_1576 = tpu.vector_load %arg4[%get3A_1575] {strides = array<i32>} : memref<32768xf32, #tpu.memory_space<vmem>>, vector<16xf32>,
        %max3A_1577 = arith.maximumf %max3A_1570, %get3A_1576 : vector<16xf32>
        %add3A_1578 = arith.constant 2560 : i32
        %add3A_1579 = arith.addi %mul3A_431, %add3A_1578 : i32
        %add3A_1580 = arith.constant 64 : i32
        %add3A_1581 = arith.addi %add3A_1579, %add3A_1580 : i32
        %get3A_1582 = arith.index_cast %add3A_1581 : i32 to index
        %get3A_1583 = tpu.vector_load %arg4[%get3A_1582] {strides = array<i32>} : memref<32768xf32, #tpu.memory_space<vmem>>, vector<16xf32>,
        %max3A_1584 = arith.maximumf %max3A_1577, %get3A_1583 : vector<16xf32>
        %add3A_1585 = arith.constant 2560 : i32
        %add3A_1586 = arith.addi %mul3A_431, %add3A_1585 : i32
        %add3A_1587 = arith.constant 80 : i32
        %add3A_1588 = arith.addi %add3A_1586, %add3A_1587 : i32
        %get3A_1589 = arith.index_cast %add3A_1588 : i32 to index
        %get3A_1590 = tpu.vector_load %arg4[%get3A_1589] {strides = array<i32>} : memref<32768xf32, #tpu.memory_space<vmem>>, vector<16xf32>,
        %max3A_1591 = arith.maximumf %max3A_1584, %get3A_1590 : vector<16xf32>
        %add3A_1592 = arith.constant 2560 : i32
        %add3A_1593 = arith.addi %mul3A_431, %add3A_1592 : i32
        %add3A_1594 = arith.constant 96 : i32
        %add3A_1595 = arith.addi %add3A_1593, %add3A_1594 : i32
        %get3A_1596 = arith.index_cast %add3A_1595 : i32 to index
        %get3A_1597 = tpu.vector_load %arg4[%get3A_1596] {strides = array<i32>} : memref<32768xf32, #tpu.memory_space<vmem>>, vector<16xf32>,
        %max3A_1598 = arith.maximumf %max3A_1591, %get3A_1597 : vector<16xf32>
        %add3A_1599 = arith.constant 2560 : i32
        %add3A_1600 = arith.addi %mul3A_431, %add3A_1599 : i32
        %add3A_1601 = arith.constant 112 : i32
        %add3A_1602 = arith.addi %add3A_1600, %add3A_1601 : i32
        %get3A_1603 = arith.index_cast %add3A_1602 : i32 to index
        %get3A_1604 = tpu.vector_load %arg4[%get3A_1603] {strides = array<i32>} : memref<32768xf32, #tpu.memory_space<vmem>>, vector<16xf32>,
        %max3A_1605 = arith.maximumf %max3A_1598, %get3A_1604 : vector<16xf32>
        %add3A_1606 = arith.constant 2560 : i32
        %add3A_1607 = arith.addi %mul3A_431, %add3A_1606 : i32
        %add3A_1608 = arith.constant 128 : i32
        %add3A_1609 = arith.addi %add3A_1607, %add3A_1608 : i32
        %get3A_1610 = arith.index_cast %add3A_1609 : i32 to index
        %get3A_1611 = tpu.vector_load %arg4[%get3A_1610] {strides = array<i32>} : memref<32768xf32, #tpu.memory_space<vmem>>, vector<16xf32>,
        %max3A_1612 = arith.maximumf %max3A_1605, %get3A_1611 : vector<16xf32>
        %add3A_1613 = arith.constant 2560 : i32
        %add3A_1614 = arith.addi %mul3A_431, %add3A_1613 : i32
        %add3A_1615 = arith.constant 144 : i32
        %add3A_1616 = arith.addi %add3A_1614, %add3A_1615 : i32
        %get3A_1617 = arith.index_cast %add3A_1616 : i32 to index
        %get3A_1618 = tpu.vector_load %arg4[%get3A_1617] {strides = array<i32>} : memref<32768xf32, #tpu.memory_space<vmem>>, vector<16xf32>,
        %max3A_1619 = arith.maximumf %max3A_1612, %get3A_1618 : vector<16xf32>
        %add3A_1620 = arith.constant 2560 : i32
        %add3A_1621 = arith.addi %mul3A_431, %add3A_1620 : i32
        %add3A_1622 = arith.constant 160 : i32
        %add3A_1623 = arith.addi %add3A_1621, %add3A_1622 : i32
        %get3A_1624 = arith.index_cast %add3A_1623 : i32 to index
        %get3A_1625 = tpu.vector_load %arg4[%get3A_1624] {strides = array<i32>} : memref<32768xf32, #tpu.memory_space<vmem>>, vector<16xf32>,
        %max3A_1626 = arith.maximumf %max3A_1619, %get3A_1625 : vector<16xf32>
        %add3A_1627 = arith.constant 2560 : i32
        %add3A_1628 = arith.addi %mul3A_431, %add3A_1627 : i32
        %add3A_1629 = arith.constant 176 : i32
        %add3A_1630 = arith.addi %add3A_1628, %add3A_1629 : i32
        %get3A_1631 = arith.index_cast %add3A_1630 : i32 to index
        %get3A_1632 = tpu.vector_load %arg4[%get3A_1631] {strides = array<i32>} : memref<32768xf32, #tpu.memory_space<vmem>>, vector<16xf32>,
        %max3A_1633 = arith.maximumf %max3A_1626, %get3A_1632 : vector<16xf32>
        %add3A_1634 = arith.constant 2560 : i32
        %add3A_1635 = arith.addi %mul3A_431, %add3A_1634 : i32
        %add3A_1636 = arith.constant 192 : i32
        %add3A_1637 = arith.addi %add3A_1635, %add3A_1636 : i32
        %get3A_1638 = arith.index_cast %add3A_1637 : i32 to index
        %get3A_1639 = tpu.vector_load %arg4[%get3A_1638] {strides = array<i32>} : memref<32768xf32, #tpu.memory_space<vmem>>, vector<16xf32>,
        %max3A_1640 = arith.maximumf %max3A_1633, %get3A_1639 : vector<16xf32>
        %add3A_1641 = arith.constant 2560 : i32
        %add3A_1642 = arith.addi %mul3A_431, %add3A_1641 : i32
        %add3A_1643 = arith.constant 208 : i32
        %add3A_1644 = arith.addi %add3A_1642, %add3A_1643 : i32
        %get3A_1645 = arith.index_cast %add3A_1644 : i32 to index
        %get3A_1646 = tpu.vector_load %arg4[%get3A_1645] {strides = array<i32>} : memref<32768xf32, #tpu.memory_space<vmem>>, vector<16xf32>,
        %max3A_1647 = arith.maximumf %max3A_1640, %get3A_1646 : vector<16xf32>
        %add3A_1648 = arith.constant 2560 : i32
        %add3A_1649 = arith.addi %mul3A_431, %add3A_1648 : i32
        %add3A_1650 = arith.constant 224 : i32
        %add3A_1651 = arith.addi %add3A_1649, %add3A_1650 : i32
        %get3A_1652 = arith.index_cast %add3A_1651 : i32 to index
        %get3A_1653 = tpu.vector_load %arg4[%get3A_1652] {strides = array<i32>} : memref<32768xf32, #tpu.memory_space<vmem>>, vector<16xf32>,
        %max3A_1654 = arith.maximumf %max3A_1647, %get3A_1653 : vector<16xf32>
        %add3A_1655 = arith.constant 2560 : i32
        %add3A_1656 = arith.addi %mul3A_431, %add3A_1655 : i32
        %add3A_1657 = arith.constant 240 : i32
        %add3A_1658 = arith.addi %add3A_1656, %add3A_1657 : i32
        %get3A_1659 = arith.index_cast %add3A_1658 : i32 to index
        %get3A_1660 = tpu.vector_load %arg4[%get3A_1659] {strides = array<i32>} : memref<32768xf32, #tpu.memory_space<vmem>>, vector<16xf32>,
        %max3A_1661 = arith.maximumf %max3A_1654, %get3A_1660 : vector<16xf32>
        %add3A_1662 = arith.constant 160 : i32
        %add3A_1663 = vector.broadcast %add3A_1662 : i32 to vector<16xi32>
        %add3A_1664 = arith.addi %add3A_1663, %iota3A : vector<16xi32>
        %add3A_1665 = arith.constant 2816 : i32
        %add3A_1666 = arith.addi %mul3A_431, %add3A_1665 : i32
        %get3A_1667 = arith.index_cast %add3A_1666 : i32 to index
        %get3A_1668 = tpu.vector_load %arg4[%get3A_1667] {strides = array<i32>} : memref<32768xf32, #tpu.memory_space<vmem>>, vector<16xf32>,
        %add3A_1669 = arith.constant 2816 : i32
        %add3A_1670 = arith.addi %mul3A_431, %add3A_1669 : i32
        %add3A_1671 = arith.constant 16 : i32
        %add3A_1672 = arith.addi %add3A_1670, %add3A_1671 : i32
        %get3A_1673 = arith.index_cast %add3A_1672 : i32 to index
        %get3A_1674 = tpu.vector_load %arg4[%get3A_1673] {strides = array<i32>} : memref<32768xf32, #tpu.memory_space<vmem>>, vector<16xf32>,
        %max3A_1675 = arith.maximumf %get3A_1668, %get3A_1674 : vector<16xf32>
        %add3A_1676 = arith.constant 2816 : i32
        %add3A_1677 = arith.addi %mul3A_431, %add3A_1676 : i32
        %add3A_1678 = arith.constant 32 : i32
        %add3A_1679 = arith.addi %add3A_1677, %add3A_1678 : i32
        %get3A_1680 = arith.index_cast %add3A_1679 : i32 to index
        %get3A_1681 = tpu.vector_load %arg4[%get3A_1680] {strides = array<i32>} : memref<32768xf32, #tpu.memory_space<vmem>>, vector<16xf32>,
        %max3A_1682 = arith.maximumf %max3A_1675, %get3A_1681 : vector<16xf32>
        %add3A_1683 = arith.constant 2816 : i32
        %add3A_1684 = arith.addi %mul3A_431, %add3A_1683 : i32
        %add3A_1685 = arith.constant 48 : i32
        %add3A_1686 = arith.addi %add3A_1684, %add3A_1685 : i32
        %get3A_1687 = arith.index_cast %add3A_1686 : i32 to index
        %get3A_1688 = tpu.vector_load %arg4[%get3A_1687] {strides = array<i32>} : memref<32768xf32, #tpu.memory_space<vmem>>, vector<16xf32>,
        %max3A_1689 = arith.maximumf %max3A_1682, %get3A_1688 : vector<16xf32>
        %add3A_1690 = arith.constant 2816 : i32
        %add3A_1691 = arith.addi %mul3A_431, %add3A_1690 : i32
        %add3A_1692 = arith.constant 64 : i32
        %add3A_1693 = arith.addi %add3A_1691, %add3A_1692 : i32
        %get3A_1694 = arith.index_cast %add3A_1693 : i32 to index
        %get3A_1695 = tpu.vector_load %arg4[%get3A_1694] {strides = array<i32>} : memref<32768xf32, #tpu.memory_space<vmem>>, vector<16xf32>,
        %max3A_1696 = arith.maximumf %max3A_1689, %get3A_1695 : vector<16xf32>
        %add3A_1697 = arith.constant 2816 : i32
        %add3A_1698 = arith.addi %mul3A_431, %add3A_1697 : i32
        %add3A_1699 = arith.constant 80 : i32
        %add3A_1700 = arith.addi %add3A_1698, %add3A_1699 : i32
        %get3A_1701 = arith.index_cast %add3A_1700 : i32 to index
        %get3A_1702 = tpu.vector_load %arg4[%get3A_1701] {strides = array<i32>} : memref<32768xf32, #tpu.memory_space<vmem>>, vector<16xf32>,
        %max3A_1703 = arith.maximumf %max3A_1696, %get3A_1702 : vector<16xf32>
        %add3A_1704 = arith.constant 2816 : i32
        %add3A_1705 = arith.addi %mul3A_431, %add3A_1704 : i32
        %add3A_1706 = arith.constant 96 : i32
        %add3A_1707 = arith.addi %add3A_1705, %add3A_1706 : i32
        %get3A_1708 = arith.index_cast %add3A_1707 : i32 to index
        %get3A_1709 = tpu.vector_load %arg4[%get3A_1708] {strides = array<i32>} : memref<32768xf32, #tpu.memory_space<vmem>>, vector<16xf32>,
        %max3A_1710 = arith.maximumf %max3A_1703, %get3A_1709 : vector<16xf32>
        %add3A_1711 = arith.constant 2816 : i32
        %add3A_1712 = arith.addi %mul3A_431, %add3A_1711 : i32
        %add3A_1713 = arith.constant 112 : i32
        %add3A_1714 = arith.addi %add3A_1712, %add3A_1713 : i32
        %get3A_1715 = arith.index_cast %add3A_1714 : i32 to index
        %get3A_1716 = tpu.vector_load %arg4[%get3A_1715] {strides = array<i32>} : memref<32768xf32, #tpu.memory_space<vmem>>, vector<16xf32>,
        %max3A_1717 = arith.maximumf %max3A_1710, %get3A_1716 : vector<16xf32>
        %add3A_1718 = arith.constant 2816 : i32
        %add3A_1719 = arith.addi %mul3A_431, %add3A_1718 : i32
        %add3A_1720 = arith.constant 128 : i32
        %add3A_1721 = arith.addi %add3A_1719, %add3A_1720 : i32
        %get3A_1722 = arith.index_cast %add3A_1721 : i32 to index
        %get3A_1723 = tpu.vector_load %arg4[%get3A_1722] {strides = array<i32>} : memref<32768xf32, #tpu.memory_space<vmem>>, vector<16xf32>,
        %max3A_1724 = arith.maximumf %max3A_1717, %get3A_1723 : vector<16xf32>
        %add3A_1725 = arith.constant 2816 : i32
        %add3A_1726 = arith.addi %mul3A_431, %add3A_1725 : i32
        %add3A_1727 = arith.constant 144 : i32
        %add3A_1728 = arith.addi %add3A_1726, %add3A_1727 : i32
        %get3A_1729 = arith.index_cast %add3A_1728 : i32 to index
        %get3A_1730 = tpu.vector_load %arg4[%get3A_1729] {strides = array<i32>} : memref<32768xf32, #tpu.memory_space<vmem>>, vector<16xf32>,
        %max3A_1731 = arith.maximumf %max3A_1724, %get3A_1730 : vector<16xf32>
        %add3A_1732 = arith.constant 2816 : i32
        %add3A_1733 = arith.addi %mul3A_431, %add3A_1732 : i32
        %add3A_1734 = arith.constant 160 : i32
        %add3A_1735 = arith.addi %add3A_1733, %add3A_1734 : i32
        %get3A_1736 = arith.index_cast %add3A_1735 : i32 to index
        %get3A_1737 = tpu.vector_load %arg4[%get3A_1736] {strides = array<i32>} : memref<32768xf32, #tpu.memory_space<vmem>>, vector<16xf32>,
        %max3A_1738 = arith.maximumf %max3A_1731, %get3A_1737 : vector<16xf32>
        %add3A_1739 = arith.constant 2816 : i32
        %add3A_1740 = arith.addi %mul3A_431, %add3A_1739 : i32
        %add3A_1741 = arith.constant 176 : i32
        %add3A_1742 = arith.addi %add3A_1740, %add3A_1741 : i32
        %get3A_1743 = arith.index_cast %add3A_1742 : i32 to index
        %get3A_1744 = tpu.vector_load %arg4[%get3A_1743] {strides = array<i32>} : memref<32768xf32, #tpu.memory_space<vmem>>, vector<16xf32>,
        %max3A_1745 = arith.maximumf %max3A_1738, %get3A_1744 : vector<16xf32>
        %add3A_1746 = arith.constant 2816 : i32
        %add3A_1747 = arith.addi %mul3A_431, %add3A_1746 : i32
        %add3A_1748 = arith.constant 192 : i32
        %add3A_1749 = arith.addi %add3A_1747, %add3A_1748 : i32
        %get3A_1750 = arith.index_cast %add3A_1749 : i32 to index
        %get3A_1751 = tpu.vector_load %arg4[%get3A_1750] {strides = array<i32>} : memref<32768xf32, #tpu.memory_space<vmem>>, vector<16xf32>,
        %max3A_1752 = arith.maximumf %max3A_1745, %get3A_1751 : vector<16xf32>
        %add3A_1753 = arith.constant 2816 : i32
        %add3A_1754 = arith.addi %mul3A_431, %add3A_1753 : i32
        %add3A_1755 = arith.constant 208 : i32
        %add3A_1756 = arith.addi %add3A_1754, %add3A_1755 : i32
        %get3A_1757 = arith.index_cast %add3A_1756 : i32 to index
        %get3A_1758 = tpu.vector_load %arg4[%get3A_1757] {strides = array<i32>} : memref<32768xf32, #tpu.memory_space<vmem>>, vector<16xf32>,
        %max3A_1759 = arith.maximumf %max3A_1752, %get3A_1758 : vector<16xf32>
        %add3A_1760 = arith.constant 2816 : i32
        %add3A_1761 = arith.addi %mul3A_431, %add3A_1760 : i32
        %add3A_1762 = arith.constant 224 : i32
        %add3A_1763 = arith.addi %add3A_1761, %add3A_1762 : i32
        %get3A_1764 = arith.index_cast %add3A_1763 : i32 to index
        %get3A_1765 = tpu.vector_load %arg4[%get3A_1764] {strides = array<i32>} : memref<32768xf32, #tpu.memory_space<vmem>>, vector<16xf32>,
        %max3A_1766 = arith.maximumf %max3A_1759, %get3A_1765 : vector<16xf32>
        %add3A_1767 = arith.constant 2816 : i32
        %add3A_1768 = arith.addi %mul3A_431, %add3A_1767 : i32
        %add3A_1769 = arith.constant 240 : i32
        %add3A_1770 = arith.addi %add3A_1768, %add3A_1769 : i32
        %get3A_1771 = arith.index_cast %add3A_1770 : i32 to index
        %get3A_1772 = tpu.vector_load %arg4[%get3A_1771] {strides = array<i32>} : memref<32768xf32, #tpu.memory_space<vmem>>, vector<16xf32>,
        %max3A_1773 = arith.maximumf %max3A_1766, %get3A_1772 : vector<16xf32>
        %add3A_1774 = arith.constant 176 : i32
        %add3A_1775 = vector.broadcast %add3A_1774 : i32 to vector<16xi32>
        %add3A_1776 = arith.addi %add3A_1775, %iota3A : vector<16xi32>
        %add3A_1777 = arith.constant 3072 : i32
        %add3A_1778 = arith.addi %mul3A_431, %add3A_1777 : i32
        %get3A_1779 = arith.index_cast %add3A_1778 : i32 to index
        %get3A_1780 = tpu.vector_load %arg4[%get3A_1779] {strides = array<i32>} : memref<32768xf32, #tpu.memory_space<vmem>>, vector<16xf32>,
        %add3A_1781 = arith.constant 3072 : i32
        %add3A_1782 = arith.addi %mul3A_431, %add3A_1781 : i32
        %add3A_1783 = arith.constant 16 : i32
        %add3A_1784 = arith.addi %add3A_1782, %add3A_1783 : i32
        %get3A_1785 = arith.index_cast %add3A_1784 : i32 to index
        %get3A_1786 = tpu.vector_load %arg4[%get3A_1785] {strides = array<i32>} : memref<32768xf32, #tpu.memory_space<vmem>>, vector<16xf32>,
        %max3A_1787 = arith.maximumf %get3A_1780, %get3A_1786 : vector<16xf32>
        %add3A_1788 = arith.constant 3072 : i32
        %add3A_1789 = arith.addi %mul3A_431, %add3A_1788 : i32
        %add3A_1790 = arith.constant 32 : i32
        %add3A_1791 = arith.addi %add3A_1789, %add3A_1790 : i32
        %get3A_1792 = arith.index_cast %add3A_1791 : i32 to index
        %get3A_1793 = tpu.vector_load %arg4[%get3A_1792] {strides = array<i32>} : memref<32768xf32, #tpu.memory_space<vmem>>, vector<16xf32>,
        %max3A_1794 = arith.maximumf %max3A_1787, %get3A_1793 : vector<16xf32>
        %add3A_1795 = arith.constant 3072 : i32
        %add3A_1796 = arith.addi %mul3A_431, %add3A_1795 : i32
        %add3A_1797 = arith.constant 48 : i32
        %add3A_1798 = arith.addi %add3A_1796, %add3A_1797 : i32
        %get3A_1799 = arith.index_cast %add3A_1798 : i32 to index
        %get3A_1800 = tpu.vector_load %arg4[%get3A_1799] {strides = array<i32>} : memref<32768xf32, #tpu.memory_space<vmem>>, vector<16xf32>,
        %max3A_1801 = arith.maximumf %max3A_1794, %get3A_1800 : vector<16xf32>
        %add3A_1802 = arith.constant 3072 : i32
        %add3A_1803 = arith.addi %mul3A_431, %add3A_1802 : i32
        %add3A_1804 = arith.constant 64 : i32
        %add3A_1805 = arith.addi %add3A_1803, %add3A_1804 : i32
        %get3A_1806 = arith.index_cast %add3A_1805 : i32 to index
        %get3A_1807 = tpu.vector_load %arg4[%get3A_1806] {strides = array<i32>} : memref<32768xf32, #tpu.memory_space<vmem>>, vector<16xf32>,
        %max3A_1808 = arith.maximumf %max3A_1801, %get3A_1807 : vector<16xf32>
        %add3A_1809 = arith.constant 3072 : i32
        %add3A_1810 = arith.addi %mul3A_431, %add3A_1809 : i32
        %add3A_1811 = arith.constant 80 : i32
        %add3A_1812 = arith.addi %add3A_1810, %add3A_1811 : i32
        %get3A_1813 = arith.index_cast %add3A_1812 : i32 to index
        %get3A_1814 = tpu.vector_load %arg4[%get3A_1813] {strides = array<i32>} : memref<32768xf32, #tpu.memory_space<vmem>>, vector<16xf32>,
        %max3A_1815 = arith.maximumf %max3A_1808, %get3A_1814 : vector<16xf32>
        %add3A_1816 = arith.constant 3072 : i32
        %add3A_1817 = arith.addi %mul3A_431, %add3A_1816 : i32
        %add3A_1818 = arith.constant 96 : i32
        %add3A_1819 = arith.addi %add3A_1817, %add3A_1818 : i32
        %get3A_1820 = arith.index_cast %add3A_1819 : i32 to index
        %get3A_1821 = tpu.vector_load %arg4[%get3A_1820] {strides = array<i32>} : memref<32768xf32, #tpu.memory_space<vmem>>, vector<16xf32>,
        %max3A_1822 = arith.maximumf %max3A_1815, %get3A_1821 : vector<16xf32>
        %add3A_1823 = arith.constant 3072 : i32
        %add3A_1824 = arith.addi %mul3A_431, %add3A_1823 : i32
        %add3A_1825 = arith.constant 112 : i32
        %add3A_1826 = arith.addi %add3A_1824, %add3A_1825 : i32
        %get3A_1827 = arith.index_cast %add3A_1826 : i32 to index
        %get3A_1828 = tpu.vector_load %arg4[%get3A_1827] {strides = array<i32>} : memref<32768xf32, #tpu.memory_space<vmem>>, vector<16xf32>,
        %max3A_1829 = arith.maximumf %max3A_1822, %get3A_1828 : vector<16xf32>
        %add3A_1830 = arith.constant 3072 : i32
        %add3A_1831 = arith.addi %mul3A_431, %add3A_1830 : i32
        %add3A_1832 = arith.constant 128 : i32
        %add3A_1833 = arith.addi %add3A_1831, %add3A_1832 : i32
        %get3A_1834 = arith.index_cast %add3A_1833 : i32 to index
        %get3A_1835 = tpu.vector_load %arg4[%get3A_1834] {strides = array<i32>} : memref<32768xf32, #tpu.memory_space<vmem>>, vector<16xf32>,
        %max3A_1836 = arith.maximumf %max3A_1829, %get3A_1835 : vector<16xf32>
        %add3A_1837 = arith.constant 3072 : i32
        %add3A_1838 = arith.addi %mul3A_431, %add3A_1837 : i32
        %add3A_1839 = arith.constant 144 : i32
        %add3A_1840 = arith.addi %add3A_1838, %add3A_1839 : i32
        %get3A_1841 = arith.index_cast %add3A_1840 : i32 to index
        %get3A_1842 = tpu.vector_load %arg4[%get3A_1841] {strides = array<i32>} : memref<32768xf32, #tpu.memory_space<vmem>>, vector<16xf32>,
        %max3A_1843 = arith.maximumf %max3A_1836, %get3A_1842 : vector<16xf32>
        %add3A_1844 = arith.constant 3072 : i32
        %add3A_1845 = arith.addi %mul3A_431, %add3A_1844 : i32
        %add3A_1846 = arith.constant 160 : i32
        %add3A_1847 = arith.addi %add3A_1845, %add3A_1846 : i32
        %get3A_1848 = arith.index_cast %add3A_1847 : i32 to index
        %get3A_1849 = tpu.vector_load %arg4[%get3A_1848] {strides = array<i32>} : memref<32768xf32, #tpu.memory_space<vmem>>, vector<16xf32>,
        %max3A_1850 = arith.maximumf %max3A_1843, %get3A_1849 : vector<16xf32>
        %add3A_1851 = arith.constant 3072 : i32
        %add3A_1852 = arith.addi %mul3A_431, %add3A_1851 : i32
        %add3A_1853 = arith.constant 176 : i32
        %add3A_1854 = arith.addi %add3A_1852, %add3A_1853 : i32
        %get3A_1855 = arith.index_cast %add3A_1854 : i32 to index
        %get3A_1856 = tpu.vector_load %arg4[%get3A_1855] {strides = array<i32>} : memref<32768xf32, #tpu.memory_space<vmem>>, vector<16xf32>,
        %max3A_1857 = arith.maximumf %max3A_1850, %get3A_1856 : vector<16xf32>
        %add3A_1858 = arith.constant 3072 : i32
        %add3A_1859 = arith.addi %mul3A_431, %add3A_1858 : i32
        %add3A_1860 = arith.constant 192 : i32
        %add3A_1861 = arith.addi %add3A_1859, %add3A_1860 : i32
        %get3A_1862 = arith.index_cast %add3A_1861 : i32 to index
        %get3A_1863 = tpu.vector_load %arg4[%get3A_1862] {strides = array<i32>} : memref<32768xf32, #tpu.memory_space<vmem>>, vector<16xf32>,
        %max3A_1864 = arith.maximumf %max3A_1857, %get3A_1863 : vector<16xf32>
        %add3A_1865 = arith.constant 3072 : i32
        %add3A_1866 = arith.addi %mul3A_431, %add3A_1865 : i32
        %add3A_1867 = arith.constant 208 : i32
        %add3A_1868 = arith.addi %add3A_1866, %add3A_1867 : i32
        %get3A_1869 = arith.index_cast %add3A_1868 : i32 to index
        %get3A_1870 = tpu.vector_load %arg4[%get3A_1869] {strides = array<i32>} : memref<32768xf32, #tpu.memory_space<vmem>>, vector<16xf32>,
        %max3A_1871 = arith.maximumf %max3A_1864, %get3A_1870 : vector<16xf32>
        %add3A_1872 = arith.constant 3072 : i32
        %add3A_1873 = arith.addi %mul3A_431, %add3A_1872 : i32
        %add3A_1874 = arith.constant 224 : i32
        %add3A_1875 = arith.addi %add3A_1873, %add3A_1874 : i32
        %get3A_1876 = arith.index_cast %add3A_1875 : i32 to index
        %get3A_1877 = tpu.vector_load %arg4[%get3A_1876] {strides = array<i32>} : memref<32768xf32, #tpu.memory_space<vmem>>, vector<16xf32>,
        %max3A_1878 = arith.maximumf %max3A_1871, %get3A_1877 : vector<16xf32>
        %add3A_1879 = arith.constant 3072 : i32
        %add3A_1880 = arith.addi %mul3A_431, %add3A_1879 : i32
        %add3A_1881 = arith.constant 240 : i32
        %add3A_1882 = arith.addi %add3A_1880, %add3A_1881 : i32
        %get3A_1883 = arith.index_cast %add3A_1882 : i32 to index
        %get3A_1884 = tpu.vector_load %arg4[%get3A_1883] {strides = array<i32>} : memref<32768xf32, #tpu.memory_space<vmem>>, vector<16xf32>,
        %max3A_1885 = arith.maximumf %max3A_1878, %get3A_1884 : vector<16xf32>
        %add3A_1886 = arith.constant 192 : i32
        %add3A_1887 = vector.broadcast %add3A_1886 : i32 to vector<16xi32>
        %add3A_1888 = arith.addi %add3A_1887, %iota3A : vector<16xi32>
        %add3A_1889 = arith.constant 3328 : i32
        %add3A_1890 = arith.addi %mul3A_431, %add3A_1889 : i32
        %get3A_1891 = arith.index_cast %add3A_1890 : i32 to index
        %get3A_1892 = tpu.vector_load %arg4[%get3A_1891] {strides = array<i32>} : memref<32768xf32, #tpu.memory_space<vmem>>, vector<16xf32>,
        %add3A_1893 = arith.constant 3328 : i32
        %add3A_1894 = arith.addi %mul3A_431, %add3A_1893 : i32
        %add3A_1895 = arith.constant 16 : i32
        %add3A_1896 = arith.addi %add3A_1894, %add3A_1895 : i32
        %get3A_1897 = arith.index_cast %add3A_1896 : i32 to index
        %get3A_1898 = tpu.vector_load %arg4[%get3A_1897] {strides = array<i32>} : memref<32768xf32, #tpu.memory_space<vmem>>, vector<16xf32>,
        %max3A_1899 = arith.maximumf %get3A_1892, %get3A_1898 : vector<16xf32>
        %add3A_1900 = arith.constant 3328 : i32
        %add3A_1901 = arith.addi %mul3A_431, %add3A_1900 : i32
        %add3A_1902 = arith.constant 32 : i32
        %add3A_1903 = arith.addi %add3A_1901, %add3A_1902 : i32
        %get3A_1904 = arith.index_cast %add3A_1903 : i32 to index
        %get3A_1905 = tpu.vector_load %arg4[%get3A_1904] {strides = array<i32>} : memref<32768xf32, #tpu.memory_space<vmem>>, vector<16xf32>,
        %max3A_1906 = arith.maximumf %max3A_1899, %get3A_1905 : vector<16xf32>
        %add3A_1907 = arith.constant 3328 : i32
        %add3A_1908 = arith.addi %mul3A_431, %add3A_1907 : i32
        %add3A_1909 = arith.constant 48 : i32
        %add3A_1910 = arith.addi %add3A_1908, %add3A_1909 : i32
        %get3A_1911 = arith.index_cast %add3A_1910 : i32 to index
        %get3A_1912 = tpu.vector_load %arg4[%get3A_1911] {strides = array<i32>} : memref<32768xf32, #tpu.memory_space<vmem>>, vector<16xf32>,
        %max3A_1913 = arith.maximumf %max3A_1906, %get3A_1912 : vector<16xf32>
        %add3A_1914 = arith.constant 3328 : i32
        %add3A_1915 = arith.addi %mul3A_431, %add3A_1914 : i32
        %add3A_1916 = arith.constant 64 : i32
        %add3A_1917 = arith.addi %add3A_1915, %add3A_1916 : i32
        %get3A_1918 = arith.index_cast %add3A_1917 : i32 to index
        %get3A_1919 = tpu.vector_load %arg4[%get3A_1918] {strides = array<i32>} : memref<32768xf32, #tpu.memory_space<vmem>>, vector<16xf32>,
        %max3A_1920 = arith.maximumf %max3A_1913, %get3A_1919 : vector<16xf32>
        %add3A_1921 = arith.constant 3328 : i32
        %add3A_1922 = arith.addi %mul3A_431, %add3A_1921 : i32
        %add3A_1923 = arith.constant 80 : i32
        %add3A_1924 = arith.addi %add3A_1922, %add3A_1923 : i32
        %get3A_1925 = arith.index_cast %add3A_1924 : i32 to index
        %get3A_1926 = tpu.vector_load %arg4[%get3A_1925] {strides = array<i32>} : memref<32768xf32, #tpu.memory_space<vmem>>, vector<16xf32>,
        %max3A_1927 = arith.maximumf %max3A_1920, %get3A_1926 : vector<16xf32>
        %add3A_1928 = arith.constant 3328 : i32
        %add3A_1929 = arith.addi %mul3A_431, %add3A_1928 : i32
        %add3A_1930 = arith.constant 96 : i32
        %add3A_1931 = arith.addi %add3A_1929, %add3A_1930 : i32
        %get3A_1932 = arith.index_cast %add3A_1931 : i32 to index
        %get3A_1933 = tpu.vector_load %arg4[%get3A_1932] {strides = array<i32>} : memref<32768xf32, #tpu.memory_space<vmem>>, vector<16xf32>,
        %max3A_1934 = arith.maximumf %max3A_1927, %get3A_1933 : vector<16xf32>
        %add3A_1935 = arith.constant 3328 : i32
        %add3A_1936 = arith.addi %mul3A_431, %add3A_1935 : i32
        %add3A_1937 = arith.constant 112 : i32
        %add3A_1938 = arith.addi %add3A_1936, %add3A_1937 : i32
        %get3A_1939 = arith.index_cast %add3A_1938 : i32 to index
        %get3A_1940 = tpu.vector_load %arg4[%get3A_1939] {strides = array<i32>} : memref<32768xf32, #tpu.memory_space<vmem>>, vector<16xf32>,
        %max3A_1941 = arith.maximumf %max3A_1934, %get3A_1940 : vector<16xf32>
        %add3A_1942 = arith.constant 3328 : i32
        %add3A_1943 = arith.addi %mul3A_431, %add3A_1942 : i32
        %add3A_1944 = arith.constant 128 : i32
        %add3A_1945 = arith.addi %add3A_1943, %add3A_1944 : i32
        %get3A_1946 = arith.index_cast %add3A_1945 : i32 to index
        %get3A_1947 = tpu.vector_load %arg4[%get3A_1946] {strides = array<i32>} : memref<32768xf32, #tpu.memory_space<vmem>>, vector<16xf32>,
        %max3A_1948 = arith.maximumf %max3A_1941, %get3A_1947 : vector<16xf32>
        %add3A_1949 = arith.constant 3328 : i32
        %add3A_1950 = arith.addi %mul3A_431, %add3A_1949 : i32
        %add3A_1951 = arith.constant 144 : i32
        %add3A_1952 = arith.addi %add3A_1950, %add3A_1951 : i32
        %get3A_1953 = arith.index_cast %add3A_1952 : i32 to index
        %get3A_1954 = tpu.vector_load %arg4[%get3A_1953] {strides = array<i32>} : memref<32768xf32, #tpu.memory_space<vmem>>, vector<16xf32>,
        %max3A_1955 = arith.maximumf %max3A_1948, %get3A_1954 : vector<16xf32>
        %add3A_1956 = arith.constant 3328 : i32
        %add3A_1957 = arith.addi %mul3A_431, %add3A_1956 : i32
        %add3A_1958 = arith.constant 160 : i32
        %add3A_1959 = arith.addi %add3A_1957, %add3A_1958 : i32
        %get3A_1960 = arith.index_cast %add3A_1959 : i32 to index
        %get3A_1961 = tpu.vector_load %arg4[%get3A_1960] {strides = array<i32>} : memref<32768xf32, #tpu.memory_space<vmem>>, vector<16xf32>,
        %max3A_1962 = arith.maximumf %max3A_1955, %get3A_1961 : vector<16xf32>
        %add3A_1963 = arith.constant 3328 : i32
        %add3A_1964 = arith.addi %mul3A_431, %add3A_1963 : i32
        %add3A_1965 = arith.constant 176 : i32
        %add3A_1966 = arith.addi %add3A_1964, %add3A_1965 : i32
        %get3A_1967 = arith.index_cast %add3A_1966 : i32 to index
        %get3A_1968 = tpu.vector_load %arg4[%get3A_1967] {strides = array<i32>} : memref<32768xf32, #tpu.memory_space<vmem>>, vector<16xf32>,
        %max3A_1969 = arith.maximumf %max3A_1962, %get3A_1968 : vector<16xf32>
        %add3A_1970 = arith.constant 3328 : i32
        %add3A_1971 = arith.addi %mul3A_431, %add3A_1970 : i32
        %add3A_1972 = arith.constant 192 : i32
        %add3A_1973 = arith.addi %add3A_1971, %add3A_1972 : i32
        %get3A_1974 = arith.index_cast %add3A_1973 : i32 to index
        %get3A_1975 = tpu.vector_load %arg4[%get3A_1974] {strides = array<i32>} : memref<32768xf32, #tpu.memory_space<vmem>>, vector<16xf32>,
        %max3A_1976 = arith.maximumf %max3A_1969, %get3A_1975 : vector<16xf32>
        %add3A_1977 = arith.constant 3328 : i32
        %add3A_1978 = arith.addi %mul3A_431, %add3A_1977 : i32
        %add3A_1979 = arith.constant 208 : i32
        %add3A_1980 = arith.addi %add3A_1978, %add3A_1979 : i32
        %get3A_1981 = arith.index_cast %add3A_1980 : i32 to index
        %get3A_1982 = tpu.vector_load %arg4[%get3A_1981] {strides = array<i32>} : memref<32768xf32, #tpu.memory_space<vmem>>, vector<16xf32>,
        %max3A_1983 = arith.maximumf %max3A_1976, %get3A_1982 : vector<16xf32>
        %add3A_1984 = arith.constant 3328 : i32
        %add3A_1985 = arith.addi %mul3A_431, %add3A_1984 : i32
        %add3A_1986 = arith.constant 224 : i32
        %add3A_1987 = arith.addi %add3A_1985, %add3A_1986 : i32
        %get3A_1988 = arith.index_cast %add3A_1987 : i32 to index
        %get3A_1989 = tpu.vector_load %arg4[%get3A_1988] {strides = array<i32>} : memref<32768xf32, #tpu.memory_space<vmem>>, vector<16xf32>,
        %max3A_1990 = arith.maximumf %max3A_1983, %get3A_1989 : vector<16xf32>
        %add3A_1991 = arith.constant 3328 : i32
        %add3A_1992 = arith.addi %mul3A_431, %add3A_1991 : i32
        %add3A_1993 = arith.constant 240 : i32
        %add3A_1994 = arith.addi %add3A_1992, %add3A_1993 : i32
        %get3A_1995 = arith.index_cast %add3A_1994 : i32 to index
        %get3A_1996 = tpu.vector_load %arg4[%get3A_1995] {strides = array<i32>} : memref<32768xf32, #tpu.memory_space<vmem>>, vector<16xf32>,
        %max3A_1997 = arith.maximumf %max3A_1990, %get3A_1996 : vector<16xf32>
        %add3A_1998 = arith.constant 208 : i32
        %add3A_1999 = vector.broadcast %add3A_1998 : i32 to vector<16xi32>
        %add3A_2000 = arith.addi %add3A_1999, %iota3A : vector<16xi32>
        %add3A_2001 = arith.constant 3584 : i32
        %add3A_2002 = arith.addi %mul3A_431, %add3A_2001 : i32
        %get3A_2003 = arith.index_cast %add3A_2002 : i32 to index
        %get3A_2004 = tpu.vector_load %arg4[%get3A_2003] {strides = array<i32>} : memref<32768xf32, #tpu.memory_space<vmem>>, vector<16xf32>,
        %add3A_2005 = arith.constant 3584 : i32
        %add3A_2006 = arith.addi %mul3A_431, %add3A_2005 : i32
        %add3A_2007 = arith.constant 16 : i32
        %add3A_2008 = arith.addi %add3A_2006, %add3A_2007 : i32
        %get3A_2009 = arith.index_cast %add3A_2008 : i32 to index
        %get3A_2010 = tpu.vector_load %arg4[%get3A_2009] {strides = array<i32>} : memref<32768xf32, #tpu.memory_space<vmem>>, vector<16xf32>,
        %max3A_2011 = arith.maximumf %get3A_2004, %get3A_2010 : vector<16xf32>
        %add3A_2012 = arith.constant 3584 : i32
        %add3A_2013 = arith.addi %mul3A_431, %add3A_2012 : i32
        %add3A_2014 = arith.constant 32 : i32
        %add3A_2015 = arith.addi %add3A_2013, %add3A_2014 : i32
        %get3A_2016 = arith.index_cast %add3A_2015 : i32 to index
        %get3A_2017 = tpu.vector_load %arg4[%get3A_2016] {strides = array<i32>} : memref<32768xf32, #tpu.memory_space<vmem>>, vector<16xf32>,
        %max3A_2018 = arith.maximumf %max3A_2011, %get3A_2017 : vector<16xf32>
        %add3A_2019 = arith.constant 3584 : i32
        %add3A_2020 = arith.addi %mul3A_431, %add3A_2019 : i32
        %add3A_2021 = arith.constant 48 : i32
        %add3A_2022 = arith.addi %add3A_2020, %add3A_2021 : i32
        %get3A_2023 = arith.index_cast %add3A_2022 : i32 to index
        %get3A_2024 = tpu.vector_load %arg4[%get3A_2023] {strides = array<i32>} : memref<32768xf32, #tpu.memory_space<vmem>>, vector<16xf32>,
        %max3A_2025 = arith.maximumf %max3A_2018, %get3A_2024 : vector<16xf32>
        %add3A_2026 = arith.constant 3584 : i32
        %add3A_2027 = arith.addi %mul3A_431, %add3A_2026 : i32
        %add3A_2028 = arith.constant 64 : i32
        %add3A_2029 = arith.addi %add3A_2027, %add3A_2028 : i32
        %get3A_2030 = arith.index_cast %add3A_2029 : i32 to index
        %get3A_2031 = tpu.vector_load %arg4[%get3A_2030] {strides = array<i32>} : memref<32768xf32, #tpu.memory_space<vmem>>, vector<16xf32>,
        %max3A_2032 = arith.maximumf %max3A_2025, %get3A_2031 : vector<16xf32>
        %add3A_2033 = arith.constant 3584 : i32
        %add3A_2034 = arith.addi %mul3A_431, %add3A_2033 : i32
        %add3A_2035 = arith.constant 80 : i32
        %add3A_2036 = arith.addi %add3A_2034, %add3A_2035 : i32
        %get3A_2037 = arith.index_cast %add3A_2036 : i32 to index
        %get3A_2038 = tpu.vector_load %arg4[%get3A_2037] {strides = array<i32>} : memref<32768xf32, #tpu.memory_space<vmem>>, vector<16xf32>,
        %max3A_2039 = arith.maximumf %max3A_2032, %get3A_2038 : vector<16xf32>
        %add3A_2040 = arith.constant 3584 : i32
        %add3A_2041 = arith.addi %mul3A_431, %add3A_2040 : i32
        %add3A_2042 = arith.constant 96 : i32
        %add3A_2043 = arith.addi %add3A_2041, %add3A_2042 : i32
        %get3A_2044 = arith.index_cast %add3A_2043 : i32 to index
        %get3A_2045 = tpu.vector_load %arg4[%get3A_2044] {strides = array<i32>} : memref<32768xf32, #tpu.memory_space<vmem>>, vector<16xf32>,
        %max3A_2046 = arith.maximumf %max3A_2039, %get3A_2045 : vector<16xf32>
        %add3A_2047 = arith.constant 3584 : i32
        %add3A_2048 = arith.addi %mul3A_431, %add3A_2047 : i32
        %add3A_2049 = arith.constant 112 : i32
        %add3A_2050 = arith.addi %add3A_2048, %add3A_2049 : i32
        %get3A_2051 = arith.index_cast %add3A_2050 : i32 to index
        %get3A_2052 = tpu.vector_load %arg4[%get3A_2051] {strides = array<i32>} : memref<32768xf32, #tpu.memory_space<vmem>>, vector<16xf32>,
        %max3A_2053 = arith.maximumf %max3A_2046, %get3A_2052 : vector<16xf32>
        %add3A_2054 = arith.constant 3584 : i32
        %add3A_2055 = arith.addi %mul3A_431, %add3A_2054 : i32
        %add3A_2056 = arith.constant 128 : i32
        %add3A_2057 = arith.addi %add3A_2055, %add3A_2056 : i32
        %get3A_2058 = arith.index_cast %add3A_2057 : i32 to index
        %get3A_2059 = tpu.vector_load %arg4[%get3A_2058] {strides = array<i32>} : memref<32768xf32, #tpu.memory_space<vmem>>, vector<16xf32>,
        %max3A_2060 = arith.maximumf %max3A_2053, %get3A_2059 : vector<16xf32>
        %add3A_2061 = arith.constant 3584 : i32
        %add3A_2062 = arith.addi %mul3A_431, %add3A_2061 : i32
        %add3A_2063 = arith.constant 144 : i32
        %add3A_2064 = arith.addi %add3A_2062, %add3A_2063 : i32
        %get3A_2065 = arith.index_cast %add3A_2064 : i32 to index
        %get3A_2066 = tpu.vector_load %arg4[%get3A_2065] {strides = array<i32>} : memref<32768xf32, #tpu.memory_space<vmem>>, vector<16xf32>,
        %max3A_2067 = arith.maximumf %max3A_2060, %get3A_2066 : vector<16xf32>
        %add3A_2068 = arith.constant 3584 : i32
        %add3A_2069 = arith.addi %mul3A_431, %add3A_2068 : i32
        %add3A_2070 = arith.constant 160 : i32
        %add3A_2071 = arith.addi %add3A_2069, %add3A_2070 : i32
        %get3A_2072 = arith.index_cast %add3A_2071 : i32 to index
        %get3A_2073 = tpu.vector_load %arg4[%get3A_2072] {strides = array<i32>} : memref<32768xf32, #tpu.memory_space<vmem>>, vector<16xf32>,
        %max3A_2074 = arith.maximumf %max3A_2067, %get3A_2073 : vector<16xf32>
        %add3A_2075 = arith.constant 3584 : i32
        %add3A_2076 = arith.addi %mul3A_431, %add3A_2075 : i32
        %add3A_2077 = arith.constant 176 : i32
        %add3A_2078 = arith.addi %add3A_2076, %add3A_2077 : i32
        %get3A_2079 = arith.index_cast %add3A_2078 : i32 to index
        %get3A_2080 = tpu.vector_load %arg4[%get3A_2079] {strides = array<i32>} : memref<32768xf32, #tpu.memory_space<vmem>>, vector<16xf32>,
        %max3A_2081 = arith.maximumf %max3A_2074, %get3A_2080 : vector<16xf32>
        %add3A_2082 = arith.constant 3584 : i32
        %add3A_2083 = arith.addi %mul3A_431, %add3A_2082 : i32
        %add3A_2084 = arith.constant 192 : i32
        %add3A_2085 = arith.addi %add3A_2083, %add3A_2084 : i32
        %get3A_2086 = arith.index_cast %add3A_2085 : i32 to index
        %get3A_2087 = tpu.vector_load %arg4[%get3A_2086] {strides = array<i32>} : memref<32768xf32, #tpu.memory_space<vmem>>, vector<16xf32>,
        %max3A_2088 = arith.maximumf %max3A_2081, %get3A_2087 : vector<16xf32>
        %add3A_2089 = arith.constant 3584 : i32
        %add3A_2090 = arith.addi %mul3A_431, %add3A_2089 : i32
        %add3A_2091 = arith.constant 208 : i32
        %add3A_2092 = arith.addi %add3A_2090, %add3A_2091 : i32
        %get3A_2093 = arith.index_cast %add3A_2092 : i32 to index
        %get3A_2094 = tpu.vector_load %arg4[%get3A_2093] {strides = array<i32>} : memref<32768xf32, #tpu.memory_space<vmem>>, vector<16xf32>,
        %max3A_2095 = arith.maximumf %max3A_2088, %get3A_2094 : vector<16xf32>
        %add3A_2096 = arith.constant 3584 : i32
        %add3A_2097 = arith.addi %mul3A_431, %add3A_2096 : i32
        %add3A_2098 = arith.constant 224 : i32
        %add3A_2099 = arith.addi %add3A_2097, %add3A_2098 : i32
        %get3A_2100 = arith.index_cast %add3A_2099 : i32 to index
        %get3A_2101 = tpu.vector_load %arg4[%get3A_2100] {strides = array<i32>} : memref<32768xf32, #tpu.memory_space<vmem>>, vector<16xf32>,
        %max3A_2102 = arith.maximumf %max3A_2095, %get3A_2101 : vector<16xf32>
        %add3A_2103 = arith.constant 3584 : i32
        %add3A_2104 = arith.addi %mul3A_431, %add3A_2103 : i32
        %add3A_2105 = arith.constant 240 : i32
        %add3A_2106 = arith.addi %add3A_2104, %add3A_2105 : i32
        %get3A_2107 = arith.index_cast %add3A_2106 : i32 to index
        %get3A_2108 = tpu.vector_load %arg4[%get3A_2107] {strides = array<i32>} : memref<32768xf32, #tpu.memory_space<vmem>>, vector<16xf32>,
        %max3A_2109 = arith.maximumf %max3A_2102, %get3A_2108 : vector<16xf32>
        %add3A_2110 = arith.constant 224 : i32
        %add3A_2111 = vector.broadcast %add3A_2110 : i32 to vector<16xi32>
        %add3A_2112 = arith.addi %add3A_2111, %iota3A : vector<16xi32>
        %add3A_2113 = arith.constant 3840 : i32
        %add3A_2114 = arith.addi %mul3A_431, %add3A_2113 : i32
        %get3A_2115 = arith.index_cast %add3A_2114 : i32 to index
        %get3A_2116 = tpu.vector_load %arg4[%get3A_2115] {strides = array<i32>} : memref<32768xf32, #tpu.memory_space<vmem>>, vector<16xf32>,
        %add3A_2117 = arith.constant 3840 : i32
        %add3A_2118 = arith.addi %mul3A_431, %add3A_2117 : i32
        %add3A_2119 = arith.constant 16 : i32
        %add3A_2120 = arith.addi %add3A_2118, %add3A_2119 : i32
        %get3A_2121 = arith.index_cast %add3A_2120 : i32 to index
        %get3A_2122 = tpu.vector_load %arg4[%get3A_2121] {strides = array<i32>} : memref<32768xf32, #tpu.memory_space<vmem>>, vector<16xf32>,
        %max3A_2123 = arith.maximumf %get3A_2116, %get3A_2122 : vector<16xf32>
        %add3A_2124 = arith.constant 3840 : i32
        %add3A_2125 = arith.addi %mul3A_431, %add3A_2124 : i32
        %add3A_2126 = arith.constant 32 : i32
        %add3A_2127 = arith.addi %add3A_2125, %add3A_2126 : i32
        %get3A_2128 = arith.index_cast %add3A_2127 : i32 to index
        %get3A_2129 = tpu.vector_load %arg4[%get3A_2128] {strides = array<i32>} : memref<32768xf32, #tpu.memory_space<vmem>>, vector<16xf32>,
        %max3A_2130 = arith.maximumf %max3A_2123, %get3A_2129 : vector<16xf32>
        %add3A_2131 = arith.constant 3840 : i32
        %add3A_2132 = arith.addi %mul3A_431, %add3A_2131 : i32
        %add3A_2133 = arith.constant 48 : i32
        %add3A_2134 = arith.addi %add3A_2132, %add3A_2133 : i32
        %get3A_2135 = arith.index_cast %add3A_2134 : i32 to index
        %get3A_2136 = tpu.vector_load %arg4[%get3A_2135] {strides = array<i32>} : memref<32768xf32, #tpu.memory_space<vmem>>, vector<16xf32>,
        %max3A_2137 = arith.maximumf %max3A_2130, %get3A_2136 : vector<16xf32>
        %add3A_2138 = arith.constant 3840 : i32
        %add3A_2139 = arith.addi %mul3A_431, %add3A_2138 : i32
        %add3A_2140 = arith.constant 64 : i32
        %add3A_2141 = arith.addi %add3A_2139, %add3A_2140 : i32
        %get3A_2142 = arith.index_cast %add3A_2141 : i32 to index
        %get3A_2143 = tpu.vector_load %arg4[%get3A_2142] {strides = array<i32>} : memref<32768xf32, #tpu.memory_space<vmem>>, vector<16xf32>,
        %max3A_2144 = arith.maximumf %max3A_2137, %get3A_2143 : vector<16xf32>
        %add3A_2145 = arith.constant 3840 : i32
        %add3A_2146 = arith.addi %mul3A_431, %add3A_2145 : i32
        %add3A_2147 = arith.constant 80 : i32
        %add3A_2148 = arith.addi %add3A_2146, %add3A_2147 : i32
        %get3A_2149 = arith.index_cast %add3A_2148 : i32 to index
        %get3A_2150 = tpu.vector_load %arg4[%get3A_2149] {strides = array<i32>} : memref<32768xf32, #tpu.memory_space<vmem>>, vector<16xf32>,
        %max3A_2151 = arith.maximumf %max3A_2144, %get3A_2150 : vector<16xf32>
        %add3A_2152 = arith.constant 3840 : i32
        %add3A_2153 = arith.addi %mul3A_431, %add3A_2152 : i32
        %add3A_2154 = arith.constant 96 : i32
        %add3A_2155 = arith.addi %add3A_2153, %add3A_2154 : i32
        %get3A_2156 = arith.index_cast %add3A_2155 : i32 to index
        %get3A_2157 = tpu.vector_load %arg4[%get3A_2156] {strides = array<i32>} : memref<32768xf32, #tpu.memory_space<vmem>>, vector<16xf32>,
        %max3A_2158 = arith.maximumf %max3A_2151, %get3A_2157 : vector<16xf32>
        %add3A_2159 = arith.constant 3840 : i32
        %add3A_2160 = arith.addi %mul3A_431, %add3A_2159 : i32
        %add3A_2161 = arith.constant 112 : i32
        %add3A_2162 = arith.addi %add3A_2160, %add3A_2161 : i32
        %get3A_2163 = arith.index_cast %add3A_2162 : i32 to index
        %get3A_2164 = tpu.vector_load %arg4[%get3A_2163] {strides = array<i32>} : memref<32768xf32, #tpu.memory_space<vmem>>, vector<16xf32>,
        %max3A_2165 = arith.maximumf %max3A_2158, %get3A_2164 : vector<16xf32>
        %add3A_2166 = arith.constant 3840 : i32
        %add3A_2167 = arith.addi %mul3A_431, %add3A_2166 : i32
        %add3A_2168 = arith.constant 128 : i32
        %add3A_2169 = arith.addi %add3A_2167, %add3A_2168 : i32
        %get3A_2170 = arith.index_cast %add3A_2169 : i32 to index
        %get3A_2171 = tpu.vector_load %arg4[%get3A_2170] {strides = array<i32>} : memref<32768xf32, #tpu.memory_space<vmem>>, vector<16xf32>,
        %max3A_2172 = arith.maximumf %max3A_2165, %get3A_2171 : vector<16xf32>
        %add3A_2173 = arith.constant 3840 : i32
        %add3A_2174 = arith.addi %mul3A_431, %add3A_2173 : i32
        %add3A_2175 = arith.constant 144 : i32
        %add3A_2176 = arith.addi %add3A_2174, %add3A_2175 : i32
        %get3A_2177 = arith.index_cast %add3A_2176 : i32 to index
        %get3A_2178 = tpu.vector_load %arg4[%get3A_2177] {strides = array<i32>} : memref<32768xf32, #tpu.memory_space<vmem>>, vector<16xf32>,
        %max3A_2179 = arith.maximumf %max3A_2172, %get3A_2178 : vector<16xf32>
        %add3A_2180 = arith.constant 3840 : i32
        %add3A_2181 = arith.addi %mul3A_431, %add3A_2180 : i32
        %add3A_2182 = arith.constant 160 : i32
        %add3A_2183 = arith.addi %add3A_2181, %add3A_2182 : i32
        %get3A_2184 = arith.index_cast %add3A_2183 : i32 to index
        %get3A_2185 = tpu.vector_load %arg4[%get3A_2184] {strides = array<i32>} : memref<32768xf32, #tpu.memory_space<vmem>>, vector<16xf32>,
        %max3A_2186 = arith.maximumf %max3A_2179, %get3A_2185 : vector<16xf32>
        %add3A_2187 = arith.constant 3840 : i32
        %add3A_2188 = arith.addi %mul3A_431, %add3A_2187 : i32
        %add3A_2189 = arith.constant 176 : i32
        %add3A_2190 = arith.addi %add3A_2188, %add3A_2189 : i32
        %get3A_2191 = arith.index_cast %add3A_2190 : i32 to index
        %get3A_2192 = tpu.vector_load %arg4[%get3A_2191] {strides = array<i32>} : memref<32768xf32, #tpu.memory_space<vmem>>, vector<16xf32>,
        %max3A_2193 = arith.maximumf %max3A_2186, %get3A_2192 : vector<16xf32>
        %add3A_2194 = arith.constant 3840 : i32
        %add3A_2195 = arith.addi %mul3A_431, %add3A_2194 : i32
        %add3A_2196 = arith.constant 192 : i32
        %add3A_2197 = arith.addi %add3A_2195, %add3A_2196 : i32
        %get3A_2198 = arith.index_cast %add3A_2197 : i32 to index
        %get3A_2199 = tpu.vector_load %arg4[%get3A_2198] {strides = array<i32>} : memref<32768xf32, #tpu.memory_space<vmem>>, vector<16xf32>,
        %max3A_2200 = arith.maximumf %max3A_2193, %get3A_2199 : vector<16xf32>
        %add3A_2201 = arith.constant 3840 : i32
        %add3A_2202 = arith.addi %mul3A_431, %add3A_2201 : i32
        %add3A_2203 = arith.constant 208 : i32
        %add3A_2204 = arith.addi %add3A_2202, %add3A_2203 : i32
        %get3A_2205 = arith.index_cast %add3A_2204 : i32 to index
        %get3A_2206 = tpu.vector_load %arg4[%get3A_2205] {strides = array<i32>} : memref<32768xf32, #tpu.memory_space<vmem>>, vector<16xf32>,
        %max3A_2207 = arith.maximumf %max3A_2200, %get3A_2206 : vector<16xf32>
        %add3A_2208 = arith.constant 3840 : i32
        %add3A_2209 = arith.addi %mul3A_431, %add3A_2208 : i32
        %add3A_2210 = arith.constant 224 : i32
        %add3A_2211 = arith.addi %add3A_2209, %add3A_2210 : i32
        %get3A_2212 = arith.index_cast %add3A_2211 : i32 to index
        %get3A_2213 = tpu.vector_load %arg4[%get3A_2212] {strides = array<i32>} : memref<32768xf32, #tpu.memory_space<vmem>>, vector<16xf32>,
        %max3A_2214 = arith.maximumf %max3A_2207, %get3A_2213 : vector<16xf32>
        %add3A_2215 = arith.constant 3840 : i32
        %add3A_2216 = arith.addi %mul3A_431, %add3A_2215 : i32
        %add3A_2217 = arith.constant 240 : i32
        %add3A_2218 = arith.addi %add3A_2216, %add3A_2217 : i32
        %get3A_2219 = arith.index_cast %add3A_2218 : i32 to index
        %get3A_2220 = tpu.vector_load %arg4[%get3A_2219] {strides = array<i32>} : memref<32768xf32, #tpu.memory_space<vmem>>, vector<16xf32>,
        %max3A_2221 = arith.maximumf %max3A_2214, %get3A_2220 : vector<16xf32>
        %add3A_2222 = arith.constant 240 : i32
        %add3A_2223 = vector.broadcast %add3A_2222 : i32 to vector<16xi32>
        %add3A_2224 = arith.addi %add3A_2223, %iota3A : vector<16xi32>
        %masked_sort3A = arith.constant dense<true> : vector<16xi1>
        %masked_sort3A_2225, %masked_sort3A_2226, %masked_sort3A_2227 = tpu.sort %max3A_541, %add3A_544 masked %masked_sort3A : (vector<16xf32>, vector<16xi32>, vector<16xi1>) -> (vector<16xi1>, vector<16xf32>, vector<16xi32>)
        %masked_sort3A_2228 = arith.constant dense<true> : vector<16xi1>
        %masked_sort3A_2229, %masked_sort3A_2230, %masked_sort3A_2231 = tpu.sort %max3A_653, %add3A_656 masked %masked_sort3A_2228 {descending = true} : (vector<16xf32>, vector<16xi32>, vector<16xi1>) -> (vector<16xi1>, vector<16xf32>, vector<16xi32>)
        %max3A_2232 = arith.maximumf %masked_sort3A_2226, %masked_sort3A_2230 : vector<16xf32>
        %ge3A = arith.cmpf oge, %masked_sort3A_2226, %masked_sort3A_2230 : vector<16xf32>
        %select_n3A = arith.select %ge3A, %masked_sort3A_2227, %masked_sort3A_2231 : vector<16xi1>, vector<16xi32>
        %masked_sort3A_2233 = arith.constant dense<true> : vector<16xi1>
        %masked_sort3A_2234, %masked_sort3A_2235, %masked_sort3A_2236 = tpu.sort %max3A_2232, %select_n3A masked %masked_sort3A_2233 : (vector<16xf32>, vector<16xi32>, vector<16xi1>) -> (vector<16xi1>, vector<16xf32>, vector<16xi32>)
        %masked_sort3A_2237 = arith.constant dense<true> : vector<16xi1>
        %masked_sort3A_2238, %masked_sort3A_2239, %masked_sort3A_2240 = tpu.sort %max3A_765, %add3A_768 masked %masked_sort3A_2237 : (vector<16xf32>, vector<16xi32>, vector<16xi1>) -> (vector<16xi1>, vector<16xf32>, vector<16xi32>)
        %masked_sort3A_2241 = arith.constant dense<true> : vector<16xi1>
        %masked_sort3A_2242, %masked_sort3A_2243, %masked_sort3A_2244 = tpu.sort %max3A_877, %add3A_880 masked %masked_sort3A_2241 {descending = true} : (vector<16xf32>, vector<16xi32>, vector<16xi1>) -> (vector<16xi1>, vector<16xf32>, vector<16xi32>)
        %max3A_2245 = arith.maximumf %masked_sort3A_2239, %masked_sort3A_2243 : vector<16xf32>
        %ge3A_2246 = arith.cmpf oge, %masked_sort3A_2239, %masked_sort3A_2243 : vector<16xf32>
        %select_n3A_2247 = arith.select %ge3A_2246, %masked_sort3A_2240, %masked_sort3A_2244 : vector<16xi1>, vector<16xi32>
        %masked_sort3A_2248 = arith.constant dense<true> : vector<16xi1>
        %masked_sort3A_2249, %masked_sort3A_2250, %masked_sort3A_2251 = tpu.sort %max3A_2245, %select_n3A_2247 masked %masked_sort3A_2248 {descending = true} : (vector<16xf32>, vector<16xi32>, vector<16xi1>) -> (vector<16xi1>, vector<16xf32>, vector<16xi32>)
        %max3A_2252 = arith.maximumf %masked_sort3A_2235, %masked_sort3A_2250 : vector<16xf32>
        %ge3A_2253 = arith.cmpf oge, %masked_sort3A_2235, %masked_sort3A_2250 : vector<16xf32>
        %select_n3A_2254 = arith.select %ge3A_2253, %masked_sort3A_2236, %masked_sort3A_2251 : vector<16xi1>, vector<16xi32>
        %masked_sort3A_2255 = arith.constant dense<true> : vector<16xi1>
        %masked_sort3A_2256, %masked_sort3A_2257, %masked_sort3A_2258 = tpu.sort %max3A_2252, %select_n3A_2254 masked %masked_sort3A_2255 : (vector<16xf32>, vector<16xi32>, vector<16xi1>) -> (vector<16xi1>, vector<16xf32>, vector<16xi32>)
        %masked_sort3A_2259 = arith.constant dense<true> : vector<16xi1>
        %masked_sort3A_2260, %masked_sort3A_2261, %masked_sort3A_2262 = tpu.sort %max3A_989, %add3A_992 masked %masked_sort3A_2259 : (vector<16xf32>, vector<16xi32>, vector<16xi1>) -> (vector<16xi1>, vector<16xf32>, vector<16xi32>)
        %masked_sort3A_2263 = arith.constant dense<true> : vector<16xi1>
        %masked_sort3A_2264, %masked_sort3A_2265, %masked_sort3A_2266 = tpu.sort %max3A_1101, %add3A_1104 masked %masked_sort3A_2263 {descending = true} : (vector<16xf32>, vector<16xi32>, vector<16xi1>) -> (vector<16xi1>, vector<16xf32>, vector<16xi32>)
        %max3A_2267 = arith.maximumf %masked_sort3A_2261, %masked_sort3A_2265 : vector<16xf32>
        %ge3A_2268 = arith.cmpf oge, %masked_sort3A_2261, %masked_sort3A_2265 : vector<16xf32>
        %select_n3A_2269 = arith.select %ge3A_2268, %masked_sort3A_2262, %masked_sort3A_2266 : vector<16xi1>, vector<16xi32>
        %masked_sort3A_2270 = arith.constant dense<true> : vector<16xi1>
        %masked_sort3A_2271, %masked_sort3A_2272, %masked_sort3A_2273 = tpu.sort %max3A_2267, %select_n3A_2269 masked %masked_sort3A_2270 : (vector<16xf32>, vector<16xi32>, vector<16xi1>) -> (vector<16xi1>, vector<16xf32>, vector<16xi32>)
        %masked_sort3A_2274 = arith.constant dense<true> : vector<16xi1>
        %masked_sort3A_2275, %masked_sort3A_2276, %masked_sort3A_2277 = tpu.sort %max3A_1213, %add3A_1216 masked %masked_sort3A_2274 : (vector<16xf32>, vector<16xi32>, vector<16xi1>) -> (vector<16xi1>, vector<16xf32>, vector<16xi32>)
        %masked_sort3A_2278 = arith.constant dense<true> : vector<16xi1>
        %masked_sort3A_2279, %masked_sort3A_2280, %masked_sort3A_2281 = tpu.sort %max3A_1325, %add3A_1328 masked %masked_sort3A_2278 {descending = true} : (vector<16xf32>, vector<16xi32>, vector<16xi1>) -> (vector<16xi1>, vector<16xf32>, vector<16xi32>)
        %max3A_2282 = arith.maximumf %masked_sort3A_2276, %masked_sort3A_2280 : vector<16xf32>
        %ge3A_2283 = arith.cmpf oge, %masked_sort3A_2276, %masked_sort3A_2280 : vector<16xf32>
        %select_n3A_2284 = arith.select %ge3A_2283, %masked_sort3A_2277, %masked_sort3A_2281 : vector<16xi1>, vector<16xi32>
        %masked_sort3A_2285 = arith.constant dense<true> : vector<16xi1>
        %masked_sort3A_2286, %masked_sort3A_2287, %masked_sort3A_2288 = tpu.sort %max3A_2282, %select_n3A_2284 masked %masked_sort3A_2285 {descending = true} : (vector<16xf32>, vector<16xi32>, vector<16xi1>) -> (vector<16xi1>, vector<16xf32>, vector<16xi32>)
        %max3A_2289 = arith.maximumf %masked_sort3A_2272, %masked_sort3A_2287 : vector<16xf32>
        %ge3A_2290 = arith.cmpf oge, %masked_sort3A_2272, %masked_sort3A_2287 : vector<16xf32>
        %select_n3A_2291 = arith.select %ge3A_2290, %masked_sort3A_2273, %masked_sort3A_2288 : vector<16xi1>, vector<16xi32>
        %masked_sort3A_2292 = arith.constant dense<true> : vector<16xi1>
        %masked_sort3A_2293, %masked_sort3A_2294, %masked_sort3A_2295 = tpu.sort %max3A_2289, %select_n3A_2291 masked %masked_sort3A_2292 {descending = true} : (vector<16xf32>, vector<16xi32>, vector<16xi1>) -> (vector<16xi1>, vector<16xf32>, vector<16xi32>)
        %max3A_2296 = arith.maximumf %masked_sort3A_2257, %masked_sort3A_2294 : vector<16xf32>
        %ge3A_2297 = arith.cmpf oge, %masked_sort3A_2257, %masked_sort3A_2294 : vector<16xf32>
        %select_n3A_2298 = arith.select %ge3A_2297, %masked_sort3A_2258, %masked_sort3A_2295 : vector<16xi1>, vector<16xi32>
        %masked_sort3A_2299 = arith.constant dense<true> : vector<16xi1>
        %masked_sort3A_2300, %masked_sort3A_2301, %masked_sort3A_2302 = tpu.sort %max3A_2296, %select_n3A_2298 masked %masked_sort3A_2299 : (vector<16xf32>, vector<16xi32>, vector<16xi1>) -> (vector<16xi1>, vector<16xf32>, vector<16xi32>)
        %masked_sort3A_2303 = arith.constant dense<true> : vector<16xi1>
        %masked_sort3A_2304, %masked_sort3A_2305, %masked_sort3A_2306 = tpu.sort %max3A_1437, %add3A_1440 masked %masked_sort3A_2303 : (vector<16xf32>, vector<16xi32>, vector<16xi1>) -> (vector<16xi1>, vector<16xf32>, vector<16xi32>)
        %masked_sort3A_2307 = arith.constant dense<true> : vector<16xi1>
        %masked_sort3A_2308, %masked_sort3A_2309, %masked_sort3A_2310 = tpu.sort %max3A_1549, %add3A_1552 masked %masked_sort3A_2307 {descending = true} : (vector<16xf32>, vector<16xi32>, vector<16xi1>) -> (vector<16xi1>, vector<16xf32>, vector<16xi32>)
        %max3A_2311 = arith.maximumf %masked_sort3A_2305, %masked_sort3A_2309 : vector<16xf32>
        %ge3A_2312 = arith.cmpf oge, %masked_sort3A_2305, %masked_sort3A_2309 : vector<16xf32>
        %select_n3A_2313 = arith.select %ge3A_2312, %masked_sort3A_2306, %masked_sort3A_2310 : vector<16xi1>, vector<16xi32>
        %masked_sort3A_2314 = arith.constant dense<true> : vector<16xi1>
        %masked_sort3A_2315, %masked_sort3A_2316, %masked_sort3A_2317 = tpu.sort %max3A_2311, %select_n3A_2313 masked %masked_sort3A_2314 : (vector<16xf32>, vector<16xi32>, vector<16xi1>) -> (vector<16xi1>, vector<16xf32>, vector<16xi32>)
        %masked_sort3A_2318 = arith.constant dense<true> : vector<16xi1>
        %masked_sort3A_2319, %masked_sort3A_2320, %masked_sort3A_2321 = tpu.sort %max3A_1661, %add3A_1664 masked %masked_sort3A_2318 : (vector<16xf32>, vector<16xi32>, vector<16xi1>) -> (vector<16xi1>, vector<16xf32>, vector<16xi32>)
        %masked_sort3A_2322 = arith.constant dense<true> : vector<16xi1>
        %masked_sort3A_2323, %masked_sort3A_2324, %masked_sort3A_2325 = tpu.sort %max3A_1773, %add3A_1776 masked %masked_sort3A_2322 {descending = true} : (vector<16xf32>, vector<16xi32>, vector<16xi1>) -> (vector<16xi1>, vector<16xf32>, vector<16xi32>)
        %max3A_2326 = arith.maximumf %masked_sort3A_2320, %masked_sort3A_2324 : vector<16xf32>
        %ge3A_2327 = arith.cmpf oge, %masked_sort3A_2320, %masked_sort3A_2324 : vector<16xf32>
        %select_n3A_2328 = arith.select %ge3A_2327, %masked_sort3A_2321, %masked_sort3A_2325 : vector<16xi1>, vector<16xi32>
        %masked_sort3A_2329 = arith.constant dense<true> : vector<16xi1>
        %masked_sort3A_2330, %masked_sort3A_2331, %masked_sort3A_2332 = tpu.sort %max3A_2326, %select_n3A_2328 masked %masked_sort3A_2329 {descending = true} : (vector<16xf32>, vector<16xi32>, vector<16xi1>) -> (vector<16xi1>, vector<16xf32>, vector<16xi32>)
        %max3A_2333 = arith.maximumf %masked_sort3A_2316, %masked_sort3A_2331 : vector<16xf32>
        %ge3A_2334 = arith.cmpf oge, %masked_sort3A_2316, %masked_sort3A_2331 : vector<16xf32>
        %select_n3A_2335 = arith.select %ge3A_2334, %masked_sort3A_2317, %masked_sort3A_2332 : vector<16xi1>, vector<16xi32>
        %masked_sort3A_2336 = arith.constant dense<true> : vector<16xi1>
        %masked_sort3A_2337, %masked_sort3A_2338, %masked_sort3A_2339 = tpu.sort %max3A_2333, %select_n3A_2335 masked %masked_sort3A_2336 : (vector<16xf32>, vector<16xi32>, vector<16xi1>) -> (vector<16xi1>, vector<16xf32>, vector<16xi32>)
        %masked_sort3A_2340 = arith.constant dense<true> : vector<16xi1>
        %masked_sort3A_2341, %masked_sort3A_2342, %masked_sort3A_2343 = tpu.sort %max3A_1885, %add3A_1888 masked %masked_sort3A_2340 : (vector<16xf32>, vector<16xi32>, vector<16xi1>) -> (vector<16xi1>, vector<16xf32>, vector<16xi32>)
        %masked_sort3A_2344 = arith.constant dense<true> : vector<16xi1>
        %masked_sort3A_2345, %masked_sort3A_2346, %masked_sort3A_2347 = tpu.sort %max3A_1997, %add3A_2000 masked %masked_sort3A_2344 {descending = true} : (vector<16xf32>, vector<16xi32>, vector<16xi1>) -> (vector<16xi1>, vector<16xf32>, vector<16xi32>)
        %max3A_2348 = arith.maximumf %masked_sort3A_2342, %masked_sort3A_2346 : vector<16xf32>
        %ge3A_2349 = arith.cmpf oge, %masked_sort3A_2342, %masked_sort3A_2346 : vector<16xf32>
        %select_n3A_2350 = arith.select %ge3A_2349, %masked_sort3A_2343, %masked_sort3A_2347 : vector<16xi1>, vector<16xi32>
        %masked_sort3A_2351 = arith.constant dense<true> : vector<16xi1>
        %masked_sort3A_2352, %masked_sort3A_2353, %masked_sort3A_2354 = tpu.sort %max3A_2348, %select_n3A_2350 masked %masked_sort3A_2351 : (vector<16xf32>, vector<16xi32>, vector<16xi1>) -> (vector<16xi1>, vector<16xf32>, vector<16xi32>)
        %masked_sort3A_2355 = arith.constant dense<true> : vector<16xi1>
        %masked_sort3A_2356, %masked_sort3A_2357, %masked_sort3A_2358 = tpu.sort %max3A_2109, %add3A_2112 masked %masked_sort3A_2355 : (vector<16xf32>, vector<16xi32>, vector<16xi1>) -> (vector<16xi1>, vector<16xf32>, vector<16xi32>)
        %masked_sort3A_2359 = arith.constant dense<true> : vector<16xi1>
        %masked_sort3A_2360, %masked_sort3A_2361, %masked_sort3A_2362 = tpu.sort %max3A_2221, %add3A_2224 masked %masked_sort3A_2359 {descending = true} : (vector<16xf32>, vector<16xi32>, vector<16xi1>) -> (vector<16xi1>, vector<16xf32>, vector<16xi32>)
        %max3A_2363 = arith.maximumf %masked_sort3A_2357, %masked_sort3A_2361 : vector<16xf32>
        %ge3A_2364 = arith.cmpf oge, %masked_sort3A_2357, %masked_sort3A_2361 : vector<16xf32>
        %select_n3A_2365 = arith.select %ge3A_2364, %masked_sort3A_2358, %masked_sort3A_2362 : vector<16xi1>, vector<16xi32>
        %masked_sort3A_2366 = arith.constant dense<true> : vector<16xi1>
        %masked_sort3A_2367, %masked_sort3A_2368, %masked_sort3A_2369 = tpu.sort %max3A_2363, %select_n3A_2365 masked %masked_sort3A_2366 {descending = true} : (vector<16xf32>, vector<16xi32>, vector<16xi1>) -> (vector<16xi1>, vector<16xf32>, vector<16xi32>)
        %max3A_2370 = arith.maximumf %masked_sort3A_2353, %masked_sort3A_2368 : vector<16xf32>
        %ge3A_2371 = arith.cmpf oge, %masked_sort3A_2353, %masked_sort3A_2368 : vector<16xf32>
        %select_n3A_2372 = arith.select %ge3A_2371, %masked_sort3A_2354, %masked_sort3A_2369 : vector<16xi1>, vector<16xi32>
        %masked_sort3A_2373 = arith.constant dense<true> : vector<16xi1>
        %masked_sort3A_2374, %masked_sort3A_2375, %masked_sort3A_2376 = tpu.sort %max3A_2370, %select_n3A_2372 masked %masked_sort3A_2373 {descending = true} : (vector<16xf32>, vector<16xi32>, vector<16xi1>) -> (vector<16xi1>, vector<16xf32>, vector<16xi32>)
        %max3A_2377 = arith.maximumf %masked_sort3A_2338, %masked_sort3A_2375 : vector<16xf32>
        %ge3A_2378 = arith.cmpf oge, %masked_sort3A_2338, %masked_sort3A_2375 : vector<16xf32>
        %select_n3A_2379 = arith.select %ge3A_2378, %masked_sort3A_2339, %masked_sort3A_2376 : vector<16xi1>, vector<16xi32>
        %masked_sort3A_2380 = arith.constant dense<true> : vector<16xi1>
        %masked_sort3A_2381, %masked_sort3A_2382, %masked_sort3A_2383 = tpu.sort %max3A_2377, %select_n3A_2379 masked %masked_sort3A_2380 {descending = true} : (vector<16xf32>, vector<16xi32>, vector<16xi1>) -> (vector<16xi1>, vector<16xf32>, vector<16xi32>)
        %max3A_2384 = arith.maximumf %masked_sort3A_2301, %masked_sort3A_2382 : vector<16xf32>
        %ge3A_2385 = arith.cmpf oge, %masked_sort3A_2301, %masked_sort3A_2382 : vector<16xf32>
        %select_n3A_2386 = arith.select %ge3A_2385, %masked_sort3A_2302, %masked_sort3A_2383 : vector<16xi1>, vector<16xi32>
        %masked_sort3A_2387 = arith.constant dense<true> : vector<16xi1>
        %masked_sort3A_2388, %masked_sort3A_2389, %masked_sort3A_2390 = tpu.sort %max3A_2384, %select_n3A_2386 masked %masked_sort3A_2387 {descending = true} : (vector<16xf32>, vector<16xi32>, vector<16xi1>) -> (vector<16xi1>, vector<16xf32>, vector<16xi32>)
        %broadcast_in_dim3A_2391 = arith.constant 0 : i32
        %broadcast_in_dim3A_2392 = vector.broadcast %broadcast_in_dim3A_2391 : i32 to vector<16x1xi32>
        %gather3A_2393 = vector.shape_cast %broadcast_in_dim3A_2392 : vector<16x1xi32> to vector<16xi32>
        %gather3A_2394 = tpu.dynamic_gather %masked_sort3A_2390[%gather3A_2393] in [0] : vector<16xi32>, vector<16xi32> -> vector<16xi32>
        %shift_right_arithmetic3A = arith.constant 4 : i32
        %shift_right_arithmetic3A_2395 = vector.broadcast %shift_right_arithmetic3A : i32 to vector<16xi32>
        %shift_right_arithmetic3A_2396 = arith.shrsi %gather3A_2394, %shift_right_arithmetic3A_2395 : vector<16xi32>
        %shift_left3A = arith.constant 8 : i32
        %shift_left3A_2397 = vector.broadcast %shift_left3A : i32 to vector<16xi32>
        %shift_left3A_2398 = arith.shli %shift_right_arithmetic3A_2396, %shift_left3A_2397 : vector<16xi32>
        %and3A = arith.constant 15 : i32
        %and3A_2399 = vector.broadcast %and3A : i32 to vector<16xi32>
        %and3A_2400 = arith.andi %gather3A_2394, %and3A_2399 : vector<16xi32>
        %add3A_2401 = arith.addi %shift_left3A_2398, %and3A_2400 : vector<16xi32>
        %mul3A_2402 = arith.constant 16 : i32
        %mul3A_2403 = vector.broadcast %mul3A_2402 : i32 to vector<16xi32>
        %mul3A_2404 = arith.muli %mul3A_2403, %iota3A : vector<16xi32>
        %add3A_2405 = arith.addi %add3A_2401, %mul3A_2404 : vector<16xi32>
        %add3A_2406 = vector.broadcast %mul3A_431 : i32 to vector<16xi32>
        %add3A_2407 = arith.addi %add3A_2405, %add3A_2406 : vector<16xi32>
        %gather3A_2408 = tpu.vector_load_idx %arg4[%add3A_2407] : memref<32768xf32, #tpu.memory_space<vmem>>[vector<16xi32>], vector<16xf32>,
        %broadcast_in_dim3A_2409 = arith.constant 1 : i32
        %broadcast_in_dim3A_2410 = vector.broadcast %broadcast_in_dim3A_2409 : i32 to vector<16x1xi32>
        %gather3A_2411 = vector.shape_cast %broadcast_in_dim3A_2410 : vector<16x1xi32> to vector<16xi32>
        %gather3A_2412 = tpu.dynamic_gather %masked_sort3A_2390[%gather3A_2411] in [0] : vector<16xi32>, vector<16xi32> -> vector<16xi32>
        %shift_right_arithmetic3A_2413 = arith.constant 4 : i32
        %shift_right_arithmetic3A_2414 = vector.broadcast %shift_right_arithmetic3A_2413 : i32 to vector<16xi32>
        %shift_right_arithmetic3A_2415 = arith.shrsi %gather3A_2412, %shift_right_arithmetic3A_2414 : vector<16xi32>
        %shift_left3A_2416 = arith.constant 8 : i32
        %shift_left3A_2417 = vector.broadcast %shift_left3A_2416 : i32 to vector<16xi32>
        %shift_left3A_2418 = arith.shli %shift_right_arithmetic3A_2415, %shift_left3A_2417 : vector<16xi32>
        %and3A_2419 = arith.constant 15 : i32
        %and3A_2420 = vector.broadcast %and3A_2419 : i32 to vector<16xi32>
        %and3A_2421 = arith.andi %gather3A_2412, %and3A_2420 : vector<16xi32>
        %add3A_2422 = arith.addi %shift_left3A_2418, %and3A_2421 : vector<16xi32>
        %mul3A_2423 = arith.constant 16 : i32
        %mul3A_2424 = vector.broadcast %mul3A_2423 : i32 to vector<16xi32>
        %mul3A_2425 = arith.muli %mul3A_2424, %iota3A : vector<16xi32>
        %add3A_2426 = arith.addi %add3A_2422, %mul3A_2425 : vector<16xi32>
        %add3A_2427 = vector.broadcast %mul3A_431 : i32 to vector<16xi32>
        %add3A_2428 = arith.addi %add3A_2426, %add3A_2427 : vector<16xi32>
        %gather3A_2429 = tpu.vector_load_idx %arg4[%add3A_2428] : memref<32768xf32, #tpu.memory_space<vmem>>[vector<16xi32>], vector<16xf32>,
        %broadcast_in_dim3A_2430 = arith.constant 2 : i32
        %broadcast_in_dim3A_2431 = vector.broadcast %broadcast_in_dim3A_2430 : i32 to vector<16x1xi32>
        %gather3A_2432 = vector.shape_cast %broadcast_in_dim3A_2431 : vector<16x1xi32> to vector<16xi32>
        %gather3A_2433 = tpu.dynamic_gather %masked_sort3A_2390[%gather3A_2432] in [0] : vector<16xi32>, vector<16xi32> -> vector<16xi32>
        %shift_right_arithmetic3A_2434 = arith.constant 4 : i32
        %shift_right_arithmetic3A_2435 = vector.broadcast %shift_right_arithmetic3A_2434 : i32 to vector<16xi32>
        %shift_right_arithmetic3A_2436 = arith.shrsi %gather3A_2433, %shift_right_arithmetic3A_2435 : vector<16xi32>
        %shift_left3A_2437 = arith.constant 8 : i32
        %shift_left3A_2438 = vector.broadcast %shift_left3A_2437 : i32 to vector<16xi32>
        %shift_left3A_2439 = arith.shli %shift_right_arithmetic3A_2436, %shift_left3A_2438 : vector<16xi32>
        %and3A_2440 = arith.constant 15 : i32
        %and3A_2441 = vector.broadcast %and3A_2440 : i32 to vector<16xi32>
        %and3A_2442 = arith.andi %gather3A_2433, %and3A_2441 : vector<16xi32>
        %add3A_2443 = arith.addi %shift_left3A_2439, %and3A_2442 : vector<16xi32>
        %mul3A_2444 = arith.constant 16 : i32
        %mul3A_2445 = vector.broadcast %mul3A_2444 : i32 to vector<16xi32>
        %mul3A_2446 = arith.muli %mul3A_2445, %iota3A : vector<16xi32>
        %add3A_2447 = arith.addi %add3A_2443, %mul3A_2446 : vector<16xi32>
        %add3A_2448 = vector.broadcast %mul3A_431 : i32 to vector<16xi32>
        %add3A_2449 = arith.addi %add3A_2447, %add3A_2448 : vector<16xi32>
        %gather3A_2450 = tpu.vector_load_idx %arg4[%add3A_2449] : memref<32768xf32, #tpu.memory_space<vmem>>[vector<16xi32>], vector<16xf32>,
        %broadcast_in_dim3A_2451 = arith.constant 3 : i32
        %broadcast_in_dim3A_2452 = vector.broadcast %broadcast_in_dim3A_2451 : i32 to vector<16x1xi32>
        %gather3A_2453 = vector.shape_cast %broadcast_in_dim3A_2452 : vector<16x1xi32> to vector<16xi32>
        %gather3A_2454 = tpu.dynamic_gather %masked_sort3A_2390[%gather3A_2453] in [0] : vector<16xi32>, vector<16xi32> -> vector<16xi32>
        %shift_right_arithmetic3A_2455 = arith.constant 4 : i32
        %shift_right_arithmetic3A_2456 = vector.broadcast %shift_right_arithmetic3A_2455 : i32 to vector<16xi32>
        %shift_right_arithmetic3A_2457 = arith.shrsi %gather3A_2454, %shift_right_arithmetic3A_2456 : vector<16xi32>
        %shift_left3A_2458 = arith.constant 8 : i32
        %shift_left3A_2459 = vector.broadcast %shift_left3A_2458 : i32 to vector<16xi32>
        %shift_left3A_2460 = arith.shli %shift_right_arithmetic3A_2457, %shift_left3A_2459 : vector<16xi32>
        %and3A_2461 = arith.constant 15 : i32
        %and3A_2462 = vector.broadcast %and3A_2461 : i32 to vector<16xi32>
        %and3A_2463 = arith.andi %gather3A_2454, %and3A_2462 : vector<16xi32>
        %add3A_2464 = arith.addi %shift_left3A_2460, %and3A_2463 : vector<16xi32>
        %mul3A_2465 = arith.constant 16 : i32
        %mul3A_2466 = vector.broadcast %mul3A_2465 : i32 to vector<16xi32>
        %mul3A_2467 = arith.muli %mul3A_2466, %iota3A : vector<16xi32>
        %add3A_2468 = arith.addi %add3A_2464, %mul3A_2467 : vector<16xi32>
        %add3A_2469 = vector.broadcast %mul3A_431 : i32 to vector<16xi32>
        %add3A_2470 = arith.addi %add3A_2468, %add3A_2469 : vector<16xi32>
        %gather3A_2471 = tpu.vector_load_idx %arg4[%add3A_2470] : memref<32768xf32, #tpu.memory_space<vmem>>[vector<16xi32>], vector<16xf32>,
        %broadcast_in_dim3A_2472 = arith.constant 4 : i32
        %broadcast_in_dim3A_2473 = vector.broadcast %broadcast_in_dim3A_2472 : i32 to vector<16x1xi32>
        %gather3A_2474 = vector.shape_cast %broadcast_in_dim3A_2473 : vector<16x1xi32> to vector<16xi32>
        %gather3A_2475 = tpu.dynamic_gather %masked_sort3A_2390[%gather3A_2474] in [0] : vector<16xi32>, vector<16xi32> -> vector<16xi32>
        %shift_right_arithmetic3A_2476 = arith.constant 4 : i32
        %shift_right_arithmetic3A_2477 = vector.broadcast %shift_right_arithmetic3A_2476 : i32 to vector<16xi32>
        %shift_right_arithmetic3A_2478 = arith.shrsi %gather3A_2475, %shift_right_arithmetic3A_2477 : vector<16xi32>
        %shift_left3A_2479 = arith.constant 8 : i32
        %shift_left3A_2480 = vector.broadcast %shift_left3A_2479 : i32 to vector<16xi32>
        %shift_left3A_2481 = arith.shli %shift_right_arithmetic3A_2478, %shift_left3A_2480 : vector<16xi32>
        %and3A_2482 = arith.constant 15 : i32
        %and3A_2483 = vector.broadcast %and3A_2482 : i32 to vector<16xi32>
        %and3A_2484 = arith.andi %gather3A_2475, %and3A_2483 : vector<16xi32>
        %add3A_2485 = arith.addi %shift_left3A_2481, %and3A_2484 : vector<16xi32>
        %mul3A_2486 = arith.constant 16 : i32
        %mul3A_2487 = vector.broadcast %mul3A_2486 : i32 to vector<16xi32>
        %mul3A_2488 = arith.muli %mul3A_2487, %iota3A : vector<16xi32>
        %add3A_2489 = arith.addi %add3A_2485, %mul3A_2488 : vector<16xi32>
        %add3A_2490 = vector.broadcast %mul3A_431 : i32 to vector<16xi32>
        %add3A_2491 = arith.addi %add3A_2489, %add3A_2490 : vector<16xi32>
        %gather3A_2492 = tpu.vector_load_idx %arg4[%add3A_2491] : memref<32768xf32, #tpu.memory_space<vmem>>[vector<16xi32>], vector<16xf32>,
        %broadcast_in_dim3A_2493 = arith.constant 5 : i32
        %broadcast_in_dim3A_2494 = vector.broadcast %broadcast_in_dim3A_2493 : i32 to vector<16x1xi32>
        %gather3A_2495 = vector.shape_cast %broadcast_in_dim3A_2494 : vector<16x1xi32> to vector<16xi32>
        %gather3A_2496 = tpu.dynamic_gather %masked_sort3A_2390[%gather3A_2495] in [0] : vector<16xi32>, vector<16xi32> -> vector<16xi32>
        %shift_right_arithmetic3A_2497 = arith.constant 4 : i32
        %shift_right_arithmetic3A_2498 = vector.broadcast %shift_right_arithmetic3A_2497 : i32 to vector<16xi32>
        %shift_right_arithmetic3A_2499 = arith.shrsi %gather3A_2496, %shift_right_arithmetic3A_2498 : vector<16xi32>
        %shift_left3A_2500 = arith.constant 8 : i32
        %shift_left3A_2501 = vector.broadcast %shift_left3A_2500 : i32 to vector<16xi32>
        %shift_left3A_2502 = arith.shli %shift_right_arithmetic3A_2499, %shift_left3A_2501 : vector<16xi32>
        %and3A_2503 = arith.constant 15 : i32
        %and3A_2504 = vector.broadcast %and3A_2503 : i32 to vector<16xi32>
        %and3A_2505 = arith.andi %gather3A_2496, %and3A_2504 : vector<16xi32>
        %add3A_2506 = arith.addi %shift_left3A_2502, %and3A_2505 : vector<16xi32>
        %mul3A_2507 = arith.constant 16 : i32
        %mul3A_2508 = vector.broadcast %mul3A_2507 : i32 to vector<16xi32>
        %mul3A_2509 = arith.muli %mul3A_2508, %iota3A : vector<16xi32>
        %add3A_2510 = arith.addi %add3A_2506, %mul3A_2509 : vector<16xi32>
        %add3A_2511 = vector.broadcast %mul3A_431 : i32 to vector<16xi32>
        %add3A_2512 = arith.addi %add3A_2510, %add3A_2511 : vector<16xi32>
        %gather3A_2513 = tpu.vector_load_idx %arg4[%add3A_2512] : memref<32768xf32, #tpu.memory_space<vmem>>[vector<16xi32>], vector<16xf32>,
        %broadcast_in_dim3A_2514 = arith.constant 6 : i32
        %broadcast_in_dim3A_2515 = vector.broadcast %broadcast_in_dim3A_2514 : i32 to vector<16x1xi32>
        %gather3A_2516 = vector.shape_cast %broadcast_in_dim3A_2515 : vector<16x1xi32> to vector<16xi32>
        %gather3A_2517 = tpu.dynamic_gather %masked_sort3A_2390[%gather3A_2516] in [0] : vector<16xi32>, vector<16xi32> -> vector<16xi32>
        %shift_right_arithmetic3A_2518 = arith.constant 4 : i32
        %shift_right_arithmetic3A_2519 = vector.broadcast %shift_right_arithmetic3A_2518 : i32 to vector<16xi32>
        %shift_right_arithmetic3A_2520 = arith.shrsi %gather3A_2517, %shift_right_arithmetic3A_2519 : vector<16xi32>
        %shift_left3A_2521 = arith.constant 8 : i32
        %shift_left3A_2522 = vector.broadcast %shift_left3A_2521 : i32 to vector<16xi32>
        %shift_left3A_2523 = arith.shli %shift_right_arithmetic3A_2520, %shift_left3A_2522 : vector<16xi32>
        %and3A_2524 = arith.constant 15 : i32
        %and3A_2525 = vector.broadcast %and3A_2524 : i32 to vector<16xi32>
        %and3A_2526 = arith.andi %gather3A_2517, %and3A_2525 : vector<16xi32>
        %add3A_2527 = arith.addi %shift_left3A_2523, %and3A_2526 : vector<16xi32>
        %mul3A_2528 = arith.constant 16 : i32
        %mul3A_2529 = vector.broadcast %mul3A_2528 : i32 to vector<16xi32>
        %mul3A_2530 = arith.muli %mul3A_2529, %iota3A : vector<16xi32>
        %add3A_2531 = arith.addi %add3A_2527, %mul3A_2530 : vector<16xi32>
        %add3A_2532 = vector.broadcast %mul3A_431 : i32 to vector<16xi32>
        %add3A_2533 = arith.addi %add3A_2531, %add3A_2532 : vector<16xi32>
        %gather3A_2534 = tpu.vector_load_idx %arg4[%add3A_2533] : memref<32768xf32, #tpu.memory_space<vmem>>[vector<16xi32>], vector<16xf32>,
        %broadcast_in_dim3A_2535 = arith.constant 7 : i32
        %broadcast_in_dim3A_2536 = vector.broadcast %broadcast_in_dim3A_2535 : i32 to vector<16x1xi32>
        %gather3A_2537 = vector.shape_cast %broadcast_in_dim3A_2536 : vector<16x1xi32> to vector<16xi32>
        %gather3A_2538 = tpu.dynamic_gather %masked_sort3A_2390[%gather3A_2537] in [0] : vector<16xi32>, vector<16xi32> -> vector<16xi32>
        %shift_right_arithmetic3A_2539 = arith.constant 4 : i32
        %shift_right_arithmetic3A_2540 = vector.broadcast %shift_right_arithmetic3A_2539 : i32 to vector<16xi32>
        %shift_right_arithmetic3A_2541 = arith.shrsi %gather3A_2538, %shift_right_arithmetic3A_2540 : vector<16xi32>
        %shift_left3A_2542 = arith.constant 8 : i32
        %shift_left3A_2543 = vector.broadcast %shift_left3A_2542 : i32 to vector<16xi32>
        %shift_left3A_2544 = arith.shli %shift_right_arithmetic3A_2541, %shift_left3A_2543 : vector<16xi32>
        %and3A_2545 = arith.constant 15 : i32
        %and3A_2546 = vector.broadcast %and3A_2545 : i32 to vector<16xi32>
        %and3A_2547 = arith.andi %gather3A_2538, %and3A_2546 : vector<16xi32>
        %add3A_2548 = arith.addi %shift_left3A_2544, %and3A_2547 : vector<16xi32>
        %mul3A_2549 = arith.constant 16 : i32
        %mul3A_2550 = vector.broadcast %mul3A_2549 : i32 to vector<16xi32>
        %mul3A_2551 = arith.muli %mul3A_2550, %iota3A : vector<16xi32>
        %add3A_2552 = arith.addi %add3A_2548, %mul3A_2551 : vector<16xi32>
        %add3A_2553 = vector.broadcast %mul3A_431 : i32 to vector<16xi32>
        %add3A_2554 = arith.addi %add3A_2552, %add3A_2553 : vector<16xi32>
        %gather3A_2555 = tpu.vector_load_idx %arg4[%add3A_2554] : memref<32768xf32, #tpu.memory_space<vmem>>[vector<16xi32>], vector<16xf32>,
        %sort3A = arith.constant dense<true> : vector<16xi1>
        %sort3A_2556, %sort3A_2557, %sort3A_2558 = tpu.sort %gather3A_2408, %gather3A_2408 masked %sort3A : (vector<16xf32>, vector<16xf32>, vector<16xi1>) -> (vector<16xi1>, vector<16xf32>, vector<16xf32>)
        %neg3A = arith.constant 0.000000e+00 : f32
        %neg3A_2559 = vector.broadcast %neg3A : f32 to vector<16xf32>
        %neg3A_2560 = arith.subf %neg3A_2559, %gather3A_2429 : vector<16xf32>
        %sort3A_2561 = arith.constant dense<true> : vector<16xi1>
        %sort3A_2562, %sort3A_2563, %sort3A_2564 = tpu.sort %neg3A_2560, %neg3A_2560 masked %sort3A_2561 : (vector<16xf32>, vector<16xf32>, vector<16xi1>) -> (vector<16xi1>, vector<16xf32>, vector<16xf32>)
        %neg3A_2565 = arith.constant 0.000000e+00 : f32
        %neg3A_2566 = vector.broadcast %neg3A_2565 : f32 to vector<16xf32>
        %neg3A_2567 = arith.subf %neg3A_2566, %sort3A_2563 : vector<16xf32>
        %max3A_2568 = arith.maximumf %sort3A_2557, %neg3A_2567 : vector<16xf32>
        %sort3A_2569 = arith.constant dense<true> : vector<16xi1>
        %sort3A_2570, %sort3A_2571, %sort3A_2572 = tpu.sort %max3A_2568, %max3A_2568 masked %sort3A_2569 : (vector<16xf32>, vector<16xf32>, vector<16xi1>) -> (vector<16xi1>, vector<16xf32>, vector<16xf32>)
        %sort3A_2573 = arith.constant dense<true> : vector<16xi1>
        %sort3A_2574, %sort3A_2575, %sort3A_2576 = tpu.sort %gather3A_2450, %gather3A_2450 masked %sort3A_2573 : (vector<16xf32>, vector<16xf32>, vector<16xi1>) -> (vector<16xi1>, vector<16xf32>, vector<16xf32>)
        %neg3A_2577 = arith.constant 0.000000e+00 : f32
        %neg3A_2578 = vector.broadcast %neg3A_2577 : f32 to vector<16xf32>
        %neg3A_2579 = arith.subf %neg3A_2578, %gather3A_2471 : vector<16xf32>
        %sort3A_2580 = arith.constant dense<true> : vector<16xi1>
        %sort3A_2581, %sort3A_2582, %sort3A_2583 = tpu.sort %neg3A_2579, %neg3A_2579 masked %sort3A_2580 : (vector<16xf32>, vector<16xf32>, vector<16xi1>) -> (vector<16xi1>, vector<16xf32>, vector<16xf32>)
        %neg3A_2584 = arith.constant 0.000000e+00 : f32
        %neg3A_2585 = vector.broadcast %neg3A_2584 : f32 to vector<16xf32>
        %neg3A_2586 = arith.subf %neg3A_2585, %sort3A_2582 : vector<16xf32>
        %max3A_2587 = arith.maximumf %sort3A_2575, %neg3A_2586 : vector<16xf32>
        %neg3A_2588 = arith.constant 0.000000e+00 : f32
        %neg3A_2589 = vector.broadcast %neg3A_2588 : f32 to vector<16xf32>
        %neg3A_2590 = arith.subf %neg3A_2589, %max3A_2587 : vector<16xf32>
        %sort3A_2591 = arith.constant dense<true> : vector<16xi1>
        %sort3A_2592, %sort3A_2593, %sort3A_2594 = tpu.sort %neg3A_2590, %neg3A_2590 masked %sort3A_2591 : (vector<16xf32>, vector<16xf32>, vector<16xi1>) -> (vector<16xi1>, vector<16xf32>, vector<16xf32>)
        %neg3A_2595 = arith.constant 0.000000e+00 : f32
        %neg3A_2596 = vector.broadcast %neg3A_2595 : f32 to vector<16xf32>
        %neg3A_2597 = arith.subf %neg3A_2596, %sort3A_2593 : vector<16xf32>
        %max3A_2598 = arith.maximumf %sort3A_2571, %neg3A_2597 : vector<16xf32>
        %sort3A_2599 = arith.constant dense<true> : vector<16xi1>
        %sort3A_2600, %sort3A_2601, %sort3A_2602 = tpu.sort %max3A_2598, %max3A_2598 masked %sort3A_2599 : (vector<16xf32>, vector<16xf32>, vector<16xi1>) -> (vector<16xi1>, vector<16xf32>, vector<16xf32>)
        %sort3A_2603 = arith.constant dense<true> : vector<16xi1>
        %sort3A_2604, %sort3A_2605, %sort3A_2606 = tpu.sort %gather3A_2492, %gather3A_2492 masked %sort3A_2603 : (vector<16xf32>, vector<16xf32>, vector<16xi1>) -> (vector<16xi1>, vector<16xf32>, vector<16xf32>)
        %neg3A_2607 = arith.constant 0.000000e+00 : f32
        %neg3A_2608 = vector.broadcast %neg3A_2607 : f32 to vector<16xf32>
        %neg3A_2609 = arith.subf %neg3A_2608, %gather3A_2513 : vector<16xf32>
        %sort3A_2610 = arith.constant dense<true> : vector<16xi1>
        %sort3A_2611, %sort3A_2612, %sort3A_2613 = tpu.sort %neg3A_2609, %neg3A_2609 masked %sort3A_2610 : (vector<16xf32>, vector<16xf32>, vector<16xi1>) -> (vector<16xi1>, vector<16xf32>, vector<16xf32>)
        %neg3A_2614 = arith.constant 0.000000e+00 : f32
        %neg3A_2615 = vector.broadcast %neg3A_2614 : f32 to vector<16xf32>
        %neg3A_2616 = arith.subf %neg3A_2615, %sort3A_2612 : vector<16xf32>
        %max3A_2617 = arith.maximumf %sort3A_2605, %neg3A_2616 : vector<16xf32>
        %sort3A_2618 = arith.constant dense<true> : vector<16xi1>
        %sort3A_2619, %sort3A_2620, %sort3A_2621 = tpu.sort %max3A_2617, %max3A_2617 masked %sort3A_2618 : (vector<16xf32>, vector<16xf32>, vector<16xi1>) -> (vector<16xi1>, vector<16xf32>, vector<16xf32>)
        %sort3A_2622 = arith.constant dense<true> : vector<16xi1>
        %sort3A_2623, %sort3A_2624, %sort3A_2625 = tpu.sort %gather3A_2534, %gather3A_2534 masked %sort3A_2622 : (vector<16xf32>, vector<16xf32>, vector<16xi1>) -> (vector<16xi1>, vector<16xf32>, vector<16xf32>)
        %neg3A_2626 = arith.constant 0.000000e+00 : f32
        %neg3A_2627 = vector.broadcast %neg3A_2626 : f32 to vector<16xf32>
        %neg3A_2628 = arith.subf %neg3A_2627, %gather3A_2555 : vector<16xf32>
        %sort3A_2629 = arith.constant dense<true> : vector<16xi1>
        %sort3A_2630, %sort3A_2631, %sort3A_2632 = tpu.sort %neg3A_2628, %neg3A_2628 masked %sort3A_2629 : (vector<16xf32>, vector<16xf32>, vector<16xi1>) -> (vector<16xi1>, vector<16xf32>, vector<16xf32>)
        %neg3A_2633 = arith.constant 0.000000e+00 : f32
        %neg3A_2634 = vector.broadcast %neg3A_2633 : f32 to vector<16xf32>
        %neg3A_2635 = arith.subf %neg3A_2634, %sort3A_2631 : vector<16xf32>
        %max3A_2636 = arith.maximumf %sort3A_2624, %neg3A_2635 : vector<16xf32>
        %neg3A_2637 = arith.constant 0.000000e+00 : f32
        %neg3A_2638 = vector.broadcast %neg3A_2637 : f32 to vector<16xf32>
        %neg3A_2639 = arith.subf %neg3A_2638, %max3A_2636 : vector<16xf32>
        %sort3A_2640 = arith.constant dense<true> : vector<16xi1>
        %sort3A_2641, %sort3A_2642, %sort3A_2643 = tpu.sort %neg3A_2639, %neg3A_2639 masked %sort3A_2640 : (vector<16xf32>, vector<16xf32>, vector<16xi1>) -> (vector<16xi1>, vector<16xf32>, vector<16xf32>)
        %neg3A_2644 = arith.constant 0.000000e+00 : f32
        %neg3A_2645 = vector.broadcast %neg3A_2644 : f32 to vector<16xf32>
        %neg3A_2646 = arith.subf %neg3A_2645, %sort3A_2642 : vector<16xf32>
        %max3A_2647 = arith.maximumf %sort3A_2620, %neg3A_2646 : vector<16xf32>
        %neg3A_2648 = arith.constant 0.000000e+00 : f32
        %neg3A_2649 = vector.broadcast %neg3A_2648 : f32 to vector<16xf32>
        %neg3A_2650 = arith.subf %neg3A_2649, %max3A_2647 : vector<16xf32>
        %sort3A_2651 = arith.constant dense<true> : vector<16xi1>
        %sort3A_2652, %sort3A_2653, %sort3A_2654 = tpu.sort %neg3A_2650, %neg3A_2650 masked %sort3A_2651 : (vector<16xf32>, vector<16xf32>, vector<16xi1>) -> (vector<16xi1>, vector<16xf32>, vector<16xf32>)
        %neg3A_2655 = arith.constant 0.000000e+00 : f32
        %neg3A_2656 = vector.broadcast %neg3A_2655 : f32 to vector<16xf32>
        %neg3A_2657 = arith.subf %neg3A_2656, %sort3A_2653 : vector<16xf32>
        %max3A_2658 = arith.maximumf %sort3A_2601, %neg3A_2657 : vector<16xf32>
        %neg3A_2659 = arith.constant 0.000000e+00 : f32
        %neg3A_2660 = vector.broadcast %neg3A_2659 : f32 to vector<16xf32>
        %neg3A_2661 = arith.subf %neg3A_2660, %max3A_2658 : vector<16xf32>
        %sort3A_2662 = arith.constant dense<true> : vector<16xi1>
        %sort3A_2663, %sort3A_2664, %sort3A_2665 = tpu.sort %neg3A_2661, %neg3A_2661 masked %sort3A_2662 : (vector<16xf32>, vector<16xf32>, vector<16xi1>) -> (vector<16xi1>, vector<16xf32>, vector<16xf32>)
        %neg3A_2666 = arith.constant 0.000000e+00 : f32
        %neg3A_2667 = vector.broadcast %neg3A_2666 : f32 to vector<16xf32>
        %neg3A_2668 = arith.subf %neg3A_2667, %sort3A_2664 : vector<16xf32>
        %sub3A = arith.subf %neg3A_2668, %gather3A : vector<16xf32>
        %add3A_2669 = arith.constant 2.000000e-01 : f32
        %add3A_2670 = vector.broadcast %add3A_2669 : f32 to vector<16xf32>
        %add3A_2671 = arith.addf %sub3A, %add3A_2670 : vector<16xf32>
        %max3A_2672 = arith.constant 0.000000e+00 : f32
        %max3A_2673 = vector.broadcast %max3A_2672 : f32 to vector<16xf32>
        %max3A_2674 = arith.maximumf %add3A_2671, %max3A_2673 : vector<16xf32>
        %jit3A = arith.constant 0.000000e+00 : f32
        %broadcast_in_dim3A_2675 = vector.broadcast %jit3A : f32 to vector<16xf32>
        %select_n3A_2676 = arith.select %lt3A_6, %max3A_2674, %broadcast_in_dim3A_2675 : vector<16xi1>, vector<16xf32>
        %add3A_2677 = arith.addf %scan3A_418, %select_n3A_2676 : vector<16xf32>
        scf.yield %add3A_2677 : vector<16xf32>
      }
      %scan3A_305 = arith.constant 8 : i32
      %add3A_306 = arith.constant 1 : i32
      %add3A_307 = arith.addi %add3A_197, %add3A_306 : i32
      %min3A = arith.constant 15 : i32
      %min3A_308 = arith.minsi %add3A_307, %min3A : i32
      %mul3A_309 = arith.constant 8 : i32
      %mul3A_310 = arith.muli %mul3A_309, %min3A_308 : i32
      %add3A_311 = arith.addi %mul3A_2, %mul3A_310 : i32
      %add3A_312 = arith.constant 0 : i32
      %add3A_313 = arith.addi %add3A_311, %add3A_312 : i32
      %dma_start3A_314 = arith.constant 0 : i32
      %dma_start3A_315 = tpu.memref_slice %arg4[%dma_start3A_314] : memref<32768xf32, #tpu.memory_space<vmem>> -> memref<4096xf32, #tpu.memory_space<vmem>>
      %dma_start3A_316 = arith.constant 0 : i32
      %dma_start3A_317 = tpu.memref_slice %arg2[%add3A_313, %dma_start3A_316] : memref<4096x4096xf32, #tpu.memory_space<hbm>> -> memref<1x4096xf32, #tpu.memory_space<hbm>>
      %dma_start3A_318 = tpu.memref_squeeze %dma_start3A_317 : memref<1x4096xf32, #tpu.memory_space<hbm>> -> memref<4096xf32, #tpu.memory_space<hbm>>
      %dma_start3A_319 = arith.constant 0 : i32
      %dma_start3A_320 = tpu.memref_slice %arg4[%dma_start3A_319] : memref<32768xf32, #tpu.memory_space<vmem>> -> memref<4096xf32, #tpu.memory_space<vmem>>
      %dma_start3A_321 = arith.constant 0 : i32
      %dma_start3A_322 = tpu.memref_slice %arg2[%add3A_313, %dma_start3A_321] : memref<4096x4096xf32, #tpu.memory_space<hbm>> -> memref<1x4096xf32, #tpu.memory_space<hbm>>
      %dma_start3A_323 = tpu.memref_squeeze %dma_start3A_322 : memref<1x4096xf32, #tpu.memory_space<hbm>> -> memref<4096xf32, #tpu.memory_space<hbm>>
      tpu.enqueue_dma source(%dma_start3A_323 : memref<4096xf32, #tpu.memory_space<hbm>>) target(%dma_start3A_320 : memref<4096xf32, #tpu.memory_space<vmem>>) target_semaphore(%arg7 : memref<!tpu.dma_semaphore, #tpu.memory_space<semaphore_mem>>)
      %add3A_324 = arith.constant 1 : i32
      %add3A_325 = arith.addi %add3A_311, %add3A_324 : i32
      %dma_start3A_326 = arith.constant 4096 : i32
      %dma_start3A_327 = tpu.memref_slice %arg4[%dma_start3A_326] : memref<32768xf32, #tpu.memory_space<vmem>> -> memref<4096xf32, #tpu.memory_space<vmem>>
      %dma_start3A_328 = arith.constant 0 : i32
      %dma_start3A_329 = tpu.memref_slice %arg2[%add3A_325, %dma_start3A_328] : memref<4096x4096xf32, #tpu.memory_space<hbm>> -> memref<1x4096xf32, #tpu.memory_space<hbm>>
      %dma_start3A_330 = tpu.memref_squeeze %dma_start3A_329 : memref<1x4096xf32, #tpu.memory_space<hbm>> -> memref<4096xf32, #tpu.memory_space<hbm>>
      %dma_start3A_331 = arith.constant 4096 : i32
      %dma_start3A_332 = tpu.memref_slice %arg4[%dma_start3A_331] : memref<32768xf32, #tpu.memory_space<vmem>> -> memref<4096xf32, #tpu.memory_space<vmem>>
      %dma_start3A_333 = arith.constant 0 : i32
      %dma_start3A_334 = tpu.memref_slice %arg2[%add3A_325, %dma_start3A_333] : memref<4096x4096xf32, #tpu.memory_space<hbm>> -> memref<1x4096xf32, #tpu.memory_space<hbm>>
      %dma_start3A_335 = tpu.memref_squeeze %dma_start3A_334 : memref<1x4096xf32, #tpu.memory_space<hbm>> -> memref<4096xf32, #tpu.memory_space<hbm>>
      tpu.enqueue_dma source(%dma_start3A_335 : memref<4096xf32, #tpu.memory_space<hbm>>) target(%dma_start3A_332 : memref<4096xf32, #tpu.memory_space<vmem>>) target_semaphore(%arg7 : memref<!tpu.dma_semaphore, #tpu.memory_space<semaphore_mem>>)
      %add3A_336 = arith.constant 2 : i32
      %add3A_337 = arith.addi %add3A_311, %add3A_336 : i32
      %dma_start3A_338 = arith.constant 8192 : i32
      %dma_start3A_339 = tpu.memref_slice %arg4[%dma_start3A_338] : memref<32768xf32, #tpu.memory_space<vmem>> -> memref<4096xf32, #tpu.memory_space<vmem>>
      %dma_start3A_340 = arith.constant 0 : i32
      %dma_start3A_341 = tpu.memref_slice %arg2[%add3A_337, %dma_start3A_340] : memref<4096x4096xf32, #tpu.memory_space<hbm>> -> memref<1x4096xf32, #tpu.memory_space<hbm>>
      %dma_start3A_342 = tpu.memref_squeeze %dma_start3A_341 : memref<1x4096xf32, #tpu.memory_space<hbm>> -> memref<4096xf32, #tpu.memory_space<hbm>>
      %dma_start3A_343 = arith.constant 8192 : i32
      %dma_start3A_344 = tpu.memref_slice %arg4[%dma_start3A_343] : memref<32768xf32, #tpu.memory_space<vmem>> -> memref<4096xf32, #tpu.memory_space<vmem>>
      %dma_start3A_345 = arith.constant 0 : i32
      %dma_start3A_346 = tpu.memref_slice %arg2[%add3A_337, %dma_start3A_345] : memref<4096x4096xf32, #tpu.memory_space<hbm>> -> memref<1x4096xf32, #tpu.memory_space<hbm>>
      %dma_start3A_347 = tpu.memref_squeeze %dma_start3A_346 : memref<1x4096xf32, #tpu.memory_space<hbm>> -> memref<4096xf32, #tpu.memory_space<hbm>>
      tpu.enqueue_dma source(%dma_start3A_347 : memref<4096xf32, #tpu.memory_space<hbm>>) target(%dma_start3A_344 : memref<4096xf32, #tpu.memory_space<vmem>>) target_semaphore(%arg7 : memref<!tpu.dma_semaphore, #tpu.memory_space<semaphore_mem>>)
      %add3A_348 = arith.constant 3 : i32
      %add3A_349 = arith.addi %add3A_311, %add3A_348 : i32
      %dma_start3A_350 = arith.constant 12288 : i32
      %dma_start3A_351 = tpu.memref_slice %arg4[%dma_start3A_350] : memref<32768xf32, #tpu.memory_space<vmem>> -> memref<4096xf32, #tpu.memory_space<vmem>>
      %dma_start3A_352 = arith.constant 0 : i32
      %dma_start3A_353 = tpu.memref_slice %arg2[%add3A_349, %dma_start3A_352] : memref<4096x4096xf32, #tpu.memory_space<hbm>> -> memref<1x4096xf32, #tpu.memory_space<hbm>>
      %dma_start3A_354 = tpu.memref_squeeze %dma_start3A_353 : memref<1x4096xf32, #tpu.memory_space<hbm>> -> memref<4096xf32, #tpu.memory_space<hbm>>
      %dma_start3A_355 = arith.constant 12288 : i32
      %dma_start3A_356 = tpu.memref_slice %arg4[%dma_start3A_355] : memref<32768xf32, #tpu.memory_space<vmem>> -> memref<4096xf32, #tpu.memory_space<vmem>>
      %dma_start3A_357 = arith.constant 0 : i32
      %dma_start3A_358 = tpu.memref_slice %arg2[%add3A_349, %dma_start3A_357] : memref<4096x4096xf32, #tpu.memory_space<hbm>> -> memref<1x4096xf32, #tpu.memory_space<hbm>>
      %dma_start3A_359 = tpu.memref_squeeze %dma_start3A_358 : memref<1x4096xf32, #tpu.memory_space<hbm>> -> memref<4096xf32, #tpu.memory_space<hbm>>
      tpu.enqueue_dma source(%dma_start3A_359 : memref<4096xf32, #tpu.memory_space<hbm>>) target(%dma_start3A_356 : memref<4096xf32, #tpu.memory_space<vmem>>) target_semaphore(%arg7 : memref<!tpu.dma_semaphore, #tpu.memory_space<semaphore_mem>>)
      %add3A_360 = arith.constant 4 : i32
      %add3A_361 = arith.addi %add3A_311, %add3A_360 : i32
      %dma_start3A_362 = arith.constant 16384 : i32
      %dma_start3A_363 = tpu.memref_slice %arg4[%dma_start3A_362] : memref<32768xf32, #tpu.memory_space<vmem>> -> memref<4096xf32, #tpu.memory_space<vmem>>
      %dma_start3A_364 = arith.constant 0 : i32
      %dma_start3A_365 = tpu.memref_slice %arg2[%add3A_361, %dma_start3A_364] : memref<4096x4096xf32, #tpu.memory_space<hbm>> -> memref<1x4096xf32, #tpu.memory_space<hbm>>
      %dma_start3A_366 = tpu.memref_squeeze %dma_start3A_365 : memref<1x4096xf32, #tpu.memory_space<hbm>> -> memref<4096xf32, #tpu.memory_space<hbm>>
      %dma_start3A_367 = arith.constant 16384 : i32
      %dma_start3A_368 = tpu.memref_slice %arg4[%dma_start3A_367] : memref<32768xf32, #tpu.memory_space<vmem>> -> memref<4096xf32, #tpu.memory_space<vmem>>
      %dma_start3A_369 = arith.constant 0 : i32
      %dma_start3A_370 = tpu.memref_slice %arg2[%add3A_361, %dma_start3A_369] : memref<4096x4096xf32, #tpu.memory_space<hbm>> -> memref<1x4096xf32, #tpu.memory_space<hbm>>
      %dma_start3A_371 = tpu.memref_squeeze %dma_start3A_370 : memref<1x4096xf32, #tpu.memory_space<hbm>> -> memref<4096xf32, #tpu.memory_space<hbm>>
      tpu.enqueue_dma source(%dma_start3A_371 : memref<4096xf32, #tpu.memory_space<hbm>>) target(%dma_start3A_368 : memref<4096xf32, #tpu.memory_space<vmem>>) target_semaphore(%arg7 : memref<!tpu.dma_semaphore, #tpu.memory_space<semaphore_mem>>)
      %add3A_372 = arith.constant 5 : i32
      %add3A_373 = arith.addi %add3A_311, %add3A_372 : i32
      %dma_start3A_374 = arith.constant 20480 : i32
      %dma_start3A_375 = tpu.memref_slice %arg4[%dma_start3A_374] : memref<32768xf32, #tpu.memory_space<vmem>> -> memref<4096xf32, #tpu.memory_space<vmem>>
      %dma_start3A_376 = arith.constant 0 : i32
      %dma_start3A_377 = tpu.memref_slice %arg2[%add3A_373, %dma_start3A_376] : memref<4096x4096xf32, #tpu.memory_space<hbm>> -> memref<1x4096xf32, #tpu.memory_space<hbm>>
      %dma_start3A_378 = tpu.memref_squeeze %dma_start3A_377 : memref<1x4096xf32, #tpu.memory_space<hbm>> -> memref<4096xf32, #tpu.memory_space<hbm>>
      %dma_start3A_379 = arith.constant 20480 : i32
      %dma_start3A_380 = tpu.memref_slice %arg4[%dma_start3A_379] : memref<32768xf32, #tpu.memory_space<vmem>> -> memref<4096xf32, #tpu.memory_space<vmem>>
      %dma_start3A_381 = arith.constant 0 : i32
      %dma_start3A_382 = tpu.memref_slice %arg2[%add3A_373, %dma_start3A_381] : memref<4096x4096xf32, #tpu.memory_space<hbm>> -> memref<1x4096xf32, #tpu.memory_space<hbm>>
      %dma_start3A_383 = tpu.memref_squeeze %dma_start3A_382 : memref<1x4096xf32, #tpu.memory_space<hbm>> -> memref<4096xf32, #tpu.memory_space<hbm>>
      tpu.enqueue_dma source(%dma_start3A_383 : memref<4096xf32, #tpu.memory_space<hbm>>) target(%dma_start3A_380 : memref<4096xf32, #tpu.memory_space<vmem>>) target_semaphore(%arg7 : memref<!tpu.dma_semaphore, #tpu.memory_space<semaphore_mem>>)
      %add3A_384 = arith.constant 6 : i32
      %add3A_385 = arith.addi %add3A_311, %add3A_384 : i32
      %dma_start3A_386 = arith.constant 24576 : i32
      %dma_start3A_387 = tpu.memref_slice %arg4[%dma_start3A_386] : memref<32768xf32, #tpu.memory_space<vmem>> -> memref<4096xf32, #tpu.memory_space<vmem>>
      %dma_start3A_388 = arith.constant 0 : i32
      %dma_start3A_389 = tpu.memref_slice %arg2[%add3A_385, %dma_start3A_388] : memref<4096x4096xf32, #tpu.memory_space<hbm>> -> memref<1x4096xf32, #tpu.memory_space<hbm>>
      %dma_start3A_390 = tpu.memref_squeeze %dma_start3A_389 : memref<1x4096xf32, #tpu.memory_space<hbm>> -> memref<4096xf32, #tpu.memory_space<hbm>>
      %dma_start3A_391 = arith.constant 24576 : i32
      %dma_start3A_392 = tpu.memref_slice %arg4[%dma_start3A_391] : memref<32768xf32, #tpu.memory_space<vmem>> -> memref<4096xf32, #tpu.memory_space<vmem>>
      %dma_start3A_393 = arith.constant 0 : i32
      %dma_start3A_394 = tpu.memref_slice %arg2[%add3A_385, %dma_start3A_393] : memref<4096x4096xf32, #tpu.memory_space<hbm>> -> memref<1x4096xf32, #tpu.memory_space<hbm>>
      %dma_start3A_395 = tpu.memref_squeeze %dma_start3A_394 : memref<1x4096xf32, #tpu.memory_space<hbm>> -> memref<4096xf32, #tpu.memory_space<hbm>>
      tpu.enqueue_dma source(%dma_start3A_395 : memref<4096xf32, #tpu.memory_space<hbm>>) target(%dma_start3A_392 : memref<4096xf32, #tpu.memory_space<vmem>>) target_semaphore(%arg7 : memref<!tpu.dma_semaphore, #tpu.memory_space<semaphore_mem>>)
      %add3A_396 = arith.constant 7 : i32
      %add3A_397 = arith.addi %add3A_311, %add3A_396 : i32
      %dma_start3A_398 = arith.constant 28672 : i32
      %dma_start3A_399 = tpu.memref_slice %arg4[%dma_start3A_398] : memref<32768xf32, #tpu.memory_space<vmem>> -> memref<4096xf32, #tpu.memory_space<vmem>>
      %dma_start3A_400 = arith.constant 0 : i32
      %dma_start3A_401 = tpu.memref_slice %arg2[%add3A_397, %dma_start3A_400] : memref<4096x4096xf32, #tpu.memory_space<hbm>> -> memref<1x4096xf32, #tpu.memory_space<hbm>>
      %dma_start3A_402 = tpu.memref_squeeze %dma_start3A_401 : memref<1x4096xf32, #tpu.memory_space<hbm>> -> memref<4096xf32, #tpu.memory_space<hbm>>
      %dma_start3A_403 = arith.constant 28672 : i32
      %dma_start3A_404 = tpu.memref_slice %arg4[%dma_start3A_403] : memref<32768xf32, #tpu.memory_space<vmem>> -> memref<4096xf32, #tpu.memory_space<vmem>>
      %dma_start3A_405 = arith.constant 0 : i32
      %dma_start3A_406 = tpu.memref_slice %arg2[%add3A_397, %dma_start3A_405] : memref<4096x4096xf32, #tpu.memory_space<hbm>> -> memref<1x4096xf32, #tpu.memory_space<hbm>>
      %dma_start3A_407 = tpu.memref_squeeze %dma_start3A_406 : memref<1x4096xf32, #tpu.memory_space<hbm>> -> memref<4096xf32, #tpu.memory_space<hbm>>
      tpu.enqueue_dma source(%dma_start3A_407 : memref<4096xf32, #tpu.memory_space<hbm>>) target(%dma_start3A_404 : memref<4096xf32, #tpu.memory_space<vmem>>) target_semaphore(%arg7 : memref<!tpu.dma_semaphore, #tpu.memory_space<semaphore_mem>>)
      %mul3A_408 = arith.constant 8 : i32
      %mul3A_409 = arith.muli %mul3A_408, %add3A_197 : i32
      %add3A_410 = arith.addi %mul3A_2, %mul3A_409 : i32
      %scan3A_411 = arith.constant 0 : i32
      %scan3A_412 = arith.constant 8 : i32
      %scan3A_413 = arith.addi %scan3A_411, %scan3A_412 : i32
      %scan3A_414 = arith.constant 1 : i32
      %scan3A_415 = scf.for %scan3A_417 = %scan3A_411 to %scan3A_413 step %scan3A_414 iter_args(%scan3A_418 = %scan3A_304) -> (vector<16xf32>)  : i32 {
        %mul3A_419 = arith.constant 4096 : i32
        %mul3A_420 = arith.muli %scan3A_417, %mul3A_419 : i32
        %dma_wait3A_421 = tpu.memref_slice %arg5[%mul3A_420] : memref<32768xf32, #tpu.memory_space<vmem>> -> memref<4096xf32, #tpu.memory_space<vmem>>
        %dma_wait3A_422 = arith.constant 0 : i32
        %dma_wait3A_423 = tpu.memref_slice %arg2[%mul3A_2, %dma_wait3A_422] : memref<4096x4096xf32, #tpu.memory_space<hbm>> -> memref<1x4096xf32, #tpu.memory_space<hbm>>
        %dma_wait3A_424 = tpu.memref_squeeze %dma_wait3A_423 : memref<1x4096xf32, #tpu.memory_space<hbm>> -> memref<4096xf32, #tpu.memory_space<hbm>>
        %dma_wait3A_425 = tpu.memref_slice %arg5[%mul3A_420] : memref<32768xf32, #tpu.memory_space<vmem>> -> memref<4096xf32, #tpu.memory_space<vmem>>
        %dma_wait3A_426 = arith.constant 0 : i32
        %dma_wait3A_427 = tpu.memref_slice %arg2[%mul3A_2, %dma_wait3A_426] : memref<4096x4096xf32, #tpu.memory_space<hbm>> -> memref<1x4096xf32, #tpu.memory_space<hbm>>
        %dma_wait3A_428 = tpu.memref_squeeze %dma_wait3A_427 : memref<1x4096xf32, #tpu.memory_space<hbm>> -> memref<4096xf32, #tpu.memory_space<hbm>>
        tpu.wait_dma2 semaphore(%arg8 : memref<!tpu.dma_semaphore, #tpu.memory_space<semaphore_mem>>) src(%dma_wait3A_428 : memref<4096xf32, #tpu.memory_space<hbm>>) dst(%dma_wait3A_425 : memref<4096xf32, #tpu.memory_space<vmem>>)
        %add3A_429 = arith.addi %add3A_410, %scan3A_417 : i32
        %mul3A_430 = arith.constant 4096 : i32
        %mul3A_431 = arith.muli %scan3A_417, %mul3A_430 : i32
        %broadcast_in_dim3A_432 = vector.broadcast %add3A_429 : i32 to vector<16xi32>
        %add3A_433 = vector.broadcast %mul3A_431 : i32 to vector<16xi32>
        %add3A_434 = arith.addi %broadcast_in_dim3A_432, %add3A_433 : vector<16xi32>
        %gather3A = tpu.vector_load_idx %arg5[%add3A_434] : memref<32768xf32, #tpu.memory_space<vmem>>[vector<16xi32>], vector<16xf32>,
        tpu.vector_store_idx %arg5[%add3A_434], %broadcast_in_dim3A_7 masked %eq3A_4 : memref<32768xf32, #tpu.memory_space<vmem>>[vector<16xi32>], vector<16xf32>, vector<16xi1>
        %add3A_435 = arith.constant 0 : i32
        %add3A_436 = arith.addi %mul3A_431, %add3A_435 : i32
        %get3A = arith.index_cast %add3A_436 : i32 to index
        %get3A_437 = tpu.vector_load %arg5[%get3A] {strides = array<i32>} : memref<32768xf32, #tpu.memory_space<vmem>>, vector<16xf32>,
        %add3A_438 = arith.constant 0 : i32
        %add3A_439 = arith.addi %mul3A_431, %add3A_438 : i32
        %add3A_440 = arith.constant 16 : i32
        %add3A_441 = arith.addi %add3A_439, %add3A_440 : i32
        %get3A_442 = arith.index_cast %add3A_441 : i32 to index
        %get3A_443 = tpu.vector_load %arg5[%get3A_442] {strides = array<i32>} : memref<32768xf32, #tpu.memory_space<vmem>>, vector<16xf32>,
        %max3A = arith.maximumf %get3A_437, %get3A_443 : vector<16xf32>
        %add3A_444 = arith.constant 0 : i32
        %add3A_445 = arith.addi %mul3A_431, %add3A_444 : i32
        %add3A_446 = arith.constant 32 : i32
        %add3A_447 = arith.addi %add3A_445, %add3A_446 : i32
        %get3A_448 = arith.index_cast %add3A_447 : i32 to index
        %get3A_449 = tpu.vector_load %arg5[%get3A_448] {strides = array<i32>} : memref<32768xf32, #tpu.memory_space<vmem>>, vector<16xf32>,
        %max3A_450 = arith.maximumf %max3A, %get3A_449 : vector<16xf32>
        %add3A_451 = arith.constant 0 : i32
        %add3A_452 = arith.addi %mul3A_431, %add3A_451 : i32
        %add3A_453 = arith.constant 48 : i32
        %add3A_454 = arith.addi %add3A_452, %add3A_453 : i32
        %get3A_455 = arith.index_cast %add3A_454 : i32 to index
        %get3A_456 = tpu.vector_load %arg5[%get3A_455] {strides = array<i32>} : memref<32768xf32, #tpu.memory_space<vmem>>, vector<16xf32>,
        %max3A_457 = arith.maximumf %max3A_450, %get3A_456 : vector<16xf32>
        %add3A_458 = arith.constant 0 : i32
        %add3A_459 = arith.addi %mul3A_431, %add3A_458 : i32
        %add3A_460 = arith.constant 64 : i32
        %add3A_461 = arith.addi %add3A_459, %add3A_460 : i32
        %get3A_462 = arith.index_cast %add3A_461 : i32 to index
        %get3A_463 = tpu.vector_load %arg5[%get3A_462] {strides = array<i32>} : memref<32768xf32, #tpu.memory_space<vmem>>, vector<16xf32>,
        %max3A_464 = arith.maximumf %max3A_457, %get3A_463 : vector<16xf32>
        %add3A_465 = arith.constant 0 : i32
        %add3A_466 = arith.addi %mul3A_431, %add3A_465 : i32
        %add3A_467 = arith.constant 80 : i32
        %add3A_468 = arith.addi %add3A_466, %add3A_467 : i32
        %get3A_469 = arith.index_cast %add3A_468 : i32 to index
        %get3A_470 = tpu.vector_load %arg5[%get3A_469] {strides = array<i32>} : memref<32768xf32, #tpu.memory_space<vmem>>, vector<16xf32>,
        %max3A_471 = arith.maximumf %max3A_464, %get3A_470 : vector<16xf32>
        %add3A_472 = arith.constant 0 : i32
        %add3A_473 = arith.addi %mul3A_431, %add3A_472 : i32
        %add3A_474 = arith.constant 96 : i32
        %add3A_475 = arith.addi %add3A_473, %add3A_474 : i32
        %get3A_476 = arith.index_cast %add3A_475 : i32 to index
        %get3A_477 = tpu.vector_load %arg5[%get3A_476] {strides = array<i32>} : memref<32768xf32, #tpu.memory_space<vmem>>, vector<16xf32>,
        %max3A_478 = arith.maximumf %max3A_471, %get3A_477 : vector<16xf32>
        %add3A_479 = arith.constant 0 : i32
        %add3A_480 = arith.addi %mul3A_431, %add3A_479 : i32
        %add3A_481 = arith.constant 112 : i32
        %add3A_482 = arith.addi %add3A_480, %add3A_481 : i32
        %get3A_483 = arith.index_cast %add3A_482 : i32 to index
        %get3A_484 = tpu.vector_load %arg5[%get3A_483] {strides = array<i32>} : memref<32768xf32, #tpu.memory_space<vmem>>, vector<16xf32>,
        %max3A_485 = arith.maximumf %max3A_478, %get3A_484 : vector<16xf32>
        %add3A_486 = arith.constant 0 : i32
        %add3A_487 = arith.addi %mul3A_431, %add3A_486 : i32
        %add3A_488 = arith.constant 128 : i32
        %add3A_489 = arith.addi %add3A_487, %add3A_488 : i32
        %get3A_490 = arith.index_cast %add3A_489 : i32 to index
        %get3A_491 = tpu.vector_load %arg5[%get3A_490] {strides = array<i32>} : memref<32768xf32, #tpu.memory_space<vmem>>, vector<16xf32>,
        %max3A_492 = arith.maximumf %max3A_485, %get3A_491 : vector<16xf32>
        %add3A_493 = arith.constant 0 : i32
        %add3A_494 = arith.addi %mul3A_431, %add3A_493 : i32
        %add3A_495 = arith.constant 144 : i32
        %add3A_496 = arith.addi %add3A_494, %add3A_495 : i32
        %get3A_497 = arith.index_cast %add3A_496 : i32 to index
        %get3A_498 = tpu.vector_load %arg5[%get3A_497] {strides = array<i32>} : memref<32768xf32, #tpu.memory_space<vmem>>, vector<16xf32>,
        %max3A_499 = arith.maximumf %max3A_492, %get3A_498 : vector<16xf32>
        %add3A_500 = arith.constant 0 : i32
        %add3A_501 = arith.addi %mul3A_431, %add3A_500 : i32
        %add3A_502 = arith.constant 160 : i32
        %add3A_503 = arith.addi %add3A_501, %add3A_502 : i32
        %get3A_504 = arith.index_cast %add3A_503 : i32 to index
        %get3A_505 = tpu.vector_load %arg5[%get3A_504] {strides = array<i32>} : memref<32768xf32, #tpu.memory_space<vmem>>, vector<16xf32>,
        %max3A_506 = arith.maximumf %max3A_499, %get3A_505 : vector<16xf32>
        %add3A_507 = arith.constant 0 : i32
        %add3A_508 = arith.addi %mul3A_431, %add3A_507 : i32
        %add3A_509 = arith.constant 176 : i32
        %add3A_510 = arith.addi %add3A_508, %add3A_509 : i32
        %get3A_511 = arith.index_cast %add3A_510 : i32 to index
        %get3A_512 = tpu.vector_load %arg5[%get3A_511] {strides = array<i32>} : memref<32768xf32, #tpu.memory_space<vmem>>, vector<16xf32>,
        %max3A_513 = arith.maximumf %max3A_506, %get3A_512 : vector<16xf32>
        %add3A_514 = arith.constant 0 : i32
        %add3A_515 = arith.addi %mul3A_431, %add3A_514 : i32
        %add3A_516 = arith.constant 192 : i32
        %add3A_517 = arith.addi %add3A_515, %add3A_516 : i32
        %get3A_518 = arith.index_cast %add3A_517 : i32 to index
        %get3A_519 = tpu.vector_load %arg5[%get3A_518] {strides = array<i32>} : memref<32768xf32, #tpu.memory_space<vmem>>, vector<16xf32>,
        %max3A_520 = arith.maximumf %max3A_513, %get3A_519 : vector<16xf32>
        %add3A_521 = arith.constant 0 : i32
        %add3A_522 = arith.addi %mul3A_431, %add3A_521 : i32
        %add3A_523 = arith.constant 208 : i32
        %add3A_524 = arith.addi %add3A_522, %add3A_523 : i32
        %get3A_525 = arith.index_cast %add3A_524 : i32 to index
        %get3A_526 = tpu.vector_load %arg5[%get3A_525] {strides = array<i32>} : memref<32768xf32, #tpu.memory_space<vmem>>, vector<16xf32>,
        %max3A_527 = arith.maximumf %max3A_520, %get3A_526 : vector<16xf32>
        %add3A_528 = arith.constant 0 : i32
        %add3A_529 = arith.addi %mul3A_431, %add3A_528 : i32
        %add3A_530 = arith.constant 224 : i32
        %add3A_531 = arith.addi %add3A_529, %add3A_530 : i32
        %get3A_532 = arith.index_cast %add3A_531 : i32 to index
        %get3A_533 = tpu.vector_load %arg5[%get3A_532] {strides = array<i32>} : memref<32768xf32, #tpu.memory_space<vmem>>, vector<16xf32>,
        %max3A_534 = arith.maximumf %max3A_527, %get3A_533 : vector<16xf32>
        %add3A_535 = arith.constant 0 : i32
        %add3A_536 = arith.addi %mul3A_431, %add3A_535 : i32
        %add3A_537 = arith.constant 240 : i32
        %add3A_538 = arith.addi %add3A_536, %add3A_537 : i32
        %get3A_539 = arith.index_cast %add3A_538 : i32 to index
        %get3A_540 = tpu.vector_load %arg5[%get3A_539] {strides = array<i32>} : memref<32768xf32, #tpu.memory_space<vmem>>, vector<16xf32>,
        %max3A_541 = arith.maximumf %max3A_534, %get3A_540 : vector<16xf32>
        %add3A_542 = arith.constant 0 : i32
        %add3A_543 = vector.broadcast %add3A_542 : i32 to vector<16xi32>
        %add3A_544 = arith.addi %add3A_543, %iota3A : vector<16xi32>
        %add3A_545 = arith.constant 256 : i32
        %add3A_546 = arith.addi %mul3A_431, %add3A_545 : i32
        %get3A_547 = arith.index_cast %add3A_546 : i32 to index
        %get3A_548 = tpu.vector_load %arg5[%get3A_547] {strides = array<i32>} : memref<32768xf32, #tpu.memory_space<vmem>>, vector<16xf32>,
        %add3A_549 = arith.constant 256 : i32
        %add3A_550 = arith.addi %mul3A_431, %add3A_549 : i32
        %add3A_551 = arith.constant 16 : i32
        %add3A_552 = arith.addi %add3A_550, %add3A_551 : i32
        %get3A_553 = arith.index_cast %add3A_552 : i32 to index
        %get3A_554 = tpu.vector_load %arg5[%get3A_553] {strides = array<i32>} : memref<32768xf32, #tpu.memory_space<vmem>>, vector<16xf32>,
        %max3A_555 = arith.maximumf %get3A_548, %get3A_554 : vector<16xf32>
        %add3A_556 = arith.constant 256 : i32
        %add3A_557 = arith.addi %mul3A_431, %add3A_556 : i32
        %add3A_558 = arith.constant 32 : i32
        %add3A_559 = arith.addi %add3A_557, %add3A_558 : i32
        %get3A_560 = arith.index_cast %add3A_559 : i32 to index
        %get3A_561 = tpu.vector_load %arg5[%get3A_560] {strides = array<i32>} : memref<32768xf32, #tpu.memory_space<vmem>>, vector<16xf32>,
        %max3A_562 = arith.maximumf %max3A_555, %get3A_561 : vector<16xf32>
        %add3A_563 = arith.constant 256 : i32
        %add3A_564 = arith.addi %mul3A_431, %add3A_563 : i32
        %add3A_565 = arith.constant 48 : i32
        %add3A_566 = arith.addi %add3A_564, %add3A_565 : i32
        %get3A_567 = arith.index_cast %add3A_566 : i32 to index
        %get3A_568 = tpu.vector_load %arg5[%get3A_567] {strides = array<i32>} : memref<32768xf32, #tpu.memory_space<vmem>>, vector<16xf32>,
        %max3A_569 = arith.maximumf %max3A_562, %get3A_568 : vector<16xf32>
        %add3A_570 = arith.constant 256 : i32
        %add3A_571 = arith.addi %mul3A_431, %add3A_570 : i32
        %add3A_572 = arith.constant 64 : i32
        %add3A_573 = arith.addi %add3A_571, %add3A_572 : i32
        %get3A_574 = arith.index_cast %add3A_573 : i32 to index
        %get3A_575 = tpu.vector_load %arg5[%get3A_574] {strides = array<i32>} : memref<32768xf32, #tpu.memory_space<vmem>>, vector<16xf32>,
        %max3A_576 = arith.maximumf %max3A_569, %get3A_575 : vector<16xf32>
        %add3A_577 = arith.constant 256 : i32
        %add3A_578 = arith.addi %mul3A_431, %add3A_577 : i32
        %add3A_579 = arith.constant 80 : i32
        %add3A_580 = arith.addi %add3A_578, %add3A_579 : i32
        %get3A_581 = arith.index_cast %add3A_580 : i32 to index
        %get3A_582 = tpu.vector_load %arg5[%get3A_581] {strides = array<i32>} : memref<32768xf32, #tpu.memory_space<vmem>>, vector<16xf32>,
        %max3A_583 = arith.maximumf %max3A_576, %get3A_582 : vector<16xf32>
        %add3A_584 = arith.constant 256 : i32
        %add3A_585 = arith.addi %mul3A_431, %add3A_584 : i32
        %add3A_586 = arith.constant 96 : i32
        %add3A_587 = arith.addi %add3A_585, %add3A_586 : i32
        %get3A_588 = arith.index_cast %add3A_587 : i32 to index
        %get3A_589 = tpu.vector_load %arg5[%get3A_588] {strides = array<i32>} : memref<32768xf32, #tpu.memory_space<vmem>>, vector<16xf32>,
        %max3A_590 = arith.maximumf %max3A_583, %get3A_589 : vector<16xf32>
        %add3A_591 = arith.constant 256 : i32
        %add3A_592 = arith.addi %mul3A_431, %add3A_591 : i32
        %add3A_593 = arith.constant 112 : i32
        %add3A_594 = arith.addi %add3A_592, %add3A_593 : i32
        %get3A_595 = arith.index_cast %add3A_594 : i32 to index
        %get3A_596 = tpu.vector_load %arg5[%get3A_595] {strides = array<i32>} : memref<32768xf32, #tpu.memory_space<vmem>>, vector<16xf32>,
        %max3A_597 = arith.maximumf %max3A_590, %get3A_596 : vector<16xf32>
        %add3A_598 = arith.constant 256 : i32
        %add3A_599 = arith.addi %mul3A_431, %add3A_598 : i32
        %add3A_600 = arith.constant 128 : i32
        %add3A_601 = arith.addi %add3A_599, %add3A_600 : i32
        %get3A_602 = arith.index_cast %add3A_601 : i32 to index
        %get3A_603 = tpu.vector_load %arg5[%get3A_602] {strides = array<i32>} : memref<32768xf32, #tpu.memory_space<vmem>>, vector<16xf32>,
        %max3A_604 = arith.maximumf %max3A_597, %get3A_603 : vector<16xf32>
        %add3A_605 = arith.constant 256 : i32
        %add3A_606 = arith.addi %mul3A_431, %add3A_605 : i32
        %add3A_607 = arith.constant 144 : i32
        %add3A_608 = arith.addi %add3A_606, %add3A_607 : i32
        %get3A_609 = arith.index_cast %add3A_608 : i32 to index
        %get3A_610 = tpu.vector_load %arg5[%get3A_609] {strides = array<i32>} : memref<32768xf32, #tpu.memory_space<vmem>>, vector<16xf32>,
        %max3A_611 = arith.maximumf %max3A_604, %get3A_610 : vector<16xf32>
        %add3A_612 = arith.constant 256 : i32
        %add3A_613 = arith.addi %mul3A_431, %add3A_612 : i32
        %add3A_614 = arith.constant 160 : i32
        %add3A_615 = arith.addi %add3A_613, %add3A_614 : i32
        %get3A_616 = arith.index_cast %add3A_615 : i32 to index
        %get3A_617 = tpu.vector_load %arg5[%get3A_616] {strides = array<i32>} : memref<32768xf32, #tpu.memory_space<vmem>>, vector<16xf32>,
        %max3A_618 = arith.maximumf %max3A_611, %get3A_617 : vector<16xf32>
        %add3A_619 = arith.constant 256 : i32
        %add3A_620 = arith.addi %mul3A_431, %add3A_619 : i32
        %add3A_621 = arith.constant 176 : i32
        %add3A_622 = arith.addi %add3A_620, %add3A_621 : i32
        %get3A_623 = arith.index_cast %add3A_622 : i32 to index
        %get3A_624 = tpu.vector_load %arg5[%get3A_623] {strides = array<i32>} : memref<32768xf32, #tpu.memory_space<vmem>>, vector<16xf32>,
        %max3A_625 = arith.maximumf %max3A_618, %get3A_624 : vector<16xf32>
        %add3A_626 = arith.constant 256 : i32
        %add3A_627 = arith.addi %mul3A_431, %add3A_626 : i32
        %add3A_628 = arith.constant 192 : i32
        %add3A_629 = arith.addi %add3A_627, %add3A_628 : i32
        %get3A_630 = arith.index_cast %add3A_629 : i32 to index
        %get3A_631 = tpu.vector_load %arg5[%get3A_630] {strides = array<i32>} : memref<32768xf32, #tpu.memory_space<vmem>>, vector<16xf32>,
        %max3A_632 = arith.maximumf %max3A_625, %get3A_631 : vector<16xf32>
        %add3A_633 = arith.constant 256 : i32
        %add3A_634 = arith.addi %mul3A_431, %add3A_633 : i32
        %add3A_635 = arith.constant 208 : i32
        %add3A_636 = arith.addi %add3A_634, %add3A_635 : i32
        %get3A_637 = arith.index_cast %add3A_636 : i32 to index
        %get3A_638 = tpu.vector_load %arg5[%get3A_637] {strides = array<i32>} : memref<32768xf32, #tpu.memory_space<vmem>>, vector<16xf32>,
        %max3A_639 = arith.maximumf %max3A_632, %get3A_638 : vector<16xf32>
        %add3A_640 = arith.constant 256 : i32
        %add3A_641 = arith.addi %mul3A_431, %add3A_640 : i32
        %add3A_642 = arith.constant 224 : i32
        %add3A_643 = arith.addi %add3A_641, %add3A_642 : i32
        %get3A_644 = arith.index_cast %add3A_643 : i32 to index
        %get3A_645 = tpu.vector_load %arg5[%get3A_644] {strides = array<i32>} : memref<32768xf32, #tpu.memory_space<vmem>>, vector<16xf32>,
        %max3A_646 = arith.maximumf %max3A_639, %get3A_645 : vector<16xf32>
        %add3A_647 = arith.constant 256 : i32
        %add3A_648 = arith.addi %mul3A_431, %add3A_647 : i32
        %add3A_649 = arith.constant 240 : i32
        %add3A_650 = arith.addi %add3A_648, %add3A_649 : i32
        %get3A_651 = arith.index_cast %add3A_650 : i32 to index
        %get3A_652 = tpu.vector_load %arg5[%get3A_651] {strides = array<i32>} : memref<32768xf32, #tpu.memory_space<vmem>>, vector<16xf32>,
        %max3A_653 = arith.maximumf %max3A_646, %get3A_652 : vector<16xf32>
        %add3A_654 = arith.constant 16 : i32
        %add3A_655 = vector.broadcast %add3A_654 : i32 to vector<16xi32>
        %add3A_656 = arith.addi %add3A_655, %iota3A : vector<16xi32>
        %add3A_657 = arith.constant 512 : i32
        %add3A_658 = arith.addi %mul3A_431, %add3A_657 : i32
        %get3A_659 = arith.index_cast %add3A_658 : i32 to index
        %get3A_660 = tpu.vector_load %arg5[%get3A_659] {strides = array<i32>} : memref<32768xf32, #tpu.memory_space<vmem>>, vector<16xf32>,
        %add3A_661 = arith.constant 512 : i32
        %add3A_662 = arith.addi %mul3A_431, %add3A_661 : i32
        %add3A_663 = arith.constant 16 : i32
        %add3A_664 = arith.addi %add3A_662, %add3A_663 : i32
        %get3A_665 = arith.index_cast %add3A_664 : i32 to index
        %get3A_666 = tpu.vector_load %arg5[%get3A_665] {strides = array<i32>} : memref<32768xf32, #tpu.memory_space<vmem>>, vector<16xf32>,
        %max3A_667 = arith.maximumf %get3A_660, %get3A_666 : vector<16xf32>
        %add3A_668 = arith.constant 512 : i32
        %add3A_669 = arith.addi %mul3A_431, %add3A_668 : i32
        %add3A_670 = arith.constant 32 : i32
        %add3A_671 = arith.addi %add3A_669, %add3A_670 : i32
        %get3A_672 = arith.index_cast %add3A_671 : i32 to index
        %get3A_673 = tpu.vector_load %arg5[%get3A_672] {strides = array<i32>} : memref<32768xf32, #tpu.memory_space<vmem>>, vector<16xf32>,
        %max3A_674 = arith.maximumf %max3A_667, %get3A_673 : vector<16xf32>
        %add3A_675 = arith.constant 512 : i32
        %add3A_676 = arith.addi %mul3A_431, %add3A_675 : i32
        %add3A_677 = arith.constant 48 : i32
        %add3A_678 = arith.addi %add3A_676, %add3A_677 : i32
        %get3A_679 = arith.index_cast %add3A_678 : i32 to index
        %get3A_680 = tpu.vector_load %arg5[%get3A_679] {strides = array<i32>} : memref<32768xf32, #tpu.memory_space<vmem>>, vector<16xf32>,
        %max3A_681 = arith.maximumf %max3A_674, %get3A_680 : vector<16xf32>
        %add3A_682 = arith.constant 512 : i32
        %add3A_683 = arith.addi %mul3A_431, %add3A_682 : i32
        %add3A_684 = arith.constant 64 : i32
        %add3A_685 = arith.addi %add3A_683, %add3A_684 : i32
        %get3A_686 = arith.index_cast %add3A_685 : i32 to index
        %get3A_687 = tpu.vector_load %arg5[%get3A_686] {strides = array<i32>} : memref<32768xf32, #tpu.memory_space<vmem>>, vector<16xf32>,
        %max3A_688 = arith.maximumf %max3A_681, %get3A_687 : vector<16xf32>
        %add3A_689 = arith.constant 512 : i32
        %add3A_690 = arith.addi %mul3A_431, %add3A_689 : i32
        %add3A_691 = arith.constant 80 : i32
        %add3A_692 = arith.addi %add3A_690, %add3A_691 : i32
        %get3A_693 = arith.index_cast %add3A_692 : i32 to index
        %get3A_694 = tpu.vector_load %arg5[%get3A_693] {strides = array<i32>} : memref<32768xf32, #tpu.memory_space<vmem>>, vector<16xf32>,
        %max3A_695 = arith.maximumf %max3A_688, %get3A_694 : vector<16xf32>
        %add3A_696 = arith.constant 512 : i32
        %add3A_697 = arith.addi %mul3A_431, %add3A_696 : i32
        %add3A_698 = arith.constant 96 : i32
        %add3A_699 = arith.addi %add3A_697, %add3A_698 : i32
        %get3A_700 = arith.index_cast %add3A_699 : i32 to index
        %get3A_701 = tpu.vector_load %arg5[%get3A_700] {strides = array<i32>} : memref<32768xf32, #tpu.memory_space<vmem>>, vector<16xf32>,
        %max3A_702 = arith.maximumf %max3A_695, %get3A_701 : vector<16xf32>
        %add3A_703 = arith.constant 512 : i32
        %add3A_704 = arith.addi %mul3A_431, %add3A_703 : i32
        %add3A_705 = arith.constant 112 : i32
        %add3A_706 = arith.addi %add3A_704, %add3A_705 : i32
        %get3A_707 = arith.index_cast %add3A_706 : i32 to index
        %get3A_708 = tpu.vector_load %arg5[%get3A_707] {strides = array<i32>} : memref<32768xf32, #tpu.memory_space<vmem>>, vector<16xf32>,
        %max3A_709 = arith.maximumf %max3A_702, %get3A_708 : vector<16xf32>
        %add3A_710 = arith.constant 512 : i32
        %add3A_711 = arith.addi %mul3A_431, %add3A_710 : i32
        %add3A_712 = arith.constant 128 : i32
        %add3A_713 = arith.addi %add3A_711, %add3A_712 : i32
        %get3A_714 = arith.index_cast %add3A_713 : i32 to index
        %get3A_715 = tpu.vector_load %arg5[%get3A_714] {strides = array<i32>} : memref<32768xf32, #tpu.memory_space<vmem>>, vector<16xf32>,
        %max3A_716 = arith.maximumf %max3A_709, %get3A_715 : vector<16xf32>
        %add3A_717 = arith.constant 512 : i32
        %add3A_718 = arith.addi %mul3A_431, %add3A_717 : i32
        %add3A_719 = arith.constant 144 : i32
        %add3A_720 = arith.addi %add3A_718, %add3A_719 : i32
        %get3A_721 = arith.index_cast %add3A_720 : i32 to index
        %get3A_722 = tpu.vector_load %arg5[%get3A_721] {strides = array<i32>} : memref<32768xf32, #tpu.memory_space<vmem>>, vector<16xf32>,
        %max3A_723 = arith.maximumf %max3A_716, %get3A_722 : vector<16xf32>
        %add3A_724 = arith.constant 512 : i32
        %add3A_725 = arith.addi %mul3A_431, %add3A_724 : i32
        %add3A_726 = arith.constant 160 : i32
        %add3A_727 = arith.addi %add3A_725, %add3A_726 : i32
        %get3A_728 = arith.index_cast %add3A_727 : i32 to index
        %get3A_729 = tpu.vector_load %arg5[%get3A_728] {strides = array<i32>} : memref<32768xf32, #tpu.memory_space<vmem>>, vector<16xf32>,
        %max3A_730 = arith.maximumf %max3A_723, %get3A_729 : vector<16xf32>
        %add3A_731 = arith.constant 512 : i32
        %add3A_732 = arith.addi %mul3A_431, %add3A_731 : i32
        %add3A_733 = arith.constant 176 : i32
        %add3A_734 = arith.addi %add3A_732, %add3A_733 : i32
        %get3A_735 = arith.index_cast %add3A_734 : i32 to index
        %get3A_736 = tpu.vector_load %arg5[%get3A_735] {strides = array<i32>} : memref<32768xf32, #tpu.memory_space<vmem>>, vector<16xf32>,
        %max3A_737 = arith.maximumf %max3A_730, %get3A_736 : vector<16xf32>
        %add3A_738 = arith.constant 512 : i32
        %add3A_739 = arith.addi %mul3A_431, %add3A_738 : i32
        %add3A_740 = arith.constant 192 : i32
        %add3A_741 = arith.addi %add3A_739, %add3A_740 : i32
        %get3A_742 = arith.index_cast %add3A_741 : i32 to index
        %get3A_743 = tpu.vector_load %arg5[%get3A_742] {strides = array<i32>} : memref<32768xf32, #tpu.memory_space<vmem>>, vector<16xf32>,
        %max3A_744 = arith.maximumf %max3A_737, %get3A_743 : vector<16xf32>
        %add3A_745 = arith.constant 512 : i32
        %add3A_746 = arith.addi %mul3A_431, %add3A_745 : i32
        %add3A_747 = arith.constant 208 : i32
        %add3A_748 = arith.addi %add3A_746, %add3A_747 : i32
        %get3A_749 = arith.index_cast %add3A_748 : i32 to index
        %get3A_750 = tpu.vector_load %arg5[%get3A_749] {strides = array<i32>} : memref<32768xf32, #tpu.memory_space<vmem>>, vector<16xf32>,
        %max3A_751 = arith.maximumf %max3A_744, %get3A_750 : vector<16xf32>
        %add3A_752 = arith.constant 512 : i32
        %add3A_753 = arith.addi %mul3A_431, %add3A_752 : i32
        %add3A_754 = arith.constant 224 : i32
        %add3A_755 = arith.addi %add3A_753, %add3A_754 : i32
        %get3A_756 = arith.index_cast %add3A_755 : i32 to index
        %get3A_757 = tpu.vector_load %arg5[%get3A_756] {strides = array<i32>} : memref<32768xf32, #tpu.memory_space<vmem>>, vector<16xf32>,
        %max3A_758 = arith.maximumf %max3A_751, %get3A_757 : vector<16xf32>
        %add3A_759 = arith.constant 512 : i32
        %add3A_760 = arith.addi %mul3A_431, %add3A_759 : i32
        %add3A_761 = arith.constant 240 : i32
        %add3A_762 = arith.addi %add3A_760, %add3A_761 : i32
        %get3A_763 = arith.index_cast %add3A_762 : i32 to index
        %get3A_764 = tpu.vector_load %arg5[%get3A_763] {strides = array<i32>} : memref<32768xf32, #tpu.memory_space<vmem>>, vector<16xf32>,
        %max3A_765 = arith.maximumf %max3A_758, %get3A_764 : vector<16xf32>
        %add3A_766 = arith.constant 32 : i32
        %add3A_767 = vector.broadcast %add3A_766 : i32 to vector<16xi32>
        %add3A_768 = arith.addi %add3A_767, %iota3A : vector<16xi32>
        %add3A_769 = arith.constant 768 : i32
        %add3A_770 = arith.addi %mul3A_431, %add3A_769 : i32
        %get3A_771 = arith.index_cast %add3A_770 : i32 to index
        %get3A_772 = tpu.vector_load %arg5[%get3A_771] {strides = array<i32>} : memref<32768xf32, #tpu.memory_space<vmem>>, vector<16xf32>,
        %add3A_773 = arith.constant 768 : i32
        %add3A_774 = arith.addi %mul3A_431, %add3A_773 : i32
        %add3A_775 = arith.constant 16 : i32
        %add3A_776 = arith.addi %add3A_774, %add3A_775 : i32
        %get3A_777 = arith.index_cast %add3A_776 : i32 to index
        %get3A_778 = tpu.vector_load %arg5[%get3A_777] {strides = array<i32>} : memref<32768xf32, #tpu.memory_space<vmem>>, vector<16xf32>,
        %max3A_779 = arith.maximumf %get3A_772, %get3A_778 : vector<16xf32>
        %add3A_780 = arith.constant 768 : i32
        %add3A_781 = arith.addi %mul3A_431, %add3A_780 : i32
        %add3A_782 = arith.constant 32 : i32
        %add3A_783 = arith.addi %add3A_781, %add3A_782 : i32
        %get3A_784 = arith.index_cast %add3A_783 : i32 to index
        %get3A_785 = tpu.vector_load %arg5[%get3A_784] {strides = array<i32>} : memref<32768xf32, #tpu.memory_space<vmem>>, vector<16xf32>,
        %max3A_786 = arith.maximumf %max3A_779, %get3A_785 : vector<16xf32>
        %add3A_787 = arith.constant 768 : i32
        %add3A_788 = arith.addi %mul3A_431, %add3A_787 : i32
        %add3A_789 = arith.constant 48 : i32
        %add3A_790 = arith.addi %add3A_788, %add3A_789 : i32
        %get3A_791 = arith.index_cast %add3A_790 : i32 to index
        %get3A_792 = tpu.vector_load %arg5[%get3A_791] {strides = array<i32>} : memref<32768xf32, #tpu.memory_space<vmem>>, vector<16xf32>,
        %max3A_793 = arith.maximumf %max3A_786, %get3A_792 : vector<16xf32>
        %add3A_794 = arith.constant 768 : i32
        %add3A_795 = arith.addi %mul3A_431, %add3A_794 : i32
        %add3A_796 = arith.constant 64 : i32
        %add3A_797 = arith.addi %add3A_795, %add3A_796 : i32
        %get3A_798 = arith.index_cast %add3A_797 : i32 to index
        %get3A_799 = tpu.vector_load %arg5[%get3A_798] {strides = array<i32>} : memref<32768xf32, #tpu.memory_space<vmem>>, vector<16xf32>,
        %max3A_800 = arith.maximumf %max3A_793, %get3A_799 : vector<16xf32>
        %add3A_801 = arith.constant 768 : i32
        %add3A_802 = arith.addi %mul3A_431, %add3A_801 : i32
        %add3A_803 = arith.constant 80 : i32
        %add3A_804 = arith.addi %add3A_802, %add3A_803 : i32
        %get3A_805 = arith.index_cast %add3A_804 : i32 to index
        %get3A_806 = tpu.vector_load %arg5[%get3A_805] {strides = array<i32>} : memref<32768xf32, #tpu.memory_space<vmem>>, vector<16xf32>,
        %max3A_807 = arith.maximumf %max3A_800, %get3A_806 : vector<16xf32>
        %add3A_808 = arith.constant 768 : i32
        %add3A_809 = arith.addi %mul3A_431, %add3A_808 : i32
        %add3A_810 = arith.constant 96 : i32
        %add3A_811 = arith.addi %add3A_809, %add3A_810 : i32
        %get3A_812 = arith.index_cast %add3A_811 : i32 to index
        %get3A_813 = tpu.vector_load %arg5[%get3A_812] {strides = array<i32>} : memref<32768xf32, #tpu.memory_space<vmem>>, vector<16xf32>,
        %max3A_814 = arith.maximumf %max3A_807, %get3A_813 : vector<16xf32>
        %add3A_815 = arith.constant 768 : i32
        %add3A_816 = arith.addi %mul3A_431, %add3A_815 : i32
        %add3A_817 = arith.constant 112 : i32
        %add3A_818 = arith.addi %add3A_816, %add3A_817 : i32
        %get3A_819 = arith.index_cast %add3A_818 : i32 to index
        %get3A_820 = tpu.vector_load %arg5[%get3A_819] {strides = array<i32>} : memref<32768xf32, #tpu.memory_space<vmem>>, vector<16xf32>,
        %max3A_821 = arith.maximumf %max3A_814, %get3A_820 : vector<16xf32>
        %add3A_822 = arith.constant 768 : i32
        %add3A_823 = arith.addi %mul3A_431, %add3A_822 : i32
        %add3A_824 = arith.constant 128 : i32
        %add3A_825 = arith.addi %add3A_823, %add3A_824 : i32
        %get3A_826 = arith.index_cast %add3A_825 : i32 to index
        %get3A_827 = tpu.vector_load %arg5[%get3A_826] {strides = array<i32>} : memref<32768xf32, #tpu.memory_space<vmem>>, vector<16xf32>,
        %max3A_828 = arith.maximumf %max3A_821, %get3A_827 : vector<16xf32>
        %add3A_829 = arith.constant 768 : i32
        %add3A_830 = arith.addi %mul3A_431, %add3A_829 : i32
        %add3A_831 = arith.constant 144 : i32
        %add3A_832 = arith.addi %add3A_830, %add3A_831 : i32
        %get3A_833 = arith.index_cast %add3A_832 : i32 to index
        %get3A_834 = tpu.vector_load %arg5[%get3A_833] {strides = array<i32>} : memref<32768xf32, #tpu.memory_space<vmem>>, vector<16xf32>,
        %max3A_835 = arith.maximumf %max3A_828, %get3A_834 : vector<16xf32>
        %add3A_836 = arith.constant 768 : i32
        %add3A_837 = arith.addi %mul3A_431, %add3A_836 : i32
        %add3A_838 = arith.constant 160 : i32
        %add3A_839 = arith.addi %add3A_837, %add3A_838 : i32
        %get3A_840 = arith.index_cast %add3A_839 : i32 to index
        %get3A_841 = tpu.vector_load %arg5[%get3A_840] {strides = array<i32>} : memref<32768xf32, #tpu.memory_space<vmem>>, vector<16xf32>,
        %max3A_842 = arith.maximumf %max3A_835, %get3A_841 : vector<16xf32>
        %add3A_843 = arith.constant 768 : i32
        %add3A_844 = arith.addi %mul3A_431, %add3A_843 : i32
        %add3A_845 = arith.constant 176 : i32
        %add3A_846 = arith.addi %add3A_844, %add3A_845 : i32
        %get3A_847 = arith.index_cast %add3A_846 : i32 to index
        %get3A_848 = tpu.vector_load %arg5[%get3A_847] {strides = array<i32>} : memref<32768xf32, #tpu.memory_space<vmem>>, vector<16xf32>,
        %max3A_849 = arith.maximumf %max3A_842, %get3A_848 : vector<16xf32>
        %add3A_850 = arith.constant 768 : i32
        %add3A_851 = arith.addi %mul3A_431, %add3A_850 : i32
        %add3A_852 = arith.constant 192 : i32
        %add3A_853 = arith.addi %add3A_851, %add3A_852 : i32
        %get3A_854 = arith.index_cast %add3A_853 : i32 to index
        %get3A_855 = tpu.vector_load %arg5[%get3A_854] {strides = array<i32>} : memref<32768xf32, #tpu.memory_space<vmem>>, vector<16xf32>,
        %max3A_856 = arith.maximumf %max3A_849, %get3A_855 : vector<16xf32>
        %add3A_857 = arith.constant 768 : i32
        %add3A_858 = arith.addi %mul3A_431, %add3A_857 : i32
        %add3A_859 = arith.constant 208 : i32
        %add3A_860 = arith.addi %add3A_858, %add3A_859 : i32
        %get3A_861 = arith.index_cast %add3A_860 : i32 to index
        %get3A_862 = tpu.vector_load %arg5[%get3A_861] {strides = array<i32>} : memref<32768xf32, #tpu.memory_space<vmem>>, vector<16xf32>,
        %max3A_863 = arith.maximumf %max3A_856, %get3A_862 : vector<16xf32>
        %add3A_864 = arith.constant 768 : i32
        %add3A_865 = arith.addi %mul3A_431, %add3A_864 : i32
        %add3A_866 = arith.constant 224 : i32
        %add3A_867 = arith.addi %add3A_865, %add3A_866 : i32
        %get3A_868 = arith.index_cast %add3A_867 : i32 to index
        %get3A_869 = tpu.vector_load %arg5[%get3A_868] {strides = array<i32>} : memref<32768xf32, #tpu.memory_space<vmem>>, vector<16xf32>,
        %max3A_870 = arith.maximumf %max3A_863, %get3A_869 : vector<16xf32>
        %add3A_871 = arith.constant 768 : i32
        %add3A_872 = arith.addi %mul3A_431, %add3A_871 : i32
        %add3A_873 = arith.constant 240 : i32
        %add3A_874 = arith.addi %add3A_872, %add3A_873 : i32
        %get3A_875 = arith.index_cast %add3A_874 : i32 to index
        %get3A_876 = tpu.vector_load %arg5[%get3A_875] {strides = array<i32>} : memref<32768xf32, #tpu.memory_space<vmem>>, vector<16xf32>,
        %max3A_877 = arith.maximumf %max3A_870, %get3A_876 : vector<16xf32>
        %add3A_878 = arith.constant 48 : i32
        %add3A_879 = vector.broadcast %add3A_878 : i32 to vector<16xi32>
        %add3A_880 = arith.addi %add3A_879, %iota3A : vector<16xi32>
        %add3A_881 = arith.constant 1024 : i32
        %add3A_882 = arith.addi %mul3A_431, %add3A_881 : i32
        %get3A_883 = arith.index_cast %add3A_882 : i32 to index
        %get3A_884 = tpu.vector_load %arg5[%get3A_883] {strides = array<i32>} : memref<32768xf32, #tpu.memory_space<vmem>>, vector<16xf32>,
        %add3A_885 = arith.constant 1024 : i32
        %add3A_886 = arith.addi %mul3A_431, %add3A_885 : i32
        %add3A_887 = arith.constant 16 : i32
        %add3A_888 = arith.addi %add3A_886, %add3A_887 : i32
        %get3A_889 = arith.index_cast %add3A_888 : i32 to index
        %get3A_890 = tpu.vector_load %arg5[%get3A_889] {strides = array<i32>} : memref<32768xf32, #tpu.memory_space<vmem>>, vector<16xf32>,
        %max3A_891 = arith.maximumf %get3A_884, %get3A_890 : vector<16xf32>
        %add3A_892 = arith.constant 1024 : i32
        %add3A_893 = arith.addi %mul3A_431, %add3A_892 : i32
        %add3A_894 = arith.constant 32 : i32
        %add3A_895 = arith.addi %add3A_893, %add3A_894 : i32
        %get3A_896 = arith.index_cast %add3A_895 : i32 to index
        %get3A_897 = tpu.vector_load %arg5[%get3A_896] {strides = array<i32>} : memref<32768xf32, #tpu.memory_space<vmem>>, vector<16xf32>,
        %max3A_898 = arith.maximumf %max3A_891, %get3A_897 : vector<16xf32>
        %add3A_899 = arith.constant 1024 : i32
        %add3A_900 = arith.addi %mul3A_431, %add3A_899 : i32
        %add3A_901 = arith.constant 48 : i32
        %add3A_902 = arith.addi %add3A_900, %add3A_901 : i32
        %get3A_903 = arith.index_cast %add3A_902 : i32 to index
        %get3A_904 = tpu.vector_load %arg5[%get3A_903] {strides = array<i32>} : memref<32768xf32, #tpu.memory_space<vmem>>, vector<16xf32>,
        %max3A_905 = arith.maximumf %max3A_898, %get3A_904 : vector<16xf32>
        %add3A_906 = arith.constant 1024 : i32
        %add3A_907 = arith.addi %mul3A_431, %add3A_906 : i32
        %add3A_908 = arith.constant 64 : i32
        %add3A_909 = arith.addi %add3A_907, %add3A_908 : i32
        %get3A_910 = arith.index_cast %add3A_909 : i32 to index
        %get3A_911 = tpu.vector_load %arg5[%get3A_910] {strides = array<i32>} : memref<32768xf32, #tpu.memory_space<vmem>>, vector<16xf32>,
        %max3A_912 = arith.maximumf %max3A_905, %get3A_911 : vector<16xf32>
        %add3A_913 = arith.constant 1024 : i32
        %add3A_914 = arith.addi %mul3A_431, %add3A_913 : i32
        %add3A_915 = arith.constant 80 : i32
        %add3A_916 = arith.addi %add3A_914, %add3A_915 : i32
        %get3A_917 = arith.index_cast %add3A_916 : i32 to index
        %get3A_918 = tpu.vector_load %arg5[%get3A_917] {strides = array<i32>} : memref<32768xf32, #tpu.memory_space<vmem>>, vector<16xf32>,
        %max3A_919 = arith.maximumf %max3A_912, %get3A_918 : vector<16xf32>
        %add3A_920 = arith.constant 1024 : i32
        %add3A_921 = arith.addi %mul3A_431, %add3A_920 : i32
        %add3A_922 = arith.constant 96 : i32
        %add3A_923 = arith.addi %add3A_921, %add3A_922 : i32
        %get3A_924 = arith.index_cast %add3A_923 : i32 to index
        %get3A_925 = tpu.vector_load %arg5[%get3A_924] {strides = array<i32>} : memref<32768xf32, #tpu.memory_space<vmem>>, vector<16xf32>,
        %max3A_926 = arith.maximumf %max3A_919, %get3A_925 : vector<16xf32>
        %add3A_927 = arith.constant 1024 : i32
        %add3A_928 = arith.addi %mul3A_431, %add3A_927 : i32
        %add3A_929 = arith.constant 112 : i32
        %add3A_930 = arith.addi %add3A_928, %add3A_929 : i32
        %get3A_931 = arith.index_cast %add3A_930 : i32 to index
        %get3A_932 = tpu.vector_load %arg5[%get3A_931] {strides = array<i32>} : memref<32768xf32, #tpu.memory_space<vmem>>, vector<16xf32>,
        %max3A_933 = arith.maximumf %max3A_926, %get3A_932 : vector<16xf32>
        %add3A_934 = arith.constant 1024 : i32
        %add3A_935 = arith.addi %mul3A_431, %add3A_934 : i32
        %add3A_936 = arith.constant 128 : i32
        %add3A_937 = arith.addi %add3A_935, %add3A_936 : i32
        %get3A_938 = arith.index_cast %add3A_937 : i32 to index
        %get3A_939 = tpu.vector_load %arg5[%get3A_938] {strides = array<i32>} : memref<32768xf32, #tpu.memory_space<vmem>>, vector<16xf32>,
        %max3A_940 = arith.maximumf %max3A_933, %get3A_939 : vector<16xf32>
        %add3A_941 = arith.constant 1024 : i32
        %add3A_942 = arith.addi %mul3A_431, %add3A_941 : i32
        %add3A_943 = arith.constant 144 : i32
        %add3A_944 = arith.addi %add3A_942, %add3A_943 : i32
        %get3A_945 = arith.index_cast %add3A_944 : i32 to index
        %get3A_946 = tpu.vector_load %arg5[%get3A_945] {strides = array<i32>} : memref<32768xf32, #tpu.memory_space<vmem>>, vector<16xf32>,
        %max3A_947 = arith.maximumf %max3A_940, %get3A_946 : vector<16xf32>
        %add3A_948 = arith.constant 1024 : i32
        %add3A_949 = arith.addi %mul3A_431, %add3A_948 : i32
        %add3A_950 = arith.constant 160 : i32
        %add3A_951 = arith.addi %add3A_949, %add3A_950 : i32
        %get3A_952 = arith.index_cast %add3A_951 : i32 to index
        %get3A_953 = tpu.vector_load %arg5[%get3A_952] {strides = array<i32>} : memref<32768xf32, #tpu.memory_space<vmem>>, vector<16xf32>,
        %max3A_954 = arith.maximumf %max3A_947, %get3A_953 : vector<16xf32>
        %add3A_955 = arith.constant 1024 : i32
        %add3A_956 = arith.addi %mul3A_431, %add3A_955 : i32
        %add3A_957 = arith.constant 176 : i32
        %add3A_958 = arith.addi %add3A_956, %add3A_957 : i32
        %get3A_959 = arith.index_cast %add3A_958 : i32 to index
        %get3A_960 = tpu.vector_load %arg5[%get3A_959] {strides = array<i32>} : memref<32768xf32, #tpu.memory_space<vmem>>, vector<16xf32>,
        %max3A_961 = arith.maximumf %max3A_954, %get3A_960 : vector<16xf32>
        %add3A_962 = arith.constant 1024 : i32
        %add3A_963 = arith.addi %mul3A_431, %add3A_962 : i32
        %add3A_964 = arith.constant 192 : i32
        %add3A_965 = arith.addi %add3A_963, %add3A_964 : i32
        %get3A_966 = arith.index_cast %add3A_965 : i32 to index
        %get3A_967 = tpu.vector_load %arg5[%get3A_966] {strides = array<i32>} : memref<32768xf32, #tpu.memory_space<vmem>>, vector<16xf32>,
        %max3A_968 = arith.maximumf %max3A_961, %get3A_967 : vector<16xf32>
        %add3A_969 = arith.constant 1024 : i32
        %add3A_970 = arith.addi %mul3A_431, %add3A_969 : i32
        %add3A_971 = arith.constant 208 : i32
        %add3A_972 = arith.addi %add3A_970, %add3A_971 : i32
        %get3A_973 = arith.index_cast %add3A_972 : i32 to index
        %get3A_974 = tpu.vector_load %arg5[%get3A_973] {strides = array<i32>} : memref<32768xf32, #tpu.memory_space<vmem>>, vector<16xf32>,
        %max3A_975 = arith.maximumf %max3A_968, %get3A_974 : vector<16xf32>
        %add3A_976 = arith.constant 1024 : i32
        %add3A_977 = arith.addi %mul3A_431, %add3A_976 : i32
        %add3A_978 = arith.constant 224 : i32
        %add3A_979 = arith.addi %add3A_977, %add3A_978 : i32
        %get3A_980 = arith.index_cast %add3A_979 : i32 to index
        %get3A_981 = tpu.vector_load %arg5[%get3A_980] {strides = array<i32>} : memref<32768xf32, #tpu.memory_space<vmem>>, vector<16xf32>,
        %max3A_982 = arith.maximumf %max3A_975, %get3A_981 : vector<16xf32>
        %add3A_983 = arith.constant 1024 : i32
        %add3A_984 = arith.addi %mul3A_431, %add3A_983 : i32
        %add3A_985 = arith.constant 240 : i32
        %add3A_986 = arith.addi %add3A_984, %add3A_985 : i32
        %get3A_987 = arith.index_cast %add3A_986 : i32 to index
        %get3A_988 = tpu.vector_load %arg5[%get3A_987] {strides = array<i32>} : memref<32768xf32, #tpu.memory_space<vmem>>, vector<16xf32>,
        %max3A_989 = arith.maximumf %max3A_982, %get3A_988 : vector<16xf32>
        %add3A_990 = arith.constant 64 : i32
        %add3A_991 = vector.broadcast %add3A_990 : i32 to vector<16xi32>
        %add3A_992 = arith.addi %add3A_991, %iota3A : vector<16xi32>
        %add3A_993 = arith.constant 1280 : i32
        %add3A_994 = arith.addi %mul3A_431, %add3A_993 : i32
        %get3A_995 = arith.index_cast %add3A_994 : i32 to index
        %get3A_996 = tpu.vector_load %arg5[%get3A_995] {strides = array<i32>} : memref<32768xf32, #tpu.memory_space<vmem>>, vector<16xf32>,
        %add3A_997 = arith.constant 1280 : i32
        %add3A_998 = arith.addi %mul3A_431, %add3A_997 : i32
        %add3A_999 = arith.constant 16 : i32
        %add3A_1000 = arith.addi %add3A_998, %add3A_999 : i32
        %get3A_1001 = arith.index_cast %add3A_1000 : i32 to index
        %get3A_1002 = tpu.vector_load %arg5[%get3A_1001] {strides = array<i32>} : memref<32768xf32, #tpu.memory_space<vmem>>, vector<16xf32>,
        %max3A_1003 = arith.maximumf %get3A_996, %get3A_1002 : vector<16xf32>
        %add3A_1004 = arith.constant 1280 : i32
        %add3A_1005 = arith.addi %mul3A_431, %add3A_1004 : i32
        %add3A_1006 = arith.constant 32 : i32
        %add3A_1007 = arith.addi %add3A_1005, %add3A_1006 : i32
        %get3A_1008 = arith.index_cast %add3A_1007 : i32 to index
        %get3A_1009 = tpu.vector_load %arg5[%get3A_1008] {strides = array<i32>} : memref<32768xf32, #tpu.memory_space<vmem>>, vector<16xf32>,
        %max3A_1010 = arith.maximumf %max3A_1003, %get3A_1009 : vector<16xf32>
        %add3A_1011 = arith.constant 1280 : i32
        %add3A_1012 = arith.addi %mul3A_431, %add3A_1011 : i32
        %add3A_1013 = arith.constant 48 : i32
        %add3A_1014 = arith.addi %add3A_1012, %add3A_1013 : i32
        %get3A_1015 = arith.index_cast %add3A_1014 : i32 to index
        %get3A_1016 = tpu.vector_load %arg5[%get3A_1015] {strides = array<i32>} : memref<32768xf32, #tpu.memory_space<vmem>>, vector<16xf32>,
        %max3A_1017 = arith.maximumf %max3A_1010, %get3A_1016 : vector<16xf32>
        %add3A_1018 = arith.constant 1280 : i32
        %add3A_1019 = arith.addi %mul3A_431, %add3A_1018 : i32
        %add3A_1020 = arith.constant 64 : i32
        %add3A_1021 = arith.addi %add3A_1019, %add3A_1020 : i32
        %get3A_1022 = arith.index_cast %add3A_1021 : i32 to index
        %get3A_1023 = tpu.vector_load %arg5[%get3A_1022] {strides = array<i32>} : memref<32768xf32, #tpu.memory_space<vmem>>, vector<16xf32>,
        %max3A_1024 = arith.maximumf %max3A_1017, %get3A_1023 : vector<16xf32>
        %add3A_1025 = arith.constant 1280 : i32
        %add3A_1026 = arith.addi %mul3A_431, %add3A_1025 : i32
        %add3A_1027 = arith.constant 80 : i32
        %add3A_1028 = arith.addi %add3A_1026, %add3A_1027 : i32
        %get3A_1029 = arith.index_cast %add3A_1028 : i32 to index
        %get3A_1030 = tpu.vector_load %arg5[%get3A_1029] {strides = array<i32>} : memref<32768xf32, #tpu.memory_space<vmem>>, vector<16xf32>,
        %max3A_1031 = arith.maximumf %max3A_1024, %get3A_1030 : vector<16xf32>
        %add3A_1032 = arith.constant 1280 : i32
        %add3A_1033 = arith.addi %mul3A_431, %add3A_1032 : i32
        %add3A_1034 = arith.constant 96 : i32
        %add3A_1035 = arith.addi %add3A_1033, %add3A_1034 : i32
        %get3A_1036 = arith.index_cast %add3A_1035 : i32 to index
        %get3A_1037 = tpu.vector_load %arg5[%get3A_1036] {strides = array<i32>} : memref<32768xf32, #tpu.memory_space<vmem>>, vector<16xf32>,
        %max3A_1038 = arith.maximumf %max3A_1031, %get3A_1037 : vector<16xf32>
        %add3A_1039 = arith.constant 1280 : i32
        %add3A_1040 = arith.addi %mul3A_431, %add3A_1039 : i32
        %add3A_1041 = arith.constant 112 : i32
        %add3A_1042 = arith.addi %add3A_1040, %add3A_1041 : i32
        %get3A_1043 = arith.index_cast %add3A_1042 : i32 to index
        %get3A_1044 = tpu.vector_load %arg5[%get3A_1043] {strides = array<i32>} : memref<32768xf32, #tpu.memory_space<vmem>>, vector<16xf32>,
        %max3A_1045 = arith.maximumf %max3A_1038, %get3A_1044 : vector<16xf32>
        %add3A_1046 = arith.constant 1280 : i32
        %add3A_1047 = arith.addi %mul3A_431, %add3A_1046 : i32
        %add3A_1048 = arith.constant 128 : i32
        %add3A_1049 = arith.addi %add3A_1047, %add3A_1048 : i32
        %get3A_1050 = arith.index_cast %add3A_1049 : i32 to index
        %get3A_1051 = tpu.vector_load %arg5[%get3A_1050] {strides = array<i32>} : memref<32768xf32, #tpu.memory_space<vmem>>, vector<16xf32>,
        %max3A_1052 = arith.maximumf %max3A_1045, %get3A_1051 : vector<16xf32>
        %add3A_1053 = arith.constant 1280 : i32
        %add3A_1054 = arith.addi %mul3A_431, %add3A_1053 : i32
        %add3A_1055 = arith.constant 144 : i32
        %add3A_1056 = arith.addi %add3A_1054, %add3A_1055 : i32
        %get3A_1057 = arith.index_cast %add3A_1056 : i32 to index
        %get3A_1058 = tpu.vector_load %arg5[%get3A_1057] {strides = array<i32>} : memref<32768xf32, #tpu.memory_space<vmem>>, vector<16xf32>,
        %max3A_1059 = arith.maximumf %max3A_1052, %get3A_1058 : vector<16xf32>
        %add3A_1060 = arith.constant 1280 : i32
        %add3A_1061 = arith.addi %mul3A_431, %add3A_1060 : i32
        %add3A_1062 = arith.constant 160 : i32
        %add3A_1063 = arith.addi %add3A_1061, %add3A_1062 : i32
        %get3A_1064 = arith.index_cast %add3A_1063 : i32 to index
        %get3A_1065 = tpu.vector_load %arg5[%get3A_1064] {strides = array<i32>} : memref<32768xf32, #tpu.memory_space<vmem>>, vector<16xf32>,
        %max3A_1066 = arith.maximumf %max3A_1059, %get3A_1065 : vector<16xf32>
        %add3A_1067 = arith.constant 1280 : i32
        %add3A_1068 = arith.addi %mul3A_431, %add3A_1067 : i32
        %add3A_1069 = arith.constant 176 : i32
        %add3A_1070 = arith.addi %add3A_1068, %add3A_1069 : i32
        %get3A_1071 = arith.index_cast %add3A_1070 : i32 to index
        %get3A_1072 = tpu.vector_load %arg5[%get3A_1071] {strides = array<i32>} : memref<32768xf32, #tpu.memory_space<vmem>>, vector<16xf32>,
        %max3A_1073 = arith.maximumf %max3A_1066, %get3A_1072 : vector<16xf32>
        %add3A_1074 = arith.constant 1280 : i32
        %add3A_1075 = arith.addi %mul3A_431, %add3A_1074 : i32
        %add3A_1076 = arith.constant 192 : i32
        %add3A_1077 = arith.addi %add3A_1075, %add3A_1076 : i32
        %get3A_1078 = arith.index_cast %add3A_1077 : i32 to index
        %get3A_1079 = tpu.vector_load %arg5[%get3A_1078] {strides = array<i32>} : memref<32768xf32, #tpu.memory_space<vmem>>, vector<16xf32>,
        %max3A_1080 = arith.maximumf %max3A_1073, %get3A_1079 : vector<16xf32>
        %add3A_1081 = arith.constant 1280 : i32
        %add3A_1082 = arith.addi %mul3A_431, %add3A_1081 : i32
        %add3A_1083 = arith.constant 208 : i32
        %add3A_1084 = arith.addi %add3A_1082, %add3A_1083 : i32
        %get3A_1085 = arith.index_cast %add3A_1084 : i32 to index
        %get3A_1086 = tpu.vector_load %arg5[%get3A_1085] {strides = array<i32>} : memref<32768xf32, #tpu.memory_space<vmem>>, vector<16xf32>,
        %max3A_1087 = arith.maximumf %max3A_1080, %get3A_1086 : vector<16xf32>
        %add3A_1088 = arith.constant 1280 : i32
        %add3A_1089 = arith.addi %mul3A_431, %add3A_1088 : i32
        %add3A_1090 = arith.constant 224 : i32
        %add3A_1091 = arith.addi %add3A_1089, %add3A_1090 : i32
        %get3A_1092 = arith.index_cast %add3A_1091 : i32 to index
        %get3A_1093 = tpu.vector_load %arg5[%get3A_1092] {strides = array<i32>} : memref<32768xf32, #tpu.memory_space<vmem>>, vector<16xf32>,
        %max3A_1094 = arith.maximumf %max3A_1087, %get3A_1093 : vector<16xf32>
        %add3A_1095 = arith.constant 1280 : i32
        %add3A_1096 = arith.addi %mul3A_431, %add3A_1095 : i32
        %add3A_1097 = arith.constant 240 : i32
        %add3A_1098 = arith.addi %add3A_1096, %add3A_1097 : i32
        %get3A_1099 = arith.index_cast %add3A_1098 : i32 to index
        %get3A_1100 = tpu.vector_load %arg5[%get3A_1099] {strides = array<i32>} : memref<32768xf32, #tpu.memory_space<vmem>>, vector<16xf32>,
        %max3A_1101 = arith.maximumf %max3A_1094, %get3A_1100 : vector<16xf32>
        %add3A_1102 = arith.constant 80 : i32
        %add3A_1103 = vector.broadcast %add3A_1102 : i32 to vector<16xi32>
        %add3A_1104 = arith.addi %add3A_1103, %iota3A : vector<16xi32>
        %add3A_1105 = arith.constant 1536 : i32
        %add3A_1106 = arith.addi %mul3A_431, %add3A_1105 : i32
        %get3A_1107 = arith.index_cast %add3A_1106 : i32 to index
        %get3A_1108 = tpu.vector_load %arg5[%get3A_1107] {strides = array<i32>} : memref<32768xf32, #tpu.memory_space<vmem>>, vector<16xf32>,
        %add3A_1109 = arith.constant 1536 : i32
        %add3A_1110 = arith.addi %mul3A_431, %add3A_1109 : i32
        %add3A_1111 = arith.constant 16 : i32
        %add3A_1112 = arith.addi %add3A_1110, %add3A_1111 : i32
        %get3A_1113 = arith.index_cast %add3A_1112 : i32 to index
        %get3A_1114 = tpu.vector_load %arg5[%get3A_1113] {strides = array<i32>} : memref<32768xf32, #tpu.memory_space<vmem>>, vector<16xf32>,
        %max3A_1115 = arith.maximumf %get3A_1108, %get3A_1114 : vector<16xf32>
        %add3A_1116 = arith.constant 1536 : i32
        %add3A_1117 = arith.addi %mul3A_431, %add3A_1116 : i32
        %add3A_1118 = arith.constant 32 : i32
        %add3A_1119 = arith.addi %add3A_1117, %add3A_1118 : i32
        %get3A_1120 = arith.index_cast %add3A_1119 : i32 to index
        %get3A_1121 = tpu.vector_load %arg5[%get3A_1120] {strides = array<i32>} : memref<32768xf32, #tpu.memory_space<vmem>>, vector<16xf32>,
        %max3A_1122 = arith.maximumf %max3A_1115, %get3A_1121 : vector<16xf32>
        %add3A_1123 = arith.constant 1536 : i32
        %add3A_1124 = arith.addi %mul3A_431, %add3A_1123 : i32
        %add3A_1125 = arith.constant 48 : i32
        %add3A_1126 = arith.addi %add3A_1124, %add3A_1125 : i32
        %get3A_1127 = arith.index_cast %add3A_1126 : i32 to index
        %get3A_1128 = tpu.vector_load %arg5[%get3A_1127] {strides = array<i32>} : memref<32768xf32, #tpu.memory_space<vmem>>, vector<16xf32>,
        %max3A_1129 = arith.maximumf %max3A_1122, %get3A_1128 : vector<16xf32>
        %add3A_1130 = arith.constant 1536 : i32
        %add3A_1131 = arith.addi %mul3A_431, %add3A_1130 : i32
        %add3A_1132 = arith.constant 64 : i32
        %add3A_1133 = arith.addi %add3A_1131, %add3A_1132 : i32
        %get3A_1134 = arith.index_cast %add3A_1133 : i32 to index
        %get3A_1135 = tpu.vector_load %arg5[%get3A_1134] {strides = array<i32>} : memref<32768xf32, #tpu.memory_space<vmem>>, vector<16xf32>,
        %max3A_1136 = arith.maximumf %max3A_1129, %get3A_1135 : vector<16xf32>
        %add3A_1137 = arith.constant 1536 : i32
        %add3A_1138 = arith.addi %mul3A_431, %add3A_1137 : i32
        %add3A_1139 = arith.constant 80 : i32
        %add3A_1140 = arith.addi %add3A_1138, %add3A_1139 : i32
        %get3A_1141 = arith.index_cast %add3A_1140 : i32 to index
        %get3A_1142 = tpu.vector_load %arg5[%get3A_1141] {strides = array<i32>} : memref<32768xf32, #tpu.memory_space<vmem>>, vector<16xf32>,
        %max3A_1143 = arith.maximumf %max3A_1136, %get3A_1142 : vector<16xf32>
        %add3A_1144 = arith.constant 1536 : i32
        %add3A_1145 = arith.addi %mul3A_431, %add3A_1144 : i32
        %add3A_1146 = arith.constant 96 : i32
        %add3A_1147 = arith.addi %add3A_1145, %add3A_1146 : i32
        %get3A_1148 = arith.index_cast %add3A_1147 : i32 to index
        %get3A_1149 = tpu.vector_load %arg5[%get3A_1148] {strides = array<i32>} : memref<32768xf32, #tpu.memory_space<vmem>>, vector<16xf32>,
        %max3A_1150 = arith.maximumf %max3A_1143, %get3A_1149 : vector<16xf32>
        %add3A_1151 = arith.constant 1536 : i32
        %add3A_1152 = arith.addi %mul3A_431, %add3A_1151 : i32
        %add3A_1153 = arith.constant 112 : i32
        %add3A_1154 = arith.addi %add3A_1152, %add3A_1153 : i32
        %get3A_1155 = arith.index_cast %add3A_1154 : i32 to index
        %get3A_1156 = tpu.vector_load %arg5[%get3A_1155] {strides = array<i32>} : memref<32768xf32, #tpu.memory_space<vmem>>, vector<16xf32>,
        %max3A_1157 = arith.maximumf %max3A_1150, %get3A_1156 : vector<16xf32>
        %add3A_1158 = arith.constant 1536 : i32
        %add3A_1159 = arith.addi %mul3A_431, %add3A_1158 : i32
        %add3A_1160 = arith.constant 128 : i32
        %add3A_1161 = arith.addi %add3A_1159, %add3A_1160 : i32
        %get3A_1162 = arith.index_cast %add3A_1161 : i32 to index
        %get3A_1163 = tpu.vector_load %arg5[%get3A_1162] {strides = array<i32>} : memref<32768xf32, #tpu.memory_space<vmem>>, vector<16xf32>,
        %max3A_1164 = arith.maximumf %max3A_1157, %get3A_1163 : vector<16xf32>
        %add3A_1165 = arith.constant 1536 : i32
        %add3A_1166 = arith.addi %mul3A_431, %add3A_1165 : i32
        %add3A_1167 = arith.constant 144 : i32
        %add3A_1168 = arith.addi %add3A_1166, %add3A_1167 : i32
        %get3A_1169 = arith.index_cast %add3A_1168 : i32 to index
        %get3A_1170 = tpu.vector_load %arg5[%get3A_1169] {strides = array<i32>} : memref<32768xf32, #tpu.memory_space<vmem>>, vector<16xf32>,
        %max3A_1171 = arith.maximumf %max3A_1164, %get3A_1170 : vector<16xf32>
        %add3A_1172 = arith.constant 1536 : i32
        %add3A_1173 = arith.addi %mul3A_431, %add3A_1172 : i32
        %add3A_1174 = arith.constant 160 : i32
        %add3A_1175 = arith.addi %add3A_1173, %add3A_1174 : i32
        %get3A_1176 = arith.index_cast %add3A_1175 : i32 to index
        %get3A_1177 = tpu.vector_load %arg5[%get3A_1176] {strides = array<i32>} : memref<32768xf32, #tpu.memory_space<vmem>>, vector<16xf32>,
        %max3A_1178 = arith.maximumf %max3A_1171, %get3A_1177 : vector<16xf32>
        %add3A_1179 = arith.constant 1536 : i32
        %add3A_1180 = arith.addi %mul3A_431, %add3A_1179 : i32
        %add3A_1181 = arith.constant 176 : i32
        %add3A_1182 = arith.addi %add3A_1180, %add3A_1181 : i32
        %get3A_1183 = arith.index_cast %add3A_1182 : i32 to index
        %get3A_1184 = tpu.vector_load %arg5[%get3A_1183] {strides = array<i32>} : memref<32768xf32, #tpu.memory_space<vmem>>, vector<16xf32>,
        %max3A_1185 = arith.maximumf %max3A_1178, %get3A_1184 : vector<16xf32>
        %add3A_1186 = arith.constant 1536 : i32
        %add3A_1187 = arith.addi %mul3A_431, %add3A_1186 : i32
        %add3A_1188 = arith.constant 192 : i32
        %add3A_1189 = arith.addi %add3A_1187, %add3A_1188 : i32
        %get3A_1190 = arith.index_cast %add3A_1189 : i32 to index
        %get3A_1191 = tpu.vector_load %arg5[%get3A_1190] {strides = array<i32>} : memref<32768xf32, #tpu.memory_space<vmem>>, vector<16xf32>,
        %max3A_1192 = arith.maximumf %max3A_1185, %get3A_1191 : vector<16xf32>
        %add3A_1193 = arith.constant 1536 : i32
        %add3A_1194 = arith.addi %mul3A_431, %add3A_1193 : i32
        %add3A_1195 = arith.constant 208 : i32
        %add3A_1196 = arith.addi %add3A_1194, %add3A_1195 : i32
        %get3A_1197 = arith.index_cast %add3A_1196 : i32 to index
        %get3A_1198 = tpu.vector_load %arg5[%get3A_1197] {strides = array<i32>} : memref<32768xf32, #tpu.memory_space<vmem>>, vector<16xf32>,
        %max3A_1199 = arith.maximumf %max3A_1192, %get3A_1198 : vector<16xf32>
        %add3A_1200 = arith.constant 1536 : i32
        %add3A_1201 = arith.addi %mul3A_431, %add3A_1200 : i32
        %add3A_1202 = arith.constant 224 : i32
        %add3A_1203 = arith.addi %add3A_1201, %add3A_1202 : i32
        %get3A_1204 = arith.index_cast %add3A_1203 : i32 to index
        %get3A_1205 = tpu.vector_load %arg5[%get3A_1204] {strides = array<i32>} : memref<32768xf32, #tpu.memory_space<vmem>>, vector<16xf32>,
        %max3A_1206 = arith.maximumf %max3A_1199, %get3A_1205 : vector<16xf32>
        %add3A_1207 = arith.constant 1536 : i32
        %add3A_1208 = arith.addi %mul3A_431, %add3A_1207 : i32
        %add3A_1209 = arith.constant 240 : i32
        %add3A_1210 = arith.addi %add3A_1208, %add3A_1209 : i32
        %get3A_1211 = arith.index_cast %add3A_1210 : i32 to index
        %get3A_1212 = tpu.vector_load %arg5[%get3A_1211] {strides = array<i32>} : memref<32768xf32, #tpu.memory_space<vmem>>, vector<16xf32>,
        %max3A_1213 = arith.maximumf %max3A_1206, %get3A_1212 : vector<16xf32>
        %add3A_1214 = arith.constant 96 : i32
        %add3A_1215 = vector.broadcast %add3A_1214 : i32 to vector<16xi32>
        %add3A_1216 = arith.addi %add3A_1215, %iota3A : vector<16xi32>
        %add3A_1217 = arith.constant 1792 : i32
        %add3A_1218 = arith.addi %mul3A_431, %add3A_1217 : i32
        %get3A_1219 = arith.index_cast %add3A_1218 : i32 to index
        %get3A_1220 = tpu.vector_load %arg5[%get3A_1219] {strides = array<i32>} : memref<32768xf32, #tpu.memory_space<vmem>>, vector<16xf32>,
        %add3A_1221 = arith.constant 1792 : i32
        %add3A_1222 = arith.addi %mul3A_431, %add3A_1221 : i32
        %add3A_1223 = arith.constant 16 : i32
        %add3A_1224 = arith.addi %add3A_1222, %add3A_1223 : i32
        %get3A_1225 = arith.index_cast %add3A_1224 : i32 to index
        %get3A_1226 = tpu.vector_load %arg5[%get3A_1225] {strides = array<i32>} : memref<32768xf32, #tpu.memory_space<vmem>>, vector<16xf32>,
        %max3A_1227 = arith.maximumf %get3A_1220, %get3A_1226 : vector<16xf32>
        %add3A_1228 = arith.constant 1792 : i32
        %add3A_1229 = arith.addi %mul3A_431, %add3A_1228 : i32
        %add3A_1230 = arith.constant 32 : i32
        %add3A_1231 = arith.addi %add3A_1229, %add3A_1230 : i32
        %get3A_1232 = arith.index_cast %add3A_1231 : i32 to index
        %get3A_1233 = tpu.vector_load %arg5[%get3A_1232] {strides = array<i32>} : memref<32768xf32, #tpu.memory_space<vmem>>, vector<16xf32>,
        %max3A_1234 = arith.maximumf %max3A_1227, %get3A_1233 : vector<16xf32>
        %add3A_1235 = arith.constant 1792 : i32
        %add3A_1236 = arith.addi %mul3A_431, %add3A_1235 : i32
        %add3A_1237 = arith.constant 48 : i32
        %add3A_1238 = arith.addi %add3A_1236, %add3A_1237 : i32
        %get3A_1239 = arith.index_cast %add3A_1238 : i32 to index
        %get3A_1240 = tpu.vector_load %arg5[%get3A_1239] {strides = array<i32>} : memref<32768xf32, #tpu.memory_space<vmem>>, vector<16xf32>,
        %max3A_1241 = arith.maximumf %max3A_1234, %get3A_1240 : vector<16xf32>
        %add3A_1242 = arith.constant 1792 : i32
        %add3A_1243 = arith.addi %mul3A_431, %add3A_1242 : i32
        %add3A_1244 = arith.constant 64 : i32
        %add3A_1245 = arith.addi %add3A_1243, %add3A_1244 : i32
        %get3A_1246 = arith.index_cast %add3A_1245 : i32 to index
        %get3A_1247 = tpu.vector_load %arg5[%get3A_1246] {strides = array<i32>} : memref<32768xf32, #tpu.memory_space<vmem>>, vector<16xf32>,
        %max3A_1248 = arith.maximumf %max3A_1241, %get3A_1247 : vector<16xf32>
        %add3A_1249 = arith.constant 1792 : i32
        %add3A_1250 = arith.addi %mul3A_431, %add3A_1249 : i32
        %add3A_1251 = arith.constant 80 : i32
        %add3A_1252 = arith.addi %add3A_1250, %add3A_1251 : i32
        %get3A_1253 = arith.index_cast %add3A_1252 : i32 to index
        %get3A_1254 = tpu.vector_load %arg5[%get3A_1253] {strides = array<i32>} : memref<32768xf32, #tpu.memory_space<vmem>>, vector<16xf32>,
        %max3A_1255 = arith.maximumf %max3A_1248, %get3A_1254 : vector<16xf32>
        %add3A_1256 = arith.constant 1792 : i32
        %add3A_1257 = arith.addi %mul3A_431, %add3A_1256 : i32
        %add3A_1258 = arith.constant 96 : i32
        %add3A_1259 = arith.addi %add3A_1257, %add3A_1258 : i32
        %get3A_1260 = arith.index_cast %add3A_1259 : i32 to index
        %get3A_1261 = tpu.vector_load %arg5[%get3A_1260] {strides = array<i32>} : memref<32768xf32, #tpu.memory_space<vmem>>, vector<16xf32>,
        %max3A_1262 = arith.maximumf %max3A_1255, %get3A_1261 : vector<16xf32>
        %add3A_1263 = arith.constant 1792 : i32
        %add3A_1264 = arith.addi %mul3A_431, %add3A_1263 : i32
        %add3A_1265 = arith.constant 112 : i32
        %add3A_1266 = arith.addi %add3A_1264, %add3A_1265 : i32
        %get3A_1267 = arith.index_cast %add3A_1266 : i32 to index
        %get3A_1268 = tpu.vector_load %arg5[%get3A_1267] {strides = array<i32>} : memref<32768xf32, #tpu.memory_space<vmem>>, vector<16xf32>,
        %max3A_1269 = arith.maximumf %max3A_1262, %get3A_1268 : vector<16xf32>
        %add3A_1270 = arith.constant 1792 : i32
        %add3A_1271 = arith.addi %mul3A_431, %add3A_1270 : i32
        %add3A_1272 = arith.constant 128 : i32
        %add3A_1273 = arith.addi %add3A_1271, %add3A_1272 : i32
        %get3A_1274 = arith.index_cast %add3A_1273 : i32 to index
        %get3A_1275 = tpu.vector_load %arg5[%get3A_1274] {strides = array<i32>} : memref<32768xf32, #tpu.memory_space<vmem>>, vector<16xf32>,
        %max3A_1276 = arith.maximumf %max3A_1269, %get3A_1275 : vector<16xf32>
        %add3A_1277 = arith.constant 1792 : i32
        %add3A_1278 = arith.addi %mul3A_431, %add3A_1277 : i32
        %add3A_1279 = arith.constant 144 : i32
        %add3A_1280 = arith.addi %add3A_1278, %add3A_1279 : i32
        %get3A_1281 = arith.index_cast %add3A_1280 : i32 to index
        %get3A_1282 = tpu.vector_load %arg5[%get3A_1281] {strides = array<i32>} : memref<32768xf32, #tpu.memory_space<vmem>>, vector<16xf32>,
        %max3A_1283 = arith.maximumf %max3A_1276, %get3A_1282 : vector<16xf32>
        %add3A_1284 = arith.constant 1792 : i32
        %add3A_1285 = arith.addi %mul3A_431, %add3A_1284 : i32
        %add3A_1286 = arith.constant 160 : i32
        %add3A_1287 = arith.addi %add3A_1285, %add3A_1286 : i32
        %get3A_1288 = arith.index_cast %add3A_1287 : i32 to index
        %get3A_1289 = tpu.vector_load %arg5[%get3A_1288] {strides = array<i32>} : memref<32768xf32, #tpu.memory_space<vmem>>, vector<16xf32>,
        %max3A_1290 = arith.maximumf %max3A_1283, %get3A_1289 : vector<16xf32>
        %add3A_1291 = arith.constant 1792 : i32
        %add3A_1292 = arith.addi %mul3A_431, %add3A_1291 : i32
        %add3A_1293 = arith.constant 176 : i32
        %add3A_1294 = arith.addi %add3A_1292, %add3A_1293 : i32
        %get3A_1295 = arith.index_cast %add3A_1294 : i32 to index
        %get3A_1296 = tpu.vector_load %arg5[%get3A_1295] {strides = array<i32>} : memref<32768xf32, #tpu.memory_space<vmem>>, vector<16xf32>,
        %max3A_1297 = arith.maximumf %max3A_1290, %get3A_1296 : vector<16xf32>
        %add3A_1298 = arith.constant 1792 : i32
        %add3A_1299 = arith.addi %mul3A_431, %add3A_1298 : i32
        %add3A_1300 = arith.constant 192 : i32
        %add3A_1301 = arith.addi %add3A_1299, %add3A_1300 : i32
        %get3A_1302 = arith.index_cast %add3A_1301 : i32 to index
        %get3A_1303 = tpu.vector_load %arg5[%get3A_1302] {strides = array<i32>} : memref<32768xf32, #tpu.memory_space<vmem>>, vector<16xf32>,
        %max3A_1304 = arith.maximumf %max3A_1297, %get3A_1303 : vector<16xf32>
        %add3A_1305 = arith.constant 1792 : i32
        %add3A_1306 = arith.addi %mul3A_431, %add3A_1305 : i32
        %add3A_1307 = arith.constant 208 : i32
        %add3A_1308 = arith.addi %add3A_1306, %add3A_1307 : i32
        %get3A_1309 = arith.index_cast %add3A_1308 : i32 to index
        %get3A_1310 = tpu.vector_load %arg5[%get3A_1309] {strides = array<i32>} : memref<32768xf32, #tpu.memory_space<vmem>>, vector<16xf32>,
        %max3A_1311 = arith.maximumf %max3A_1304, %get3A_1310 : vector<16xf32>
        %add3A_1312 = arith.constant 1792 : i32
        %add3A_1313 = arith.addi %mul3A_431, %add3A_1312 : i32
        %add3A_1314 = arith.constant 224 : i32
        %add3A_1315 = arith.addi %add3A_1313, %add3A_1314 : i32
        %get3A_1316 = arith.index_cast %add3A_1315 : i32 to index
        %get3A_1317 = tpu.vector_load %arg5[%get3A_1316] {strides = array<i32>} : memref<32768xf32, #tpu.memory_space<vmem>>, vector<16xf32>,
        %max3A_1318 = arith.maximumf %max3A_1311, %get3A_1317 : vector<16xf32>
        %add3A_1319 = arith.constant 1792 : i32
        %add3A_1320 = arith.addi %mul3A_431, %add3A_1319 : i32
        %add3A_1321 = arith.constant 240 : i32
        %add3A_1322 = arith.addi %add3A_1320, %add3A_1321 : i32
        %get3A_1323 = arith.index_cast %add3A_1322 : i32 to index
        %get3A_1324 = tpu.vector_load %arg5[%get3A_1323] {strides = array<i32>} : memref<32768xf32, #tpu.memory_space<vmem>>, vector<16xf32>,
        %max3A_1325 = arith.maximumf %max3A_1318, %get3A_1324 : vector<16xf32>
        %add3A_1326 = arith.constant 112 : i32
        %add3A_1327 = vector.broadcast %add3A_1326 : i32 to vector<16xi32>
        %add3A_1328 = arith.addi %add3A_1327, %iota3A : vector<16xi32>
        %add3A_1329 = arith.constant 2048 : i32
        %add3A_1330 = arith.addi %mul3A_431, %add3A_1329 : i32
        %get3A_1331 = arith.index_cast %add3A_1330 : i32 to index
        %get3A_1332 = tpu.vector_load %arg5[%get3A_1331] {strides = array<i32>} : memref<32768xf32, #tpu.memory_space<vmem>>, vector<16xf32>,
        %add3A_1333 = arith.constant 2048 : i32
        %add3A_1334 = arith.addi %mul3A_431, %add3A_1333 : i32
        %add3A_1335 = arith.constant 16 : i32
        %add3A_1336 = arith.addi %add3A_1334, %add3A_1335 : i32
        %get3A_1337 = arith.index_cast %add3A_1336 : i32 to index
        %get3A_1338 = tpu.vector_load %arg5[%get3A_1337] {strides = array<i32>} : memref<32768xf32, #tpu.memory_space<vmem>>, vector<16xf32>,
        %max3A_1339 = arith.maximumf %get3A_1332, %get3A_1338 : vector<16xf32>
        %add3A_1340 = arith.constant 2048 : i32
        %add3A_1341 = arith.addi %mul3A_431, %add3A_1340 : i32
        %add3A_1342 = arith.constant 32 : i32
        %add3A_1343 = arith.addi %add3A_1341, %add3A_1342 : i32
        %get3A_1344 = arith.index_cast %add3A_1343 : i32 to index
        %get3A_1345 = tpu.vector_load %arg5[%get3A_1344] {strides = array<i32>} : memref<32768xf32, #tpu.memory_space<vmem>>, vector<16xf32>,
        %max3A_1346 = arith.maximumf %max3A_1339, %get3A_1345 : vector<16xf32>
        %add3A_1347 = arith.constant 2048 : i32
        %add3A_1348 = arith.addi %mul3A_431, %add3A_1347 : i32
        %add3A_1349 = arith.constant 48 : i32
        %add3A_1350 = arith.addi %add3A_1348, %add3A_1349 : i32
        %get3A_1351 = arith.index_cast %add3A_1350 : i32 to index
        %get3A_1352 = tpu.vector_load %arg5[%get3A_1351] {strides = array<i32>} : memref<32768xf32, #tpu.memory_space<vmem>>, vector<16xf32>,
        %max3A_1353 = arith.maximumf %max3A_1346, %get3A_1352 : vector<16xf32>
        %add3A_1354 = arith.constant 2048 : i32
        %add3A_1355 = arith.addi %mul3A_431, %add3A_1354 : i32
        %add3A_1356 = arith.constant 64 : i32
        %add3A_1357 = arith.addi %add3A_1355, %add3A_1356 : i32
        %get3A_1358 = arith.index_cast %add3A_1357 : i32 to index
        %get3A_1359 = tpu.vector_load %arg5[%get3A_1358] {strides = array<i32>} : memref<32768xf32, #tpu.memory_space<vmem>>, vector<16xf32>,
        %max3A_1360 = arith.maximumf %max3A_1353, %get3A_1359 : vector<16xf32>
        %add3A_1361 = arith.constant 2048 : i32
        %add3A_1362 = arith.addi %mul3A_431, %add3A_1361 : i32
        %add3A_1363 = arith.constant 80 : i32
        %add3A_1364 = arith.addi %add3A_1362, %add3A_1363 : i32
        %get3A_1365 = arith.index_cast %add3A_1364 : i32 to index
        %get3A_1366 = tpu.vector_load %arg5[%get3A_1365] {strides = array<i32>} : memref<32768xf32, #tpu.memory_space<vmem>>, vector<16xf32>,
        %max3A_1367 = arith.maximumf %max3A_1360, %get3A_1366 : vector<16xf32>
        %add3A_1368 = arith.constant 2048 : i32
        %add3A_1369 = arith.addi %mul3A_431, %add3A_1368 : i32
        %add3A_1370 = arith.constant 96 : i32
        %add3A_1371 = arith.addi %add3A_1369, %add3A_1370 : i32
        %get3A_1372 = arith.index_cast %add3A_1371 : i32 to index
        %get3A_1373 = tpu.vector_load %arg5[%get3A_1372] {strides = array<i32>} : memref<32768xf32, #tpu.memory_space<vmem>>, vector<16xf32>,
        %max3A_1374 = arith.maximumf %max3A_1367, %get3A_1373 : vector<16xf32>
        %add3A_1375 = arith.constant 2048 : i32
        %add3A_1376 = arith.addi %mul3A_431, %add3A_1375 : i32
        %add3A_1377 = arith.constant 112 : i32
        %add3A_1378 = arith.addi %add3A_1376, %add3A_1377 : i32
        %get3A_1379 = arith.index_cast %add3A_1378 : i32 to index
        %get3A_1380 = tpu.vector_load %arg5[%get3A_1379] {strides = array<i32>} : memref<32768xf32, #tpu.memory_space<vmem>>, vector<16xf32>,
        %max3A_1381 = arith.maximumf %max3A_1374, %get3A_1380 : vector<16xf32>
        %add3A_1382 = arith.constant 2048 : i32
        %add3A_1383 = arith.addi %mul3A_431, %add3A_1382 : i32
        %add3A_1384 = arith.constant 128 : i32
        %add3A_1385 = arith.addi %add3A_1383, %add3A_1384 : i32
        %get3A_1386 = arith.index_cast %add3A_1385 : i32 to index
        %get3A_1387 = tpu.vector_load %arg5[%get3A_1386] {strides = array<i32>} : memref<32768xf32, #tpu.memory_space<vmem>>, vector<16xf32>,
        %max3A_1388 = arith.maximumf %max3A_1381, %get3A_1387 : vector<16xf32>
        %add3A_1389 = arith.constant 2048 : i32
        %add3A_1390 = arith.addi %mul3A_431, %add3A_1389 : i32
        %add3A_1391 = arith.constant 144 : i32
        %add3A_1392 = arith.addi %add3A_1390, %add3A_1391 : i32
        %get3A_1393 = arith.index_cast %add3A_1392 : i32 to index
        %get3A_1394 = tpu.vector_load %arg5[%get3A_1393] {strides = array<i32>} : memref<32768xf32, #tpu.memory_space<vmem>>, vector<16xf32>,
        %max3A_1395 = arith.maximumf %max3A_1388, %get3A_1394 : vector<16xf32>
        %add3A_1396 = arith.constant 2048 : i32
        %add3A_1397 = arith.addi %mul3A_431, %add3A_1396 : i32
        %add3A_1398 = arith.constant 160 : i32
        %add3A_1399 = arith.addi %add3A_1397, %add3A_1398 : i32
        %get3A_1400 = arith.index_cast %add3A_1399 : i32 to index
        %get3A_1401 = tpu.vector_load %arg5[%get3A_1400] {strides = array<i32>} : memref<32768xf32, #tpu.memory_space<vmem>>, vector<16xf32>,
        %max3A_1402 = arith.maximumf %max3A_1395, %get3A_1401 : vector<16xf32>
        %add3A_1403 = arith.constant 2048 : i32
        %add3A_1404 = arith.addi %mul3A_431, %add3A_1403 : i32
        %add3A_1405 = arith.constant 176 : i32
        %add3A_1406 = arith.addi %add3A_1404, %add3A_1405 : i32
        %get3A_1407 = arith.index_cast %add3A_1406 : i32 to index
        %get3A_1408 = tpu.vector_load %arg5[%get3A_1407] {strides = array<i32>} : memref<32768xf32, #tpu.memory_space<vmem>>, vector<16xf32>,
        %max3A_1409 = arith.maximumf %max3A_1402, %get3A_1408 : vector<16xf32>
        %add3A_1410 = arith.constant 2048 : i32
        %add3A_1411 = arith.addi %mul3A_431, %add3A_1410 : i32
        %add3A_1412 = arith.constant 192 : i32
        %add3A_1413 = arith.addi %add3A_1411, %add3A_1412 : i32
        %get3A_1414 = arith.index_cast %add3A_1413 : i32 to index
        %get3A_1415 = tpu.vector_load %arg5[%get3A_1414] {strides = array<i32>} : memref<32768xf32, #tpu.memory_space<vmem>>, vector<16xf32>,
        %max3A_1416 = arith.maximumf %max3A_1409, %get3A_1415 : vector<16xf32>
        %add3A_1417 = arith.constant 2048 : i32
        %add3A_1418 = arith.addi %mul3A_431, %add3A_1417 : i32
        %add3A_1419 = arith.constant 208 : i32
        %add3A_1420 = arith.addi %add3A_1418, %add3A_1419 : i32
        %get3A_1421 = arith.index_cast %add3A_1420 : i32 to index
        %get3A_1422 = tpu.vector_load %arg5[%get3A_1421] {strides = array<i32>} : memref<32768xf32, #tpu.memory_space<vmem>>, vector<16xf32>,
        %max3A_1423 = arith.maximumf %max3A_1416, %get3A_1422 : vector<16xf32>
        %add3A_1424 = arith.constant 2048 : i32
        %add3A_1425 = arith.addi %mul3A_431, %add3A_1424 : i32
        %add3A_1426 = arith.constant 224 : i32
        %add3A_1427 = arith.addi %add3A_1425, %add3A_1426 : i32
        %get3A_1428 = arith.index_cast %add3A_1427 : i32 to index
        %get3A_1429 = tpu.vector_load %arg5[%get3A_1428] {strides = array<i32>} : memref<32768xf32, #tpu.memory_space<vmem>>, vector<16xf32>,
        %max3A_1430 = arith.maximumf %max3A_1423, %get3A_1429 : vector<16xf32>
        %add3A_1431 = arith.constant 2048 : i32
        %add3A_1432 = arith.addi %mul3A_431, %add3A_1431 : i32
        %add3A_1433 = arith.constant 240 : i32
        %add3A_1434 = arith.addi %add3A_1432, %add3A_1433 : i32
        %get3A_1435 = arith.index_cast %add3A_1434 : i32 to index
        %get3A_1436 = tpu.vector_load %arg5[%get3A_1435] {strides = array<i32>} : memref<32768xf32, #tpu.memory_space<vmem>>, vector<16xf32>,
        %max3A_1437 = arith.maximumf %max3A_1430, %get3A_1436 : vector<16xf32>
        %add3A_1438 = arith.constant 128 : i32
        %add3A_1439 = vector.broadcast %add3A_1438 : i32 to vector<16xi32>
        %add3A_1440 = arith.addi %add3A_1439, %iota3A : vector<16xi32>
        %add3A_1441 = arith.constant 2304 : i32
        %add3A_1442 = arith.addi %mul3A_431, %add3A_1441 : i32
        %get3A_1443 = arith.index_cast %add3A_1442 : i32 to index
        %get3A_1444 = tpu.vector_load %arg5[%get3A_1443] {strides = array<i32>} : memref<32768xf32, #tpu.memory_space<vmem>>, vector<16xf32>,
        %add3A_1445 = arith.constant 2304 : i32
        %add3A_1446 = arith.addi %mul3A_431, %add3A_1445 : i32
        %add3A_1447 = arith.constant 16 : i32
        %add3A_1448 = arith.addi %add3A_1446, %add3A_1447 : i32
        %get3A_1449 = arith.index_cast %add3A_1448 : i32 to index
        %get3A_1450 = tpu.vector_load %arg5[%get3A_1449] {strides = array<i32>} : memref<32768xf32, #tpu.memory_space<vmem>>, vector<16xf32>,
        %max3A_1451 = arith.maximumf %get3A_1444, %get3A_1450 : vector<16xf32>
        %add3A_1452 = arith.constant 2304 : i32
        %add3A_1453 = arith.addi %mul3A_431, %add3A_1452 : i32
        %add3A_1454 = arith.constant 32 : i32
        %add3A_1455 = arith.addi %add3A_1453, %add3A_1454 : i32
        %get3A_1456 = arith.index_cast %add3A_1455 : i32 to index
        %get3A_1457 = tpu.vector_load %arg5[%get3A_1456] {strides = array<i32>} : memref<32768xf32, #tpu.memory_space<vmem>>, vector<16xf32>,
        %max3A_1458 = arith.maximumf %max3A_1451, %get3A_1457 : vector<16xf32>
        %add3A_1459 = arith.constant 2304 : i32
        %add3A_1460 = arith.addi %mul3A_431, %add3A_1459 : i32
        %add3A_1461 = arith.constant 48 : i32
        %add3A_1462 = arith.addi %add3A_1460, %add3A_1461 : i32
        %get3A_1463 = arith.index_cast %add3A_1462 : i32 to index
        %get3A_1464 = tpu.vector_load %arg5[%get3A_1463] {strides = array<i32>} : memref<32768xf32, #tpu.memory_space<vmem>>, vector<16xf32>,
        %max3A_1465 = arith.maximumf %max3A_1458, %get3A_1464 : vector<16xf32>
        %add3A_1466 = arith.constant 2304 : i32
        %add3A_1467 = arith.addi %mul3A_431, %add3A_1466 : i32
        %add3A_1468 = arith.constant 64 : i32
        %add3A_1469 = arith.addi %add3A_1467, %add3A_1468 : i32
        %get3A_1470 = arith.index_cast %add3A_1469 : i32 to index
        %get3A_1471 = tpu.vector_load %arg5[%get3A_1470] {strides = array<i32>} : memref<32768xf32, #tpu.memory_space<vmem>>, vector<16xf32>,
        %max3A_1472 = arith.maximumf %max3A_1465, %get3A_1471 : vector<16xf32>
        %add3A_1473 = arith.constant 2304 : i32
        %add3A_1474 = arith.addi %mul3A_431, %add3A_1473 : i32
        %add3A_1475 = arith.constant 80 : i32
        %add3A_1476 = arith.addi %add3A_1474, %add3A_1475 : i32
        %get3A_1477 = arith.index_cast %add3A_1476 : i32 to index
        %get3A_1478 = tpu.vector_load %arg5[%get3A_1477] {strides = array<i32>} : memref<32768xf32, #tpu.memory_space<vmem>>, vector<16xf32>,
        %max3A_1479 = arith.maximumf %max3A_1472, %get3A_1478 : vector<16xf32>
        %add3A_1480 = arith.constant 2304 : i32
        %add3A_1481 = arith.addi %mul3A_431, %add3A_1480 : i32
        %add3A_1482 = arith.constant 96 : i32
        %add3A_1483 = arith.addi %add3A_1481, %add3A_1482 : i32
        %get3A_1484 = arith.index_cast %add3A_1483 : i32 to index
        %get3A_1485 = tpu.vector_load %arg5[%get3A_1484] {strides = array<i32>} : memref<32768xf32, #tpu.memory_space<vmem>>, vector<16xf32>,
        %max3A_1486 = arith.maximumf %max3A_1479, %get3A_1485 : vector<16xf32>
        %add3A_1487 = arith.constant 2304 : i32
        %add3A_1488 = arith.addi %mul3A_431, %add3A_1487 : i32
        %add3A_1489 = arith.constant 112 : i32
        %add3A_1490 = arith.addi %add3A_1488, %add3A_1489 : i32
        %get3A_1491 = arith.index_cast %add3A_1490 : i32 to index
        %get3A_1492 = tpu.vector_load %arg5[%get3A_1491] {strides = array<i32>} : memref<32768xf32, #tpu.memory_space<vmem>>, vector<16xf32>,
        %max3A_1493 = arith.maximumf %max3A_1486, %get3A_1492 : vector<16xf32>
        %add3A_1494 = arith.constant 2304 : i32
        %add3A_1495 = arith.addi %mul3A_431, %add3A_1494 : i32
        %add3A_1496 = arith.constant 128 : i32
        %add3A_1497 = arith.addi %add3A_1495, %add3A_1496 : i32
        %get3A_1498 = arith.index_cast %add3A_1497 : i32 to index
        %get3A_1499 = tpu.vector_load %arg5[%get3A_1498] {strides = array<i32>} : memref<32768xf32, #tpu.memory_space<vmem>>, vector<16xf32>,
        %max3A_1500 = arith.maximumf %max3A_1493, %get3A_1499 : vector<16xf32>
        %add3A_1501 = arith.constant 2304 : i32
        %add3A_1502 = arith.addi %mul3A_431, %add3A_1501 : i32
        %add3A_1503 = arith.constant 144 : i32
        %add3A_1504 = arith.addi %add3A_1502, %add3A_1503 : i32
        %get3A_1505 = arith.index_cast %add3A_1504 : i32 to index
        %get3A_1506 = tpu.vector_load %arg5[%get3A_1505] {strides = array<i32>} : memref<32768xf32, #tpu.memory_space<vmem>>, vector<16xf32>,
        %max3A_1507 = arith.maximumf %max3A_1500, %get3A_1506 : vector<16xf32>
        %add3A_1508 = arith.constant 2304 : i32
        %add3A_1509 = arith.addi %mul3A_431, %add3A_1508 : i32
        %add3A_1510 = arith.constant 160 : i32
        %add3A_1511 = arith.addi %add3A_1509, %add3A_1510 : i32
        %get3A_1512 = arith.index_cast %add3A_1511 : i32 to index
        %get3A_1513 = tpu.vector_load %arg5[%get3A_1512] {strides = array<i32>} : memref<32768xf32, #tpu.memory_space<vmem>>, vector<16xf32>,
        %max3A_1514 = arith.maximumf %max3A_1507, %get3A_1513 : vector<16xf32>
        %add3A_1515 = arith.constant 2304 : i32
        %add3A_1516 = arith.addi %mul3A_431, %add3A_1515 : i32
        %add3A_1517 = arith.constant 176 : i32
        %add3A_1518 = arith.addi %add3A_1516, %add3A_1517 : i32
        %get3A_1519 = arith.index_cast %add3A_1518 : i32 to index
        %get3A_1520 = tpu.vector_load %arg5[%get3A_1519] {strides = array<i32>} : memref<32768xf32, #tpu.memory_space<vmem>>, vector<16xf32>,
        %max3A_1521 = arith.maximumf %max3A_1514, %get3A_1520 : vector<16xf32>
        %add3A_1522 = arith.constant 2304 : i32
        %add3A_1523 = arith.addi %mul3A_431, %add3A_1522 : i32
        %add3A_1524 = arith.constant 192 : i32
        %add3A_1525 = arith.addi %add3A_1523, %add3A_1524 : i32
        %get3A_1526 = arith.index_cast %add3A_1525 : i32 to index
        %get3A_1527 = tpu.vector_load %arg5[%get3A_1526] {strides = array<i32>} : memref<32768xf32, #tpu.memory_space<vmem>>, vector<16xf32>,
        %max3A_1528 = arith.maximumf %max3A_1521, %get3A_1527 : vector<16xf32>
        %add3A_1529 = arith.constant 2304 : i32
        %add3A_1530 = arith.addi %mul3A_431, %add3A_1529 : i32
        %add3A_1531 = arith.constant 208 : i32
        %add3A_1532 = arith.addi %add3A_1530, %add3A_1531 : i32
        %get3A_1533 = arith.index_cast %add3A_1532 : i32 to index
        %get3A_1534 = tpu.vector_load %arg5[%get3A_1533] {strides = array<i32>} : memref<32768xf32, #tpu.memory_space<vmem>>, vector<16xf32>,
        %max3A_1535 = arith.maximumf %max3A_1528, %get3A_1534 : vector<16xf32>
        %add3A_1536 = arith.constant 2304 : i32
        %add3A_1537 = arith.addi %mul3A_431, %add3A_1536 : i32
        %add3A_1538 = arith.constant 224 : i32
        %add3A_1539 = arith.addi %add3A_1537, %add3A_1538 : i32
        %get3A_1540 = arith.index_cast %add3A_1539 : i32 to index
        %get3A_1541 = tpu.vector_load %arg5[%get3A_1540] {strides = array<i32>} : memref<32768xf32, #tpu.memory_space<vmem>>, vector<16xf32>,
        %max3A_1542 = arith.maximumf %max3A_1535, %get3A_1541 : vector<16xf32>
        %add3A_1543 = arith.constant 2304 : i32
        %add3A_1544 = arith.addi %mul3A_431, %add3A_1543 : i32
        %add3A_1545 = arith.constant 240 : i32
        %add3A_1546 = arith.addi %add3A_1544, %add3A_1545 : i32
        %get3A_1547 = arith.index_cast %add3A_1546 : i32 to index
        %get3A_1548 = tpu.vector_load %arg5[%get3A_1547] {strides = array<i32>} : memref<32768xf32, #tpu.memory_space<vmem>>, vector<16xf32>,
        %max3A_1549 = arith.maximumf %max3A_1542, %get3A_1548 : vector<16xf32>
        %add3A_1550 = arith.constant 144 : i32
        %add3A_1551 = vector.broadcast %add3A_1550 : i32 to vector<16xi32>
        %add3A_1552 = arith.addi %add3A_1551, %iota3A : vector<16xi32>
        %add3A_1553 = arith.constant 2560 : i32
        %add3A_1554 = arith.addi %mul3A_431, %add3A_1553 : i32
        %get3A_1555 = arith.index_cast %add3A_1554 : i32 to index
        %get3A_1556 = tpu.vector_load %arg5[%get3A_1555] {strides = array<i32>} : memref<32768xf32, #tpu.memory_space<vmem>>, vector<16xf32>,
        %add3A_1557 = arith.constant 2560 : i32
        %add3A_1558 = arith.addi %mul3A_431, %add3A_1557 : i32
        %add3A_1559 = arith.constant 16 : i32
        %add3A_1560 = arith.addi %add3A_1558, %add3A_1559 : i32
        %get3A_1561 = arith.index_cast %add3A_1560 : i32 to index
        %get3A_1562 = tpu.vector_load %arg5[%get3A_1561] {strides = array<i32>} : memref<32768xf32, #tpu.memory_space<vmem>>, vector<16xf32>,
        %max3A_1563 = arith.maximumf %get3A_1556, %get3A_1562 : vector<16xf32>
        %add3A_1564 = arith.constant 2560 : i32
        %add3A_1565 = arith.addi %mul3A_431, %add3A_1564 : i32
        %add3A_1566 = arith.constant 32 : i32
        %add3A_1567 = arith.addi %add3A_1565, %add3A_1566 : i32
        %get3A_1568 = arith.index_cast %add3A_1567 : i32 to index
        %get3A_1569 = tpu.vector_load %arg5[%get3A_1568] {strides = array<i32>} : memref<32768xf32, #tpu.memory_space<vmem>>, vector<16xf32>,
        %max3A_1570 = arith.maximumf %max3A_1563, %get3A_1569 : vector<16xf32>
        %add3A_1571 = arith.constant 2560 : i32
        %add3A_1572 = arith.addi %mul3A_431, %add3A_1571 : i32
        %add3A_1573 = arith.constant 48 : i32
        %add3A_1574 = arith.addi %add3A_1572, %add3A_1573 : i32
        %get3A_1575 = arith.index_cast %add3A_1574 : i32 to index
        %get3A_1576 = tpu.vector_load %arg5[%get3A_1575] {strides = array<i32>} : memref<32768xf32, #tpu.memory_space<vmem>>, vector<16xf32>,
        %max3A_1577 = arith.maximumf %max3A_1570, %get3A_1576 : vector<16xf32>
        %add3A_1578 = arith.constant 2560 : i32
        %add3A_1579 = arith.addi %mul3A_431, %add3A_1578 : i32
        %add3A_1580 = arith.constant 64 : i32
        %add3A_1581 = arith.addi %add3A_1579, %add3A_1580 : i32
        %get3A_1582 = arith.index_cast %add3A_1581 : i32 to index
        %get3A_1583 = tpu.vector_load %arg5[%get3A_1582] {strides = array<i32>} : memref<32768xf32, #tpu.memory_space<vmem>>, vector<16xf32>,
        %max3A_1584 = arith.maximumf %max3A_1577, %get3A_1583 : vector<16xf32>
        %add3A_1585 = arith.constant 2560 : i32
        %add3A_1586 = arith.addi %mul3A_431, %add3A_1585 : i32
        %add3A_1587 = arith.constant 80 : i32
        %add3A_1588 = arith.addi %add3A_1586, %add3A_1587 : i32
        %get3A_1589 = arith.index_cast %add3A_1588 : i32 to index
        %get3A_1590 = tpu.vector_load %arg5[%get3A_1589] {strides = array<i32>} : memref<32768xf32, #tpu.memory_space<vmem>>, vector<16xf32>,
        %max3A_1591 = arith.maximumf %max3A_1584, %get3A_1590 : vector<16xf32>
        %add3A_1592 = arith.constant 2560 : i32
        %add3A_1593 = arith.addi %mul3A_431, %add3A_1592 : i32
        %add3A_1594 = arith.constant 96 : i32
        %add3A_1595 = arith.addi %add3A_1593, %add3A_1594 : i32
        %get3A_1596 = arith.index_cast %add3A_1595 : i32 to index
        %get3A_1597 = tpu.vector_load %arg5[%get3A_1596] {strides = array<i32>} : memref<32768xf32, #tpu.memory_space<vmem>>, vector<16xf32>,
        %max3A_1598 = arith.maximumf %max3A_1591, %get3A_1597 : vector<16xf32>
        %add3A_1599 = arith.constant 2560 : i32
        %add3A_1600 = arith.addi %mul3A_431, %add3A_1599 : i32
        %add3A_1601 = arith.constant 112 : i32
        %add3A_1602 = arith.addi %add3A_1600, %add3A_1601 : i32
        %get3A_1603 = arith.index_cast %add3A_1602 : i32 to index
        %get3A_1604 = tpu.vector_load %arg5[%get3A_1603] {strides = array<i32>} : memref<32768xf32, #tpu.memory_space<vmem>>, vector<16xf32>,
        %max3A_1605 = arith.maximumf %max3A_1598, %get3A_1604 : vector<16xf32>
        %add3A_1606 = arith.constant 2560 : i32
        %add3A_1607 = arith.addi %mul3A_431, %add3A_1606 : i32
        %add3A_1608 = arith.constant 128 : i32
        %add3A_1609 = arith.addi %add3A_1607, %add3A_1608 : i32
        %get3A_1610 = arith.index_cast %add3A_1609 : i32 to index
        %get3A_1611 = tpu.vector_load %arg5[%get3A_1610] {strides = array<i32>} : memref<32768xf32, #tpu.memory_space<vmem>>, vector<16xf32>,
        %max3A_1612 = arith.maximumf %max3A_1605, %get3A_1611 : vector<16xf32>
        %add3A_1613 = arith.constant 2560 : i32
        %add3A_1614 = arith.addi %mul3A_431, %add3A_1613 : i32
        %add3A_1615 = arith.constant 144 : i32
        %add3A_1616 = arith.addi %add3A_1614, %add3A_1615 : i32
        %get3A_1617 = arith.index_cast %add3A_1616 : i32 to index
        %get3A_1618 = tpu.vector_load %arg5[%get3A_1617] {strides = array<i32>} : memref<32768xf32, #tpu.memory_space<vmem>>, vector<16xf32>,
        %max3A_1619 = arith.maximumf %max3A_1612, %get3A_1618 : vector<16xf32>
        %add3A_1620 = arith.constant 2560 : i32
        %add3A_1621 = arith.addi %mul3A_431, %add3A_1620 : i32
        %add3A_1622 = arith.constant 160 : i32
        %add3A_1623 = arith.addi %add3A_1621, %add3A_1622 : i32
        %get3A_1624 = arith.index_cast %add3A_1623 : i32 to index
        %get3A_1625 = tpu.vector_load %arg5[%get3A_1624] {strides = array<i32>} : memref<32768xf32, #tpu.memory_space<vmem>>, vector<16xf32>,
        %max3A_1626 = arith.maximumf %max3A_1619, %get3A_1625 : vector<16xf32>
        %add3A_1627 = arith.constant 2560 : i32
        %add3A_1628 = arith.addi %mul3A_431, %add3A_1627 : i32
        %add3A_1629 = arith.constant 176 : i32
        %add3A_1630 = arith.addi %add3A_1628, %add3A_1629 : i32
        %get3A_1631 = arith.index_cast %add3A_1630 : i32 to index
        %get3A_1632 = tpu.vector_load %arg5[%get3A_1631] {strides = array<i32>} : memref<32768xf32, #tpu.memory_space<vmem>>, vector<16xf32>,
        %max3A_1633 = arith.maximumf %max3A_1626, %get3A_1632 : vector<16xf32>
        %add3A_1634 = arith.constant 2560 : i32
        %add3A_1635 = arith.addi %mul3A_431, %add3A_1634 : i32
        %add3A_1636 = arith.constant 192 : i32
        %add3A_1637 = arith.addi %add3A_1635, %add3A_1636 : i32
        %get3A_1638 = arith.index_cast %add3A_1637 : i32 to index
        %get3A_1639 = tpu.vector_load %arg5[%get3A_1638] {strides = array<i32>} : memref<32768xf32, #tpu.memory_space<vmem>>, vector<16xf32>,
        %max3A_1640 = arith.maximumf %max3A_1633, %get3A_1639 : vector<16xf32>
        %add3A_1641 = arith.constant 2560 : i32
        %add3A_1642 = arith.addi %mul3A_431, %add3A_1641 : i32
        %add3A_1643 = arith.constant 208 : i32
        %add3A_1644 = arith.addi %add3A_1642, %add3A_1643 : i32
        %get3A_1645 = arith.index_cast %add3A_1644 : i32 to index
        %get3A_1646 = tpu.vector_load %arg5[%get3A_1645] {strides = array<i32>} : memref<32768xf32, #tpu.memory_space<vmem>>, vector<16xf32>,
        %max3A_1647 = arith.maximumf %max3A_1640, %get3A_1646 : vector<16xf32>
        %add3A_1648 = arith.constant 2560 : i32
        %add3A_1649 = arith.addi %mul3A_431, %add3A_1648 : i32
        %add3A_1650 = arith.constant 224 : i32
        %add3A_1651 = arith.addi %add3A_1649, %add3A_1650 : i32
        %get3A_1652 = arith.index_cast %add3A_1651 : i32 to index
        %get3A_1653 = tpu.vector_load %arg5[%get3A_1652] {strides = array<i32>} : memref<32768xf32, #tpu.memory_space<vmem>>, vector<16xf32>,
        %max3A_1654 = arith.maximumf %max3A_1647, %get3A_1653 : vector<16xf32>
        %add3A_1655 = arith.constant 2560 : i32
        %add3A_1656 = arith.addi %mul3A_431, %add3A_1655 : i32
        %add3A_1657 = arith.constant 240 : i32
        %add3A_1658 = arith.addi %add3A_1656, %add3A_1657 : i32
        %get3A_1659 = arith.index_cast %add3A_1658 : i32 to index
        %get3A_1660 = tpu.vector_load %arg5[%get3A_1659] {strides = array<i32>} : memref<32768xf32, #tpu.memory_space<vmem>>, vector<16xf32>,
        %max3A_1661 = arith.maximumf %max3A_1654, %get3A_1660 : vector<16xf32>
        %add3A_1662 = arith.constant 160 : i32
        %add3A_1663 = vector.broadcast %add3A_1662 : i32 to vector<16xi32>
        %add3A_1664 = arith.addi %add3A_1663, %iota3A : vector<16xi32>
        %add3A_1665 = arith.constant 2816 : i32
        %add3A_1666 = arith.addi %mul3A_431, %add3A_1665 : i32
        %get3A_1667 = arith.index_cast %add3A_1666 : i32 to index
        %get3A_1668 = tpu.vector_load %arg5[%get3A_1667] {strides = array<i32>} : memref<32768xf32, #tpu.memory_space<vmem>>, vector<16xf32>,
        %add3A_1669 = arith.constant 2816 : i32
        %add3A_1670 = arith.addi %mul3A_431, %add3A_1669 : i32
        %add3A_1671 = arith.constant 16 : i32
        %add3A_1672 = arith.addi %add3A_1670, %add3A_1671 : i32
        %get3A_1673 = arith.index_cast %add3A_1672 : i32 to index
        %get3A_1674 = tpu.vector_load %arg5[%get3A_1673] {strides = array<i32>} : memref<32768xf32, #tpu.memory_space<vmem>>, vector<16xf32>,
        %max3A_1675 = arith.maximumf %get3A_1668, %get3A_1674 : vector<16xf32>
        %add3A_1676 = arith.constant 2816 : i32
        %add3A_1677 = arith.addi %mul3A_431, %add3A_1676 : i32
        %add3A_1678 = arith.constant 32 : i32
        %add3A_1679 = arith.addi %add3A_1677, %add3A_1678 : i32
        %get3A_1680 = arith.index_cast %add3A_1679 : i32 to index
        %get3A_1681 = tpu.vector_load %arg5[%get3A_1680] {strides = array<i32>} : memref<32768xf32, #tpu.memory_space<vmem>>, vector<16xf32>,
        %max3A_1682 = arith.maximumf %max3A_1675, %get3A_1681 : vector<16xf32>
        %add3A_1683 = arith.constant 2816 : i32
        %add3A_1684 = arith.addi %mul3A_431, %add3A_1683 : i32
        %add3A_1685 = arith.constant 48 : i32
        %add3A_1686 = arith.addi %add3A_1684, %add3A_1685 : i32
        %get3A_1687 = arith.index_cast %add3A_1686 : i32 to index
        %get3A_1688 = tpu.vector_load %arg5[%get3A_1687] {strides = array<i32>} : memref<32768xf32, #tpu.memory_space<vmem>>, vector<16xf32>,
        %max3A_1689 = arith.maximumf %max3A_1682, %get3A_1688 : vector<16xf32>
        %add3A_1690 = arith.constant 2816 : i32
        %add3A_1691 = arith.addi %mul3A_431, %add3A_1690 : i32
        %add3A_1692 = arith.constant 64 : i32
        %add3A_1693 = arith.addi %add3A_1691, %add3A_1692 : i32
        %get3A_1694 = arith.index_cast %add3A_1693 : i32 to index
        %get3A_1695 = tpu.vector_load %arg5[%get3A_1694] {strides = array<i32>} : memref<32768xf32, #tpu.memory_space<vmem>>, vector<16xf32>,
        %max3A_1696 = arith.maximumf %max3A_1689, %get3A_1695 : vector<16xf32>
        %add3A_1697 = arith.constant 2816 : i32
        %add3A_1698 = arith.addi %mul3A_431, %add3A_1697 : i32
        %add3A_1699 = arith.constant 80 : i32
        %add3A_1700 = arith.addi %add3A_1698, %add3A_1699 : i32
        %get3A_1701 = arith.index_cast %add3A_1700 : i32 to index
        %get3A_1702 = tpu.vector_load %arg5[%get3A_1701] {strides = array<i32>} : memref<32768xf32, #tpu.memory_space<vmem>>, vector<16xf32>,
        %max3A_1703 = arith.maximumf %max3A_1696, %get3A_1702 : vector<16xf32>
        %add3A_1704 = arith.constant 2816 : i32
        %add3A_1705 = arith.addi %mul3A_431, %add3A_1704 : i32
        %add3A_1706 = arith.constant 96 : i32
        %add3A_1707 = arith.addi %add3A_1705, %add3A_1706 : i32
        %get3A_1708 = arith.index_cast %add3A_1707 : i32 to index
        %get3A_1709 = tpu.vector_load %arg5[%get3A_1708] {strides = array<i32>} : memref<32768xf32, #tpu.memory_space<vmem>>, vector<16xf32>,
        %max3A_1710 = arith.maximumf %max3A_1703, %get3A_1709 : vector<16xf32>
        %add3A_1711 = arith.constant 2816 : i32
        %add3A_1712 = arith.addi %mul3A_431, %add3A_1711 : i32
        %add3A_1713 = arith.constant 112 : i32
        %add3A_1714 = arith.addi %add3A_1712, %add3A_1713 : i32
        %get3A_1715 = arith.index_cast %add3A_1714 : i32 to index
        %get3A_1716 = tpu.vector_load %arg5[%get3A_1715] {strides = array<i32>} : memref<32768xf32, #tpu.memory_space<vmem>>, vector<16xf32>,
        %max3A_1717 = arith.maximumf %max3A_1710, %get3A_1716 : vector<16xf32>
        %add3A_1718 = arith.constant 2816 : i32
        %add3A_1719 = arith.addi %mul3A_431, %add3A_1718 : i32
        %add3A_1720 = arith.constant 128 : i32
        %add3A_1721 = arith.addi %add3A_1719, %add3A_1720 : i32
        %get3A_1722 = arith.index_cast %add3A_1721 : i32 to index
        %get3A_1723 = tpu.vector_load %arg5[%get3A_1722] {strides = array<i32>} : memref<32768xf32, #tpu.memory_space<vmem>>, vector<16xf32>,
        %max3A_1724 = arith.maximumf %max3A_1717, %get3A_1723 : vector<16xf32>
        %add3A_1725 = arith.constant 2816 : i32
        %add3A_1726 = arith.addi %mul3A_431, %add3A_1725 : i32
        %add3A_1727 = arith.constant 144 : i32
        %add3A_1728 = arith.addi %add3A_1726, %add3A_1727 : i32
        %get3A_1729 = arith.index_cast %add3A_1728 : i32 to index
        %get3A_1730 = tpu.vector_load %arg5[%get3A_1729] {strides = array<i32>} : memref<32768xf32, #tpu.memory_space<vmem>>, vector<16xf32>,
        %max3A_1731 = arith.maximumf %max3A_1724, %get3A_1730 : vector<16xf32>
        %add3A_1732 = arith.constant 2816 : i32
        %add3A_1733 = arith.addi %mul3A_431, %add3A_1732 : i32
        %add3A_1734 = arith.constant 160 : i32
        %add3A_1735 = arith.addi %add3A_1733, %add3A_1734 : i32
        %get3A_1736 = arith.index_cast %add3A_1735 : i32 to index
        %get3A_1737 = tpu.vector_load %arg5[%get3A_1736] {strides = array<i32>} : memref<32768xf32, #tpu.memory_space<vmem>>, vector<16xf32>,
        %max3A_1738 = arith.maximumf %max3A_1731, %get3A_1737 : vector<16xf32>
        %add3A_1739 = arith.constant 2816 : i32
        %add3A_1740 = arith.addi %mul3A_431, %add3A_1739 : i32
        %add3A_1741 = arith.constant 176 : i32
        %add3A_1742 = arith.addi %add3A_1740, %add3A_1741 : i32
        %get3A_1743 = arith.index_cast %add3A_1742 : i32 to index
        %get3A_1744 = tpu.vector_load %arg5[%get3A_1743] {strides = array<i32>} : memref<32768xf32, #tpu.memory_space<vmem>>, vector<16xf32>,
        %max3A_1745 = arith.maximumf %max3A_1738, %get3A_1744 : vector<16xf32>
        %add3A_1746 = arith.constant 2816 : i32
        %add3A_1747 = arith.addi %mul3A_431, %add3A_1746 : i32
        %add3A_1748 = arith.constant 192 : i32
        %add3A_1749 = arith.addi %add3A_1747, %add3A_1748 : i32
        %get3A_1750 = arith.index_cast %add3A_1749 : i32 to index
        %get3A_1751 = tpu.vector_load %arg5[%get3A_1750] {strides = array<i32>} : memref<32768xf32, #tpu.memory_space<vmem>>, vector<16xf32>,
        %max3A_1752 = arith.maximumf %max3A_1745, %get3A_1751 : vector<16xf32>
        %add3A_1753 = arith.constant 2816 : i32
        %add3A_1754 = arith.addi %mul3A_431, %add3A_1753 : i32
        %add3A_1755 = arith.constant 208 : i32
        %add3A_1756 = arith.addi %add3A_1754, %add3A_1755 : i32
        %get3A_1757 = arith.index_cast %add3A_1756 : i32 to index
        %get3A_1758 = tpu.vector_load %arg5[%get3A_1757] {strides = array<i32>} : memref<32768xf32, #tpu.memory_space<vmem>>, vector<16xf32>,
        %max3A_1759 = arith.maximumf %max3A_1752, %get3A_1758 : vector<16xf32>
        %add3A_1760 = arith.constant 2816 : i32
        %add3A_1761 = arith.addi %mul3A_431, %add3A_1760 : i32
        %add3A_1762 = arith.constant 224 : i32
        %add3A_1763 = arith.addi %add3A_1761, %add3A_1762 : i32
        %get3A_1764 = arith.index_cast %add3A_1763 : i32 to index
        %get3A_1765 = tpu.vector_load %arg5[%get3A_1764] {strides = array<i32>} : memref<32768xf32, #tpu.memory_space<vmem>>, vector<16xf32>,
        %max3A_1766 = arith.maximumf %max3A_1759, %get3A_1765 : vector<16xf32>
        %add3A_1767 = arith.constant 2816 : i32
        %add3A_1768 = arith.addi %mul3A_431, %add3A_1767 : i32
        %add3A_1769 = arith.constant 240 : i32
        %add3A_1770 = arith.addi %add3A_1768, %add3A_1769 : i32
        %get3A_1771 = arith.index_cast %add3A_1770 : i32 to index
        %get3A_1772 = tpu.vector_load %arg5[%get3A_1771] {strides = array<i32>} : memref<32768xf32, #tpu.memory_space<vmem>>, vector<16xf32>,
        %max3A_1773 = arith.maximumf %max3A_1766, %get3A_1772 : vector<16xf32>
        %add3A_1774 = arith.constant 176 : i32
        %add3A_1775 = vector.broadcast %add3A_1774 : i32 to vector<16xi32>
        %add3A_1776 = arith.addi %add3A_1775, %iota3A : vector<16xi32>
        %add3A_1777 = arith.constant 3072 : i32
        %add3A_1778 = arith.addi %mul3A_431, %add3A_1777 : i32
        %get3A_1779 = arith.index_cast %add3A_1778 : i32 to index
        %get3A_1780 = tpu.vector_load %arg5[%get3A_1779] {strides = array<i32>} : memref<32768xf32, #tpu.memory_space<vmem>>, vector<16xf32>,
        %add3A_1781 = arith.constant 3072 : i32
        %add3A_1782 = arith.addi %mul3A_431, %add3A_1781 : i32
        %add3A_1783 = arith.constant 16 : i32
        %add3A_1784 = arith.addi %add3A_1782, %add3A_1783 : i32
        %get3A_1785 = arith.index_cast %add3A_1784 : i32 to index
        %get3A_1786 = tpu.vector_load %arg5[%get3A_1785] {strides = array<i32>} : memref<32768xf32, #tpu.memory_space<vmem>>, vector<16xf32>,
        %max3A_1787 = arith.maximumf %get3A_1780, %get3A_1786 : vector<16xf32>
        %add3A_1788 = arith.constant 3072 : i32
        %add3A_1789 = arith.addi %mul3A_431, %add3A_1788 : i32
        %add3A_1790 = arith.constant 32 : i32
        %add3A_1791 = arith.addi %add3A_1789, %add3A_1790 : i32
        %get3A_1792 = arith.index_cast %add3A_1791 : i32 to index
        %get3A_1793 = tpu.vector_load %arg5[%get3A_1792] {strides = array<i32>} : memref<32768xf32, #tpu.memory_space<vmem>>, vector<16xf32>,
        %max3A_1794 = arith.maximumf %max3A_1787, %get3A_1793 : vector<16xf32>
        %add3A_1795 = arith.constant 3072 : i32
        %add3A_1796 = arith.addi %mul3A_431, %add3A_1795 : i32
        %add3A_1797 = arith.constant 48 : i32
        %add3A_1798 = arith.addi %add3A_1796, %add3A_1797 : i32
        %get3A_1799 = arith.index_cast %add3A_1798 : i32 to index
        %get3A_1800 = tpu.vector_load %arg5[%get3A_1799] {strides = array<i32>} : memref<32768xf32, #tpu.memory_space<vmem>>, vector<16xf32>,
        %max3A_1801 = arith.maximumf %max3A_1794, %get3A_1800 : vector<16xf32>
        %add3A_1802 = arith.constant 3072 : i32
        %add3A_1803 = arith.addi %mul3A_431, %add3A_1802 : i32
        %add3A_1804 = arith.constant 64 : i32
        %add3A_1805 = arith.addi %add3A_1803, %add3A_1804 : i32
        %get3A_1806 = arith.index_cast %add3A_1805 : i32 to index
        %get3A_1807 = tpu.vector_load %arg5[%get3A_1806] {strides = array<i32>} : memref<32768xf32, #tpu.memory_space<vmem>>, vector<16xf32>,
        %max3A_1808 = arith.maximumf %max3A_1801, %get3A_1807 : vector<16xf32>
        %add3A_1809 = arith.constant 3072 : i32
        %add3A_1810 = arith.addi %mul3A_431, %add3A_1809 : i32
        %add3A_1811 = arith.constant 80 : i32
        %add3A_1812 = arith.addi %add3A_1810, %add3A_1811 : i32
        %get3A_1813 = arith.index_cast %add3A_1812 : i32 to index
        %get3A_1814 = tpu.vector_load %arg5[%get3A_1813] {strides = array<i32>} : memref<32768xf32, #tpu.memory_space<vmem>>, vector<16xf32>,
        %max3A_1815 = arith.maximumf %max3A_1808, %get3A_1814 : vector<16xf32>
        %add3A_1816 = arith.constant 3072 : i32
        %add3A_1817 = arith.addi %mul3A_431, %add3A_1816 : i32
        %add3A_1818 = arith.constant 96 : i32
        %add3A_1819 = arith.addi %add3A_1817, %add3A_1818 : i32
        %get3A_1820 = arith.index_cast %add3A_1819 : i32 to index
        %get3A_1821 = tpu.vector_load %arg5[%get3A_1820] {strides = array<i32>} : memref<32768xf32, #tpu.memory_space<vmem>>, vector<16xf32>,
        %max3A_1822 = arith.maximumf %max3A_1815, %get3A_1821 : vector<16xf32>
        %add3A_1823 = arith.constant 3072 : i32
        %add3A_1824 = arith.addi %mul3A_431, %add3A_1823 : i32
        %add3A_1825 = arith.constant 112 : i32
        %add3A_1826 = arith.addi %add3A_1824, %add3A_1825 : i32
        %get3A_1827 = arith.index_cast %add3A_1826 : i32 to index
        %get3A_1828 = tpu.vector_load %arg5[%get3A_1827] {strides = array<i32>} : memref<32768xf32, #tpu.memory_space<vmem>>, vector<16xf32>,
        %max3A_1829 = arith.maximumf %max3A_1822, %get3A_1828 : vector<16xf32>
        %add3A_1830 = arith.constant 3072 : i32
        %add3A_1831 = arith.addi %mul3A_431, %add3A_1830 : i32
        %add3A_1832 = arith.constant 128 : i32
        %add3A_1833 = arith.addi %add3A_1831, %add3A_1832 : i32
        %get3A_1834 = arith.index_cast %add3A_1833 : i32 to index
        %get3A_1835 = tpu.vector_load %arg5[%get3A_1834] {strides = array<i32>} : memref<32768xf32, #tpu.memory_space<vmem>>, vector<16xf32>,
        %max3A_1836 = arith.maximumf %max3A_1829, %get3A_1835 : vector<16xf32>
        %add3A_1837 = arith.constant 3072 : i32
        %add3A_1838 = arith.addi %mul3A_431, %add3A_1837 : i32
        %add3A_1839 = arith.constant 144 : i32
        %add3A_1840 = arith.addi %add3A_1838, %add3A_1839 : i32
        %get3A_1841 = arith.index_cast %add3A_1840 : i32 to index
        %get3A_1842 = tpu.vector_load %arg5[%get3A_1841] {strides = array<i32>} : memref<32768xf32, #tpu.memory_space<vmem>>, vector<16xf32>,
        %max3A_1843 = arith.maximumf %max3A_1836, %get3A_1842 : vector<16xf32>
        %add3A_1844 = arith.constant 3072 : i32
        %add3A_1845 = arith.addi %mul3A_431, %add3A_1844 : i32
        %add3A_1846 = arith.constant 160 : i32
        %add3A_1847 = arith.addi %add3A_1845, %add3A_1846 : i32
        %get3A_1848 = arith.index_cast %add3A_1847 : i32 to index
        %get3A_1849 = tpu.vector_load %arg5[%get3A_1848] {strides = array<i32>} : memref<32768xf32, #tpu.memory_space<vmem>>, vector<16xf32>,
        %max3A_1850 = arith.maximumf %max3A_1843, %get3A_1849 : vector<16xf32>
        %add3A_1851 = arith.constant 3072 : i32
        %add3A_1852 = arith.addi %mul3A_431, %add3A_1851 : i32
        %add3A_1853 = arith.constant 176 : i32
        %add3A_1854 = arith.addi %add3A_1852, %add3A_1853 : i32
        %get3A_1855 = arith.index_cast %add3A_1854 : i32 to index
        %get3A_1856 = tpu.vector_load %arg5[%get3A_1855] {strides = array<i32>} : memref<32768xf32, #tpu.memory_space<vmem>>, vector<16xf32>,
        %max3A_1857 = arith.maximumf %max3A_1850, %get3A_1856 : vector<16xf32>
        %add3A_1858 = arith.constant 3072 : i32
        %add3A_1859 = arith.addi %mul3A_431, %add3A_1858 : i32
        %add3A_1860 = arith.constant 192 : i32
        %add3A_1861 = arith.addi %add3A_1859, %add3A_1860 : i32
        %get3A_1862 = arith.index_cast %add3A_1861 : i32 to index
        %get3A_1863 = tpu.vector_load %arg5[%get3A_1862] {strides = array<i32>} : memref<32768xf32, #tpu.memory_space<vmem>>, vector<16xf32>,
        %max3A_1864 = arith.maximumf %max3A_1857, %get3A_1863 : vector<16xf32>
        %add3A_1865 = arith.constant 3072 : i32
        %add3A_1866 = arith.addi %mul3A_431, %add3A_1865 : i32
        %add3A_1867 = arith.constant 208 : i32
        %add3A_1868 = arith.addi %add3A_1866, %add3A_1867 : i32
        %get3A_1869 = arith.index_cast %add3A_1868 : i32 to index
        %get3A_1870 = tpu.vector_load %arg5[%get3A_1869] {strides = array<i32>} : memref<32768xf32, #tpu.memory_space<vmem>>, vector<16xf32>,
        %max3A_1871 = arith.maximumf %max3A_1864, %get3A_1870 : vector<16xf32>
        %add3A_1872 = arith.constant 3072 : i32
        %add3A_1873 = arith.addi %mul3A_431, %add3A_1872 : i32
        %add3A_1874 = arith.constant 224 : i32
        %add3A_1875 = arith.addi %add3A_1873, %add3A_1874 : i32
        %get3A_1876 = arith.index_cast %add3A_1875 : i32 to index
        %get3A_1877 = tpu.vector_load %arg5[%get3A_1876] {strides = array<i32>} : memref<32768xf32, #tpu.memory_space<vmem>>, vector<16xf32>,
        %max3A_1878 = arith.maximumf %max3A_1871, %get3A_1877 : vector<16xf32>
        %add3A_1879 = arith.constant 3072 : i32
        %add3A_1880 = arith.addi %mul3A_431, %add3A_1879 : i32
        %add3A_1881 = arith.constant 240 : i32
        %add3A_1882 = arith.addi %add3A_1880, %add3A_1881 : i32
        %get3A_1883 = arith.index_cast %add3A_1882 : i32 to index
        %get3A_1884 = tpu.vector_load %arg5[%get3A_1883] {strides = array<i32>} : memref<32768xf32, #tpu.memory_space<vmem>>, vector<16xf32>,
        %max3A_1885 = arith.maximumf %max3A_1878, %get3A_1884 : vector<16xf32>
        %add3A_1886 = arith.constant 192 : i32
        %add3A_1887 = vector.broadcast %add3A_1886 : i32 to vector<16xi32>
        %add3A_1888 = arith.addi %add3A_1887, %iota3A : vector<16xi32>
        %add3A_1889 = arith.constant 3328 : i32
        %add3A_1890 = arith.addi %mul3A_431, %add3A_1889 : i32
        %get3A_1891 = arith.index_cast %add3A_1890 : i32 to index
        %get3A_1892 = tpu.vector_load %arg5[%get3A_1891] {strides = array<i32>} : memref<32768xf32, #tpu.memory_space<vmem>>, vector<16xf32>,
        %add3A_1893 = arith.constant 3328 : i32
        %add3A_1894 = arith.addi %mul3A_431, %add3A_1893 : i32
        %add3A_1895 = arith.constant 16 : i32
        %add3A_1896 = arith.addi %add3A_1894, %add3A_1895 : i32
        %get3A_1897 = arith.index_cast %add3A_1896 : i32 to index
        %get3A_1898 = tpu.vector_load %arg5[%get3A_1897] {strides = array<i32>} : memref<32768xf32, #tpu.memory_space<vmem>>, vector<16xf32>,
        %max3A_1899 = arith.maximumf %get3A_1892, %get3A_1898 : vector<16xf32>
        %add3A_1900 = arith.constant 3328 : i32
        %add3A_1901 = arith.addi %mul3A_431, %add3A_1900 : i32
        %add3A_1902 = arith.constant 32 : i32
        %add3A_1903 = arith.addi %add3A_1901, %add3A_1902 : i32
        %get3A_1904 = arith.index_cast %add3A_1903 : i32 to index
        %get3A_1905 = tpu.vector_load %arg5[%get3A_1904] {strides = array<i32>} : memref<32768xf32, #tpu.memory_space<vmem>>, vector<16xf32>,
        %max3A_1906 = arith.maximumf %max3A_1899, %get3A_1905 : vector<16xf32>
        %add3A_1907 = arith.constant 3328 : i32
        %add3A_1908 = arith.addi %mul3A_431, %add3A_1907 : i32
        %add3A_1909 = arith.constant 48 : i32
        %add3A_1910 = arith.addi %add3A_1908, %add3A_1909 : i32
        %get3A_1911 = arith.index_cast %add3A_1910 : i32 to index
        %get3A_1912 = tpu.vector_load %arg5[%get3A_1911] {strides = array<i32>} : memref<32768xf32, #tpu.memory_space<vmem>>, vector<16xf32>,
        %max3A_1913 = arith.maximumf %max3A_1906, %get3A_1912 : vector<16xf32>
        %add3A_1914 = arith.constant 3328 : i32
        %add3A_1915 = arith.addi %mul3A_431, %add3A_1914 : i32
        %add3A_1916 = arith.constant 64 : i32
        %add3A_1917 = arith.addi %add3A_1915, %add3A_1916 : i32
        %get3A_1918 = arith.index_cast %add3A_1917 : i32 to index
        %get3A_1919 = tpu.vector_load %arg5[%get3A_1918] {strides = array<i32>} : memref<32768xf32, #tpu.memory_space<vmem>>, vector<16xf32>,
        %max3A_1920 = arith.maximumf %max3A_1913, %get3A_1919 : vector<16xf32>
        %add3A_1921 = arith.constant 3328 : i32
        %add3A_1922 = arith.addi %mul3A_431, %add3A_1921 : i32
        %add3A_1923 = arith.constant 80 : i32
        %add3A_1924 = arith.addi %add3A_1922, %add3A_1923 : i32
        %get3A_1925 = arith.index_cast %add3A_1924 : i32 to index
        %get3A_1926 = tpu.vector_load %arg5[%get3A_1925] {strides = array<i32>} : memref<32768xf32, #tpu.memory_space<vmem>>, vector<16xf32>,
        %max3A_1927 = arith.maximumf %max3A_1920, %get3A_1926 : vector<16xf32>
        %add3A_1928 = arith.constant 3328 : i32
        %add3A_1929 = arith.addi %mul3A_431, %add3A_1928 : i32
        %add3A_1930 = arith.constant 96 : i32
        %add3A_1931 = arith.addi %add3A_1929, %add3A_1930 : i32
        %get3A_1932 = arith.index_cast %add3A_1931 : i32 to index
        %get3A_1933 = tpu.vector_load %arg5[%get3A_1932] {strides = array<i32>} : memref<32768xf32, #tpu.memory_space<vmem>>, vector<16xf32>,
        %max3A_1934 = arith.maximumf %max3A_1927, %get3A_1933 : vector<16xf32>
        %add3A_1935 = arith.constant 3328 : i32
        %add3A_1936 = arith.addi %mul3A_431, %add3A_1935 : i32
        %add3A_1937 = arith.constant 112 : i32
        %add3A_1938 = arith.addi %add3A_1936, %add3A_1937 : i32
        %get3A_1939 = arith.index_cast %add3A_1938 : i32 to index
        %get3A_1940 = tpu.vector_load %arg5[%get3A_1939] {strides = array<i32>} : memref<32768xf32, #tpu.memory_space<vmem>>, vector<16xf32>,
        %max3A_1941 = arith.maximumf %max3A_1934, %get3A_1940 : vector<16xf32>
        %add3A_1942 = arith.constant 3328 : i32
        %add3A_1943 = arith.addi %mul3A_431, %add3A_1942 : i32
        %add3A_1944 = arith.constant 128 : i32
        %add3A_1945 = arith.addi %add3A_1943, %add3A_1944 : i32
        %get3A_1946 = arith.index_cast %add3A_1945 : i32 to index
        %get3A_1947 = tpu.vector_load %arg5[%get3A_1946] {strides = array<i32>} : memref<32768xf32, #tpu.memory_space<vmem>>, vector<16xf32>,
        %max3A_1948 = arith.maximumf %max3A_1941, %get3A_1947 : vector<16xf32>
        %add3A_1949 = arith.constant 3328 : i32
        %add3A_1950 = arith.addi %mul3A_431, %add3A_1949 : i32
        %add3A_1951 = arith.constant 144 : i32
        %add3A_1952 = arith.addi %add3A_1950, %add3A_1951 : i32
        %get3A_1953 = arith.index_cast %add3A_1952 : i32 to index
        %get3A_1954 = tpu.vector_load %arg5[%get3A_1953] {strides = array<i32>} : memref<32768xf32, #tpu.memory_space<vmem>>, vector<16xf32>,
        %max3A_1955 = arith.maximumf %max3A_1948, %get3A_1954 : vector<16xf32>
        %add3A_1956 = arith.constant 3328 : i32
        %add3A_1957 = arith.addi %mul3A_431, %add3A_1956 : i32
        %add3A_1958 = arith.constant 160 : i32
        %add3A_1959 = arith.addi %add3A_1957, %add3A_1958 : i32
        %get3A_1960 = arith.index_cast %add3A_1959 : i32 to index
        %get3A_1961 = tpu.vector_load %arg5[%get3A_1960] {strides = array<i32>} : memref<32768xf32, #tpu.memory_space<vmem>>, vector<16xf32>,
        %max3A_1962 = arith.maximumf %max3A_1955, %get3A_1961 : vector<16xf32>
        %add3A_1963 = arith.constant 3328 : i32
        %add3A_1964 = arith.addi %mul3A_431, %add3A_1963 : i32
        %add3A_1965 = arith.constant 176 : i32
        %add3A_1966 = arith.addi %add3A_1964, %add3A_1965 : i32
        %get3A_1967 = arith.index_cast %add3A_1966 : i32 to index
        %get3A_1968 = tpu.vector_load %arg5[%get3A_1967] {strides = array<i32>} : memref<32768xf32, #tpu.memory_space<vmem>>, vector<16xf32>,
        %max3A_1969 = arith.maximumf %max3A_1962, %get3A_1968 : vector<16xf32>
        %add3A_1970 = arith.constant 3328 : i32
        %add3A_1971 = arith.addi %mul3A_431, %add3A_1970 : i32
        %add3A_1972 = arith.constant 192 : i32
        %add3A_1973 = arith.addi %add3A_1971, %add3A_1972 : i32
        %get3A_1974 = arith.index_cast %add3A_1973 : i32 to index
        %get3A_1975 = tpu.vector_load %arg5[%get3A_1974] {strides = array<i32>} : memref<32768xf32, #tpu.memory_space<vmem>>, vector<16xf32>,
        %max3A_1976 = arith.maximumf %max3A_1969, %get3A_1975 : vector<16xf32>
        %add3A_1977 = arith.constant 3328 : i32
        %add3A_1978 = arith.addi %mul3A_431, %add3A_1977 : i32
        %add3A_1979 = arith.constant 208 : i32
        %add3A_1980 = arith.addi %add3A_1978, %add3A_1979 : i32
        %get3A_1981 = arith.index_cast %add3A_1980 : i32 to index
        %get3A_1982 = tpu.vector_load %arg5[%get3A_1981] {strides = array<i32>} : memref<32768xf32, #tpu.memory_space<vmem>>, vector<16xf32>,
        %max3A_1983 = arith.maximumf %max3A_1976, %get3A_1982 : vector<16xf32>
        %add3A_1984 = arith.constant 3328 : i32
        %add3A_1985 = arith.addi %mul3A_431, %add3A_1984 : i32
        %add3A_1986 = arith.constant 224 : i32
        %add3A_1987 = arith.addi %add3A_1985, %add3A_1986 : i32
        %get3A_1988 = arith.index_cast %add3A_1987 : i32 to index
        %get3A_1989 = tpu.vector_load %arg5[%get3A_1988] {strides = array<i32>} : memref<32768xf32, #tpu.memory_space<vmem>>, vector<16xf32>,
        %max3A_1990 = arith.maximumf %max3A_1983, %get3A_1989 : vector<16xf32>
        %add3A_1991 = arith.constant 3328 : i32
        %add3A_1992 = arith.addi %mul3A_431, %add3A_1991 : i32
        %add3A_1993 = arith.constant 240 : i32
        %add3A_1994 = arith.addi %add3A_1992, %add3A_1993 : i32
        %get3A_1995 = arith.index_cast %add3A_1994 : i32 to index
        %get3A_1996 = tpu.vector_load %arg5[%get3A_1995] {strides = array<i32>} : memref<32768xf32, #tpu.memory_space<vmem>>, vector<16xf32>,
        %max3A_1997 = arith.maximumf %max3A_1990, %get3A_1996 : vector<16xf32>
        %add3A_1998 = arith.constant 208 : i32
        %add3A_1999 = vector.broadcast %add3A_1998 : i32 to vector<16xi32>
        %add3A_2000 = arith.addi %add3A_1999, %iota3A : vector<16xi32>
        %add3A_2001 = arith.constant 3584 : i32
        %add3A_2002 = arith.addi %mul3A_431, %add3A_2001 : i32
        %get3A_2003 = arith.index_cast %add3A_2002 : i32 to index
        %get3A_2004 = tpu.vector_load %arg5[%get3A_2003] {strides = array<i32>} : memref<32768xf32, #tpu.memory_space<vmem>>, vector<16xf32>,
        %add3A_2005 = arith.constant 3584 : i32
        %add3A_2006 = arith.addi %mul3A_431, %add3A_2005 : i32
        %add3A_2007 = arith.constant 16 : i32
        %add3A_2008 = arith.addi %add3A_2006, %add3A_2007 : i32
        %get3A_2009 = arith.index_cast %add3A_2008 : i32 to index
        %get3A_2010 = tpu.vector_load %arg5[%get3A_2009] {strides = array<i32>} : memref<32768xf32, #tpu.memory_space<vmem>>, vector<16xf32>,
        %max3A_2011 = arith.maximumf %get3A_2004, %get3A_2010 : vector<16xf32>
        %add3A_2012 = arith.constant 3584 : i32
        %add3A_2013 = arith.addi %mul3A_431, %add3A_2012 : i32
        %add3A_2014 = arith.constant 32 : i32
        %add3A_2015 = arith.addi %add3A_2013, %add3A_2014 : i32
        %get3A_2016 = arith.index_cast %add3A_2015 : i32 to index
        %get3A_2017 = tpu.vector_load %arg5[%get3A_2016] {strides = array<i32>} : memref<32768xf32, #tpu.memory_space<vmem>>, vector<16xf32>,
        %max3A_2018 = arith.maximumf %max3A_2011, %get3A_2017 : vector<16xf32>
        %add3A_2019 = arith.constant 3584 : i32
        %add3A_2020 = arith.addi %mul3A_431, %add3A_2019 : i32
        %add3A_2021 = arith.constant 48 : i32
        %add3A_2022 = arith.addi %add3A_2020, %add3A_2021 : i32
        %get3A_2023 = arith.index_cast %add3A_2022 : i32 to index
        %get3A_2024 = tpu.vector_load %arg5[%get3A_2023] {strides = array<i32>} : memref<32768xf32, #tpu.memory_space<vmem>>, vector<16xf32>,
        %max3A_2025 = arith.maximumf %max3A_2018, %get3A_2024 : vector<16xf32>
        %add3A_2026 = arith.constant 3584 : i32
        %add3A_2027 = arith.addi %mul3A_431, %add3A_2026 : i32
        %add3A_2028 = arith.constant 64 : i32
        %add3A_2029 = arith.addi %add3A_2027, %add3A_2028 : i32
        %get3A_2030 = arith.index_cast %add3A_2029 : i32 to index
        %get3A_2031 = tpu.vector_load %arg5[%get3A_2030] {strides = array<i32>} : memref<32768xf32, #tpu.memory_space<vmem>>, vector<16xf32>,
        %max3A_2032 = arith.maximumf %max3A_2025, %get3A_2031 : vector<16xf32>
        %add3A_2033 = arith.constant 3584 : i32
        %add3A_2034 = arith.addi %mul3A_431, %add3A_2033 : i32
        %add3A_2035 = arith.constant 80 : i32
        %add3A_2036 = arith.addi %add3A_2034, %add3A_2035 : i32
        %get3A_2037 = arith.index_cast %add3A_2036 : i32 to index
        %get3A_2038 = tpu.vector_load %arg5[%get3A_2037] {strides = array<i32>} : memref<32768xf32, #tpu.memory_space<vmem>>, vector<16xf32>,
        %max3A_2039 = arith.maximumf %max3A_2032, %get3A_2038 : vector<16xf32>
        %add3A_2040 = arith.constant 3584 : i32
        %add3A_2041 = arith.addi %mul3A_431, %add3A_2040 : i32
        %add3A_2042 = arith.constant 96 : i32
        %add3A_2043 = arith.addi %add3A_2041, %add3A_2042 : i32
        %get3A_2044 = arith.index_cast %add3A_2043 : i32 to index
        %get3A_2045 = tpu.vector_load %arg5[%get3A_2044] {strides = array<i32>} : memref<32768xf32, #tpu.memory_space<vmem>>, vector<16xf32>,
        %max3A_2046 = arith.maximumf %max3A_2039, %get3A_2045 : vector<16xf32>
        %add3A_2047 = arith.constant 3584 : i32
        %add3A_2048 = arith.addi %mul3A_431, %add3A_2047 : i32
        %add3A_2049 = arith.constant 112 : i32
        %add3A_2050 = arith.addi %add3A_2048, %add3A_2049 : i32
        %get3A_2051 = arith.index_cast %add3A_2050 : i32 to index
        %get3A_2052 = tpu.vector_load %arg5[%get3A_2051] {strides = array<i32>} : memref<32768xf32, #tpu.memory_space<vmem>>, vector<16xf32>,
        %max3A_2053 = arith.maximumf %max3A_2046, %get3A_2052 : vector<16xf32>
        %add3A_2054 = arith.constant 3584 : i32
        %add3A_2055 = arith.addi %mul3A_431, %add3A_2054 : i32
        %add3A_2056 = arith.constant 128 : i32
        %add3A_2057 = arith.addi %add3A_2055, %add3A_2056 : i32
        %get3A_2058 = arith.index_cast %add3A_2057 : i32 to index
        %get3A_2059 = tpu.vector_load %arg5[%get3A_2058] {strides = array<i32>} : memref<32768xf32, #tpu.memory_space<vmem>>, vector<16xf32>,
        %max3A_2060 = arith.maximumf %max3A_2053, %get3A_2059 : vector<16xf32>
        %add3A_2061 = arith.constant 3584 : i32
        %add3A_2062 = arith.addi %mul3A_431, %add3A_2061 : i32
        %add3A_2063 = arith.constant 144 : i32
        %add3A_2064 = arith.addi %add3A_2062, %add3A_2063 : i32
        %get3A_2065 = arith.index_cast %add3A_2064 : i32 to index
        %get3A_2066 = tpu.vector_load %arg5[%get3A_2065] {strides = array<i32>} : memref<32768xf32, #tpu.memory_space<vmem>>, vector<16xf32>,
        %max3A_2067 = arith.maximumf %max3A_2060, %get3A_2066 : vector<16xf32>
        %add3A_2068 = arith.constant 3584 : i32
        %add3A_2069 = arith.addi %mul3A_431, %add3A_2068 : i32
        %add3A_2070 = arith.constant 160 : i32
        %add3A_2071 = arith.addi %add3A_2069, %add3A_2070 : i32
        %get3A_2072 = arith.index_cast %add3A_2071 : i32 to index
        %get3A_2073 = tpu.vector_load %arg5[%get3A_2072] {strides = array<i32>} : memref<32768xf32, #tpu.memory_space<vmem>>, vector<16xf32>,
        %max3A_2074 = arith.maximumf %max3A_2067, %get3A_2073 : vector<16xf32>
        %add3A_2075 = arith.constant 3584 : i32
        %add3A_2076 = arith.addi %mul3A_431, %add3A_2075 : i32
        %add3A_2077 = arith.constant 176 : i32
        %add3A_2078 = arith.addi %add3A_2076, %add3A_2077 : i32
        %get3A_2079 = arith.index_cast %add3A_2078 : i32 to index
        %get3A_2080 = tpu.vector_load %arg5[%get3A_2079] {strides = array<i32>} : memref<32768xf32, #tpu.memory_space<vmem>>, vector<16xf32>,
        %max3A_2081 = arith.maximumf %max3A_2074, %get3A_2080 : vector<16xf32>
        %add3A_2082 = arith.constant 3584 : i32
        %add3A_2083 = arith.addi %mul3A_431, %add3A_2082 : i32
        %add3A_2084 = arith.constant 192 : i32
        %add3A_2085 = arith.addi %add3A_2083, %add3A_2084 : i32
        %get3A_2086 = arith.index_cast %add3A_2085 : i32 to index
        %get3A_2087 = tpu.vector_load %arg5[%get3A_2086] {strides = array<i32>} : memref<32768xf32, #tpu.memory_space<vmem>>, vector<16xf32>,
        %max3A_2088 = arith.maximumf %max3A_2081, %get3A_2087 : vector<16xf32>
        %add3A_2089 = arith.constant 3584 : i32
        %add3A_2090 = arith.addi %mul3A_431, %add3A_2089 : i32
        %add3A_2091 = arith.constant 208 : i32
        %add3A_2092 = arith.addi %add3A_2090, %add3A_2091 : i32
        %get3A_2093 = arith.index_cast %add3A_2092 : i32 to index
        %get3A_2094 = tpu.vector_load %arg5[%get3A_2093] {strides = array<i32>} : memref<32768xf32, #tpu.memory_space<vmem>>, vector<16xf32>,
        %max3A_2095 = arith.maximumf %max3A_2088, %get3A_2094 : vector<16xf32>
        %add3A_2096 = arith.constant 3584 : i32
        %add3A_2097 = arith.addi %mul3A_431, %add3A_2096 : i32
        %add3A_2098 = arith.constant 224 : i32
        %add3A_2099 = arith.addi %add3A_2097, %add3A_2098 : i32
        %get3A_2100 = arith.index_cast %add3A_2099 : i32 to index
        %get3A_2101 = tpu.vector_load %arg5[%get3A_2100] {strides = array<i32>} : memref<32768xf32, #tpu.memory_space<vmem>>, vector<16xf32>,
        %max3A_2102 = arith.maximumf %max3A_2095, %get3A_2101 : vector<16xf32>
        %add3A_2103 = arith.constant 3584 : i32
        %add3A_2104 = arith.addi %mul3A_431, %add3A_2103 : i32
        %add3A_2105 = arith.constant 240 : i32
        %add3A_2106 = arith.addi %add3A_2104, %add3A_2105 : i32
        %get3A_2107 = arith.index_cast %add3A_2106 : i32 to index
        %get3A_2108 = tpu.vector_load %arg5[%get3A_2107] {strides = array<i32>} : memref<32768xf32, #tpu.memory_space<vmem>>, vector<16xf32>,
        %max3A_2109 = arith.maximumf %max3A_2102, %get3A_2108 : vector<16xf32>
        %add3A_2110 = arith.constant 224 : i32
        %add3A_2111 = vector.broadcast %add3A_2110 : i32 to vector<16xi32>
        %add3A_2112 = arith.addi %add3A_2111, %iota3A : vector<16xi32>
        %add3A_2113 = arith.constant 3840 : i32
        %add3A_2114 = arith.addi %mul3A_431, %add3A_2113 : i32
        %get3A_2115 = arith.index_cast %add3A_2114 : i32 to index
        %get3A_2116 = tpu.vector_load %arg5[%get3A_2115] {strides = array<i32>} : memref<32768xf32, #tpu.memory_space<vmem>>, vector<16xf32>,
        %add3A_2117 = arith.constant 3840 : i32
        %add3A_2118 = arith.addi %mul3A_431, %add3A_2117 : i32
        %add3A_2119 = arith.constant 16 : i32
        %add3A_2120 = arith.addi %add3A_2118, %add3A_2119 : i32
        %get3A_2121 = arith.index_cast %add3A_2120 : i32 to index
        %get3A_2122 = tpu.vector_load %arg5[%get3A_2121] {strides = array<i32>} : memref<32768xf32, #tpu.memory_space<vmem>>, vector<16xf32>,
        %max3A_2123 = arith.maximumf %get3A_2116, %get3A_2122 : vector<16xf32>
        %add3A_2124 = arith.constant 3840 : i32
        %add3A_2125 = arith.addi %mul3A_431, %add3A_2124 : i32
        %add3A_2126 = arith.constant 32 : i32
        %add3A_2127 = arith.addi %add3A_2125, %add3A_2126 : i32
        %get3A_2128 = arith.index_cast %add3A_2127 : i32 to index
        %get3A_2129 = tpu.vector_load %arg5[%get3A_2128] {strides = array<i32>} : memref<32768xf32, #tpu.memory_space<vmem>>, vector<16xf32>,
        %max3A_2130 = arith.maximumf %max3A_2123, %get3A_2129 : vector<16xf32>
        %add3A_2131 = arith.constant 3840 : i32
        %add3A_2132 = arith.addi %mul3A_431, %add3A_2131 : i32
        %add3A_2133 = arith.constant 48 : i32
        %add3A_2134 = arith.addi %add3A_2132, %add3A_2133 : i32
        %get3A_2135 = arith.index_cast %add3A_2134 : i32 to index
        %get3A_2136 = tpu.vector_load %arg5[%get3A_2135] {strides = array<i32>} : memref<32768xf32, #tpu.memory_space<vmem>>, vector<16xf32>,
        %max3A_2137 = arith.maximumf %max3A_2130, %get3A_2136 : vector<16xf32>
        %add3A_2138 = arith.constant 3840 : i32
        %add3A_2139 = arith.addi %mul3A_431, %add3A_2138 : i32
        %add3A_2140 = arith.constant 64 : i32
        %add3A_2141 = arith.addi %add3A_2139, %add3A_2140 : i32
        %get3A_2142 = arith.index_cast %add3A_2141 : i32 to index
        %get3A_2143 = tpu.vector_load %arg5[%get3A_2142] {strides = array<i32>} : memref<32768xf32, #tpu.memory_space<vmem>>, vector<16xf32>,
        %max3A_2144 = arith.maximumf %max3A_2137, %get3A_2143 : vector<16xf32>
        %add3A_2145 = arith.constant 3840 : i32
        %add3A_2146 = arith.addi %mul3A_431, %add3A_2145 : i32
        %add3A_2147 = arith.constant 80 : i32
        %add3A_2148 = arith.addi %add3A_2146, %add3A_2147 : i32
        %get3A_2149 = arith.index_cast %add3A_2148 : i32 to index
        %get3A_2150 = tpu.vector_load %arg5[%get3A_2149] {strides = array<i32>} : memref<32768xf32, #tpu.memory_space<vmem>>, vector<16xf32>,
        %max3A_2151 = arith.maximumf %max3A_2144, %get3A_2150 : vector<16xf32>
        %add3A_2152 = arith.constant 3840 : i32
        %add3A_2153 = arith.addi %mul3A_431, %add3A_2152 : i32
        %add3A_2154 = arith.constant 96 : i32
        %add3A_2155 = arith.addi %add3A_2153, %add3A_2154 : i32
        %get3A_2156 = arith.index_cast %add3A_2155 : i32 to index
        %get3A_2157 = tpu.vector_load %arg5[%get3A_2156] {strides = array<i32>} : memref<32768xf32, #tpu.memory_space<vmem>>, vector<16xf32>,
        %max3A_2158 = arith.maximumf %max3A_2151, %get3A_2157 : vector<16xf32>
        %add3A_2159 = arith.constant 3840 : i32
        %add3A_2160 = arith.addi %mul3A_431, %add3A_2159 : i32
        %add3A_2161 = arith.constant 112 : i32
        %add3A_2162 = arith.addi %add3A_2160, %add3A_2161 : i32
        %get3A_2163 = arith.index_cast %add3A_2162 : i32 to index
        %get3A_2164 = tpu.vector_load %arg5[%get3A_2163] {strides = array<i32>} : memref<32768xf32, #tpu.memory_space<vmem>>, vector<16xf32>,
        %max3A_2165 = arith.maximumf %max3A_2158, %get3A_2164 : vector<16xf32>
        %add3A_2166 = arith.constant 3840 : i32
        %add3A_2167 = arith.addi %mul3A_431, %add3A_2166 : i32
        %add3A_2168 = arith.constant 128 : i32
        %add3A_2169 = arith.addi %add3A_2167, %add3A_2168 : i32
        %get3A_2170 = arith.index_cast %add3A_2169 : i32 to index
        %get3A_2171 = tpu.vector_load %arg5[%get3A_2170] {strides = array<i32>} : memref<32768xf32, #tpu.memory_space<vmem>>, vector<16xf32>,
        %max3A_2172 = arith.maximumf %max3A_2165, %get3A_2171 : vector<16xf32>
        %add3A_2173 = arith.constant 3840 : i32
        %add3A_2174 = arith.addi %mul3A_431, %add3A_2173 : i32
        %add3A_2175 = arith.constant 144 : i32
        %add3A_2176 = arith.addi %add3A_2174, %add3A_2175 : i32
        %get3A_2177 = arith.index_cast %add3A_2176 : i32 to index
        %get3A_2178 = tpu.vector_load %arg5[%get3A_2177] {strides = array<i32>} : memref<32768xf32, #tpu.memory_space<vmem>>, vector<16xf32>,
        %max3A_2179 = arith.maximumf %max3A_2172, %get3A_2178 : vector<16xf32>
        %add3A_2180 = arith.constant 3840 : i32
        %add3A_2181 = arith.addi %mul3A_431, %add3A_2180 : i32
        %add3A_2182 = arith.constant 160 : i32
        %add3A_2183 = arith.addi %add3A_2181, %add3A_2182 : i32
        %get3A_2184 = arith.index_cast %add3A_2183 : i32 to index
        %get3A_2185 = tpu.vector_load %arg5[%get3A_2184] {strides = array<i32>} : memref<32768xf32, #tpu.memory_space<vmem>>, vector<16xf32>,
        %max3A_2186 = arith.maximumf %max3A_2179, %get3A_2185 : vector<16xf32>
        %add3A_2187 = arith.constant 3840 : i32
        %add3A_2188 = arith.addi %mul3A_431, %add3A_2187 : i32
        %add3A_2189 = arith.constant 176 : i32
        %add3A_2190 = arith.addi %add3A_2188, %add3A_2189 : i32
        %get3A_2191 = arith.index_cast %add3A_2190 : i32 to index
        %get3A_2192 = tpu.vector_load %arg5[%get3A_2191] {strides = array<i32>} : memref<32768xf32, #tpu.memory_space<vmem>>, vector<16xf32>,
        %max3A_2193 = arith.maximumf %max3A_2186, %get3A_2192 : vector<16xf32>
        %add3A_2194 = arith.constant 3840 : i32
        %add3A_2195 = arith.addi %mul3A_431, %add3A_2194 : i32
        %add3A_2196 = arith.constant 192 : i32
        %add3A_2197 = arith.addi %add3A_2195, %add3A_2196 : i32
        %get3A_2198 = arith.index_cast %add3A_2197 : i32 to index
        %get3A_2199 = tpu.vector_load %arg5[%get3A_2198] {strides = array<i32>} : memref<32768xf32, #tpu.memory_space<vmem>>, vector<16xf32>,
        %max3A_2200 = arith.maximumf %max3A_2193, %get3A_2199 : vector<16xf32>
        %add3A_2201 = arith.constant 3840 : i32
        %add3A_2202 = arith.addi %mul3A_431, %add3A_2201 : i32
        %add3A_2203 = arith.constant 208 : i32
        %add3A_2204 = arith.addi %add3A_2202, %add3A_2203 : i32
        %get3A_2205 = arith.index_cast %add3A_2204 : i32 to index
        %get3A_2206 = tpu.vector_load %arg5[%get3A_2205] {strides = array<i32>} : memref<32768xf32, #tpu.memory_space<vmem>>, vector<16xf32>,
        %max3A_2207 = arith.maximumf %max3A_2200, %get3A_2206 : vector<16xf32>
        %add3A_2208 = arith.constant 3840 : i32
        %add3A_2209 = arith.addi %mul3A_431, %add3A_2208 : i32
        %add3A_2210 = arith.constant 224 : i32
        %add3A_2211 = arith.addi %add3A_2209, %add3A_2210 : i32
        %get3A_2212 = arith.index_cast %add3A_2211 : i32 to index
        %get3A_2213 = tpu.vector_load %arg5[%get3A_2212] {strides = array<i32>} : memref<32768xf32, #tpu.memory_space<vmem>>, vector<16xf32>,
        %max3A_2214 = arith.maximumf %max3A_2207, %get3A_2213 : vector<16xf32>
        %add3A_2215 = arith.constant 3840 : i32
        %add3A_2216 = arith.addi %mul3A_431, %add3A_2215 : i32
        %add3A_2217 = arith.constant 240 : i32
        %add3A_2218 = arith.addi %add3A_2216, %add3A_2217 : i32
        %get3A_2219 = arith.index_cast %add3A_2218 : i32 to index
        %get3A_2220 = tpu.vector_load %arg5[%get3A_2219] {strides = array<i32>} : memref<32768xf32, #tpu.memory_space<vmem>>, vector<16xf32>,
        %max3A_2221 = arith.maximumf %max3A_2214, %get3A_2220 : vector<16xf32>
        %add3A_2222 = arith.constant 240 : i32
        %add3A_2223 = vector.broadcast %add3A_2222 : i32 to vector<16xi32>
        %add3A_2224 = arith.addi %add3A_2223, %iota3A : vector<16xi32>
        %masked_sort3A = arith.constant dense<true> : vector<16xi1>
        %masked_sort3A_2225, %masked_sort3A_2226, %masked_sort3A_2227 = tpu.sort %max3A_541, %add3A_544 masked %masked_sort3A : (vector<16xf32>, vector<16xi32>, vector<16xi1>) -> (vector<16xi1>, vector<16xf32>, vector<16xi32>)
        %masked_sort3A_2228 = arith.constant dense<true> : vector<16xi1>
        %masked_sort3A_2229, %masked_sort3A_2230, %masked_sort3A_2231 = tpu.sort %max3A_653, %add3A_656 masked %masked_sort3A_2228 {descending = true} : (vector<16xf32>, vector<16xi32>, vector<16xi1>) -> (vector<16xi1>, vector<16xf32>, vector<16xi32>)
        %max3A_2232 = arith.maximumf %masked_sort3A_2226, %masked_sort3A_2230 : vector<16xf32>
        %ge3A = arith.cmpf oge, %masked_sort3A_2226, %masked_sort3A_2230 : vector<16xf32>
        %select_n3A = arith.select %ge3A, %masked_sort3A_2227, %masked_sort3A_2231 : vector<16xi1>, vector<16xi32>
        %masked_sort3A_2233 = arith.constant dense<true> : vector<16xi1>
        %masked_sort3A_2234, %masked_sort3A_2235, %masked_sort3A_2236 = tpu.sort %max3A_2232, %select_n3A masked %masked_sort3A_2233 : (vector<16xf32>, vector<16xi32>, vector<16xi1>) -> (vector<16xi1>, vector<16xf32>, vector<16xi32>)
        %masked_sort3A_2237 = arith.constant dense<true> : vector<16xi1>
        %masked_sort3A_2238, %masked_sort3A_2239, %masked_sort3A_2240 = tpu.sort %max3A_765, %add3A_768 masked %masked_sort3A_2237 : (vector<16xf32>, vector<16xi32>, vector<16xi1>) -> (vector<16xi1>, vector<16xf32>, vector<16xi32>)
        %masked_sort3A_2241 = arith.constant dense<true> : vector<16xi1>
        %masked_sort3A_2242, %masked_sort3A_2243, %masked_sort3A_2244 = tpu.sort %max3A_877, %add3A_880 masked %masked_sort3A_2241 {descending = true} : (vector<16xf32>, vector<16xi32>, vector<16xi1>) -> (vector<16xi1>, vector<16xf32>, vector<16xi32>)
        %max3A_2245 = arith.maximumf %masked_sort3A_2239, %masked_sort3A_2243 : vector<16xf32>
        %ge3A_2246 = arith.cmpf oge, %masked_sort3A_2239, %masked_sort3A_2243 : vector<16xf32>
        %select_n3A_2247 = arith.select %ge3A_2246, %masked_sort3A_2240, %masked_sort3A_2244 : vector<16xi1>, vector<16xi32>
        %masked_sort3A_2248 = arith.constant dense<true> : vector<16xi1>
        %masked_sort3A_2249, %masked_sort3A_2250, %masked_sort3A_2251 = tpu.sort %max3A_2245, %select_n3A_2247 masked %masked_sort3A_2248 {descending = true} : (vector<16xf32>, vector<16xi32>, vector<16xi1>) -> (vector<16xi1>, vector<16xf32>, vector<16xi32>)
        %max3A_2252 = arith.maximumf %masked_sort3A_2235, %masked_sort3A_2250 : vector<16xf32>
        %ge3A_2253 = arith.cmpf oge, %masked_sort3A_2235, %masked_sort3A_2250 : vector<16xf32>
        %select_n3A_2254 = arith.select %ge3A_2253, %masked_sort3A_2236, %masked_sort3A_2251 : vector<16xi1>, vector<16xi32>
        %masked_sort3A_2255 = arith.constant dense<true> : vector<16xi1>
        %masked_sort3A_2256, %masked_sort3A_2257, %masked_sort3A_2258 = tpu.sort %max3A_2252, %select_n3A_2254 masked %masked_sort3A_2255 : (vector<16xf32>, vector<16xi32>, vector<16xi1>) -> (vector<16xi1>, vector<16xf32>, vector<16xi32>)
        %masked_sort3A_2259 = arith.constant dense<true> : vector<16xi1>
        %masked_sort3A_2260, %masked_sort3A_2261, %masked_sort3A_2262 = tpu.sort %max3A_989, %add3A_992 masked %masked_sort3A_2259 : (vector<16xf32>, vector<16xi32>, vector<16xi1>) -> (vector<16xi1>, vector<16xf32>, vector<16xi32>)
        %masked_sort3A_2263 = arith.constant dense<true> : vector<16xi1>
        %masked_sort3A_2264, %masked_sort3A_2265, %masked_sort3A_2266 = tpu.sort %max3A_1101, %add3A_1104 masked %masked_sort3A_2263 {descending = true} : (vector<16xf32>, vector<16xi32>, vector<16xi1>) -> (vector<16xi1>, vector<16xf32>, vector<16xi32>)
        %max3A_2267 = arith.maximumf %masked_sort3A_2261, %masked_sort3A_2265 : vector<16xf32>
        %ge3A_2268 = arith.cmpf oge, %masked_sort3A_2261, %masked_sort3A_2265 : vector<16xf32>
        %select_n3A_2269 = arith.select %ge3A_2268, %masked_sort3A_2262, %masked_sort3A_2266 : vector<16xi1>, vector<16xi32>
        %masked_sort3A_2270 = arith.constant dense<true> : vector<16xi1>
        %masked_sort3A_2271, %masked_sort3A_2272, %masked_sort3A_2273 = tpu.sort %max3A_2267, %select_n3A_2269 masked %masked_sort3A_2270 : (vector<16xf32>, vector<16xi32>, vector<16xi1>) -> (vector<16xi1>, vector<16xf32>, vector<16xi32>)
        %masked_sort3A_2274 = arith.constant dense<true> : vector<16xi1>
        %masked_sort3A_2275, %masked_sort3A_2276, %masked_sort3A_2277 = tpu.sort %max3A_1213, %add3A_1216 masked %masked_sort3A_2274 : (vector<16xf32>, vector<16xi32>, vector<16xi1>) -> (vector<16xi1>, vector<16xf32>, vector<16xi32>)
        %masked_sort3A_2278 = arith.constant dense<true> : vector<16xi1>
        %masked_sort3A_2279, %masked_sort3A_2280, %masked_sort3A_2281 = tpu.sort %max3A_1325, %add3A_1328 masked %masked_sort3A_2278 {descending = true} : (vector<16xf32>, vector<16xi32>, vector<16xi1>) -> (vector<16xi1>, vector<16xf32>, vector<16xi32>)
        %max3A_2282 = arith.maximumf %masked_sort3A_2276, %masked_sort3A_2280 : vector<16xf32>
        %ge3A_2283 = arith.cmpf oge, %masked_sort3A_2276, %masked_sort3A_2280 : vector<16xf32>
        %select_n3A_2284 = arith.select %ge3A_2283, %masked_sort3A_2277, %masked_sort3A_2281 : vector<16xi1>, vector<16xi32>
        %masked_sort3A_2285 = arith.constant dense<true> : vector<16xi1>
        %masked_sort3A_2286, %masked_sort3A_2287, %masked_sort3A_2288 = tpu.sort %max3A_2282, %select_n3A_2284 masked %masked_sort3A_2285 {descending = true} : (vector<16xf32>, vector<16xi32>, vector<16xi1>) -> (vector<16xi1>, vector<16xf32>, vector<16xi32>)
        %max3A_2289 = arith.maximumf %masked_sort3A_2272, %masked_sort3A_2287 : vector<16xf32>
        %ge3A_2290 = arith.cmpf oge, %masked_sort3A_2272, %masked_sort3A_2287 : vector<16xf32>
        %select_n3A_2291 = arith.select %ge3A_2290, %masked_sort3A_2273, %masked_sort3A_2288 : vector<16xi1>, vector<16xi32>
        %masked_sort3A_2292 = arith.constant dense<true> : vector<16xi1>
        %masked_sort3A_2293, %masked_sort3A_2294, %masked_sort3A_2295 = tpu.sort %max3A_2289, %select_n3A_2291 masked %masked_sort3A_2292 {descending = true} : (vector<16xf32>, vector<16xi32>, vector<16xi1>) -> (vector<16xi1>, vector<16xf32>, vector<16xi32>)
        %max3A_2296 = arith.maximumf %masked_sort3A_2257, %masked_sort3A_2294 : vector<16xf32>
        %ge3A_2297 = arith.cmpf oge, %masked_sort3A_2257, %masked_sort3A_2294 : vector<16xf32>
        %select_n3A_2298 = arith.select %ge3A_2297, %masked_sort3A_2258, %masked_sort3A_2295 : vector<16xi1>, vector<16xi32>
        %masked_sort3A_2299 = arith.constant dense<true> : vector<16xi1>
        %masked_sort3A_2300, %masked_sort3A_2301, %masked_sort3A_2302 = tpu.sort %max3A_2296, %select_n3A_2298 masked %masked_sort3A_2299 : (vector<16xf32>, vector<16xi32>, vector<16xi1>) -> (vector<16xi1>, vector<16xf32>, vector<16xi32>)
        %masked_sort3A_2303 = arith.constant dense<true> : vector<16xi1>
        %masked_sort3A_2304, %masked_sort3A_2305, %masked_sort3A_2306 = tpu.sort %max3A_1437, %add3A_1440 masked %masked_sort3A_2303 : (vector<16xf32>, vector<16xi32>, vector<16xi1>) -> (vector<16xi1>, vector<16xf32>, vector<16xi32>)
        %masked_sort3A_2307 = arith.constant dense<true> : vector<16xi1>
        %masked_sort3A_2308, %masked_sort3A_2309, %masked_sort3A_2310 = tpu.sort %max3A_1549, %add3A_1552 masked %masked_sort3A_2307 {descending = true} : (vector<16xf32>, vector<16xi32>, vector<16xi1>) -> (vector<16xi1>, vector<16xf32>, vector<16xi32>)
        %max3A_2311 = arith.maximumf %masked_sort3A_2305, %masked_sort3A_2309 : vector<16xf32>
        %ge3A_2312 = arith.cmpf oge, %masked_sort3A_2305, %masked_sort3A_2309 : vector<16xf32>
        %select_n3A_2313 = arith.select %ge3A_2312, %masked_sort3A_2306, %masked_sort3A_2310 : vector<16xi1>, vector<16xi32>
        %masked_sort3A_2314 = arith.constant dense<true> : vector<16xi1>
        %masked_sort3A_2315, %masked_sort3A_2316, %masked_sort3A_2317 = tpu.sort %max3A_2311, %select_n3A_2313 masked %masked_sort3A_2314 : (vector<16xf32>, vector<16xi32>, vector<16xi1>) -> (vector<16xi1>, vector<16xf32>, vector<16xi32>)
        %masked_sort3A_2318 = arith.constant dense<true> : vector<16xi1>
        %masked_sort3A_2319, %masked_sort3A_2320, %masked_sort3A_2321 = tpu.sort %max3A_1661, %add3A_1664 masked %masked_sort3A_2318 : (vector<16xf32>, vector<16xi32>, vector<16xi1>) -> (vector<16xi1>, vector<16xf32>, vector<16xi32>)
        %masked_sort3A_2322 = arith.constant dense<true> : vector<16xi1>
        %masked_sort3A_2323, %masked_sort3A_2324, %masked_sort3A_2325 = tpu.sort %max3A_1773, %add3A_1776 masked %masked_sort3A_2322 {descending = true} : (vector<16xf32>, vector<16xi32>, vector<16xi1>) -> (vector<16xi1>, vector<16xf32>, vector<16xi32>)
        %max3A_2326 = arith.maximumf %masked_sort3A_2320, %masked_sort3A_2324 : vector<16xf32>
        %ge3A_2327 = arith.cmpf oge, %masked_sort3A_2320, %masked_sort3A_2324 : vector<16xf32>
        %select_n3A_2328 = arith.select %ge3A_2327, %masked_sort3A_2321, %masked_sort3A_2325 : vector<16xi1>, vector<16xi32>
        %masked_sort3A_2329 = arith.constant dense<true> : vector<16xi1>
        %masked_sort3A_2330, %masked_sort3A_2331, %masked_sort3A_2332 = tpu.sort %max3A_2326, %select_n3A_2328 masked %masked_sort3A_2329 {descending = true} : (vector<16xf32>, vector<16xi32>, vector<16xi1>) -> (vector<16xi1>, vector<16xf32>, vector<16xi32>)
        %max3A_2333 = arith.maximumf %masked_sort3A_2316, %masked_sort3A_2331 : vector<16xf32>
        %ge3A_2334 = arith.cmpf oge, %masked_sort3A_2316, %masked_sort3A_2331 : vector<16xf32>
        %select_n3A_2335 = arith.select %ge3A_2334, %masked_sort3A_2317, %masked_sort3A_2332 : vector<16xi1>, vector<16xi32>
        %masked_sort3A_2336 = arith.constant dense<true> : vector<16xi1>
        %masked_sort3A_2337, %masked_sort3A_2338, %masked_sort3A_2339 = tpu.sort %max3A_2333, %select_n3A_2335 masked %masked_sort3A_2336 : (vector<16xf32>, vector<16xi32>, vector<16xi1>) -> (vector<16xi1>, vector<16xf32>, vector<16xi32>)
        %masked_sort3A_2340 = arith.constant dense<true> : vector<16xi1>
        %masked_sort3A_2341, %masked_sort3A_2342, %masked_sort3A_2343 = tpu.sort %max3A_1885, %add3A_1888 masked %masked_sort3A_2340 : (vector<16xf32>, vector<16xi32>, vector<16xi1>) -> (vector<16xi1>, vector<16xf32>, vector<16xi32>)
        %masked_sort3A_2344 = arith.constant dense<true> : vector<16xi1>
        %masked_sort3A_2345, %masked_sort3A_2346, %masked_sort3A_2347 = tpu.sort %max3A_1997, %add3A_2000 masked %masked_sort3A_2344 {descending = true} : (vector<16xf32>, vector<16xi32>, vector<16xi1>) -> (vector<16xi1>, vector<16xf32>, vector<16xi32>)
        %max3A_2348 = arith.maximumf %masked_sort3A_2342, %masked_sort3A_2346 : vector<16xf32>
        %ge3A_2349 = arith.cmpf oge, %masked_sort3A_2342, %masked_sort3A_2346 : vector<16xf32>
        %select_n3A_2350 = arith.select %ge3A_2349, %masked_sort3A_2343, %masked_sort3A_2347 : vector<16xi1>, vector<16xi32>
        %masked_sort3A_2351 = arith.constant dense<true> : vector<16xi1>
        %masked_sort3A_2352, %masked_sort3A_2353, %masked_sort3A_2354 = tpu.sort %max3A_2348, %select_n3A_2350 masked %masked_sort3A_2351 : (vector<16xf32>, vector<16xi32>, vector<16xi1>) -> (vector<16xi1>, vector<16xf32>, vector<16xi32>)
        %masked_sort3A_2355 = arith.constant dense<true> : vector<16xi1>
        %masked_sort3A_2356, %masked_sort3A_2357, %masked_sort3A_2358 = tpu.sort %max3A_2109, %add3A_2112 masked %masked_sort3A_2355 : (vector<16xf32>, vector<16xi32>, vector<16xi1>) -> (vector<16xi1>, vector<16xf32>, vector<16xi32>)
        %masked_sort3A_2359 = arith.constant dense<true> : vector<16xi1>
        %masked_sort3A_2360, %masked_sort3A_2361, %masked_sort3A_2362 = tpu.sort %max3A_2221, %add3A_2224 masked %masked_sort3A_2359 {descending = true} : (vector<16xf32>, vector<16xi32>, vector<16xi1>) -> (vector<16xi1>, vector<16xf32>, vector<16xi32>)
        %max3A_2363 = arith.maximumf %masked_sort3A_2357, %masked_sort3A_2361 : vector<16xf32>
        %ge3A_2364 = arith.cmpf oge, %masked_sort3A_2357, %masked_sort3A_2361 : vector<16xf32>
        %select_n3A_2365 = arith.select %ge3A_2364, %masked_sort3A_2358, %masked_sort3A_2362 : vector<16xi1>, vector<16xi32>
        %masked_sort3A_2366 = arith.constant dense<true> : vector<16xi1>
        %masked_sort3A_2367, %masked_sort3A_2368, %masked_sort3A_2369 = tpu.sort %max3A_2363, %select_n3A_2365 masked %masked_sort3A_2366 {descending = true} : (vector<16xf32>, vector<16xi32>, vector<16xi1>) -> (vector<16xi1>, vector<16xf32>, vector<16xi32>)
        %max3A_2370 = arith.maximumf %masked_sort3A_2353, %masked_sort3A_2368 : vector<16xf32>
        %ge3A_2371 = arith.cmpf oge, %masked_sort3A_2353, %masked_sort3A_2368 : vector<16xf32>
        %select_n3A_2372 = arith.select %ge3A_2371, %masked_sort3A_2354, %masked_sort3A_2369 : vector<16xi1>, vector<16xi32>
        %masked_sort3A_2373 = arith.constant dense<true> : vector<16xi1>
        %masked_sort3A_2374, %masked_sort3A_2375, %masked_sort3A_2376 = tpu.sort %max3A_2370, %select_n3A_2372 masked %masked_sort3A_2373 {descending = true} : (vector<16xf32>, vector<16xi32>, vector<16xi1>) -> (vector<16xi1>, vector<16xf32>, vector<16xi32>)
        %max3A_2377 = arith.maximumf %masked_sort3A_2338, %masked_sort3A_2375 : vector<16xf32>
        %ge3A_2378 = arith.cmpf oge, %masked_sort3A_2338, %masked_sort3A_2375 : vector<16xf32>
        %select_n3A_2379 = arith.select %ge3A_2378, %masked_sort3A_2339, %masked_sort3A_2376 : vector<16xi1>, vector<16xi32>
        %masked_sort3A_2380 = arith.constant dense<true> : vector<16xi1>
        %masked_sort3A_2381, %masked_sort3A_2382, %masked_sort3A_2383 = tpu.sort %max3A_2377, %select_n3A_2379 masked %masked_sort3A_2380 {descending = true} : (vector<16xf32>, vector<16xi32>, vector<16xi1>) -> (vector<16xi1>, vector<16xf32>, vector<16xi32>)
        %max3A_2384 = arith.maximumf %masked_sort3A_2301, %masked_sort3A_2382 : vector<16xf32>
        %ge3A_2385 = arith.cmpf oge, %masked_sort3A_2301, %masked_sort3A_2382 : vector<16xf32>
        %select_n3A_2386 = arith.select %ge3A_2385, %masked_sort3A_2302, %masked_sort3A_2383 : vector<16xi1>, vector<16xi32>
        %masked_sort3A_2387 = arith.constant dense<true> : vector<16xi1>
        %masked_sort3A_2388, %masked_sort3A_2389, %masked_sort3A_2390 = tpu.sort %max3A_2384, %select_n3A_2386 masked %masked_sort3A_2387 {descending = true} : (vector<16xf32>, vector<16xi32>, vector<16xi1>) -> (vector<16xi1>, vector<16xf32>, vector<16xi32>)
        %broadcast_in_dim3A_2391 = arith.constant 0 : i32
        %broadcast_in_dim3A_2392 = vector.broadcast %broadcast_in_dim3A_2391 : i32 to vector<16x1xi32>
        %gather3A_2393 = vector.shape_cast %broadcast_in_dim3A_2392 : vector<16x1xi32> to vector<16xi32>
        %gather3A_2394 = tpu.dynamic_gather %masked_sort3A_2390[%gather3A_2393] in [0] : vector<16xi32>, vector<16xi32> -> vector<16xi32>
        %shift_right_arithmetic3A = arith.constant 4 : i32
        %shift_right_arithmetic3A_2395 = vector.broadcast %shift_right_arithmetic3A : i32 to vector<16xi32>
        %shift_right_arithmetic3A_2396 = arith.shrsi %gather3A_2394, %shift_right_arithmetic3A_2395 : vector<16xi32>
        %shift_left3A = arith.constant 8 : i32
        %shift_left3A_2397 = vector.broadcast %shift_left3A : i32 to vector<16xi32>
        %shift_left3A_2398 = arith.shli %shift_right_arithmetic3A_2396, %shift_left3A_2397 : vector<16xi32>
        %and3A = arith.constant 15 : i32
        %and3A_2399 = vector.broadcast %and3A : i32 to vector<16xi32>
        %and3A_2400 = arith.andi %gather3A_2394, %and3A_2399 : vector<16xi32>
        %add3A_2401 = arith.addi %shift_left3A_2398, %and3A_2400 : vector<16xi32>
        %mul3A_2402 = arith.constant 16 : i32
        %mul3A_2403 = vector.broadcast %mul3A_2402 : i32 to vector<16xi32>
        %mul3A_2404 = arith.muli %mul3A_2403, %iota3A : vector<16xi32>
        %add3A_2405 = arith.addi %add3A_2401, %mul3A_2404 : vector<16xi32>
        %add3A_2406 = vector.broadcast %mul3A_431 : i32 to vector<16xi32>
        %add3A_2407 = arith.addi %add3A_2405, %add3A_2406 : vector<16xi32>
        %gather3A_2408 = tpu.vector_load_idx %arg5[%add3A_2407] : memref<32768xf32, #tpu.memory_space<vmem>>[vector<16xi32>], vector<16xf32>,
        %broadcast_in_dim3A_2409 = arith.constant 1 : i32
        %broadcast_in_dim3A_2410 = vector.broadcast %broadcast_in_dim3A_2409 : i32 to vector<16x1xi32>
        %gather3A_2411 = vector.shape_cast %broadcast_in_dim3A_2410 : vector<16x1xi32> to vector<16xi32>
        %gather3A_2412 = tpu.dynamic_gather %masked_sort3A_2390[%gather3A_2411] in [0] : vector<16xi32>, vector<16xi32> -> vector<16xi32>
        %shift_right_arithmetic3A_2413 = arith.constant 4 : i32
        %shift_right_arithmetic3A_2414 = vector.broadcast %shift_right_arithmetic3A_2413 : i32 to vector<16xi32>
        %shift_right_arithmetic3A_2415 = arith.shrsi %gather3A_2412, %shift_right_arithmetic3A_2414 : vector<16xi32>
        %shift_left3A_2416 = arith.constant 8 : i32
        %shift_left3A_2417 = vector.broadcast %shift_left3A_2416 : i32 to vector<16xi32>
        %shift_left3A_2418 = arith.shli %shift_right_arithmetic3A_2415, %shift_left3A_2417 : vector<16xi32>
        %and3A_2419 = arith.constant 15 : i32
        %and3A_2420 = vector.broadcast %and3A_2419 : i32 to vector<16xi32>
        %and3A_2421 = arith.andi %gather3A_2412, %and3A_2420 : vector<16xi32>
        %add3A_2422 = arith.addi %shift_left3A_2418, %and3A_2421 : vector<16xi32>
        %mul3A_2423 = arith.constant 16 : i32
        %mul3A_2424 = vector.broadcast %mul3A_2423 : i32 to vector<16xi32>
        %mul3A_2425 = arith.muli %mul3A_2424, %iota3A : vector<16xi32>
        %add3A_2426 = arith.addi %add3A_2422, %mul3A_2425 : vector<16xi32>
        %add3A_2427 = vector.broadcast %mul3A_431 : i32 to vector<16xi32>
        %add3A_2428 = arith.addi %add3A_2426, %add3A_2427 : vector<16xi32>
        %gather3A_2429 = tpu.vector_load_idx %arg5[%add3A_2428] : memref<32768xf32, #tpu.memory_space<vmem>>[vector<16xi32>], vector<16xf32>,
        %broadcast_in_dim3A_2430 = arith.constant 2 : i32
        %broadcast_in_dim3A_2431 = vector.broadcast %broadcast_in_dim3A_2430 : i32 to vector<16x1xi32>
        %gather3A_2432 = vector.shape_cast %broadcast_in_dim3A_2431 : vector<16x1xi32> to vector<16xi32>
        %gather3A_2433 = tpu.dynamic_gather %masked_sort3A_2390[%gather3A_2432] in [0] : vector<16xi32>, vector<16xi32> -> vector<16xi32>
        %shift_right_arithmetic3A_2434 = arith.constant 4 : i32
        %shift_right_arithmetic3A_2435 = vector.broadcast %shift_right_arithmetic3A_2434 : i32 to vector<16xi32>
        %shift_right_arithmetic3A_2436 = arith.shrsi %gather3A_2433, %shift_right_arithmetic3A_2435 : vector<16xi32>
        %shift_left3A_2437 = arith.constant 8 : i32
        %shift_left3A_2438 = vector.broadcast %shift_left3A_2437 : i32 to vector<16xi32>
        %shift_left3A_2439 = arith.shli %shift_right_arithmetic3A_2436, %shift_left3A_2438 : vector<16xi32>
        %and3A_2440 = arith.constant 15 : i32
        %and3A_2441 = vector.broadcast %and3A_2440 : i32 to vector<16xi32>
        %and3A_2442 = arith.andi %gather3A_2433, %and3A_2441 : vector<16xi32>
        %add3A_2443 = arith.addi %shift_left3A_2439, %and3A_2442 : vector<16xi32>
        %mul3A_2444 = arith.constant 16 : i32
        %mul3A_2445 = vector.broadcast %mul3A_2444 : i32 to vector<16xi32>
        %mul3A_2446 = arith.muli %mul3A_2445, %iota3A : vector<16xi32>
        %add3A_2447 = arith.addi %add3A_2443, %mul3A_2446 : vector<16xi32>
        %add3A_2448 = vector.broadcast %mul3A_431 : i32 to vector<16xi32>
        %add3A_2449 = arith.addi %add3A_2447, %add3A_2448 : vector<16xi32>
        %gather3A_2450 = tpu.vector_load_idx %arg5[%add3A_2449] : memref<32768xf32, #tpu.memory_space<vmem>>[vector<16xi32>], vector<16xf32>,
        %broadcast_in_dim3A_2451 = arith.constant 3 : i32
        %broadcast_in_dim3A_2452 = vector.broadcast %broadcast_in_dim3A_2451 : i32 to vector<16x1xi32>
        %gather3A_2453 = vector.shape_cast %broadcast_in_dim3A_2452 : vector<16x1xi32> to vector<16xi32>
        %gather3A_2454 = tpu.dynamic_gather %masked_sort3A_2390[%gather3A_2453] in [0] : vector<16xi32>, vector<16xi32> -> vector<16xi32>
        %shift_right_arithmetic3A_2455 = arith.constant 4 : i32
        %shift_right_arithmetic3A_2456 = vector.broadcast %shift_right_arithmetic3A_2455 : i32 to vector<16xi32>
        %shift_right_arithmetic3A_2457 = arith.shrsi %gather3A_2454, %shift_right_arithmetic3A_2456 : vector<16xi32>
        %shift_left3A_2458 = arith.constant 8 : i32
        %shift_left3A_2459 = vector.broadcast %shift_left3A_2458 : i32 to vector<16xi32>
        %shift_left3A_2460 = arith.shli %shift_right_arithmetic3A_2457, %shift_left3A_2459 : vector<16xi32>
        %and3A_2461 = arith.constant 15 : i32
        %and3A_2462 = vector.broadcast %and3A_2461 : i32 to vector<16xi32>
        %and3A_2463 = arith.andi %gather3A_2454, %and3A_2462 : vector<16xi32>
        %add3A_2464 = arith.addi %shift_left3A_2460, %and3A_2463 : vector<16xi32>
        %mul3A_2465 = arith.constant 16 : i32
        %mul3A_2466 = vector.broadcast %mul3A_2465 : i32 to vector<16xi32>
        %mul3A_2467 = arith.muli %mul3A_2466, %iota3A : vector<16xi32>
        %add3A_2468 = arith.addi %add3A_2464, %mul3A_2467 : vector<16xi32>
        %add3A_2469 = vector.broadcast %mul3A_431 : i32 to vector<16xi32>
        %add3A_2470 = arith.addi %add3A_2468, %add3A_2469 : vector<16xi32>
        %gather3A_2471 = tpu.vector_load_idx %arg5[%add3A_2470] : memref<32768xf32, #tpu.memory_space<vmem>>[vector<16xi32>], vector<16xf32>,
        %broadcast_in_dim3A_2472 = arith.constant 4 : i32
        %broadcast_in_dim3A_2473 = vector.broadcast %broadcast_in_dim3A_2472 : i32 to vector<16x1xi32>
        %gather3A_2474 = vector.shape_cast %broadcast_in_dim3A_2473 : vector<16x1xi32> to vector<16xi32>
        %gather3A_2475 = tpu.dynamic_gather %masked_sort3A_2390[%gather3A_2474] in [0] : vector<16xi32>, vector<16xi32> -> vector<16xi32>
        %shift_right_arithmetic3A_2476 = arith.constant 4 : i32
        %shift_right_arithmetic3A_2477 = vector.broadcast %shift_right_arithmetic3A_2476 : i32 to vector<16xi32>
        %shift_right_arithmetic3A_2478 = arith.shrsi %gather3A_2475, %shift_right_arithmetic3A_2477 : vector<16xi32>
        %shift_left3A_2479 = arith.constant 8 : i32
        %shift_left3A_2480 = vector.broadcast %shift_left3A_2479 : i32 to vector<16xi32>
        %shift_left3A_2481 = arith.shli %shift_right_arithmetic3A_2478, %shift_left3A_2480 : vector<16xi32>
        %and3A_2482 = arith.constant 15 : i32
        %and3A_2483 = vector.broadcast %and3A_2482 : i32 to vector<16xi32>
        %and3A_2484 = arith.andi %gather3A_2475, %and3A_2483 : vector<16xi32>
        %add3A_2485 = arith.addi %shift_left3A_2481, %and3A_2484 : vector<16xi32>
        %mul3A_2486 = arith.constant 16 : i32
        %mul3A_2487 = vector.broadcast %mul3A_2486 : i32 to vector<16xi32>
        %mul3A_2488 = arith.muli %mul3A_2487, %iota3A : vector<16xi32>
        %add3A_2489 = arith.addi %add3A_2485, %mul3A_2488 : vector<16xi32>
        %add3A_2490 = vector.broadcast %mul3A_431 : i32 to vector<16xi32>
        %add3A_2491 = arith.addi %add3A_2489, %add3A_2490 : vector<16xi32>
        %gather3A_2492 = tpu.vector_load_idx %arg5[%add3A_2491] : memref<32768xf32, #tpu.memory_space<vmem>>[vector<16xi32>], vector<16xf32>,
        %broadcast_in_dim3A_2493 = arith.constant 5 : i32
        %broadcast_in_dim3A_2494 = vector.broadcast %broadcast_in_dim3A_2493 : i32 to vector<16x1xi32>
        %gather3A_2495 = vector.shape_cast %broadcast_in_dim3A_2494 : vector<16x1xi32> to vector<16xi32>
        %gather3A_2496 = tpu.dynamic_gather %masked_sort3A_2390[%gather3A_2495] in [0] : vector<16xi32>, vector<16xi32> -> vector<16xi32>
        %shift_right_arithmetic3A_2497 = arith.constant 4 : i32
        %shift_right_arithmetic3A_2498 = vector.broadcast %shift_right_arithmetic3A_2497 : i32 to vector<16xi32>
        %shift_right_arithmetic3A_2499 = arith.shrsi %gather3A_2496, %shift_right_arithmetic3A_2498 : vector<16xi32>
        %shift_left3A_2500 = arith.constant 8 : i32
        %shift_left3A_2501 = vector.broadcast %shift_left3A_2500 : i32 to vector<16xi32>
        %shift_left3A_2502 = arith.shli %shift_right_arithmetic3A_2499, %shift_left3A_2501 : vector<16xi32>
        %and3A_2503 = arith.constant 15 : i32
        %and3A_2504 = vector.broadcast %and3A_2503 : i32 to vector<16xi32>
        %and3A_2505 = arith.andi %gather3A_2496, %and3A_2504 : vector<16xi32>
        %add3A_2506 = arith.addi %shift_left3A_2502, %and3A_2505 : vector<16xi32>
        %mul3A_2507 = arith.constant 16 : i32
        %mul3A_2508 = vector.broadcast %mul3A_2507 : i32 to vector<16xi32>
        %mul3A_2509 = arith.muli %mul3A_2508, %iota3A : vector<16xi32>
        %add3A_2510 = arith.addi %add3A_2506, %mul3A_2509 : vector<16xi32>
        %add3A_2511 = vector.broadcast %mul3A_431 : i32 to vector<16xi32>
        %add3A_2512 = arith.addi %add3A_2510, %add3A_2511 : vector<16xi32>
        %gather3A_2513 = tpu.vector_load_idx %arg5[%add3A_2512] : memref<32768xf32, #tpu.memory_space<vmem>>[vector<16xi32>], vector<16xf32>,
        %broadcast_in_dim3A_2514 = arith.constant 6 : i32
        %broadcast_in_dim3A_2515 = vector.broadcast %broadcast_in_dim3A_2514 : i32 to vector<16x1xi32>
        %gather3A_2516 = vector.shape_cast %broadcast_in_dim3A_2515 : vector<16x1xi32> to vector<16xi32>
        %gather3A_2517 = tpu.dynamic_gather %masked_sort3A_2390[%gather3A_2516] in [0] : vector<16xi32>, vector<16xi32> -> vector<16xi32>
        %shift_right_arithmetic3A_2518 = arith.constant 4 : i32
        %shift_right_arithmetic3A_2519 = vector.broadcast %shift_right_arithmetic3A_2518 : i32 to vector<16xi32>
        %shift_right_arithmetic3A_2520 = arith.shrsi %gather3A_2517, %shift_right_arithmetic3A_2519 : vector<16xi32>
        %shift_left3A_2521 = arith.constant 8 : i32
        %shift_left3A_2522 = vector.broadcast %shift_left3A_2521 : i32 to vector<16xi32>
        %shift_left3A_2523 = arith.shli %shift_right_arithmetic3A_2520, %shift_left3A_2522 : vector<16xi32>
        %and3A_2524 = arith.constant 15 : i32
        %and3A_2525 = vector.broadcast %and3A_2524 : i32 to vector<16xi32>
        %and3A_2526 = arith.andi %gather3A_2517, %and3A_2525 : vector<16xi32>
        %add3A_2527 = arith.addi %shift_left3A_2523, %and3A_2526 : vector<16xi32>
        %mul3A_2528 = arith.constant 16 : i32
        %mul3A_2529 = vector.broadcast %mul3A_2528 : i32 to vector<16xi32>
        %mul3A_2530 = arith.muli %mul3A_2529, %iota3A : vector<16xi32>
        %add3A_2531 = arith.addi %add3A_2527, %mul3A_2530 : vector<16xi32>
        %add3A_2532 = vector.broadcast %mul3A_431 : i32 to vector<16xi32>
        %add3A_2533 = arith.addi %add3A_2531, %add3A_2532 : vector<16xi32>
        %gather3A_2534 = tpu.vector_load_idx %arg5[%add3A_2533] : memref<32768xf32, #tpu.memory_space<vmem>>[vector<16xi32>], vector<16xf32>,
        %broadcast_in_dim3A_2535 = arith.constant 7 : i32
        %broadcast_in_dim3A_2536 = vector.broadcast %broadcast_in_dim3A_2535 : i32 to vector<16x1xi32>
        %gather3A_2537 = vector.shape_cast %broadcast_in_dim3A_2536 : vector<16x1xi32> to vector<16xi32>
        %gather3A_2538 = tpu.dynamic_gather %masked_sort3A_2390[%gather3A_2537] in [0] : vector<16xi32>, vector<16xi32> -> vector<16xi32>
        %shift_right_arithmetic3A_2539 = arith.constant 4 : i32
        %shift_right_arithmetic3A_2540 = vector.broadcast %shift_right_arithmetic3A_2539 : i32 to vector<16xi32>
        %shift_right_arithmetic3A_2541 = arith.shrsi %gather3A_2538, %shift_right_arithmetic3A_2540 : vector<16xi32>
        %shift_left3A_2542 = arith.constant 8 : i32
        %shift_left3A_2543 = vector.broadcast %shift_left3A_2542 : i32 to vector<16xi32>
        %shift_left3A_2544 = arith.shli %shift_right_arithmetic3A_2541, %shift_left3A_2543 : vector<16xi32>
        %and3A_2545 = arith.constant 15 : i32
        %and3A_2546 = vector.broadcast %and3A_2545 : i32 to vector<16xi32>
        %and3A_2547 = arith.andi %gather3A_2538, %and3A_2546 : vector<16xi32>
        %add3A_2548 = arith.addi %shift_left3A_2544, %and3A_2547 : vector<16xi32>
        %mul3A_2549 = arith.constant 16 : i32
        %mul3A_2550 = vector.broadcast %mul3A_2549 : i32 to vector<16xi32>
        %mul3A_2551 = arith.muli %mul3A_2550, %iota3A : vector<16xi32>
        %add3A_2552 = arith.addi %add3A_2548, %mul3A_2551 : vector<16xi32>
        %add3A_2553 = vector.broadcast %mul3A_431 : i32 to vector<16xi32>
        %add3A_2554 = arith.addi %add3A_2552, %add3A_2553 : vector<16xi32>
        %gather3A_2555 = tpu.vector_load_idx %arg5[%add3A_2554] : memref<32768xf32, #tpu.memory_space<vmem>>[vector<16xi32>], vector<16xf32>,
        %sort3A = arith.constant dense<true> : vector<16xi1>
        %sort3A_2556, %sort3A_2557, %sort3A_2558 = tpu.sort %gather3A_2408, %gather3A_2408 masked %sort3A : (vector<16xf32>, vector<16xf32>, vector<16xi1>) -> (vector<16xi1>, vector<16xf32>, vector<16xf32>)
        %neg3A = arith.constant 0.000000e+00 : f32
        %neg3A_2559 = vector.broadcast %neg3A : f32 to vector<16xf32>
        %neg3A_2560 = arith.subf %neg3A_2559, %gather3A_2429 : vector<16xf32>
        %sort3A_2561 = arith.constant dense<true> : vector<16xi1>
        %sort3A_2562, %sort3A_2563, %sort3A_2564 = tpu.sort %neg3A_2560, %neg3A_2560 masked %sort3A_2561 : (vector<16xf32>, vector<16xf32>, vector<16xi1>) -> (vector<16xi1>, vector<16xf32>, vector<16xf32>)
        %neg3A_2565 = arith.constant 0.000000e+00 : f32
        %neg3A_2566 = vector.broadcast %neg3A_2565 : f32 to vector<16xf32>
        %neg3A_2567 = arith.subf %neg3A_2566, %sort3A_2563 : vector<16xf32>
        %max3A_2568 = arith.maximumf %sort3A_2557, %neg3A_2567 : vector<16xf32>
        %sort3A_2569 = arith.constant dense<true> : vector<16xi1>
        %sort3A_2570, %sort3A_2571, %sort3A_2572 = tpu.sort %max3A_2568, %max3A_2568 masked %sort3A_2569 : (vector<16xf32>, vector<16xf32>, vector<16xi1>) -> (vector<16xi1>, vector<16xf32>, vector<16xf32>)
        %sort3A_2573 = arith.constant dense<true> : vector<16xi1>
        %sort3A_2574, %sort3A_2575, %sort3A_2576 = tpu.sort %gather3A_2450, %gather3A_2450 masked %sort3A_2573 : (vector<16xf32>, vector<16xf32>, vector<16xi1>) -> (vector<16xi1>, vector<16xf32>, vector<16xf32>)
        %neg3A_2577 = arith.constant 0.000000e+00 : f32
        %neg3A_2578 = vector.broadcast %neg3A_2577 : f32 to vector<16xf32>
        %neg3A_2579 = arith.subf %neg3A_2578, %gather3A_2471 : vector<16xf32>
        %sort3A_2580 = arith.constant dense<true> : vector<16xi1>
        %sort3A_2581, %sort3A_2582, %sort3A_2583 = tpu.sort %neg3A_2579, %neg3A_2579 masked %sort3A_2580 : (vector<16xf32>, vector<16xf32>, vector<16xi1>) -> (vector<16xi1>, vector<16xf32>, vector<16xf32>)
        %neg3A_2584 = arith.constant 0.000000e+00 : f32
        %neg3A_2585 = vector.broadcast %neg3A_2584 : f32 to vector<16xf32>
        %neg3A_2586 = arith.subf %neg3A_2585, %sort3A_2582 : vector<16xf32>
        %max3A_2587 = arith.maximumf %sort3A_2575, %neg3A_2586 : vector<16xf32>
        %neg3A_2588 = arith.constant 0.000000e+00 : f32
        %neg3A_2589 = vector.broadcast %neg3A_2588 : f32 to vector<16xf32>
        %neg3A_2590 = arith.subf %neg3A_2589, %max3A_2587 : vector<16xf32>
        %sort3A_2591 = arith.constant dense<true> : vector<16xi1>
        %sort3A_2592, %sort3A_2593, %sort3A_2594 = tpu.sort %neg3A_2590, %neg3A_2590 masked %sort3A_2591 : (vector<16xf32>, vector<16xf32>, vector<16xi1>) -> (vector<16xi1>, vector<16xf32>, vector<16xf32>)
        %neg3A_2595 = arith.constant 0.000000e+00 : f32
        %neg3A_2596 = vector.broadcast %neg3A_2595 : f32 to vector<16xf32>
        %neg3A_2597 = arith.subf %neg3A_2596, %sort3A_2593 : vector<16xf32>
        %max3A_2598 = arith.maximumf %sort3A_2571, %neg3A_2597 : vector<16xf32>
        %sort3A_2599 = arith.constant dense<true> : vector<16xi1>
        %sort3A_2600, %sort3A_2601, %sort3A_2602 = tpu.sort %max3A_2598, %max3A_2598 masked %sort3A_2599 : (vector<16xf32>, vector<16xf32>, vector<16xi1>) -> (vector<16xi1>, vector<16xf32>, vector<16xf32>)
        %sort3A_2603 = arith.constant dense<true> : vector<16xi1>
        %sort3A_2604, %sort3A_2605, %sort3A_2606 = tpu.sort %gather3A_2492, %gather3A_2492 masked %sort3A_2603 : (vector<16xf32>, vector<16xf32>, vector<16xi1>) -> (vector<16xi1>, vector<16xf32>, vector<16xf32>)
        %neg3A_2607 = arith.constant 0.000000e+00 : f32
        %neg3A_2608 = vector.broadcast %neg3A_2607 : f32 to vector<16xf32>
        %neg3A_2609 = arith.subf %neg3A_2608, %gather3A_2513 : vector<16xf32>
        %sort3A_2610 = arith.constant dense<true> : vector<16xi1>
        %sort3A_2611, %sort3A_2612, %sort3A_2613 = tpu.sort %neg3A_2609, %neg3A_2609 masked %sort3A_2610 : (vector<16xf32>, vector<16xf32>, vector<16xi1>) -> (vector<16xi1>, vector<16xf32>, vector<16xf32>)
        %neg3A_2614 = arith.constant 0.000000e+00 : f32
        %neg3A_2615 = vector.broadcast %neg3A_2614 : f32 to vector<16xf32>
        %neg3A_2616 = arith.subf %neg3A_2615, %sort3A_2612 : vector<16xf32>
        %max3A_2617 = arith.maximumf %sort3A_2605, %neg3A_2616 : vector<16xf32>
        %sort3A_2618 = arith.constant dense<true> : vector<16xi1>
        %sort3A_2619, %sort3A_2620, %sort3A_2621 = tpu.sort %max3A_2617, %max3A_2617 masked %sort3A_2618 : (vector<16xf32>, vector<16xf32>, vector<16xi1>) -> (vector<16xi1>, vector<16xf32>, vector<16xf32>)
        %sort3A_2622 = arith.constant dense<true> : vector<16xi1>
        %sort3A_2623, %sort3A_2624, %sort3A_2625 = tpu.sort %gather3A_2534, %gather3A_2534 masked %sort3A_2622 : (vector<16xf32>, vector<16xf32>, vector<16xi1>) -> (vector<16xi1>, vector<16xf32>, vector<16xf32>)
        %neg3A_2626 = arith.constant 0.000000e+00 : f32
        %neg3A_2627 = vector.broadcast %neg3A_2626 : f32 to vector<16xf32>
        %neg3A_2628 = arith.subf %neg3A_2627, %gather3A_2555 : vector<16xf32>
        %sort3A_2629 = arith.constant dense<true> : vector<16xi1>
        %sort3A_2630, %sort3A_2631, %sort3A_2632 = tpu.sort %neg3A_2628, %neg3A_2628 masked %sort3A_2629 : (vector<16xf32>, vector<16xf32>, vector<16xi1>) -> (vector<16xi1>, vector<16xf32>, vector<16xf32>)
        %neg3A_2633 = arith.constant 0.000000e+00 : f32
        %neg3A_2634 = vector.broadcast %neg3A_2633 : f32 to vector<16xf32>
        %neg3A_2635 = arith.subf %neg3A_2634, %sort3A_2631 : vector<16xf32>
        %max3A_2636 = arith.maximumf %sort3A_2624, %neg3A_2635 : vector<16xf32>
        %neg3A_2637 = arith.constant 0.000000e+00 : f32
        %neg3A_2638 = vector.broadcast %neg3A_2637 : f32 to vector<16xf32>
        %neg3A_2639 = arith.subf %neg3A_2638, %max3A_2636 : vector<16xf32>
        %sort3A_2640 = arith.constant dense<true> : vector<16xi1>
        %sort3A_2641, %sort3A_2642, %sort3A_2643 = tpu.sort %neg3A_2639, %neg3A_2639 masked %sort3A_2640 : (vector<16xf32>, vector<16xf32>, vector<16xi1>) -> (vector<16xi1>, vector<16xf32>, vector<16xf32>)
        %neg3A_2644 = arith.constant 0.000000e+00 : f32
        %neg3A_2645 = vector.broadcast %neg3A_2644 : f32 to vector<16xf32>
        %neg3A_2646 = arith.subf %neg3A_2645, %sort3A_2642 : vector<16xf32>
        %max3A_2647 = arith.maximumf %sort3A_2620, %neg3A_2646 : vector<16xf32>
        %neg3A_2648 = arith.constant 0.000000e+00 : f32
        %neg3A_2649 = vector.broadcast %neg3A_2648 : f32 to vector<16xf32>
        %neg3A_2650 = arith.subf %neg3A_2649, %max3A_2647 : vector<16xf32>
        %sort3A_2651 = arith.constant dense<true> : vector<16xi1>
        %sort3A_2652, %sort3A_2653, %sort3A_2654 = tpu.sort %neg3A_2650, %neg3A_2650 masked %sort3A_2651 : (vector<16xf32>, vector<16xf32>, vector<16xi1>) -> (vector<16xi1>, vector<16xf32>, vector<16xf32>)
        %neg3A_2655 = arith.constant 0.000000e+00 : f32
        %neg3A_2656 = vector.broadcast %neg3A_2655 : f32 to vector<16xf32>
        %neg3A_2657 = arith.subf %neg3A_2656, %sort3A_2653 : vector<16xf32>
        %max3A_2658 = arith.maximumf %sort3A_2601, %neg3A_2657 : vector<16xf32>
        %neg3A_2659 = arith.constant 0.000000e+00 : f32
        %neg3A_2660 = vector.broadcast %neg3A_2659 : f32 to vector<16xf32>
        %neg3A_2661 = arith.subf %neg3A_2660, %max3A_2658 : vector<16xf32>
        %sort3A_2662 = arith.constant dense<true> : vector<16xi1>
        %sort3A_2663, %sort3A_2664, %sort3A_2665 = tpu.sort %neg3A_2661, %neg3A_2661 masked %sort3A_2662 : (vector<16xf32>, vector<16xf32>, vector<16xi1>) -> (vector<16xi1>, vector<16xf32>, vector<16xf32>)
        %neg3A_2666 = arith.constant 0.000000e+00 : f32
        %neg3A_2667 = vector.broadcast %neg3A_2666 : f32 to vector<16xf32>
        %neg3A_2668 = arith.subf %neg3A_2667, %sort3A_2664 : vector<16xf32>
        %sub3A = arith.subf %neg3A_2668, %gather3A : vector<16xf32>
        %add3A_2669 = arith.constant 2.000000e-01 : f32
        %add3A_2670 = vector.broadcast %add3A_2669 : f32 to vector<16xf32>
        %add3A_2671 = arith.addf %sub3A, %add3A_2670 : vector<16xf32>
        %max3A_2672 = arith.constant 0.000000e+00 : f32
        %max3A_2673 = vector.broadcast %max3A_2672 : f32 to vector<16xf32>
        %max3A_2674 = arith.maximumf %add3A_2671, %max3A_2673 : vector<16xf32>
        %jit3A = arith.constant 0.000000e+00 : f32
        %broadcast_in_dim3A_2675 = vector.broadcast %jit3A : f32 to vector<16xf32>
        %select_n3A_2676 = arith.select %lt3A_6, %max3A_2674, %broadcast_in_dim3A_2675 : vector<16xi1>, vector<16xf32>
        %add3A_2677 = arith.addf %scan3A_418, %select_n3A_2676 : vector<16xf32>
        scf.yield %add3A_2677 : vector<16xf32>
      }
      %scan3A_416 = arith.constant 8 : i32
      scf.yield %scan3A_415 : vector<16xf32>
    }
    %scan3A_111 = arith.constant 8 : i32
    %dma_wait3A = arith.constant 0 : i32
    %dma_wait3A_112 = tpu.memref_slice %arg4[%dma_wait3A] : memref<32768xf32, #tpu.memory_space<vmem>> -> memref<4096xf32, #tpu.memory_space<vmem>>
    %dma_wait3A_113 = arith.constant 0 : i32
    %dma_wait3A_114 = tpu.memref_slice %arg2[%mul3A_2, %dma_wait3A_113] : memref<4096x4096xf32, #tpu.memory_space<hbm>> -> memref<1x4096xf32, #tpu.memory_space<hbm>>
    %dma_wait3A_115 = tpu.memref_squeeze %dma_wait3A_114 : memref<1x4096xf32, #tpu.memory_space<hbm>> -> memref<4096xf32, #tpu.memory_space<hbm>>
    %dma_wait3A_116 = arith.constant 0 : i32
    %dma_wait3A_117 = tpu.memref_slice %arg4[%dma_wait3A_116] : memref<32768xf32, #tpu.memory_space<vmem>> -> memref<4096xf32, #tpu.memory_space<vmem>>
    %dma_wait3A_118 = arith.constant 0 : i32
    %dma_wait3A_119 = tpu.memref_slice %arg2[%mul3A_2, %dma_wait3A_118] : memref<4096x4096xf32, #tpu.memory_space<hbm>> -> memref<1x4096xf32, #tpu.memory_space<hbm>>
    %dma_wait3A_120 = tpu.memref_squeeze %dma_wait3A_119 : memref<1x4096xf32, #tpu.memory_space<hbm>> -> memref<4096xf32, #tpu.memory_space<hbm>>
    tpu.wait_dma2 semaphore(%arg7 : memref<!tpu.dma_semaphore, #tpu.memory_space<semaphore_mem>>) src(%dma_wait3A_120 : memref<4096xf32, #tpu.memory_space<hbm>>) dst(%dma_wait3A_117 : memref<4096xf32, #tpu.memory_space<vmem>>)
    %dma_wait3A_121 = arith.constant 4096 : i32
    %dma_wait3A_122 = tpu.memref_slice %arg4[%dma_wait3A_121] : memref<32768xf32, #tpu.memory_space<vmem>> -> memref<4096xf32, #tpu.memory_space<vmem>>
    %dma_wait3A_123 = arith.constant 0 : i32
    %dma_wait3A_124 = tpu.memref_slice %arg2[%mul3A_2, %dma_wait3A_123] : memref<4096x4096xf32, #tpu.memory_space<hbm>> -> memref<1x4096xf32, #tpu.memory_space<hbm>>
    %dma_wait3A_125 = tpu.memref_squeeze %dma_wait3A_124 : memref<1x4096xf32, #tpu.memory_space<hbm>> -> memref<4096xf32, #tpu.memory_space<hbm>>
    %dma_wait3A_126 = arith.constant 4096 : i32
    %dma_wait3A_127 = tpu.memref_slice %arg4[%dma_wait3A_126] : memref<32768xf32, #tpu.memory_space<vmem>> -> memref<4096xf32, #tpu.memory_space<vmem>>
    %dma_wait3A_128 = arith.constant 0 : i32
    %dma_wait3A_129 = tpu.memref_slice %arg2[%mul3A_2, %dma_wait3A_128] : memref<4096x4096xf32, #tpu.memory_space<hbm>> -> memref<1x4096xf32, #tpu.memory_space<hbm>>
    %dma_wait3A_130 = tpu.memref_squeeze %dma_wait3A_129 : memref<1x4096xf32, #tpu.memory_space<hbm>> -> memref<4096xf32, #tpu.memory_space<hbm>>
    tpu.wait_dma2 semaphore(%arg7 : memref<!tpu.dma_semaphore, #tpu.memory_space<semaphore_mem>>) src(%dma_wait3A_130 : memref<4096xf32, #tpu.memory_space<hbm>>) dst(%dma_wait3A_127 : memref<4096xf32, #tpu.memory_space<vmem>>)
    %dma_wait3A_131 = arith.constant 8192 : i32
    %dma_wait3A_132 = tpu.memref_slice %arg4[%dma_wait3A_131] : memref<32768xf32, #tpu.memory_space<vmem>> -> memref<4096xf32, #tpu.memory_space<vmem>>
    %dma_wait3A_133 = arith.constant 0 : i32
    %dma_wait3A_134 = tpu.memref_slice %arg2[%mul3A_2, %dma_wait3A_133] : memref<4096x4096xf32, #tpu.memory_space<hbm>> -> memref<1x4096xf32, #tpu.memory_space<hbm>>
    %dma_wait3A_135 = tpu.memref_squeeze %dma_wait3A_134 : memref<1x4096xf32, #tpu.memory_space<hbm>> -> memref<4096xf32, #tpu.memory_space<hbm>>
    %dma_wait3A_136 = arith.constant 8192 : i32
    %dma_wait3A_137 = tpu.memref_slice %arg4[%dma_wait3A_136] : memref<32768xf32, #tpu.memory_space<vmem>> -> memref<4096xf32, #tpu.memory_space<vmem>>
    %dma_wait3A_138 = arith.constant 0 : i32
    %dma_wait3A_139 = tpu.memref_slice %arg2[%mul3A_2, %dma_wait3A_138] : memref<4096x4096xf32, #tpu.memory_space<hbm>> -> memref<1x4096xf32, #tpu.memory_space<hbm>>
    %dma_wait3A_140 = tpu.memref_squeeze %dma_wait3A_139 : memref<1x4096xf32, #tpu.memory_space<hbm>> -> memref<4096xf32, #tpu.memory_space<hbm>>
    tpu.wait_dma2 semaphore(%arg7 : memref<!tpu.dma_semaphore, #tpu.memory_space<semaphore_mem>>) src(%dma_wait3A_140 : memref<4096xf32, #tpu.memory_space<hbm>>) dst(%dma_wait3A_137 : memref<4096xf32, #tpu.memory_space<vmem>>)
    %dma_wait3A_141 = arith.constant 12288 : i32
    %dma_wait3A_142 = tpu.memref_slice %arg4[%dma_wait3A_141] : memref<32768xf32, #tpu.memory_space<vmem>> -> memref<4096xf32, #tpu.memory_space<vmem>>
    %dma_wait3A_143 = arith.constant 0 : i32
    %dma_wait3A_144 = tpu.memref_slice %arg2[%mul3A_2, %dma_wait3A_143] : memref<4096x4096xf32, #tpu.memory_space<hbm>> -> memref<1x4096xf32, #tpu.memory_space<hbm>>
    %dma_wait3A_145 = tpu.memref_squeeze %dma_wait3A_144 : memref<1x4096xf32, #tpu.memory_space<hbm>> -> memref<4096xf32, #tpu.memory_space<hbm>>
    %dma_wait3A_146 = arith.constant 12288 : i32
    %dma_wait3A_147 = tpu.memref_slice %arg4[%dma_wait3A_146] : memref<32768xf32, #tpu.memory_space<vmem>> -> memref<4096xf32, #tpu.memory_space<vmem>>
    %dma_wait3A_148 = arith.constant 0 : i32
    %dma_wait3A_149 = tpu.memref_slice %arg2[%mul3A_2, %dma_wait3A_148] : memref<4096x4096xf32, #tpu.memory_space<hbm>> -> memref<1x4096xf32, #tpu.memory_space<hbm>>
    %dma_wait3A_150 = tpu.memref_squeeze %dma_wait3A_149 : memref<1x4096xf32, #tpu.memory_space<hbm>> -> memref<4096xf32, #tpu.memory_space<hbm>>
    tpu.wait_dma2 semaphore(%arg7 : memref<!tpu.dma_semaphore, #tpu.memory_space<semaphore_mem>>) src(%dma_wait3A_150 : memref<4096xf32, #tpu.memory_space<hbm>>) dst(%dma_wait3A_147 : memref<4096xf32, #tpu.memory_space<vmem>>)
    %dma_wait3A_151 = arith.constant 16384 : i32
    %dma_wait3A_152 = tpu.memref_slice %arg4[%dma_wait3A_151] : memref<32768xf32, #tpu.memory_space<vmem>> -> memref<4096xf32, #tpu.memory_space<vmem>>
    %dma_wait3A_153 = arith.constant 0 : i32
    %dma_wait3A_154 = tpu.memref_slice %arg2[%mul3A_2, %dma_wait3A_153] : memref<4096x4096xf32, #tpu.memory_space<hbm>> -> memref<1x4096xf32, #tpu.memory_space<hbm>>
    %dma_wait3A_155 = tpu.memref_squeeze %dma_wait3A_154 : memref<1x4096xf32, #tpu.memory_space<hbm>> -> memref<4096xf32, #tpu.memory_space<hbm>>
    %dma_wait3A_156 = arith.constant 16384 : i32
    %dma_wait3A_157 = tpu.memref_slice %arg4[%dma_wait3A_156] : memref<32768xf32, #tpu.memory_space<vmem>> -> memref<4096xf32, #tpu.memory_space<vmem>>
    %dma_wait3A_158 = arith.constant 0 : i32
    %dma_wait3A_159 = tpu.memref_slice %arg2[%mul3A_2, %dma_wait3A_158] : memref<4096x4096xf32, #tpu.memory_space<hbm>> -> memref<1x4096xf32, #tpu.memory_space<hbm>>
    %dma_wait3A_160 = tpu.memref_squeeze %dma_wait3A_159 : memref<1x4096xf32, #tpu.memory_space<hbm>> -> memref<4096xf32, #tpu.memory_space<hbm>>
    tpu.wait_dma2 semaphore(%arg7 : memref<!tpu.dma_semaphore, #tpu.memory_space<semaphore_mem>>) src(%dma_wait3A_160 : memref<4096xf32, #tpu.memory_space<hbm>>) dst(%dma_wait3A_157 : memref<4096xf32, #tpu.memory_space<vmem>>)
    %dma_wait3A_161 = arith.constant 20480 : i32
    %dma_wait3A_162 = tpu.memref_slice %arg4[%dma_wait3A_161] : memref<32768xf32, #tpu.memory_space<vmem>> -> memref<4096xf32, #tpu.memory_space<vmem>>
    %dma_wait3A_163 = arith.constant 0 : i32
    %dma_wait3A_164 = tpu.memref_slice %arg2[%mul3A_2, %dma_wait3A_163] : memref<4096x4096xf32, #tpu.memory_space<hbm>> -> memref<1x4096xf32, #tpu.memory_space<hbm>>
    %dma_wait3A_165 = tpu.memref_squeeze %dma_wait3A_164 : memref<1x4096xf32, #tpu.memory_space<hbm>> -> memref<4096xf32, #tpu.memory_space<hbm>>
    %dma_wait3A_166 = arith.constant 20480 : i32
    %dma_wait3A_167 = tpu.memref_slice %arg4[%dma_wait3A_166] : memref<32768xf32, #tpu.memory_space<vmem>> -> memref<4096xf32, #tpu.memory_space<vmem>>
    %dma_wait3A_168 = arith.constant 0 : i32
    %dma_wait3A_169 = tpu.memref_slice %arg2[%mul3A_2, %dma_wait3A_168] : memref<4096x4096xf32, #tpu.memory_space<hbm>> -> memref<1x4096xf32, #tpu.memory_space<hbm>>
    %dma_wait3A_170 = tpu.memref_squeeze %dma_wait3A_169 : memref<1x4096xf32, #tpu.memory_space<hbm>> -> memref<4096xf32, #tpu.memory_space<hbm>>
    tpu.wait_dma2 semaphore(%arg7 : memref<!tpu.dma_semaphore, #tpu.memory_space<semaphore_mem>>) src(%dma_wait3A_170 : memref<4096xf32, #tpu.memory_space<hbm>>) dst(%dma_wait3A_167 : memref<4096xf32, #tpu.memory_space<vmem>>)
    %dma_wait3A_171 = arith.constant 24576 : i32
    %dma_wait3A_172 = tpu.memref_slice %arg4[%dma_wait3A_171] : memref<32768xf32, #tpu.memory_space<vmem>> -> memref<4096xf32, #tpu.memory_space<vmem>>
    %dma_wait3A_173 = arith.constant 0 : i32
    %dma_wait3A_174 = tpu.memref_slice %arg2[%mul3A_2, %dma_wait3A_173] : memref<4096x4096xf32, #tpu.memory_space<hbm>> -> memref<1x4096xf32, #tpu.memory_space<hbm>>
    %dma_wait3A_175 = tpu.memref_squeeze %dma_wait3A_174 : memref<1x4096xf32, #tpu.memory_space<hbm>> -> memref<4096xf32, #tpu.memory_space<hbm>>
    %dma_wait3A_176 = arith.constant 24576 : i32
    %dma_wait3A_177 = tpu.memref_slice %arg4[%dma_wait3A_176] : memref<32768xf32, #tpu.memory_space<vmem>> -> memref<4096xf32, #tpu.memory_space<vmem>>
    %dma_wait3A_178 = arith.constant 0 : i32
    %dma_wait3A_179 = tpu.memref_slice %arg2[%mul3A_2, %dma_wait3A_178] : memref<4096x4096xf32, #tpu.memory_space<hbm>> -> memref<1x4096xf32, #tpu.memory_space<hbm>>
    %dma_wait3A_180 = tpu.memref_squeeze %dma_wait3A_179 : memref<1x4096xf32, #tpu.memory_space<hbm>> -> memref<4096xf32, #tpu.memory_space<hbm>>
    tpu.wait_dma2 semaphore(%arg7 : memref<!tpu.dma_semaphore, #tpu.memory_space<semaphore_mem>>) src(%dma_wait3A_180 : memref<4096xf32, #tpu.memory_space<hbm>>) dst(%dma_wait3A_177 : memref<4096xf32, #tpu.memory_space<vmem>>)
    %dma_wait3A_181 = arith.constant 28672 : i32
    %dma_wait3A_182 = tpu.memref_slice %arg4[%dma_wait3A_181] : memref<32768xf32, #tpu.memory_space<vmem>> -> memref<4096xf32, #tpu.memory_space<vmem>>
    %dma_wait3A_183 = arith.constant 0 : i32
    %dma_wait3A_184 = tpu.memref_slice %arg2[%mul3A_2, %dma_wait3A_183] : memref<4096x4096xf32, #tpu.memory_space<hbm>> -> memref<1x4096xf32, #tpu.memory_space<hbm>>
    %dma_wait3A_185 = tpu.memref_squeeze %dma_wait3A_184 : memref<1x4096xf32, #tpu.memory_space<hbm>> -> memref<4096xf32, #tpu.memory_space<hbm>>
    %dma_wait3A_186 = arith.constant 28672 : i32
    %dma_wait3A_187 = tpu.memref_slice %arg4[%dma_wait3A_186] : memref<32768xf32, #tpu.memory_space<vmem>> -> memref<4096xf32, #tpu.memory_space<vmem>>
    %dma_wait3A_188 = arith.constant 0 : i32
    %dma_wait3A_189 = tpu.memref_slice %arg2[%mul3A_2, %dma_wait3A_188] : memref<4096x4096xf32, #tpu.memory_space<hbm>> -> memref<1x4096xf32, #tpu.memory_space<hbm>>
    %dma_wait3A_190 = tpu.memref_squeeze %dma_wait3A_189 : memref<1x4096xf32, #tpu.memory_space<hbm>> -> memref<4096xf32, #tpu.memory_space<hbm>>
    tpu.wait_dma2 semaphore(%arg7 : memref<!tpu.dma_semaphore, #tpu.memory_space<semaphore_mem>>) src(%dma_wait3A_190 : memref<4096xf32, #tpu.memory_space<hbm>>) dst(%dma_wait3A_187 : memref<4096xf32, #tpu.memory_space<vmem>>)
    %swap3A = arith.constant 0 : index
    %swap3A_191 = tpu.vector_load %arg6[%swap3A] {strides = array<i32>} : memref<16xf32, #tpu.memory_space<vmem>>, vector<16xf32>,
    tpu.vector_store %arg6[%swap3A], %scan3A_110 {strides = array<i32>} : memref<16xf32, #tpu.memory_space<vmem>>, vector<16xf32>,
    "tpu.region"() ({
      %run_scoped3A = tpu.sem_alloc : memref<!tpu.dma_semaphore, #tpu.memory_space<semaphore_mem>>
      %dma_start3A_192 = arith.constant 0 : i32
      %dma_start3A_193 = tpu.memref_slice %arg3[%add3A, %dma_start3A_192] : memref<32x16xf32, #tpu.memory_space<hbm>> -> memref<1x16xf32, #tpu.memory_space<hbm>>
      %dma_start3A_194 = tpu.memref_squeeze %dma_start3A_193 : memref<1x16xf32, #tpu.memory_space<hbm>> -> memref<16xf32, #tpu.memory_space<hbm>>
      %dma_start3A_195 = arith.constant 0 : i32
      %dma_start3A_196 = tpu.memref_slice %arg3[%add3A, %dma_start3A_195] : memref<32x16xf32, #tpu.memory_space<hbm>> -> memref<1x16xf32, #tpu.memory_space<hbm>>
      %dma_start3A_197 = tpu.memref_squeeze %dma_start3A_196 : memref<1x16xf32, #tpu.memory_space<hbm>> -> memref<16xf32, #tpu.memory_space<hbm>>
      tpu.enqueue_dma source(%arg6 : memref<16xf32, #tpu.memory_space<vmem>>) target(%dma_start3A_197 : memref<16xf32, #tpu.memory_space<hbm>>) target_semaphore(%run_scoped3A : memref<!tpu.dma_semaphore, #tpu.memory_space<semaphore_mem>>)
      %dma_wait3A_198 = arith.constant 0 : i32
      %dma_wait3A_199 = tpu.memref_slice %arg3[%add3A, %dma_wait3A_198] : memref<32x16xf32, #tpu.memory_space<hbm>> -> memref<1x16xf32, #tpu.memory_space<hbm>>
      %dma_wait3A_200 = tpu.memref_squeeze %dma_wait3A_199 : memref<1x16xf32, #tpu.memory_space<hbm>> -> memref<16xf32, #tpu.memory_space<hbm>>
      %dma_wait3A_201 = arith.constant 0 : i32
      %dma_wait3A_202 = tpu.memref_slice %arg3[%add3A, %dma_wait3A_201] : memref<32x16xf32, #tpu.memory_space<hbm>> -> memref<1x16xf32, #tpu.memory_space<hbm>>
      %dma_wait3A_203 = tpu.memref_squeeze %dma_wait3A_202 : memref<1x16xf32, #tpu.memory_space<hbm>> -> memref<16xf32, #tpu.memory_space<hbm>>
      tpu.wait_dma2 semaphore(%run_scoped3A : memref<!tpu.dma_semaphore, #tpu.memory_space<semaphore_mem>>) src(%arg6 : memref<16xf32, #tpu.memory_space<vmem>>) dst(%dma_wait3A_203 : memref<16xf32, #tpu.memory_space<hbm>>)
      tpu.yield
    }) : () -> ()
    return
  }
}

</mosaic_0001>

<sc_bundles>
// kernel: triplet_topk_sc.3.cloned.1.call-start
scs
__scs_entry_jumppad:
0x0: {  	(pc) =	sbr.rel $0x88, $3  }
0x1: {  	(tag) =	ssettag $0x0;
	lr =	simm.s32 $0x1  }
0x2: {  	[smem:$0x3FA0] =	sst lr;
	_ =	strace $0xD0000000  }
0x3: {  	_ = 	snop  }
0x4: {  	_ = 	snop  }
0x5: {  	_ = 	snop  }
0x6: {  	_ = 	snop  }
0x7: {  	_ = 	snop  }
__scs_overlays_trampoline_lowered:
0x8: {  	[smem:$0x3FAF] =	sst s0  }
0x9: {  	[smem:$0x3FB0] =	sst s1  }
0xa: {  	[smem:$0x3FB1] =	sst s2  }
0xb: {  	[smem:$0x3FB2] =	sst s3  }
0xc: {  	[smem:$0x3FB3] =	sst s4  }
0xd: {  	[smem:$0x3FB4] =	sst s5  }
0xe: {  	[smem:$0x3FB5] =	sst s6  }
0xf: {  	[smem:$0x3FB6] =	sst s7  }
0x10: {  	[smem:$0x3FB7] =	sst s8  }
0x11: {  	[smem:$0x3FB8] =	sst s9;
	s0 =	simm.s32 @!p0 $0x0  }
0x12: {  	s1 =	sld [smem:$0x3F9E];
	s0 =	simm.s32 @p0 $0x1  }
0x13: {  	[smem:$0x3FB9] =	sst s0;
	s0 =	simm.s32 @!p1 $0x0  }
0x14: {  	s2 =	sld [smem:$0x3F9D];
	s0 =	simm.s32 @p1 $0x1  }
0x15: {  	[smem:$0x3FBA] =	sst s0;
	s0 =	simm.s32 @!p2 $0x0  }
0x16: {  	s3 =	sld [smem:$0x3FDB];
	s0 =	simm.s32 @p2 $0x1  }
0x17: {  	s4 =	simm.s32 $0x1BF5;
	[smem:$0x3FBC] =	sst s0  }
0x18: {  	s0 =	sld [smem:$0x3F9F];
	_ =	swait.ge [sflag:s4], $0x0  }
0x19: {  	s7 =	sld [smem:$0x3FA0]  }
0x1a: {  	s8 =	sadd.s32 $0xFFFFE003, lr  }
0x1b: {  	s9 =	sadd.s32 $0xFFFFFEF7, lr;
	s5 =	simm.s32 $0xFFFFFFFF;
	p2 =	slt.u32 s8, $0xFFFFF086  }
0x1c: {  	p1 =	slt.u32 s9, $0xF7A;
	s5 =	simm.s32 @!p2 $0x0  }
0x1d: {  	s5 =	simm.s32 @p1 $0x1;
	p0 =	seq.s32 s7, s2  }
0x1e: {  	s7 =	smul.u32 @!p0 $0xF7A, s2;
	p2 =	seq.s32 @!p0 s5, $0x0  }
0x1f: {  	s9 =	smul.u32 $0xF7A, s1;
	s8 =	simm.s32 @!p0 $0x1BF5;
	p2 =	por !p2, p0  }
0x20: {  	[sflag:s8] =	ssyncset.s32 @!p0 $0xFFFFF086;
	s6 =	sadd.s32 @!p0 s3, s7;
	s7 =	simm.s32 @!p0 $0x108  }
0x21: {  	s3 =	sadd.s32 s3, s9;
	s6 =	sadd.s32 @!p0 $0x88, s6;
	s7 =	simm.s32 @p2 $0x1082  }
0x22: {  	[simem:s7], [sflag:s8] =	dma.local @!p0 [hbm:s6], $0xF7A  }
0x23: {  	s9 =	sor.u32 $0xD0000000, s2;
	s6 =	simm.s32 $0x108;
	_ =	swait.ge @!p0 [sflag:s8], $0x0  }
0x24: {  	s3 =	sadd.s32 $0x88, s3;
	s6 =	simm.s32 @!p1 $0x1082;
	[sflag:s4] =	ssyncset.s32 $0xFFFFF086  }
0x25: {  	[simem:s6], [sflag:s4] =	dma.local [hbm:s3], $0xF7A  }
0x26: {  	[smem:$0x3FA0] =	sst s1;
	(tag) =	ssettag s2;
	_ =	strace s9  }
0x27: {  	s1 =	sld [smem:$0x3FB0]  }
0x28: {  	s2 =	sld [smem:$0x3FB1]  }
0x29: {  	s4 =	sld [smem:$0x3FB3]  }
0x2a: {  	p0 =	seq.s32 s5, $0x0;
	s5 =	sld [smem:$0x3FB4]  }
0x2b: {  	s6 =	sld [smem:$0x3FB5]  }
0x2c: {  	s7 =	sld [smem:$0x3FB6]  }
0x2d: {  	s3 =	simm.s32 $0x108;
	s8 =	sld [smem:$0x3FB7]  }
0x2e: {  	s3 =	simm.s32 @!p0 $0x1082;
	s9 =	sld [smem:$0x3FB8]  }
0x2f: {  	lr =	sadd.s32 s0, s3;
	s0 =	sld [smem:$0x3FAF]  }
0x30: {  	s3 =	sld [smem:$0x3FB2]  }
0x31: {  	[smem:$0x3FBB] =	sst s10  }
0x32: {  	s10 =	sld [smem:$0x3FB9];
	_ =	sdelay $0x3  }
0x33: {  	p0 =	seq.s32 s10, $0x1;
	s10 =	sld [smem:$0x3FBB];
	_ =	sdelay $0x3  }
0x34: {  	[smem:$0x3FBB] =	sst s10  }
0x35: {  	s10 =	sld [smem:$0x3FBA];
	_ =	sdelay $0x3  }
0x36: {  	p1 =	seq.s32 s10, $0x1;
	s10 =	sld [smem:$0x3FBB];
	_ =	sdelay $0x3  }
0x37: {  	[smem:$0x3FBB] =	sst s10  }
0x38: {  	s10 =	sld [smem:$0x3FBC]  }
0x39: {  	_ = 	snop;
	(pc) =	sbr.ind lr, $3  }
0x3a: {  	_ = 	snop  }
0x3b: {  	_ = 	snop  }
0x3c: {  	p2 =	seq.s32 s10, $0x1;
	s10 =	sld [smem:$0x3FBB]  }
0x3d: {  	_ =	shalt  }
0x3e: {  	_ =	shalt  }
0x3f: {  	_ =	shalt  }
0x40: {  	_ =	shalt  }
0x41: {  	_ =	shalt  }
0x42: {  	_ =	shalt  }
0x43: {  	_ =	shalt  }
0x44: {  	_ =	shalt  }
0x45: {  	_ =	shalt  }
0x46: {  	_ =	shalt  }
0x47: {  	_ =	shalt  }
0x48: {  	_ =	shalt  }
0x49: {  	_ =	shalt  }
0x4a: {  	_ =	shalt  }
0x4b: {  	_ =	shalt  }
0x4c: {  	_ =	shalt  }
0x4d: {  	_ =	shalt  }
0x4e: {  	_ =	shalt  }
0x4f: {  	_ =	shalt  }
0x50: {  	_ =	shalt  }
0x51: {  	_ =	shalt  }
0x52: {  	_ =	shalt  }
0x53: {  	_ =	shalt  }
0x54: {  	_ =	shalt  }
0x55: {  	_ =	shalt  }
0x56: {  	_ =	shalt  }
0x57: {  	_ =	shalt  }
0x58: {  	_ =	shalt  }
0x59: {  	_ =	shalt  }
0x5a: {  	_ =	shalt  }
0x5b: {  	_ =	shalt  }
0x5c: {  	_ =	shalt  }
0x5d: {  	_ =	shalt  }
0x5e: {  	_ =	shalt  }
0x5f: {  	_ =	shalt  }
0x60: {  	_ =	shalt  }
0x61: {  	_ =	shalt  }
0x62: {  	_ =	shalt  }
0x63: {  	_ =	shalt  }
0x64: {  	_ =	shalt  }
0x65: {  	_ =	shalt  }
0x66: {  	_ =	shalt  }
0x67: {  	_ =	shalt  }
0x68: {  	_ =	shalt  }
0x69: {  	_ =	shalt  }
0x6a: {  	_ =	shalt  }
0x6b: {  	_ =	shalt  }
0x6c: {  	_ =	shalt  }
0x6d: {  	_ =	shalt  }
0x6e: {  	_ =	shalt  }
0x6f: {  	_ =	shalt  }
0x70: {  	_ =	shalt  }
0x71: {  	_ =	shalt  }
0x72: {  	_ =	shalt  }
0x73: {  	_ =	shalt  }
0x74: {  	_ =	shalt  }
0x75: {  	_ =	shalt  }
0x76: {  	_ =	shalt  }
0x77: {  	_ =	shalt  }
0x78: {  	_ =	shalt  }
0x79: {  	_ =	shalt  }
0x7a: {  	_ =	shalt  }
0x7b: {  	_ =	shalt  }
0x7c: {  	_ =	shalt  }
0x7d: {  	_ =	shalt  }
0x7e: {  	_ =	shalt  }
0x7f: {  	_ =	shalt  }
0x80: {  	_ =	shalt  }
0x81: {  	_ =	shalt  }
0x82: {  	_ =	shalt  }
0x83: {  	_ =	shalt  }
0x84: {  	_ =	shalt  }
0x85: {  	_ =	shalt  }
0x86: {  	_ =	shalt  }
0x87: {  	_ =	shalt  }
.Lfunc_end0:
.L_simem_size_0:
called_computation_lowered:
.L_overlay_start_0:
0x88: {  	s2 =	sld [smem:$0x3FD9]  }
0x89: {  	s3 =	sld [smem:$0x3FFE];
	_ =	sdelay $0x1  }
0x8a: {  	s1 =	srdreg.scid  }
0x8b: {  	s0 =	sand.u32 $0x1, s1  }
0x8c: {  	s17 =	sshll.u32 s0, $0xA;
	s2 =	sadd.s32 s3, s2  }
0x8d: {  	s2 =	sadd.s32 s2, s17  }
0x8e: {  	[smem:$0x3FC7] =	sst s2  }
0x8f: {  	_ = 	snop  }
0x90: {  	s2 =	sld [smem:$0x3FC9];
	(tm) =	ssettm $0x1  }
0x91: {  	s18 =	sld [smem:$0x3FFB];
	_ =	sdelay $0x3  }
0x92: {  	_ =	strace s18  }
0x93: {  	s3 =	sld [smem:$0x3FFC];
	_ =	sdelay $0x3  }
0x94: {  	_ =	strace s3  }
0x95: {  	s3 =	sld [smem:$0x3FFD];
	_ =	sdelay $0x3  }
0x96: {  	_ =	strace s3  }
0x97: {  	_ =	strace $0x8FFFFFFF  }
0x98: {  	s19 =	sld [smem:$0x3FDB];
	_ =	sdelay $0x1  }
0x99: {  	s4 =	simm.s32 $_scs_section_size  }
0x9a: {  	s5 =	simm.s32 $_size__tile_overlayer_lowered;
	s6 =	simm.s32 $_tile_overlayer_lowered  }
0x9b: {  	s22 =	simm.s32 $0x1BFF;
	s21 =	sshll.u32 s6, $0x1;
	s3 =	sadd.s32 s4, s19  }
0x9c: {  	s7 =	simm.s32 $0x0;
	s20 =	sshll.u32 s5, $0x1;
	s5 =	sadd.s32 s21, s3  }
0x9d: {  	[timem:s7], [sflag:s22] =	dma.local [hbm:s5], s20  }
0x9e: {  	_ =	swait.ge [sflag:s22], s20  }
0x9f: {  	s4 =	ssub.s32 $0x0, s20;
	[sflag:s22] =	ssyncset.done $0x0  }
0xa0: {  	[sflag:s22] =	ssyncadd.s32 s4;
	_ =	sdelay $0x1  }
0xa1: {  	s23 =	simm.s32 $0x1B8B  }
0xa2: {  	_ =	swait.ge [sflag:s23], $0x1  }
0xa3: {  	[sflag:s23] =	ssyncset.done $0x0  }
0xa4: {  	s25 =	simm.s32 $0x1B8E;
	s24 =	sld [smem:$0x3FFE];
	[sflag:s23] =	ssyncadd.s32 $0xFFFFFFFF  }
0xa5: {  	s26 =	simm.s32 $execute0_lowered;
	[smem:$0x3FD2] =	sst s25  }
0xa6: {  	s5 =	sshll.u32 s26, $0x1;
	_ =	strace $0x80000046;
	[dreg:$0x1] =	wrdreg $0xFFFFFFFF  }
0xa7: {  	s28 =	simm.s32 $_size_execute0_lowered;
	s3 =	sadd.s32 s3, s5;
	[dreg:$0x0] =	wrdreg $0x0  }
0xa8: {  	s5 =	sshll.u32 s28, $0x1;
	[dreg:$0x2] =	wrdreg s3  }
0xa9: {  	[dreg:$0x3] =	wrdreg s5  }
0xaa: {  	[dreg:$0x4] =	wrdreg $0xC0  }
0xab: {  	_ =	task [dreg:s7], $0x5FFFF  }
0xac: {  	[dreg:$0x1] =	wrdreg $0xFFFFFFFF  }
0xad: {  	[dreg:$0x0] =	wrdreg $0x60  }
0xae: {  	[dreg:$0x2] =	wrdreg s2  }
0xaf: {  	[dreg:$0x3] =	wrdreg s24  }
0xb0: {  	[dreg:$0x4] =	wrdreg $0x9  }
0xb1: {  	_ =	task.clear_ibuf [dreg:s7], $0x5FFFF;
	_ =	strace $0x90000046  }
0xb2: {  	s29 =	simm.s32 $0x9;
	_ =	strace $0x80000048  }
0xb3: {  	_ =	swait.ge [sflag:s29], $0x1  }
0xb4: {  	[sflag:s29] =	ssyncadd.s32 $0xFFFFFFFF  }
0xb5: {  	_ =	strace $0x90000048  }
0xb6: {  	_ =	sfence  }
0xb7: {  	s30 =	sld [smem:$0x0];
	_ =	sdelay $0x2  }
0xb8: {  	s31 =	sshll.u32 s1, $0xD;
	s1 =	sshrl.u32 s1, $0x2  }
0xb9: {  	s3 =	sand.u32 $0x4000, s31;
	s1 =	sadd.s32 s1, s30  }
0xba: {  	s0 =	sor.u32 s3, s0;
	s1 =	sshll.u32 s1, $0x11  }
0xbb: {  	s0 =	sor.u32 s1, s0  }
0xbc: {  	s0 =	sadd.s32 $0x8F2B, s0  }
0xbd: {  	[sflag:s0] =	ssyncadd.remote.s32 $0x1  }
0xbe: {  	_ =	sfence.sel $0xFFFF  }
0xbf: {  	[dreg:$0x0] =	wrdreg $0xFFFFFFFF;
	(pc) =	sbr.abs _section_cstart, $3  }
0xc0: {  	[dreg:$0x1] =	wrdreg $0xFFFFFFFF  }
0xc1: {  	_ =	task.clear_ibuf [dreg:s7], $0x2FFFF;
	_ =	strace $0x9FFFFFFF  }
0xc2: {  	(tm) =	ssettm $0x7FFFFFFF  }
0xc3: {  	_ =	shalt  }
tec
execute0_lowered:
.L_overlay_start_1:
0x0: {  	(tag) =	ssettag $0x1  }
0x1: {  	s2 =	rddreg [dreg:$0x0]  }
0x2: {  	s0 =	rddreg [dreg:$0x1]  }
0x3: {  	s1 =	srdreg.scid;
	s5 =	stileid.u32;
	s3 =	simm.s32 $0x0  }
0x4: {  	s28 =	simm.s32 $0x3000;
	s29 =	simm.s32 $0x4000;
	s30 =	simm.s32 $0x5000  }
0x5: {  	s31 =	simm.s32 $0x6000;
	s15 =	simm.s32 $0xE000;
	s18 =	simm.s32 $0xF000  }
0x6: {  	s1 =	sand.u32 $0x1, s1;
	s5 =	sshll.u32 s5, $0x1;
	[smem:$0x7FF] =	sst s3  }
0x7: {  	s10 =	sadd.s32 $0x30, s2;
	s4 =	ssub.s32 $0x2, s1;
	s1 =	sor.u32 s1, s5  }
0x8: {  	s11 =	sadd.s32 $0x40, s2;
	s12 =	sadd.s32 $0x50, s2;
	s8 =	sshll.u32 s1, $0x10  }
0x9: {  	s16 =	sadd.s32 $0x60, s2;
	s5 =	sadd.s32 $0x10, s2;
	s9 =	sadd.s32 s2, s8  }
0xa: {  	_ =	strace $0x80000047;
	s19 =	sadd.s32 s8, s5;
	[dreg:$0x3] =	wrdreg s9  }
0xb: {  	s17 =	sadd.s32 $0x70, s2;
	s21 =	sadd.s32 s8, s10;
	[dreg:$0x4] =	wrdreg s19  }
0xc: {  	s6 =	sshrl.u32 s4, $0x1;
	s22 =	sadd.s32 s8, s11;
	[dreg:$0x6] =	wrdreg s21  }
0xd: {  	s7 =	ssub.s32 s4, s6;
	s23 =	sadd.s32 s8, s12;
	[dreg:$0x7] =	wrdreg s22  }
0xe: {  	s4 =	sshll.u32 s1, $0x7;
	s24 =	sadd.s32 s8, s16;
	[dreg:$0x8] =	wrdreg s23  }
0xf: {  	v1 =	vimm.f32 $-Inf;
	v0 =	vlaneseq.u32;
	vm0 =	vmmov $0xff;
	s6 =	sadd.s32 $0x20, s2;
	s25 =	sadd.s32 s8, s17;
	[dreg:$0x9] =	wrdreg s24  }
0x10: {  	v2 =	vor.u32 $0x10, v0;
	v3 =	vor.u32 $0x20, v0;
	v4 =	vor.u32 $0x30, v0;
	s1 =	sshll.u32 s1, $0x4;
	s20 =	sadd.s32 s8, s6;
	[dreg:$0xa] =	wrdreg s25  }
0x11: {  	v5 =	vor.u32 $0x40, v0;
	v6 =	vor.u32 $0x50, v0;
	v7 =	vor.u32 $0x60, v0;
	s0 =	sadd.s32 s0, s1;
	s26 =	smax.u32 s7, $0x1;
	s22 =	sor.u32 $0x2000, s8  }
0x12: {  	v8 =	vor.u32 $0x70, v0;
	v9 =	vor.u32 $0x80, v0;
	v10 =	vor.u32 $0x90, v0;
	s23 =	simm.s32 $0x80;
	s24 =	simm.s32 $0x400;
	[dreg:$0x5] =	wrdreg s20  }
0x13: {  	v11 =	vor.u32 $0xA0, v0;
	v12 =	vor.u32 $0xB0, v0;
	v13 =	vor.u32 $0xC0, v0;
	s25 =	simm.s32 $0x1000;
	s1 =	simm.s32 $0x8000;
	[dreg:$0xb] =	wrdreg s0  }
0x14: {  	v14 =	vor.u32 $0xD0, v0;
	v15 =	vor.u32 $0xE0, v0;
	v20 =	vand.u32 $0x7, v0;
	s19 =	simm.s32 $0x1;
	s9 =	simm.s32 $0x0;
	[dreg:$0xc] =	wrdreg s26  }
0x15: {  	v16 =	vor.u32 $0xF0, v0;
	v19 =	vmul.u32 $0x10, v0;
	v20 =	vmul.u32 $0x10, v20;
	s26 =	simm.s32 $0x2000;
	s0 =	simm.s32 $0x7000;
	s20 =	simm.s32 $0x2  }
.LBB2_1:
0x16: {  	[dreg:$0xd] =	wrdreg s9  }
0x17: {  	s7 =	rddreg [dreg:$0x3]  }
0x18: {  	[tilespmem:s3], [sflag:$0x1] =	stream.strided.gather [hbm4b:s7+s23], $0x1000, s24, s23, $0x38;
	[tilespmem:$0x10080] =	vst v63  }
0x19: {  	s14 =	rddreg [dreg:$0x4]  }
0x1a: {  	[tilespmem:s25], [sflag:$0x1] =	stream.strided.gather [hbm4b:s14+s23], $0x1000, s24, s23, $0x38;
	[tilespmem:$0x10080] =	vst v63  }
0x1b: {  	s21 =	rddreg [dreg:$0x5]  }
0x1c: {  	[tilespmem:s26], [sflag:$0x1] =	stream.strided.gather [hbm4b:s21+s23], $0x1000, s24, s23, $0x38;
	[tilespmem:$0x10080] =	vst v63  }
0x1d: {  	s8 =	rddreg [dreg:$0x6]  }
0x1e: {  	[tilespmem:s28], [sflag:$0x1] =	stream.strided.gather [hbm4b:s8+s23], $0x1000, s24, s23, $0x38;
	[tilespmem:$0x10080] =	vst v63  }
0x1f: {  	s9 =	rddreg [dreg:$0x7]  }
0x20: {  	[tilespmem:s29], [sflag:$0x1] =	stream.strided.gather [hbm4b:s9+s23], $0x1000, s24, s23, $0x38;
	[tilespmem:$0x10080] =	vst v63  }
0x21: {  	s13 =	rddreg [dreg:$0x8]  }
0x22: {  	[tilespmem:s30], [sflag:$0x1] =	stream.strided.gather [hbm4b:s13+s23], $0x1000, s24, s23, $0x38;
	[tilespmem:$0x10080] =	vst v63  }
0x23: {  	s14 =	rddreg [dreg:$0x9]  }
0x24: {  	[tilespmem:s31], [sflag:$0x1] =	stream.strided.gather [hbm4b:s14+s23], $0x1000, s24, s23, $0x38;
	[tilespmem:$0x10080] =	vst v63  }
0x25: {  	s21 =	rddreg [dreg:$0xa]  }
0x26: {  	[tilespmem:s0], [sflag:$0x1] =	stream.strided.gather [hbm4b:s21+s23], $0x1000, s24, s23, $0x38;
	[tilespmem:$0x10080] =	vst v63  }
0x27: {  	v27 =	vimm.f32 $0.0e+00;
	s21 =	simm.s32 $0x0  }
.LBB2_2:
0x28: {  	s7 =	sshll.u32 s21, $0x4  }
0x29: {  	s8 =	sor.u32 s7, s4  }
0x2a: {  	s7 =	sor.u32 $0x8, s8  }
0x2b: {  	s9 =	sshll.u32 s7, $0x9  }
0x2c: {  	s9 =	sand.u32 $0x1FFFF000, s9  }
0x2d: {  	s13 =	sadd.s32 s2, s9  }
0x2e: {  	[tilespmem:s1], [sflag:$0x2] =	stream.strided.gather [hbm4b:s13+s23], $0x1000, s24, s23, $0x38;
	[tilespmem:$0x10080] =	vst v63  }
0x2f: {  	s14 =	simm.s32 $0x9000;
	s13 =	sadd.s32 s9, s5  }
0x30: {  	[tilespmem:s14], [sflag:$0x2] =	stream.strided.gather [hbm4b:s13+s23], $0x1000, s24, s23, $0x38;
	[tilespmem:$0x10080] =	vst v63  }
0x31: {  	s13 =	sadd.s32 s9, s6;
	s14 =	simm.s32 $0xA000  }
0x32: {  	[tilespmem:s14], [sflag:$0x2] =	stream.strided.gather [hbm4b:s13+s23], $0x1000, s24, s23, $0x38;
	[tilespmem:$0x10080] =	vst v63  }
0x33: {  	s13 =	sadd.s32 s9, s10;
	s14 =	simm.s32 $0xB000  }
0x34: {  	[tilespmem:s14], [sflag:$0x2] =	stream.strided.gather [hbm4b:s13+s23], $0x1000, s24, s23, $0x38;
	[tilespmem:$0x10080] =	vst v63  }
0x35: {  	s13 =	sadd.s32 s9, s11;
	s14 =	simm.s32 $0xC000  }
0x36: {  	[tilespmem:s14], [sflag:$0x2] =	stream.strided.gather [hbm4b:s13+s23], $0x1000, s24, s23, $0x38;
	[tilespmem:$0x10080] =	vst v63  }
0x37: {  	s13 =	sadd.s32 s9, s12;
	s14 =	simm.s32 $0xD000  }
0x38: {  	[tilespmem:s14], [sflag:$0x2] =	stream.strided.gather [hbm4b:s13+s23], $0x1000, s24, s23, $0x38;
	[tilespmem:$0x10080] =	vst v63  }
0x39: {  	s14 =	sadd.s32 s9, s16  }
0x3a: {  	[tilespmem:s15], [sflag:$0x2] =	stream.strided.gather [hbm4b:s14+s23], $0x1000, s24, s23, $0x38;
	[tilespmem:$0x10080] =	vst v63  }
0x3b: {  	s9 =	sadd.s32 s9, s17  }
0x3c: {  	[tilespmem:s18], [sflag:$0x2] =	stream.strided.gather [hbm4b:s9+s23], $0x1000, s24, s23, $0x38;
	[tilespmem:$0x10080] =	vst v63  }
0x3d: {  	s9 =	simm.s32 $0x0  }
.LBB2_3:
0x3e: {  	s13 =	sshll.u32 s9, $0xC;
	s14 =	sor.u32 s9, s8  }
0x3f: {  	s14 =	sadd.s32 s13, s14  }
0x40: {  	v29 =	vmov s14;
	_ =	sdelay $0x1  }
0x41: {  	_ =	swait.ge [sflag:s19], $0x1000  }
0x42: {  	[sflag:s19] =	ssyncset.done $0x0  }
0x43: {  	[sflag:s19] =	ssyncadd.s32 $0xFFFFF000  }
0x44: {  	v28 =	vld.idx.msk [tilespmem:v29+s3+$0x0], $0xffff;
	[tilespmem:v29+s3+$0x0] =	vst.idx.msk $0x1, v1  }
0x45: {  	v29 =	vld [tilespmem:s13+$0x0]  }
0x46: {  	v30 =	vld [tilespmem:s13+$0x10]  }
0x47: {  	v31 =	vld [tilespmem:s13+$0x20]  }
0x48: {  	v32 =	vld [tilespmem:s13+$0x30]  }
0x49: {  	v33 =	vld [tilespmem:s13+$0x40]  }
0x4a: {  	v34 =	vld [tilespmem:s13+$0x50]  }
0x4b: {  	v35 =	vld [tilespmem:s13+$0x60]  }
0x4c: {  	v36 =	vld [tilespmem:s13+$0x70]  }
0x4d: {  	v37 =	vld [tilespmem:s13+$0x80]  }
0x4e: {  	v38 =	vld [tilespmem:s13+$0x90]  }
0x4f: {  	v39 =	vld [tilespmem:s13+$0xA0]  }
0x50: {  	v40 =	vld [tilespmem:s13+$0xB0]  }
0x51: {  	v41 =	vld [tilespmem:s13+$0xC0]  }
0x52: {  	v42 =	vld [tilespmem:s13+$0xD0]  }
0x53: {  	v43 =	vld [tilespmem:s13+$0xE0]  }
0x54: {  	v44 =	vld [tilespmem:s13+$0xF0]  }
0x55: {  	v45 =	vld [tilespmem:s13+$0x100]  }
0x56: {  	v46 =	vld [tilespmem:s13+$0x110]  }
0x57: {  	v47 =	vld [tilespmem:s13+$0x120]  }
0x58: {  	v48 =	vld [tilespmem:s13+$0x130]  }
0x59: {  	v49 =	vld [tilespmem:s13+$0x140]  }
0x5a: {  	v50 =	vld [tilespmem:s13+$0x150]  }
0x5b: {  	v51 =	vld [tilespmem:s13+$0x160]  }
0x5c: {  	v52 =	vld [tilespmem:s13+$0x170]  }
0x5d: {  	v53 =	vld [tilespmem:s13+$0x180]  }
0x5e: {  	v54 =	vld [tilespmem:s13+$0x190]  }
0x5f: {  	v55 =	vld [tilespmem:s13+$0x1A0]  }
0x60: {  	v56 =	vld [tilespmem:s13+$0x1B0]  }
0x61: {  	v57 =	vld [tilespmem:s13+$0x1C0]  }
0x62: {  	v58 =	vld [tilespmem:s13+$0x1D0]  }
0x63: {  	v59 =	vld [tilespmem:s13+$0x1E0]  }
0x64: {  	v60 =	vld [tilespmem:s13+$0x1F0]  }
0x65: {  	v61 =	vld [tilespmem:s13+$0x200]  }
0x66: {  	v62 =	vld [tilespmem:s13+$0x210]  }
0x67: {  	v63 =	vld [tilespmem:s13+$0x220]  }
0x68: {  	v0 =	vld [tilespmem:s13+$0x230]  }
0x69: {  	v1 =	vld [tilespmem:s13+$0x240]  }
0x6a: {  	v17 =	vld [tilespmem:s13+$0x250]  }
0x6b: {  	v18 =	vld [tilespmem:s13+$0x260]  }
0x6c: {  	v21 =	vld [tilespmem:s13+$0x270]  }
0x6d: {  	v22 =	vld [tilespmem:s13+$0x280]  }
0x6e: {  	v23 =	vld [tilespmem:s13+$0x290]  }
0x6f: {  	v24 =	vld [tilespmem:s13+$0x2A0]  }
0x70: {  	v25 =	vld [tilespmem:s13+$0x2B0]  }
0x71: {  	v29 =	vmax.f32 v29, v30;
	v30 =	vld [tilespmem:s13+$0x2C0]  }
0x72: {  	v29 =	vmax.f32 v29, v31;
	v31 =	vmax.f32 v45, v46;
	v45 =	vld [tilespmem:s13+$0x2D0]  }
0x73: {  	v46 =	vld [tilespmem:s13+$0x5A0];
	v29 =	vmax.f32 v29, v32;
	v31 =	vmax.f32 v31, v47  }
0x74: {  	v62 =	vmax.f32 v61, v62;
	v32 =	vld [tilespmem:s13+$0x2E0];
	v29 =	vmax.f32 v29, v33;
	v31 =	vmax.f32 v31, v48  }
0x75: {  	v47 =	vmax.f32 v62, v63;
	v33 =	vld [tilespmem:s13+$0x2F0];
	v29 =	vmax.f32 v29, v34;
	v31 =	vmax.f32 v31, v49  }
0x76: {  	v0 =	vmax.f32 v47, v0;
	v47 =	vld [tilespmem:s13+$0x5B0];
	v29 =	vmax.f32 v29, v35;
	v31 =	vmax.f32 v31, v50  }
0x77: {  	v34 =	vld [tilespmem:s13+$0x300];
	v29 =	vmax.f32 v29, v36;
	v31 =	vmax.f32 v31, v51  }
0x78: {  	v0 =	vmax.f32 v0, v1;
	v35 =	vld [tilespmem:s13+$0x310];
	v29 =	vmax.f32 v29, v37;
	v31 =	vmax.f32 v31, v52  }
0x79: {  	v0 =	vmax.f32 v0, v17;
	v17 =	vld [tilespmem:s13+$0x420];
	v29 =	vmax.f32 v29, v38;
	v31 =	vmax.f32 v31, v53  }
0x7a: {  	v50 =	vld [tilespmem:s13+$0x5C0];
	v29 =	vmax.f32 v29, v39;
	v31 =	vmax.f32 v31, v54  }
0x7b: {  	v36 =	vld [tilespmem:s13+$0x320];
	v29 =	vmax.f32 v29, v40;
	v31 =	vmax.f32 v31, v55  }
0x7c: {  	v0 =	vmax.f32 v0, v18;
	v18 =	vld [tilespmem:s13+$0x430];
	v29 =	vmax.f32 v29, v41;
	v31 =	vmax.f32 v31, v56  }
0x7d: {  	v37 =	vld [tilespmem:s13+$0x330];
	v29 =	vmax.f32 v29, v42;
	v31 =	vmax.f32 v31, v57  }
0x7e: {  	v26 =	vlaneseq.u32;
	v52 =	vld [tilespmem:s13+$0x3E0];
	v29 =	vmax.f32 v29, v43;
	v31 =	vmax.f32 v31, v58  }
0x7f: {  	v0 =	vmax.f32 v0, v21;
	v21 =	vld [tilespmem:s13+$0x440];
	v29 =	vmax.f32 v29, v44;
	v31 =	vmax.f32 v31, v59  }
0x80: {  	v38 =	vld [tilespmem:s13+$0x340];
	v31 =	vmax.f32 v31, v60;
	(xrf1) =	vsort.ascd.msk.f32 $0xffff, v29, v26  }
0x81: {  	v53 =	vld [tilespmem:s13+$0x3F0];
	(xrf1) =	vsort.dscd.msk.f32 $0xffff, v31, v2  }
0x82: {  	v0 =	vmax.f32 v0, v22;
	v22 =	vld [tilespmem:s13+$0x450]  }
0x83: {  	v39 =	vld [tilespmem:s13+$0x350]  }
0x84: {  	v54 =	vld [tilespmem:s13+$0x360]  }
0x85: {  	v0 =	vmax.f32 v0, v23;
	v23 =	vld [tilespmem:s13+$0x460];
	v34 =	vmax.f32 v34, v35  }
0x86: {  	v55 =	vld [tilespmem:s13+$0x370];
	v1 =	vmax.f32 v34, v36  }
0x87: {  	v56 =	vld [tilespmem:s13+$0x380];
	v1 =	vmax.f32 v1, v37  }
0x88: {  	v57 =	vld [tilespmem:s13+$0x390];
	v1 =	vmax.f32 v1, v38  }
0x89: {  	v58 =	vld [tilespmem:s13+$0x3A0];
	v1 =	vmax.f32 v1, v39  }
0x8a: {  	v59 =	vld [tilespmem:s13+$0x3B0];
	v1 =	vmax.f32 v1, v54  }
0x8b: {  	v29 =	vld [tilespmem:s13+$0x3C0];
	v1 =	vmax.f32 v1, v55  }
0x8c: {  	v0 =	vmax.f32 v0, v24;
	v60 =	vld [tilespmem:s13+$0x3D0];
	v1 =	vmax.f32 v1, v56  }
0x8d: {  	v35 =	vld [tilespmem:s13+$0x400];
	v0 =	vmax.f32 v0, v25;
	v1 =	vmax.f32 v1, v57  }
0x8e: {  	v24 =	vld [tilespmem:s13+$0x470];
	v0 =	vmax.f32 v0, v30;
	v1 =	vmax.f32 v1, v58;
	v54, v55, _ =	vpop (xrf1)  }
0x8f: {  	v40 =	vld [tilespmem:s13+$0x540];
	v0 =	vmax.f32 v0, v45;
	v1 =	vmax.f32 v1, v59;
	v56, v57, _ =	vpop (xrf1)  }
0x90: {  	v34 =	vld [tilespmem:s13+$0x410];
	v0 =	vmax.f32 v0, v32;
	v1 =	vmax.f32 v1, v29;
	vm1 =	vge.f32 v54, v56  }
0x91: {  	v25 =	vld [tilespmem:s13+$0x480];
	v1 =	vmax.f32 v1, v60;
	v58 =	vmax.f32 v54, v56;
	v59 =	vsel vm1, v55, v57  }
0x92: {  	v36 =	vld [tilespmem:s13+$0x510];
	v0 =	vmax.f32 v0, v33;
	v1 =	vmax.f32 v1, v52;
	(xrf1) =	vsort.ascd.msk.f32 $0xffff, v58, v59  }
0x93: {  	v41 =	vld [tilespmem:s13+$0x550];
	v1 =	vmax.f32 v1, v53;
	(xrf1) =	vsort.ascd.msk.f32 $0xffff, v0, v3  }
0x94: {  	v30 =	vld [tilespmem:s13+$0x490];
	(xrf1) =	vsort.dscd.msk.f32 $0xffff, v1, v4  }
0x95: {  	v37 =	vld [tilespmem:s13+$0x520]  }
0x96: {  	v42 =	vld [tilespmem:s13+$0x560]  }
0x97: {  	v38 =	vld [tilespmem:s13+$0x4A0]  }
0x98: {  	v43 =	vld [tilespmem:s13+$0x570]  }
0x99: {  	v45 =	vld [tilespmem:s13+$0x590]  }
0x9a: {  	v32 =	vld [tilespmem:s13+$0x4E0]  }
0x9b: {  	v39 =	vld [tilespmem:s13+$0x530]  }
0x9c: {  	v44 =	vld [tilespmem:s13+$0x580]  }
0x9d: {  	v33 =	vld [tilespmem:s13+$0x4D0]  }
0x9e: {  	v26 =	vld [tilespmem:s13+$0xA60];
	v34 =	vmax.f32 v35, v34  }
0x9f: {  	v31 =	vld [tilespmem:s13+$0x4C0];
	v17 =	vmax.f32 v34, v17  }
0xa0: {  	v17 =	vmax.f32 v17, v18;
	v18 =	vld [tilespmem:s13+$0x640];
	v48, v49, _ =	vpop (xrf1)  }
0xa1: {  	v17 =	vmax.f32 v17, v21;
	v21 =	vld [tilespmem:s13+$0x650];
	v60, v61, _ =	vpop (xrf1)  }
0xa2: {  	v17 =	vmax.f32 v17, v22;
	v22 =	vld [tilespmem:s13+$0x660];
	v62, v63, _ =	vpop (xrf1)  }
0xa3: {  	v29 =	vld [tilespmem:s13+$0x4B0];
	vm1 =	vge.f32 v60, v62  }
0xa4: {  	v17 =	vmax.f32 v17, v23;
	v1 =	vld [tilespmem:s13+$0x500];
	v51 =	vmax.f32 v60, v62;
	v52 =	vsel vm1, v61, v63  }
0xa5: {  	v23 =	vld [tilespmem:s13+$0x670];
	v17 =	vmax.f32 v17, v24;
	(xrf1) =	vsort.dscd.msk.f32 $0xffff, v51, v52  }
0xa6: {  	v24 =	vld [tilespmem:s13+$0x680];
	v17 =	vmax.f32 v17, v25  }
0xa7: {  	v25 =	vld [tilespmem:s13+$0x690];
	v17 =	vmax.f32 v17, v30  }
0xa8: {  	v53 =	vld [tilespmem:s13+$0x5D0];
	v17 =	vmax.f32 v17, v38  }
0xa9: {  	v17 =	vmax.f32 v17, v29;
	v29 =	vld [tilespmem:s13+$0x6C0];
	v1 =	vmax.f32 v1, v36  }
0xaa: {  	v56 =	vld [tilespmem:s13+$0x5E0];
	v1 =	vmax.f32 v1, v37  }
0xab: {  	v54 =	vld [tilespmem:s13+$0x600];
	v1 =	vmax.f32 v1, v39  }
0xac: {  	v0 =	vld [tilespmem:s13+$0x4F0];
	v1 =	vmax.f32 v1, v40  }
0xad: {  	v57 =	vld [tilespmem:s13+$0x5F0];
	v1 =	vmax.f32 v1, v41  }
0xae: {  	v17 =	vmax.f32 v17, v31;
	v55 =	vld [tilespmem:s13+$0x610];
	v1 =	vmax.f32 v1, v42  }
0xaf: {  	v17 =	vmax.f32 v17, v33;
	v58 =	vld [tilespmem:s13+$0x620];
	v1 =	vmax.f32 v1, v43  }
0xb0: {  	v17 =	vmax.f32 v17, v32;
	v59 =	vld [tilespmem:s13+$0x630];
	v1 =	vmax.f32 v1, v44  }
0xb1: {  	v0 =	vmax.f32 v17, v0;
	v17 =	vld [tilespmem:s13+$0x710];
	v1 =	vmax.f32 v1, v45  }
0xb2: {  	v1 =	vmax.f32 v1, v46;
	v46 =	vld [tilespmem:s13+$0x6F0]  }
0xb3: {  	v60 =	vld [tilespmem:s13+$0x6A0];
	v1 =	vmax.f32 v1, v47;
	v44, v45, _ =	vpop (xrf1)  }
0xb4: {  	v62 =	vld [tilespmem:s13+$0x6D0];
	v1 =	vmax.f32 v1, v50;
	vm1 =	vge.f32 v48, v44  }
0xb5: {  	v47 =	vld [tilespmem:s13+$0x700];
	v1 =	vmax.f32 v1, v53;
	v37 =	vmax.f32 v48, v44;
	v38 =	vsel vm1, v49, v45  }
0xb6: {  	v61 =	vld [tilespmem:s13+$0x6B0];
	v1 =	vmax.f32 v1, v56;
	(xrf1) =	vsort.ascd.msk.f32 $0xffff, v37, v38  }
0xb7: {  	v63 =	vld [tilespmem:s13+$0x6E0];
	v1 =	vmax.f32 v1, v57;
	(xrf1) =	vsort.ascd.msk.f32 $0xffff, v0, v5  }
0xb8: {  	v49 =	vld [tilespmem:s13+$0x720];
	(xrf1) =	vsort.dscd.msk.f32 $0xffff, v1, v6  }
0xb9: {  	v0 =	vld [tilespmem:s13+$0x730]  }
0xba: {  	v50 =	vmax.f32 v54, v55;
	v1 =	vld [tilespmem:s13+$0x740]  }
0xbb: {  	v51 =	vld [tilespmem:s13+$0x750];
	v35 =	vmax.f32 v50, v58  }
0xbc: {  	v52 =	vld [tilespmem:s13+$0x760];
	v34 =	vmax.f32 v35, v59;
	v17 =	vmax.f32 v47, v17  }
0xbd: {  	v53 =	vld [tilespmem:s13+$0x770];
	v18 =	vmax.f32 v34, v18;
	v17 =	vmax.f32 v17, v49  }
0xbe: {  	v54 =	vld [tilespmem:s13+$0x780];
	v18 =	vmax.f32 v18, v21;
	v0 =	vmax.f32 v17, v0  }
0xbf: {  	v18 =	vmax.f32 v18, v22;
	v17 =	vld [tilespmem:s13+$0x790];
	v0 =	vmax.f32 v0, v1  }
0xc0: {  	v18 =	vmax.f32 v18, v23;
	v1 =	vld [tilespmem:s13+$0x7A0];
	v0 =	vmax.f32 v0, v51  }
0xc1: {  	v21 =	vld [tilespmem:s13+$0x7B0];
	v18 =	vmax.f32 v18, v24;
	v0 =	vmax.f32 v0, v52  }
0xc2: {  	v22 =	vld [tilespmem:s13+$0x7C0];
	v18 =	vmax.f32 v18, v25;
	v0 =	vmax.f32 v0, v53  }
0xc3: {  	v23 =	vld [tilespmem:s13+$0x7D0];
	v18 =	vmax.f32 v18, v60;
	v0 =	vmax.f32 v0, v54  }
0xc4: {  	v24 =	vld [tilespmem:s13+$0x7E0];
	v18 =	vmax.f32 v18, v61;
	v0 =	vmax.f32 v0, v17;
	v25, v30, _ =	vpop (xrf1)  }
0xc5: {  	v18 =	vmax.f32 v18, v29;
	v17 =	vld [tilespmem:s13+$0x7F0];
	v0 =	vmax.f32 v0, v1;
	v29, v55, _ =	vpop (xrf1)  }
0xc6: {  	v31 =	vld [tilespmem:s13+$0x890];
	v18 =	vmax.f32 v18, v62;
	v0 =	vmax.f32 v0, v21;
	v57, v56, _ =	vpop (xrf1)  }
0xc7: {  	v33 =	vld [tilespmem:s13+$0x8B0];
	v18 =	vmax.f32 v18, v63;
	v0 =	vmax.f32 v0, v22;
	vm1 =	vge.f32 v29, v57  }
0xc8: {  	v32 =	vld [tilespmem:s13+$0x8A0];
	v0 =	vmax.f32 v0, v23;
	v29 =	vmax.f32 v29, v57;
	v58 =	vsel vm1, v55, v56  }
0xc9: {  	v36 =	vld [tilespmem:s13+$0x8E0];
	v18 =	vmax.f32 v18, v46;
	v0 =	vmax.f32 v0, v24;
	(xrf1) =	vsort.ascd.msk.f32 $0xffff, v29, v58  }
0xca: {  	v39 =	vld [tilespmem:s13+$0x910];
	v0 =	vmax.f32 v0, v17;
	(xrf1) =	vsort.ascd.msk.f32 $0xffff, v18, v7  }
0xcb: {  	v40 =	vld [tilespmem:s13+$0x920];
	(xrf1) =	vsort.dscd.msk.f32 $0xffff, v0, v8  }
0xcc: {  	v43 =	vld [tilespmem:s13+$0x930]  }
0xcd: {  	v50 =	vld [tilespmem:s13+$0x960]  }
0xce: {  	v35 =	vld [tilespmem:s13+$0x8D0]  }
0xcf: {  	v34 =	vld [tilespmem:s13+$0x8C0]  }
0xd0: {  	v47 =	vld [tilespmem:s13+$0x970]  }
0xd1: {  	v46 =	vld [tilespmem:s13+$0x940]  }
0xd2: {  	v48 =	vld [tilespmem:s13+$0x9A0]  }
0xd3: {  	v37 =	vld [tilespmem:s13+$0x8F0]  }
0xd4: {  	v38 =	vld [tilespmem:s13+$0x900]  }
0xd5: {  	v49 =	vld [tilespmem:s13+$0x950]  }
0xd6: {  	v51 =	vld [tilespmem:s13+$0x9B0]  }
0xd7: {  	v52 =	vld [tilespmem:s13+$0x9C0];
	v41, v42, _ =	vpop (xrf1)  }
0xd8: {  	v53 =	vld [tilespmem:s13+$0x9D0];
	v59, v60, _ =	vpop (xrf1)  }
0xd9: {  	v54 =	vld [tilespmem:s13+$0x9E0];
	v61, v62, _ =	vpop (xrf1)  }
0xda: {  	v1 =	vld [tilespmem:s13+$0x800];
	vm1 =	vge.f32 v59, v61  }
0xdb: {  	v21 =	vld [tilespmem:s13+$0x810];
	v44 =	vmax.f32 v59, v61;
	v45 =	vsel vm1, v60, v62  }
0xdc: {  	v22 =	vld [tilespmem:s13+$0x820];
	(xrf1) =	vsort.dscd.msk.f32 $0xffff, v44, v45  }
0xdd: {  	v23 =	vld [tilespmem:s13+$0x830]  }
0xde: {  	v24 =	vld [tilespmem:s13+$0x840]  }
0xdf: {  	v57 =	vld [tilespmem:s13+$0xA10]  }
0xe0: {  	v17 =	vld [tilespmem:s13+$0x850]  }
0xe1: {  	v55 =	vld [tilespmem:s13+$0x9F0]  }
0xe2: {  	v56 =	vld [tilespmem:s13+$0xA00]  }
0xe3: {  	v29 =	vld [tilespmem:s13+$0x880]  }
0xe4: {  	v58 =	vld [tilespmem:s13+$0xA20]  }
0xe5: {  	v1 =	vmax.f32 v1, v21;
	v21 =	vld [tilespmem:s13+$0xAA0]  }
0xe6: {  	v18 =	vld [tilespmem:s13+$0x860]  }
0xe7: {  	v1 =	vmax.f32 v1, v22;
	v22 =	vld [tilespmem:s13+$0xAB0]  }
0xe8: {  	v0 =	vld [tilespmem:s13+$0x870]  }
0xe9: {  	v1 =	vmax.f32 v1, v23;
	v23 =	vmax.f32 v38, v39;
	v38 =	vld [tilespmem:s13+$0xAC0]  }
0xea: {  	v39 =	vld [tilespmem:s13+$0xD20];
	v62, v63, _ =	vpop (xrf1)  }
0xeb: {  	v1 =	vmax.f32 v1, v24;
	v24 =	vld [tilespmem:s13+$0xAD0];
	vm1 =	vge.f32 v41, v62  }
0xec: {  	v23 =	vmax.f32 v23, v40;
	v40 =	vld [tilespmem:s13+$0xD30];
	v41 =	vmax.f32 v41, v62;
	v42 =	vsel vm1, v42, v63  }
0xed: {  	v1 =	vmax.f32 v1, v17;
	v17 =	vmax.f32 v23, v43;
	v23 =	vld [tilespmem:s13+$0xAE0];
	(xrf1) =	vsort.dscd.msk.f32 $0xffff, v41, v42  }
0xee: {  	v43 =	vld [tilespmem:s13+$0xD60]  }
0xef: {  	v17 =	vmax.f32 v17, v46;
	v46 =	vld [tilespmem:s13+$0xD90]  }
0xf0: {  	v1 =	vmax.f32 v1, v18;
	v18 =	vld [tilespmem:s13+$0xAF0]  }
0xf1: {  	v0 =	vmax.f32 v1, v0;
	v1 =	vmax.f32 v17, v49;
	v17 =	vld [tilespmem:s13+$0xB00]  }
0xf2: {  	v49 =	vld [tilespmem:s13+$0xB70]  }
0xf3: {  	v44 =	vld [tilespmem:s13+$0x980]  }
0xf4: {  	v0 =	vmax.f32 v0, v29;
	v45 =	vld [tilespmem:s13+$0x990]  }
0xf5: {  	v29 =	vld [tilespmem:s13+$0xB10];
	v0 =	vmax.f32 v0, v31  }
0xf6: {  	v1 =	vmax.f32 v1, v50;
	v31 =	vld [tilespmem:s13+$0xB20];
	v0 =	vmax.f32 v0, v32  }
0xf7: {  	v1 =	vmax.f32 v1, v47;
	v32 =	vld [tilespmem:s13+$0xB30];
	v0 =	vmax.f32 v0, v33  }
0xf8: {  	v50 =	vld [tilespmem:s13+$0xB80];
	v0 =	vmax.f32 v0, v34;
	v1 =	vmax.f32 v1, v44  }
0xf9: {  	v33 =	vld [tilespmem:s13+$0xB40];
	v0 =	vmax.f32 v0, v35;
	v1 =	vmax.f32 v1, v45  }
0xfa: {  	v34 =	vld [tilespmem:s13+$0xB50];
	v17 =	vmax.f32 v17, v29;
	v0 =	vmax.f32 v0, v36;
	v1 =	vmax.f32 v1, v48  }
0xfb: {  	v35 =	vld [tilespmem:s13+$0xC40];
	v17 =	vmax.f32 v17, v31;
	v0 =	vmax.f32 v0, v37;
	v1 =	vmax.f32 v1, v51;
	v47, v48, _ =	vpop (xrf1)  }
0xfc: {  	v31 =	vld [tilespmem:s13+$0xC00];
	v17 =	vmax.f32 v17, v32;
	v1 =	vmax.f32 v1, v52;
	vm1 =	vge.f32 v25, v47  }
0xfd: {  	v32 =	vld [tilespmem:s13+$0xC10];
	v1 =	vmax.f32 v1, v53;
	v25 =	vmax.f32 v25, v47;
	v30 =	vsel vm1, v30, v48  }
0xfe: {  	v17 =	vmax.f32 v17, v33;
	v33 =	vld [tilespmem:s13+$0xC20];
	v1 =	vmax.f32 v1, v54;
	(xrf1) =	vsort.ascd.msk.f32 $0xffff, v25, v30  }
0xff: {  	v59 =	vld [tilespmem:s13+$0xA30];
	v1 =	vmax.f32 v1, v55;
	(xrf1) =	vsort.ascd.msk.f32 $0xffff, v0, v9  }
0x100: {  	v60 =	vld [tilespmem:s13+$0xA40];
	(xrf1) =	vsort.dscd.msk.f32 $0xffff, v1, v10  }
0x101: {  	v61 =	vld [tilespmem:s13+$0xA50]  }
0x102: {  	v52 =	vmax.f32 v56, v57;
	v62 =	vld [tilespmem:s13+$0xA70]  }
0x103: {  	v63 =	vld [tilespmem:s13+$0xB60];
	v30 =	vmax.f32 v52, v58  }
0x104: {  	v41 =	vld [tilespmem:s13+$0xA80];
	v30 =	vmax.f32 v30, v59  }
0x105: {  	v42 =	vld [tilespmem:s13+$0xA90];
	v29 =	vmax.f32 v30, v60  }
0x106: {  	v51 =	vld [tilespmem:s13+$0xB90];
	v29 =	vmax.f32 v29, v61  }
0x107: {  	v17 =	vmax.f32 v17, v34;
	v25 =	vld [tilespmem:s13+$0xBA0];
	v26 =	vmax.f32 v29, v26  }
0x108: {  	v17 =	vmax.f32 v17, v63;
	v0 =	vld [tilespmem:s13+$0xBB0];
	v26 =	vmax.f32 v26, v62  }
0x109: {  	v17 =	vmax.f32 v17, v49;
	v1 =	vld [tilespmem:s13+$0xBC0];
	v26 =	vmax.f32 v26, v41  }
0x10a: {  	v53 =	vld [tilespmem:s13+$0xBD0];
	v17 =	vmax.f32 v17, v50;
	v26 =	vmax.f32 v26, v42  }
0x10b: {  	v36 =	vld [tilespmem:s13+$0xC50];
	v17 =	vmax.f32 v17, v51;
	v21 =	vmax.f32 v26, v21  }
0x10c: {  	v54 =	vld [tilespmem:s13+$0xBE0];
	v17 =	vmax.f32 v17, v25;
	v21 =	vmax.f32 v21, v22;
	v30, v29, _ =	vpop (xrf1)  }
0x10d: {  	v55 =	vld [tilespmem:s13+$0xBF0];
	v0 =	vmax.f32 v17, v0;
	v21 =	vmax.f32 v21, v38;
	v56, v57, _ =	vpop (xrf1)  }
0x10e: {  	v37 =	vld [tilespmem:s13+$0xD00];
	v31 =	vmax.f32 v31, v32;
	v0 =	vmax.f32 v0, v1;
	v21 =	vmax.f32 v21, v24;
	v24, v58, _ =	vpop (xrf1)  }
0x10f: {  	v34 =	vld [tilespmem:s13+$0xC30];
	v31 =	vmax.f32 v31, v33;
	v0 =	vmax.f32 v0, v53;
	vm1 =	vge.f32 v56, v24  }
0x110: {  	v33 =	vld [tilespmem:s13+$0xE20];
	v21 =	vmax.f32 v21, v23;
	v24 =	vmax.f32 v56, v24;
	v59 =	vsel vm1, v57, v58  }
0x111: {  	v44 =	vld [tilespmem:s13+$0xD70];
	v0 =	vmax.f32 v0, v54;
	v18 =	vmax.f32 v21, v18;
	(xrf1) =	vsort.ascd.msk.f32 $0xffff, v24, v59  }
0x112: {  	v45 =	vld [tilespmem:s13+$0xD80];
	v0 =	vmax.f32 v0, v55;
	(xrf1) =	vsort.ascd.msk.f32 $0xffff, v18, v11  }
0x113: {  	v50 =	vld [tilespmem:s13+$0xDB0];
	(xrf1) =	vsort.dscd.msk.f32 $0xffff, v0, v12  }
0x114: {  	v47 =	vld [tilespmem:s13+$0xDA0]  }
0x115: {  	v25 =	vld [tilespmem:s13+$0xC80]  }
0x116: {  	v17 =	vld [tilespmem:s13+$0xC90]  }
0x117: {  	v41 =	vld [tilespmem:s13+$0xD40]  }
0x118: {  	v1 =	vld [tilespmem:s13+$0xCA0]  }
0x119: {  	v42 =	vld [tilespmem:s13+$0xD50]  }
0x11a: {  	v26 =	vld [tilespmem:s13+$0xC60]  }
0x11b: {  	v22 =	vld [tilespmem:s13+$0xC70]  }
0x11c: {  	v31 =	vmax.f32 v31, v34;
	v53 =	vld [tilespmem:s13+$0xDC0]  }
0x11d: {  	v31 =	vmax.f32 v31, v35;
	v54 =	vld [tilespmem:s13+$0xDE0]  }
0x11e: {  	v31 =	vmax.f32 v31, v36;
	v38 =	vld [tilespmem:s13+$0xD10]  }
0x11f: {  	v23 =	vld [tilespmem:s13+$0xCB0];
	v26 =	vmax.f32 v31, v26;
	v48, v49, _ =	vpop (xrf1)  }
0x120: {  	v55 =	vld [tilespmem:s13+$0xE10];
	v22 =	vmax.f32 v26, v22;
	v60, v61, _ =	vpop (xrf1)  }
0x121: {  	v21 =	vld [tilespmem:s13+$0xCC0];
	v22 =	vmax.f32 v22, v25;
	v62, v63, _ =	vpop (xrf1)  }
0x122: {  	v17 =	vmax.f32 v22, v17;
	v56 =	vld [tilespmem:s13+$0xDD0];
	vm1 =	vge.f32 v60, v62  }
0x123: {  	v1 =	vmax.f32 v17, v1;
	v58 =	vld [tilespmem:s13+$0xE30];
	v51 =	vmax.f32 v60, v62;
	v52 =	vsel vm1, v61, v63  }
0x124: {  	v1 =	vmax.f32 v1, v23;
	v23 =	vld [tilespmem:s13+$0xEB0];
	(xrf1) =	vsort.dscd.msk.f32 $0xffff, v51, v52  }
0x125: {  	v24 =	vld [tilespmem:s13+$0xCD0]  }
0x126: {  	v59 =	vld [tilespmem:s13+$0xE40]  }
0x127: {  	v18 =	vld [tilespmem:s13+$0xCE0]  }
0x128: {  	v57 =	vmax.f32 v37, v38;
	v1 =	vmax.f32 v1, v21;
	v21 =	vld [tilespmem:s13+$0xEC0]  }
0x129: {  	v34 =	vmax.f32 v57, v39;
	v57 =	vld [tilespmem:s13+$0xF60]  }
0x12a: {  	v34 =	vmax.f32 v34, v40;
	v0 =	vld [tilespmem:s13+$0xCF0]  }
0x12b: {  	v1 =	vmax.f32 v1, v24;
	v24 =	vld [tilespmem:s13+$0xED0];
	v61 =	vmax.f32 v34, v41  }
0x12c: {  	v1 =	vmax.f32 v1, v18;
	v18 =	vld [tilespmem:s13+$0xEE0];
	v26 =	vmax.f32 v61, v42  }
0x12d: {  	v60 =	vld [tilespmem:s13+$0xE50];
	v25 =	vmax.f32 v26, v43  }
0x12e: {  	v62 =	vld [tilespmem:s13+$0xE60];
	v22 =	vmax.f32 v25, v44  }
0x12f: {  	v63 =	vld [tilespmem:s13+$0xE70];
	v17 =	vmax.f32 v22, v45  }
0x130: {  	v51 =	vld [tilespmem:s13+$0xDF0];
	v17 =	vmax.f32 v17, v46  }
0x131: {  	v52 =	vld [tilespmem:s13+$0xE00];
	v17 =	vmax.f32 v17, v47  }
0x132: {  	v26 =	vld [tilespmem:s13+$0xE80];
	v17 =	vmax.f32 v17, v50;
	v47, v50, _ =	vpop (xrf1)  }
0x133: {  	v25 =	vld [tilespmem:s13+$0xE90];
	v17 =	vmax.f32 v17, v53;
	vm1 =	vge.f32 v48, v47  }
0x134: {  	v22 =	vld [tilespmem:s13+$0xEA0];
	v17 =	vmax.f32 v17, v56;
	v38 =	vmax.f32 v48, v47;
	v39 =	vsel vm1, v49, v50  }
0x135: {  	v0 =	vmax.f32 v1, v0;
	v1 =	vmax.f32 v17, v54;
	v17 =	vld [tilespmem:s13+$0xF00];
	(xrf1) =	vsort.ascd.msk.f32 $0xffff, v38, v39  }
0x136: {  	v54 =	vld [tilespmem:s13+$0xF10];
	v1 =	vmax.f32 v1, v51;
	(xrf1) =	vsort.ascd.msk.f32 $0xffff, v0, v13  }
0x137: {  	v0 =	vld [tilespmem:s13+$0xF20];
	(xrf1) =	vsort.dscd.msk.f32 $0xffff, v1, v14  }
0x138: {  	v32 =	vmax.f32 v52, v55;
	v1 =	vld [tilespmem:s13+$0xF30]  }
0x139: {  	v55 =	vld [tilespmem:s13+$0xF40];
	v32 =	vmax.f32 v32, v33  }
0x13a: {  	v32 =	vmax.f32 v32, v58;
	v56 =	vld [tilespmem:s13+$0xF50]  }
0x13b: {  	v53 =	vld [tilespmem:s13+$0xEF0];
	v32 =	vmax.f32 v32, v59;
	v17 =	vmax.f32 v17, v54  }
0x13c: {  	v32 =	vmax.f32 v32, v60;
	v0 =	vmax.f32 v17, v0;
	v17 =	vld [tilespmem:s13+$0xF70]  }
0x13d: {  	v32 =	vmax.f32 v32, v62;
	v0 =	vmax.f32 v0, v1;
	v1 =	vld [tilespmem:s13+$0xF80]  }
0x13e: {  	v58 =	vld [tilespmem:s13+$0xF90];
	v31 =	vmax.f32 v32, v63;
	v0 =	vmax.f32 v0, v55  }
0x13f: {  	v59 =	vld [tilespmem:s13+$0xFA0];
	v26 =	vmax.f32 v31, v26;
	v0 =	vmax.f32 v0, v56  }
0x140: {  	v60 =	vld [tilespmem:s13+$0xFB0];
	v25 =	vmax.f32 v26, v25;
	v0 =	vmax.f32 v0, v57  }
0x141: {  	v0 =	vmax.f32 v0, v17;
	v17 =	vld [tilespmem:s13+$0xFC0]  }
0x142: {  	v22 =	vmax.f32 v25, v22;
	v0 =	vmax.f32 v0, v1;
	v1 =	vld [tilespmem:s13+$0xFD0]  }
0x143: {  	v22 =	vmax.f32 v22, v23;
	v23 =	vld [tilespmem:s13+$0xFE0];
	v0 =	vmax.f32 v0, v58;
	v25, v26, _ =	vpop (xrf1)  }
0x144: {  	v21 =	vmax.f32 v22, v21;
	v22 =	vld [tilespmem:s13+$0xFF0];
	v0 =	vmax.f32 v0, v59;
	v62, v61, _ =	vpop (xrf1)  }
0x145: {  	v21 =	vmax.f32 v21, v24;
	v0 =	vmax.f32 v0, v60;
	v24, v63, _ =	vpop (xrf1)  }
0x146: {  	v18 =	vmax.f32 v21, v18;
	v0 =	vmax.f32 v0, v17;
	vm1 =	vge.f32 v62, v24  }
0x147: {  	v0 =	vmax.f32 v0, v1;
	v1 =	vmax.f32 v62, v24;
	v17 =	vsel vm1, v61, v63  }
0x148: {  	v18 =	vmax.f32 v18, v53;
	v0 =	vmax.f32 v0, v23;
	(xrf1) =	vsort.ascd.msk.f32 $0xffff, v1, v17  }
0x149: {  	v0 =	vmax.f32 v0, v22;
	(xrf1) =	vsort.ascd.msk.f32 $0xffff, v18, v15  }
0x14a: {  	(xrf1) =	vsort.dscd.msk.f32 $0xffff, v0, v16;
	_ =	sdelay $0xb  }
0x14b: {  	v0, v1, _ =	vpop (xrf1)  }
0x14c: {  	v17, v18, _ =	vpop (xrf1)  }
0x14d: {  	v21, v22, _ =	vpop (xrf1)  }
0x14e: {  	vm1 =	vge.f32 v17, v21  }
0x14f: {  	v17 =	vmax.f32 v17, v21;
	v18 =	vsel vm1, v18, v22  }
0x150: {  	(xrf1) =	vsort.dscd.msk.f32 $0xffff, v17, v18;
	_ =	sdelay $0xd  }
0x151: {  	v17, v18, _ =	vpop (xrf1)  }
0x152: {  	vm1 =	vge.f32 v0, v17  }
0x153: {  	v0 =	vmax.f32 v0, v17;
	v1 =	vsel vm1, v1, v18  }
0x154: {  	(xrf1) =	vsort.dscd.msk.f32 $0xffff, v0, v1;
	_ =	sdelay $0xd  }
0x155: {  	v0, v1, _ =	vpop (xrf1)  }
0x156: {  	vm1 =	vge.f32 v25, v0  }
0x157: {  	v0 =	vmax.f32 v25, v0;
	v1 =	vsel vm1, v26, v1  }
0x158: {  	(xrf1) =	vsort.dscd.msk.f32 $0xffff, v0, v1;
	_ =	sdelay $0xd  }
0x159: {  	v0, v1, _ =	vpop (xrf1)  }
0x15a: {  	vm1 =	vge.f32 v30, v0  }
0x15b: {  	v0 =	vmax.f32 v30, v0;
	v1 =	vsel vm1, v29, v1  }
0x15c: {  	(xrf1) =	vsort.dscd.msk.f32 $0xffff, v0, v1;
	_ =	sdelay $0xd  }
0x15d: {  	v17 =	vimm.s32 $0x1;
	_, v0, _ =	vpop (xrf1)  }
0x15e: {  	v24 =	vimm.s32 $0x0;
	v1 =	vperm.xlane v0, v17  }
0x15f: {  	v17 =	vperm.xlane v0, v24  }
0x160: {  	v18 =	vshll.u32 v1, $0x4  }
0x161: {  	v22 =	vor.u32 s13, v19;
	v21 =	vshll.u32 v17, $0x4;
	v18 =	vand.u32 $0xFFFFFF00, v18  }
0x162: {  	v21 =	vand.u32 $0xFFFFFF00, v21;
	v18 =	vadd.s32 v18, v22  }
0x163: {  	v1 =	vand.u32 $0xF, v1;
	v21 =	vadd.s32 v21, v22;
	v18 =	vand.u32 $0xFFFFFF80, v18  }
0x164: {  	v17 =	vand.u32 $0xF, v17;
	v21 =	vand.u32 $0xFFFFFF80, v21;
	v1 =	vor.u32 v18, v1  }
0x165: {  	v17 =	vor.u32 v21, v17;
	v1 =	vor.u32 v20, v1  }
0x166: {  	v17 =	vor.u32 v20, v17;
	_ =	sdelay $0x3  }
0x167: {  	v1 =	vld.idx.msk [tilespmem:v1+s3+$0x0], $0xffff  }
0x168: {  	v17 =	vld.idx.msk [tilespmem:v17+s3+$0x0], $0xffff;
	_ =	sdelay $0x3  }
0x169: {  	v1 =	vsub.f32 $0.0e+00, v1  }
0x16a: {  	(xrf1) =	vsort.ascd.msk.f32 $0xffff, v17, v17  }
0x16b: {  	v25 =	vimm.s32 $0x3;
	(xrf1) =	vsort.ascd.msk.f32 $0xffff, v1, v1  }
0x16c: {  	v24 =	vimm.s32 $0x2;
	v1 =	vperm.xlane v0, v25  }
0x16d: {  	v17 =	vperm.xlane v0, v24  }
0x16e: {  	v18 =	vshll.u32 v1, $0x4  }
0x16f: {  	v21 =	vshll.u32 v17, $0x4;
	v18 =	vand.u32 $0xFFFFFF00, v18  }
0x170: {  	v21 =	vand.u32 $0xFFFFFF00, v21;
	v18 =	vadd.s32 v18, v22  }
0x171: {  	v21 =	vadd.s32 v21, v22;
	v1 =	vand.u32 $0xF, v1;
	v18 =	vand.u32 $0xFFFFFF80, v18  }
0x172: {  	v17 =	vand.u32 $0xF, v17;
	v21 =	vand.u32 $0xFFFFFF80, v21;
	v1 =	vor.u32 v18, v1  }
0x173: {  	v17 =	vor.u32 v21, v17;
	v1 =	vor.u32 v20, v1  }
0x174: {  	v17 =	vor.u32 v20, v17;
	_ =	sdelay $0x3  }
0x175: {  	v1 =	vld.idx.msk [tilespmem:v1+s3+$0x0], $0xffff;
	v18, _, _ =	vpop (xrf1)  }
0x176: {  	v17 =	vld.idx.msk [tilespmem:v17+s3+$0x0], $0xffff;
	v21, _, _ =	vpop (xrf1)  }
0x177: {  	v21 =	vsub.f32 $0.0e+00, v21;
	_ =	sdelay $0x1  }
0x178: {  	v18 =	vmax.f32 v18, v21  }
0x179: {  	v1 =	vsub.f32 $0.0e+00, v1;
	(xrf1) =	vsort.ascd.msk.f32 $0xffff, v18, v18  }
0x17a: {  	(xrf1) =	vsort.ascd.msk.f32 $0xffff, v17, v17  }
0x17b: {  	(xrf1) =	vsort.ascd.msk.f32 $0xffff, v1, v1;
	_ =	sdelay $0xb  }
0x17c: {  	v1, _, _ =	vpop (xrf1)  }
0x17d: {  	v17, _, _ =	vpop (xrf1)  }
0x17e: {  	v18, _, _ =	vpop (xrf1)  }
0x17f: {  	v18 =	vsub.f32 $0.0e+00, v18;
	_ =	sdelay $0x1  }
0x180: {  	v17 =	vmax.f32 v17, v18  }
0x181: {  	v17 =	vsub.f32 $0.0e+00, v17;
	_ =	sdelay $0x1  }
0x182: {  	v24 =	vimm.s32 $0x5;
	(xrf1) =	vsort.ascd.msk.f32 $0xffff, v17, v17  }
0x183: {  	v23 =	vimm.s32 $0x4;
	v17 =	vperm.xlane v0, v24  }
0x184: {  	v18 =	vperm.xlane v0, v23  }
0x185: {  	v21 =	vshll.u32 v17, $0x4  }
0x186: {  	v23 =	vshll.u32 v18, $0x4;
	v21 =	vand.u32 $0xFFFFFF00, v21  }
0x187: {  	v23 =	vand.u32 $0xFFFFFF00, v23;
	v21 =	vadd.s32 v21, v22  }
0x188: {  	v23 =	vadd.s32 v23, v22;
	v17 =	vand.u32 $0xF, v17;
	v21 =	vand.u32 $0xFFFFFF80, v21  }
0x189: {  	v18 =	vand.u32 $0xF, v18;
	v23 =	vand.u32 $0xFFFFFF80, v23;
	v17 =	vor.u32 v21, v17  }
0x18a: {  	v18 =	vor.u32 v23, v18;
	v17 =	vor.u32 v20, v17  }
0x18b: {  	v18 =	vor.u32 v20, v18;
	_ =	sdelay $0x3  }
0x18c: {  	v17 =	vld.idx.msk [tilespmem:v17+s3+$0x0], $0xffff  }
0x18d: {  	v18 =	vld.idx.msk [tilespmem:v18+s3+$0x0], $0xffff;
	v21, _, _ =	vpop (xrf1)  }
0x18e: {  	v21 =	vsub.f32 $0.0e+00, v21;
	_ =	sdelay $0x1  }
0x18f: {  	v1 =	vmax.f32 v1, v21  }
0x190: {  	(xrf1) =	vsort.ascd.msk.f32 $0xffff, v1, v1;
	v1 =	vsub.f32 $0.0e+00, v17  }
0x191: {  	(xrf1) =	vsort.ascd.msk.f32 $0xffff, v18, v18  }
0x192: {  	v24 =	vimm.s32 $0x7;
	(xrf1) =	vsort.ascd.msk.f32 $0xffff, v1, v1  }
0x193: {  	v23 =	vimm.s32 $0x6;
	v1 =	vperm.xlane v0, v24  }
0x194: {  	v0 =	vperm.xlane v0, v23  }
0x195: {  	v17 =	vshll.u32 v1, $0x4  }
0x196: {  	v18 =	vshll.u32 v0, $0x4;
	v17 =	vand.u32 $0xFFFFFF00, v17  }
0x197: {  	v18 =	vand.u32 $0xFFFFFF00, v18;
	v17 =	vadd.s32 v17, v22  }
0x198: {  	v1 =	vand.u32 $0xF, v1;
	v18 =	vadd.s32 v18, v22;
	v17 =	vand.u32 $0xFFFFFF80, v17  }
0x199: {  	v0 =	vand.u32 $0xF, v0;
	v18 =	vand.u32 $0xFFFFFF80, v18;
	v1 =	vor.u32 v17, v1  }
0x19a: {  	v0 =	vor.u32 v18, v0;
	v1 =	vor.u32 v20, v1  }
0x19b: {  	v0 =	vor.u32 v20, v0;
	_ =	sdelay $0x2  }
0x19c: {  	v17, _, _ =	vpop (xrf1)  }
0x19d: {  	v1 =	vld.idx.msk [tilespmem:v1+s3+$0x0], $0xffff;
	v18, _, _ =	vpop (xrf1)  }
0x19e: {  	v0 =	vld.idx.msk [tilespmem:v0+s3+$0x0], $0xffff;
	v21, _, _ =	vpop (xrf1)  }
0x19f: {  	v21 =	vsub.f32 $0.0e+00, v21;
	_ =	sdelay $0x1  }
0x1a0: {  	v18 =	vmax.f32 v18, v21  }
0x1a1: {  	v1 =	vsub.f32 $0.0e+00, v1;
	(xrf1) =	vsort.ascd.msk.f32 $0xffff, v18, v18  }
0x1a2: {  	(xrf1) =	vsort.ascd.msk.f32 $0xffff, v0, v0  }
0x1a3: {  	(xrf1) =	vsort.ascd.msk.f32 $0xffff, v1, v1;
	_ =	sdelay $0xb  }
0x1a4: {  	v0, _, _ =	vpop (xrf1)  }
0x1a5: {  	v1, _, _ =	vpop (xrf1)  }
0x1a6: {  	v18, _, _ =	vpop (xrf1)  }
0x1a7: {  	v18 =	vsub.f32 $0.0e+00, v18;
	_ =	sdelay $0x1  }
0x1a8: {  	v1 =	vmax.f32 v1, v18  }
0x1a9: {  	v1 =	vsub.f32 $0.0e+00, v1;
	_ =	sdelay $0x1  }
0x1aa: {  	(xrf1) =	vsort.ascd.msk.f32 $0xffff, v1, v1;
	_ =	sdelay $0xd  }
0x1ab: {  	v1, _, _ =	vpop (xrf1)  }
0x1ac: {  	v1 =	vsub.f32 $0.0e+00, v1;
	_ =	sdelay $0x1  }
0x1ad: {  	v0 =	vmax.f32 v0, v1  }
0x1ae: {  	v0 =	vsub.f32 $0.0e+00, v0;
	_ =	sdelay $0x1  }
0x1af: {  	(xrf1) =	vsort.ascd.msk.f32 $0xffff, v0, v0;
	_ =	sdelay $0xd  }
0x1b0: {  	v0, _, _ =	vpop (xrf1)  }
0x1b1: {  	v0 =	vsub.f32 $0.0e+00, v0;
	_ =	sdelay $0x1  }
0x1b2: {  	v0 =	vmax.f32 v17, v0  }
0x1b3: {  	v0 =	vsub.f32 $0.0e+00, v0;
	_ =	sdelay $0x1  }
0x1b4: {  	(xrf1) =	vsort.ascd.msk.f32 $0xffff, v0, v0;
	_ =	sdelay $0xd  }
0x1b5: {  	v0, _, _ =	vpop (xrf1)  }
0x1b6: {  	v0 =	vsub.f32 $0.0e+00, v0;
	_ =	sdelay $0x1  }
0x1b7: {  	v0 =	vsub.f32 v0, v28  }
0x1b8: {  	p0 =	sne.s32 s9, $0x7  }
.Ltmp0:
0x1b9: {  	v0 =	vadd.f32 $2.000000030e-01, v0;
	(pc) =	sbr.rel @p0 .LBB2_3-.Ltmp0, $4  }
0x1ba: {  	_ = 	snop  }
0x1bb: {  	v0 =	vmax.f32 v0, $0.0e+00  }
0x1bc: {  	v0 =	vnsel vm0, $0x0, v0  }
0x1bd: {  	s9 =	sadd.s32 $0x1, s9;
	v1 =	vimm.f32 $-Inf;
	v27 =	vadd.f32 v0, v27  }
0x1be: {  	s8 =	sshll.u32 s21, $0x1  }
0x1bf: {  	s8 =	smin.u32 s8, $0xD  }
0x1c0: {  	s8 =	sshll.u32 s8, $0xC  }
0x1c1: {  	s8 =	sadd.s32 s22, s8  }
0x1c2: {  	s9 =	sand.u32 $0x3FF000, s8  }
0x1c3: {  	s8 =	simm.s32 $0x0;
	s13 =	sadd.s32 s2, s9  }
0x1c4: {  	[tilespmem:s8], [sflag:$0x1] =	stream.strided.gather [hbm4b:s13+s23], $0x1000, s24, s23, $0x38;
	[tilespmem:$0x10080] =	vst v63  }
0x1c5: {  	s14 =	sadd.s32 s9, s5  }
0x1c6: {  	[tilespmem:s25], [sflag:$0x1] =	stream.strided.gather [hbm4b:s14+s23], $0x1000, s24, s23, $0x38;
	[tilespmem:$0x10080] =	vst v63  }
0x1c7: {  	s14 =	sadd.s32 s9, s6  }
0x1c8: {  	[tilespmem:s26], [sflag:$0x1] =	stream.strided.gather [hbm4b:s14+s23], $0x1000, s24, s23, $0x38;
	[tilespmem:$0x10080] =	vst v63  }
0x1c9: {  	s14 =	sadd.s32 s9, s10  }
0x1ca: {  	[tilespmem:s28], [sflag:$0x1] =	stream.strided.gather [hbm4b:s14+s23], $0x1000, s24, s23, $0x38;
	[tilespmem:$0x10080] =	vst v63  }
0x1cb: {  	s14 =	sadd.s32 s9, s11  }
0x1cc: {  	[tilespmem:s29], [sflag:$0x1] =	stream.strided.gather [hbm4b:s14+s23], $0x1000, s24, s23, $0x38;
	[tilespmem:$0x10080] =	vst v63  }
0x1cd: {  	s14 =	sadd.s32 s9, s12  }
0x1ce: {  	[tilespmem:s30], [sflag:$0x1] =	stream.strided.gather [hbm4b:s14+s23], $0x1000, s24, s23, $0x38;
	[tilespmem:$0x10080] =	vst v63  }
0x1cf: {  	s14 =	sadd.s32 s9, s16  }
0x1d0: {  	[tilespmem:s31], [sflag:$0x1] =	stream.strided.gather [hbm4b:s14+s23], $0x1000, s24, s23, $0x38;
	[tilespmem:$0x10080] =	vst v63  }
0x1d1: {  	s9 =	sadd.s32 s9, s17  }
0x1d2: {  	[tilespmem:s0], [sflag:$0x1] =	stream.strided.gather [hbm4b:s9+s23], $0x1000, s24, s23, $0x38;
	[tilespmem:$0x10080] =	vst v63  }
.LBB2_5:
0x1d3: {  	s9 =	sshll.u32 s8, $0xC;
	s13 =	sor.u32 s7, s8  }
0x1d4: {  	s13 =	sadd.s32 s9, s13  }
0x1d5: {  	v0 =	vmov s13;
	_ =	sdelay $0x1  }
0x1d6: {  	_ =	swait.ge [sflag:s20], $0x1000  }
0x1d7: {  	[sflag:s20] =	ssyncset.done $0x0  }
0x1d8: {  	[sflag:s20] =	ssyncadd.s32 $0xFFFFF000  }
0x1d9: {  	v28 =	vld.idx.msk [tilespmem:v0+s1+$0x0], $0xffff;
	[tilespmem:v0+s1+$0x0] =	vst.idx.msk $0x1, v1  }
0x1da: {  	v0 =	vld [tilespmem:s9+$0x8000]  }
0x1db: {  	v1 =	vld [tilespmem:s9+$0x8010]  }
0x1dc: {  	v17 =	vld [tilespmem:s9+$0x8020]  }
0x1dd: {  	v18 =	vld [tilespmem:s9+$0x8030]  }
0x1de: {  	v21 =	vld [tilespmem:s9+$0x8040]  }
0x1df: {  	v22 =	vld [tilespmem:s9+$0x8050]  }
0x1e0: {  	v23 =	vld [tilespmem:s9+$0x8060]  }
0x1e1: {  	v24 =	vld [tilespmem:s9+$0x8070]  }
0x1e2: {  	v25 =	vld [tilespmem:s9+$0x8080]  }
0x1e3: {  	v26 =	vld [tilespmem:s9+$0x8090]  }
0x1e4: {  	v29 =	vld [tilespmem:s9+$0x80A0]  }
0x1e5: {  	v30 =	vld [tilespmem:s9+$0x80B0]  }
0x1e6: {  	v31 =	vld [tilespmem:s9+$0x80C0]  }
0x1e7: {  	v32 =	vld [tilespmem:s9+$0x80D0]  }
0x1e8: {  	v33 =	vld [tilespmem:s9+$0x80E0]  }
0x1e9: {  	v34 =	vld [tilespmem:s9+$0x80F0]  }
0x1ea: {  	v35 =	vld [tilespmem:s9+$0x8100]  }
0x1eb: {  	v36 =	vld [tilespmem:s9+$0x8110]  }
0x1ec: {  	v37 =	vld [tilespmem:s9+$0x8120]  }
0x1ed: {  	v38 =	vld [tilespmem:s9+$0x8130]  }
0x1ee: {  	v39 =	vld [tilespmem:s9+$0x8140]  }
0x1ef: {  	v40 =	vld [tilespmem:s9+$0x8150]  }
0x1f0: {  	v41 =	vld [tilespmem:s9+$0x8160]  }
0x1f1: {  	v42 =	vld [tilespmem:s9+$0x8170]  }
0x1f2: {  	v43 =	vld [tilespmem:s9+$0x8180]  }
0x1f3: {  	v44 =	vld [tilespmem:s9+$0x8190]  }
0x1f4: {  	v45 =	vld [tilespmem:s9+$0x81A0]  }
0x1f5: {  	v46 =	vld [tilespmem:s9+$0x81B0]  }
0x1f6: {  	v47 =	vld [tilespmem:s9+$0x81C0]  }
0x1f7: {  	v48 =	vld [tilespmem:s9+$0x81D0]  }
0x1f8: {  	v49 =	vld [tilespmem:s9+$0x81E0]  }
0x1f9: {  	v50 =	vld [tilespmem:s9+$0x81F0]  }
0x1fa: {  	v51 =	vld [tilespmem:s9+$0x8200]  }
0x1fb: {  	v52 =	vld [tilespmem:s9+$0x8210]  }
0x1fc: {  	v53 =	vld [tilespmem:s9+$0x8220]  }
0x1fd: {  	v54 =	vld [tilespmem:s9+$0x8230]  }
0x1fe: {  	v55 =	vld [tilespmem:s9+$0x8240]  }
0x1ff: {  	v56 =	vld [tilespmem:s9+$0x8250]  }
0x200: {  	v57 =	vld [tilespmem:s9+$0x8260]  }
0x201: {  	v58 =	vld [tilespmem:s9+$0x8270]  }
0x202: {  	v59 =	vld [tilespmem:s9+$0x8280]  }
0x203: {  	v60 =	vld [tilespmem:s9+$0x8290]  }
0x204: {  	v61 =	vld [tilespmem:s9+$0x82A0]  }
0x205: {  	v62 =	vld [tilespmem:s9+$0x82B0];
	v0 =	vmax.f32 v0, v1  }
0x206: {  	v63 =	vld [tilespmem:s9+$0x82D0];
	v0 =	vmax.f32 v0, v17;
	v17 =	vmax.f32 v35, v36  }
0x207: {  	v1 =	vld [tilespmem:s9+$0x82C0];
	v17 =	vmax.f32 v17, v37  }
0x208: {  	v51 =	vmax.f32 v51, v52;
	v52 =	vld [tilespmem:s9+$0x83E0];
	v0 =	vmax.f32 v0, v18;
	v17 =	vmax.f32 v17, v38  }
0x209: {  	v35 =	vld [tilespmem:s9+$0x84A0];
	v0 =	vmax.f32 v0, v21;
	v17 =	vmax.f32 v17, v39  }
0x20a: {  	v36 =	vld [tilespmem:s9+$0x8510];
	v0 =	vmax.f32 v0, v22;
	v17 =	vmax.f32 v17, v40  }
0x20b: {  	v18 =	vld [tilespmem:s9+$0x82E0];
	v0 =	vmax.f32 v0, v23;
	v17 =	vmax.f32 v17, v41  }
0x20c: {  	v37 =	vmax.f32 v51, v53;
	v53 =	vld [tilespmem:s9+$0x83F0];
	v0 =	vmax.f32 v0, v24;
	v17 =	vmax.f32 v17, v42  }
0x20d: {  	v21 =	vld [tilespmem:s9+$0x82F0];
	v0 =	vmax.f32 v0, v25;
	v17 =	vmax.f32 v17, v43  }
0x20e: {  	v38 =	vld [tilespmem:s9+$0x8530];
	v0 =	vmax.f32 v0, v26;
	v17 =	vmax.f32 v17, v44  }
0x20f: {  	v37 =	vmax.f32 v37, v54;
	v54 =	vld [tilespmem:s9+$0x8760];
	v0 =	vmax.f32 v0, v29;
	v17 =	vmax.f32 v17, v45  }
0x210: {  	v22 =	vld [tilespmem:s9+$0x8300];
	v0 =	vmax.f32 v0, v30;
	v17 =	vmax.f32 v17, v46  }
0x211: {  	v39 =	vld [tilespmem:s9+$0x8540];
	v0 =	vmax.f32 v0, v31;
	v17 =	vmax.f32 v17, v47  }
0x212: {  	v23 =	vld [tilespmem:s9+$0x8310];
	v0 =	vmax.f32 v0, v32;
	v17 =	vmax.f32 v17, v48  }
0x213: {  	v40 =	vld [tilespmem:s9+$0x8550];
	v0 =	vmax.f32 v0, v33;
	v17 =	vmax.f32 v17, v49  }
0x214: {  	v24 =	vld [tilespmem:s9+$0x8320];
	v0 =	vmax.f32 v0, v34;
	v17 =	vmax.f32 v17, v50;
	v50 =	vlaneseq.u32  }
0x215: {  	v41 =	vld [tilespmem:s9+$0x8560];
	(xrf1) =	vsort.ascd.msk.f32 $0xffff, v0, v50  }
0x216: {  	v25 =	vld [tilespmem:s9+$0x8330];
	(xrf1) =	vsort.dscd.msk.f32 $0xffff, v17, v2  }
0x217: {  	v42 =	vld [tilespmem:s9+$0x8570]  }
0x218: {  	v26 =	vld [tilespmem:s9+$0x8340]  }
0x219: {  	v29 =	vld [tilespmem:s9+$0x8350]  }
0x21a: {  	v44 =	vld [tilespmem:s9+$0x8360];
	v22 =	vmax.f32 v22, v23  }
0x21b: {  	v37 =	vmax.f32 v37, v55;
	v45 =	vld [tilespmem:s9+$0x8370];
	v22 =	vmax.f32 v22, v24  }
0x21c: {  	v37 =	vmax.f32 v37, v56;
	v46 =	vld [tilespmem:s9+$0x8380];
	v22 =	vmax.f32 v22, v25  }
0x21d: {  	v37 =	vmax.f32 v37, v57;
	v47 =	vld [tilespmem:s9+$0x8390];
	v22 =	vmax.f32 v22, v26  }
0x21e: {  	v37 =	vmax.f32 v37, v58;
	v48 =	vld [tilespmem:s9+$0x83A0];
	v22 =	vmax.f32 v22, v29  }
0x21f: {  	v37 =	vmax.f32 v37, v59;
	v49 =	vld [tilespmem:s9+$0x83B0];
	v22 =	vmax.f32 v22, v44  }
0x220: {  	v37 =	vmax.f32 v37, v60;
	v0 =	vld [tilespmem:s9+$0x83C0];
	v22 =	vmax.f32 v22, v45  }
0x221: {  	v37 =	vmax.f32 v37, v61;
	v17 =	vld [tilespmem:s9+$0x83D0];
	v22 =	vmax.f32 v22, v46  }
0x222: {  	v43 =	vld [tilespmem:s9+$0x8580];
	v37 =	vmax.f32 v37, v62;
	v22 =	vmax.f32 v22, v47  }
0x223: {  	v23 =	vld [tilespmem:s9+$0x8400];
	v1 =	vmax.f32 v37, v1;
	v22 =	vmax.f32 v22, v48;
	v56, v55, _ =	vpop (xrf1)  }
0x224: {  	v30 =	vld [tilespmem:s9+$0x8450];
	v1 =	vmax.f32 v1, v63;
	v22 =	vmax.f32 v22, v49;
	v58, v57, _ =	vpop (xrf1)  }
0x225: {  	v24 =	vld [tilespmem:s9+$0x8410];
	v1 =	vmax.f32 v1, v18;
	v0 =	vmax.f32 v22, v0;
	vm1 =	vge.f32 v56, v58  }
0x226: {  	v31 =	vld [tilespmem:s9+$0x8460];
	v0 =	vmax.f32 v0, v17;
	v22 =	vmax.f32 v56, v58;
	v59 =	vsel vm1, v55, v57  }
0x227: {  	v25 =	vld [tilespmem:s9+$0x8420];
	v1 =	vmax.f32 v1, v21;
	v0 =	vmax.f32 v0, v52;
	(xrf1) =	vsort.ascd.msk.f32 $0xffff, v22, v59  }
0x228: {  	v32 =	vld [tilespmem:s9+$0x8470];
	v0 =	vmax.f32 v0, v53;
	(xrf1) =	vsort.ascd.msk.f32 $0xffff, v1, v3  }
0x229: {  	v37 =	vld [tilespmem:s9+$0x8520];
	(xrf1) =	vsort.dscd.msk.f32 $0xffff, v0, v4  }
0x22a: {  	v26 =	vld [tilespmem:s9+$0x8430]  }
0x22b: {  	v33 =	vld [tilespmem:s9+$0x8480]  }
0x22c: {  	v29 =	vld [tilespmem:s9+$0x8440]  }
0x22d: {  	v34 =	vld [tilespmem:s9+$0x8490]  }
0x22e: {  	v18 =	vld [tilespmem:s9+$0x84B0]  }
0x22f: {  	v21 =	vld [tilespmem:s9+$0x84D0]  }
0x230: {  	v44 =	vld [tilespmem:s9+$0x8590]  }
0x231: {  	v45 =	vld [tilespmem:s9+$0x85A0]  }
0x232: {  	v23 =	vmax.f32 v23, v24;
	v24 =	vld [tilespmem:s9+$0x8620]  }
0x233: {  	v46 =	vld [tilespmem:s9+$0x85B0]  }
0x234: {  	v23 =	vmax.f32 v23, v25;
	v25 =	vld [tilespmem:s9+$0x8630]  }
0x235: {  	v23 =	vmax.f32 v23, v26;
	v26 =	vld [tilespmem:s9+$0x8640];
	v47, v48, _ =	vpop (xrf1)  }
0x236: {  	v23 =	vmax.f32 v23, v29;
	v29 =	vld [tilespmem:s9+$0x8650];
	v60, v61, _ =	vpop (xrf1)  }
0x237: {  	v49 =	vld [tilespmem:s9+$0x85C0];
	v23 =	vmax.f32 v23, v30;
	v62, v63, _ =	vpop (xrf1)  }
0x238: {  	v23 =	vmax.f32 v23, v31;
	v17 =	vld [tilespmem:s9+$0x84C0];
	vm1 =	vge.f32 v60, v62  }
0x239: {  	v23 =	vmax.f32 v23, v32;
	v0 =	vld [tilespmem:s9+$0x8500];
	v50 =	vmax.f32 v60, v62;
	v51 =	vsel vm1, v61, v63  }
0x23a: {  	v30 =	vld [tilespmem:s9+$0x88B0];
	v23 =	vmax.f32 v23, v33;
	(xrf1) =	vsort.dscd.msk.f32 $0xffff, v50, v51  }
0x23b: {  	v52 =	vld [tilespmem:s9+$0x85D0];
	v23 =	vmax.f32 v23, v34  }
0x23c: {  	v53 =	vld [tilespmem:s9+$0x8750];
	v23 =	vmax.f32 v23, v35  }
0x23d: {  	v18 =	vmax.f32 v23, v18;
	v23 =	vld [tilespmem:s9+$0x86C0]  }
0x23e: {  	v17 =	vmax.f32 v18, v17;
	v18 =	vld [tilespmem:s9+$0x86D0];
	v0 =	vmax.f32 v0, v36  }
0x23f: {  	v17 =	vmax.f32 v17, v21;
	v21 =	vld [tilespmem:s9+$0x86E0];
	v0 =	vmax.f32 v0, v37  }
0x240: {  	v56 =	vld [tilespmem:s9+$0x85F0];
	v0 =	vmax.f32 v0, v38  }
0x241: {  	v22 =	vld [tilespmem:s9+$0x84E0];
	v0 =	vmax.f32 v0, v39  }
0x242: {  	v1 =	vld [tilespmem:s9+$0x84F0];
	v0 =	vmax.f32 v0, v40  }
0x243: {  	v58 =	vld [tilespmem:s9+$0x8600];
	v0 =	vmax.f32 v0, v41  }
0x244: {  	v55 =	vld [tilespmem:s9+$0x85E0];
	v0 =	vmax.f32 v0, v42  }
0x245: {  	v59 =	vld [tilespmem:s9+$0x8610];
	v0 =	vmax.f32 v0, v43  }
0x246: {  	v17 =	vmax.f32 v17, v22;
	v22 =	vld [tilespmem:s9+$0x86F0];
	v0 =	vmax.f32 v0, v44  }
0x247: {  	v1 =	vmax.f32 v17, v1;
	v17 =	vld [tilespmem:s9+$0x8710];
	v0 =	vmax.f32 v0, v45  }
0x248: {  	v42 =	vld [tilespmem:s9+$0x86A0];
	v0 =	vmax.f32 v0, v46;
	v45, v46, _ =	vpop (xrf1)  }
0x249: {  	v60 =	vld [tilespmem:s9+$0x8660];
	v0 =	vmax.f32 v0, v49;
	vm1 =	vge.f32 v47, v45  }
0x24a: {  	v62 =	vld [tilespmem:s9+$0x8680];
	v0 =	vmax.f32 v0, v52;
	v36 =	vmax.f32 v47, v45;
	v37 =	vsel vm1, v48, v46  }
0x24b: {  	v61 =	vld [tilespmem:s9+$0x8670];
	v0 =	vmax.f32 v0, v55;
	(xrf1) =	vsort.ascd.msk.f32 $0xffff, v36, v37  }
0x24c: {  	v49 =	vld [tilespmem:s9+$0x8700];
	v0 =	vmax.f32 v0, v56;
	(xrf1) =	vsort.ascd.msk.f32 $0xffff, v1, v5  }
0x24d: {  	v51 =	vld [tilespmem:s9+$0x8720];
	v52 =	vmax.f32 v58, v59;
	(xrf1) =	vsort.dscd.msk.f32 $0xffff, v0, v6  }
0x24e: {  	v24 =	vmax.f32 v52, v24;
	v1 =	vld [tilespmem:s9+$0x8730]  }
0x24f: {  	v24 =	vmax.f32 v24, v25;
	v0 =	vld [tilespmem:s9+$0x8740]  }
0x250: {  	v63 =	vld [tilespmem:s9+$0x8690];
	v24 =	vmax.f32 v24, v26  }
0x251: {  	v43 =	vld [tilespmem:s9+$0x86B0];
	v17 =	vmax.f32 v49, v17;
	v24 =	vmax.f32 v24, v29  }
0x252: {  	v25 =	vld [tilespmem:s9+$0x8770];
	v17 =	vmax.f32 v17, v51;
	v24 =	vmax.f32 v24, v60  }
0x253: {  	v26 =	vld [tilespmem:s9+$0x8780];
	v24 =	vmax.f32 v24, v61;
	v1 =	vmax.f32 v17, v1  }
0x254: {  	v24 =	vmax.f32 v24, v62;
	v17 =	vld [tilespmem:s9+$0x8790];
	v0 =	vmax.f32 v1, v0  }
0x255: {  	v24 =	vmax.f32 v24, v63;
	v1 =	vld [tilespmem:s9+$0x87A0];
	v0 =	vmax.f32 v0, v53  }
0x256: {  	v29 =	vld [tilespmem:s9+$0x87B0];
	v24 =	vmax.f32 v24, v42;
	v0 =	vmax.f32 v0, v54  }
0x257: {  	v55 =	vld [tilespmem:s9+$0x87C0];
	v24 =	vmax.f32 v24, v43;
	v0 =	vmax.f32 v0, v25  }
0x258: {  	v25 =	vld [tilespmem:s9+$0x87D0];
	v0 =	vmax.f32 v0, v26  }
0x259: {  	v26 =	vld [tilespmem:s9+$0x87E0];
	v0 =	vmax.f32 v0, v17;
	v31, v32, _ =	vpop (xrf1)  }
0x25a: {  	v23 =	vmax.f32 v24, v23;
	v17 =	vld [tilespmem:s9+$0x87F0];
	v0 =	vmax.f32 v0, v1;
	v24, v56, _ =	vpop (xrf1)  }
0x25b: {  	v33 =	vld [tilespmem:s9+$0x88C0];
	v18 =	vmax.f32 v23, v18;
	v0 =	vmax.f32 v0, v29;
	v29, v57, _ =	vpop (xrf1)  }
0x25c: {  	v34 =	vld [tilespmem:s9+$0x88D0];
	v18 =	vmax.f32 v18, v21;
	v0 =	vmax.f32 v0, v55;
	vm1 =	vge.f32 v24, v29  }
0x25d: {  	v35 =	vld [tilespmem:s9+$0x88E0];
	v0 =	vmax.f32 v0, v25;
	v24 =	vmax.f32 v24, v29;
	v29 =	vsel vm1, v56, v57  }
0x25e: {  	v38 =	vld [tilespmem:s9+$0x8910];
	v18 =	vmax.f32 v18, v22;
	v0 =	vmax.f32 v0, v26;
	(xrf1) =	vsort.ascd.msk.f32 $0xffff, v24, v29  }
0x25f: {  	v39 =	vld [tilespmem:s9+$0x8920];
	v0 =	vmax.f32 v0, v17;
	(xrf1) =	vsort.ascd.msk.f32 $0xffff, v18, v7  }
0x260: {  	v50 =	vld [tilespmem:s9+$0x89B0];
	(xrf1) =	vsort.dscd.msk.f32 $0xffff, v0, v8  }
0x261: {  	v52 =	vld [tilespmem:s9+$0x89D0]  }
0x262: {  	v49 =	vld [tilespmem:s9+$0x8960]  }
0x263: {  	v51 =	vld [tilespmem:s9+$0x89C0]  }
0x264: {  	v63 =	vld [tilespmem:s9+$0x8A60]  }
0x265: {  	v42 =	vld [tilespmem:s9+$0x8930]  }
0x266: {  	v23 =	vld [tilespmem:s9+$0x8810]  }
0x267: {  	v21 =	vld [tilespmem:s9+$0x8820]  }
0x268: {  	v22 =	vld [tilespmem:s9+$0x8840]  }
0x269: {  	v45 =	vld [tilespmem:s9+$0x8940]  }
0x26a: {  	v47 =	vld [tilespmem:s9+$0x89A0]  }
0x26b: {  	v48 =	vld [tilespmem:s9+$0x8950]  }
0x26c: {  	v46 =	vld [tilespmem:s9+$0x8970];
	v40, v41, _ =	vpop (xrf1)  }
0x26d: {  	v36 =	vld [tilespmem:s9+$0x88F0];
	v58, v59, _ =	vpop (xrf1)  }
0x26e: {  	v37 =	vld [tilespmem:s9+$0x8900];
	v60, v61, _ =	vpop (xrf1)  }
0x26f: {  	v53 =	vld [tilespmem:s9+$0x89E0];
	vm1 =	vge.f32 v58, v60  }
0x270: {  	v54 =	vld [tilespmem:s9+$0x89F0];
	v43 =	vmax.f32 v58, v60;
	v44 =	vsel vm1, v59, v61  }
0x271: {  	v1 =	vld [tilespmem:s9+$0x8800];
	(xrf1) =	vsort.dscd.msk.f32 $0xffff, v43, v44  }
0x272: {  	v55 =	vld [tilespmem:s9+$0x8A00]  }
0x273: {  	v25 =	vld [tilespmem:s9+$0x8830]  }
0x274: {  	v26 =	vld [tilespmem:s9+$0x8890]  }
0x275: {  	v17 =	vld [tilespmem:s9+$0x8850]  }
0x276: {  	v56 =	vld [tilespmem:s9+$0x8A10]  }
0x277: {  	v57 =	vld [tilespmem:s9+$0x8A20]  }
0x278: {  	v1 =	vmax.f32 v1, v23;
	v23 =	vld [tilespmem:s9+$0x8AA0]  }
0x279: {  	v24 =	vld [tilespmem:s9+$0x8880]  }
0x27a: {  	v29 =	vld [tilespmem:s9+$0x88A0]  }
0x27b: {  	v1 =	vmax.f32 v1, v21;
	v21 =	vld [tilespmem:s9+$0x8AB0]  }
0x27c: {  	v18 =	vld [tilespmem:s9+$0x8860]  }
0x27d: {  	v0 =	vld [tilespmem:s9+$0x8870]  }
0x27e: {  	v1 =	vmax.f32 v1, v25;
	v25 =	vmax.f32 v37, v38;
	v37 =	vld [tilespmem:s9+$0x8AC0]  }
0x27f: {  	v38 =	vld [tilespmem:s9+$0x8D30];
	v61, v62, _ =	vpop (xrf1)  }
0x280: {  	v1 =	vmax.f32 v1, v22;
	v22 =	vmax.f32 v25, v39;
	v25 =	vld [tilespmem:s9+$0x8AD0];
	vm1 =	vge.f32 v40, v61  }
0x281: {  	v39 =	vld [tilespmem:s9+$0x8D40];
	v40 =	vmax.f32 v40, v61;
	v41 =	vsel vm1, v41, v62  }
0x282: {  	v1 =	vmax.f32 v1, v17;
	v17 =	vmax.f32 v22, v42;
	v22 =	vld [tilespmem:s9+$0x8AE0];
	(xrf1) =	vsort.dscd.msk.f32 $0xffff, v40, v41  }
0x283: {  	v42 =	vld [tilespmem:s9+$0x8D60]  }
0x284: {  	v17 =	vmax.f32 v17, v45;
	v45 =	vld [tilespmem:s9+$0x8B50]  }
0x285: {  	v1 =	vmax.f32 v1, v18;
	v18 =	vld [tilespmem:s9+$0x8AF0]  }
0x286: {  	v0 =	vmax.f32 v1, v0;
	v1 =	vmax.f32 v17, v48;
	v17 =	vld [tilespmem:s9+$0x8B00]  }
0x287: {  	v0 =	vmax.f32 v0, v24;
	v24 =	vld [tilespmem:s9+$0x8B10]  }
0x288: {  	v43 =	vld [tilespmem:s9+$0x8980]  }
0x289: {  	v44 =	vld [tilespmem:s9+$0x8990]  }
0x28a: {  	v1 =	vmax.f32 v1, v49;
	v49 =	vld [tilespmem:s9+$0x8B70]  }
0x28b: {  	v0 =	vmax.f32 v0, v26;
	v26 =	vld [tilespmem:s9+$0x8B20]  }
0x28c: {  	v1 =	vmax.f32 v1, v46;
	v46 =	vld [tilespmem:s9+$0x8B60];
	v0 =	vmax.f32 v0, v29  }
0x28d: {  	v29 =	vld [tilespmem:s9+$0x8B30];
	v0 =	vmax.f32 v0, v30;
	v1 =	vmax.f32 v1, v43  }
0x28e: {  	v0 =	vmax.f32 v0, v33;
	v33 =	vld [tilespmem:s9+$0x8C30];
	v1 =	vmax.f32 v1, v44  }
0x28f: {  	v0 =	vmax.f32 v0, v34;
	v17 =	vmax.f32 v17, v24;
	v24 =	vld [tilespmem:s9+$0x8BF0];
	v1 =	vmax.f32 v1, v47  }
0x290: {  	v34 =	vld [tilespmem:s9+$0x8C40];
	v0 =	vmax.f32 v0, v35;
	v1 =	vmax.f32 v1, v50;
	v47, v48, _ =	vpop (xrf1)  }
0x291: {  	v17 =	vmax.f32 v17, v26;
	v26 =	vld [tilespmem:s9+$0x8C00];
	v1 =	vmax.f32 v1, v51;
	vm1 =	vge.f32 v31, v47  }
0x292: {  	v58 =	vld [tilespmem:s9+$0x8A30];
	v1 =	vmax.f32 v1, v52;
	v31 =	vmax.f32 v31, v47;
	v32 =	vsel vm1, v32, v48  }
0x293: {  	v0 =	vmax.f32 v0, v36;
	v59 =	vld [tilespmem:s9+$0x8A40];
	v1 =	vmax.f32 v1, v53;
	(xrf1) =	vsort.ascd.msk.f32 $0xffff, v31, v32  }
0x294: {  	v60 =	vld [tilespmem:s9+$0x8A50];
	v1 =	vmax.f32 v1, v54;
	(xrf1) =	vsort.ascd.msk.f32 $0xffff, v0, v9  }
0x295: {  	v53 =	vmax.f32 v55, v56;
	v61 =	vld [tilespmem:s9+$0x8A70];
	(xrf1) =	vsort.dscd.msk.f32 $0xffff, v1, v10  }
0x296: {  	v62 =	vld [tilespmem:s9+$0x8B40];
	v32 =	vmax.f32 v53, v57  }
0x297: {  	v40 =	vld [tilespmem:s9+$0x8A80];
	v32 =	vmax.f32 v32, v58  }
0x298: {  	v41 =	vld [tilespmem:s9+$0x8A90];
	v32 =	vmax.f32 v32, v59  }
0x299: {  	v35 =	vld [tilespmem:s9+$0x8C50];
	v32 =	vmax.f32 v32, v60  }
0x29a: {  	v17 =	vmax.f32 v17, v29;
	v50 =	vld [tilespmem:s9+$0x8B80];
	v29 =	vmax.f32 v32, v63  }
0x29b: {  	v51 =	vld [tilespmem:s9+$0x8B90];
	v17 =	vmax.f32 v17, v62;
	v29 =	vmax.f32 v29, v61  }
0x29c: {  	v52 =	vld [tilespmem:s9+$0x8BA0];
	v17 =	vmax.f32 v17, v45;
	v29 =	vmax.f32 v29, v40  }
0x29d: {  	v17 =	vmax.f32 v17, v46;
	v0 =	vld [tilespmem:s9+$0x8BB0];
	v29 =	vmax.f32 v29, v41  }
0x29e: {  	v17 =	vmax.f32 v17, v49;
	v1 =	vld [tilespmem:s9+$0x8BC0]  }
0x29f: {  	v54 =	vld [tilespmem:s9+$0x8BD0];
	v17 =	vmax.f32 v17, v50  }
0x2a0: {  	v36 =	vld [tilespmem:s9+$0x8D10];
	v17 =	vmax.f32 v17, v51;
	v23 =	vmax.f32 v29, v23  }
0x2a1: {  	v55 =	vld [tilespmem:s9+$0x8BE0];
	v17 =	vmax.f32 v17, v52;
	v21 =	vmax.f32 v23, v21;
	v30, v29, _ =	vpop (xrf1)  }
0x2a2: {  	v43 =	vld [tilespmem:s9+$0x8C10];
	v0 =	vmax.f32 v17, v0;
	v21 =	vmax.f32 v21, v37;
	v56, v57, _ =	vpop (xrf1)  }
0x2a3: {  	v44 =	vld [tilespmem:s9+$0x8D70];
	v0 =	vmax.f32 v0, v1;
	v21 =	vmax.f32 v21, v25;
	v25, v58, _ =	vpop (xrf1)  }
0x2a4: {  	v45 =	vld [tilespmem:s9+$0x8D80];
	v0 =	vmax.f32 v0, v54;
	vm1 =	vge.f32 v56, v25  }
0x2a5: {  	v46 =	vld [tilespmem:s9+$0x8D90];
	v21 =	vmax.f32 v21, v22;
	v25 =	vmax.f32 v56, v25;
	v59 =	vsel vm1, v57, v58  }
0x2a6: {  	v50 =	vld [tilespmem:s9+$0x8DB0];
	v0 =	vmax.f32 v0, v55;
	v18 =	vmax.f32 v21, v18;
	(xrf1) =	vsort.ascd.msk.f32 $0xffff, v25, v59  }
0x2a7: {  	v47 =	vld [tilespmem:s9+$0x8DA0];
	v0 =	vmax.f32 v0, v24;
	(xrf1) =	vsort.ascd.msk.f32 $0xffff, v18, v11  }
0x2a8: {  	v31 =	vld [tilespmem:s9+$0x8C80];
	(xrf1) =	vsort.dscd.msk.f32 $0xffff, v0, v12  }
0x2a9: {  	v53 =	vld [tilespmem:s9+$0x8DC0]  }
0x2aa: {  	v32 =	vld [tilespmem:s9+$0x8C20]  }
0x2ab: {  	v40 =	vld [tilespmem:s9+$0x8C60]  }
0x2ac: {  	v17 =	vld [tilespmem:s9+$0x8C90]  }
0x2ad: {  	v1 =	vld [tilespmem:s9+$0x8CA0]  }
0x2ae: {  	v41 =	vld [tilespmem:s9+$0x8D50]  }
0x2af: {  	v54 =	vld [tilespmem:s9+$0x8DE0]  }
0x2b0: {  	v23 =	vld [tilespmem:s9+$0x8C70]  }
0x2b1: {  	v26 =	vmax.f32 v26, v43;
	v55 =	vld [tilespmem:s9+$0x8F40]  }
0x2b2: {  	v26 =	vmax.f32 v26, v32;
	v24 =	vld [tilespmem:s9+$0x8CD0]  }
0x2b3: {  	v37 =	vld [tilespmem:s9+$0x8D20];
	v26 =	vmax.f32 v26, v33  }
0x2b4: {  	v26 =	vmax.f32 v26, v34;
	v22 =	vld [tilespmem:s9+$0x8CB0];
	v48, v49, _ =	vpop (xrf1)  }
0x2b5: {  	v26 =	vmax.f32 v26, v35;
	v25 =	vld [tilespmem:s9+$0x8D00];
	v60, v61, _ =	vpop (xrf1)  }
0x2b6: {  	v21 =	vld [tilespmem:s9+$0x8CC0];
	v26 =	vmax.f32 v26, v40;
	v62, v63, _ =	vpop (xrf1)  }
0x2b7: {  	v23 =	vmax.f32 v26, v23;
	v26 =	vld [tilespmem:s9+$0x8E70];
	vm1 =	vge.f32 v60, v62  }
0x2b8: {  	v23 =	vmax.f32 v23, v31;
	v56 =	vld [tilespmem:s9+$0x8DD0];
	v51 =	vmax.f32 v60, v62;
	v52 =	vsel vm1, v61, v63  }
0x2b9: {  	v17 =	vmax.f32 v23, v17;
	v57 =	vld [tilespmem:s9+$0x8E10];
	(xrf1) =	vsort.dscd.msk.f32 $0xffff, v51, v52  }
0x2ba: {  	v1 =	vmax.f32 v17, v1;
	v58 =	vld [tilespmem:s9+$0x8E20];
	v25 =	vmax.f32 v25, v36  }
0x2bb: {  	v1 =	vmax.f32 v1, v22;
	v22 =	vld [tilespmem:s9+$0x8EB0];
	v25 =	vmax.f32 v25, v37  }
0x2bc: {  	v18 =	vld [tilespmem:s9+$0x8CE0];
	v25 =	vmax.f32 v25, v38  }
0x2bd: {  	v59 =	vld [tilespmem:s9+$0x8E30];
	v25 =	vmax.f32 v25, v39  }
0x2be: {  	v1 =	vmax.f32 v1, v21;
	v21 =	vld [tilespmem:s9+$0x8EC0];
	v25 =	vmax.f32 v25, v41  }
0x2bf: {  	v1 =	vmax.f32 v1, v24;
	v24 =	vld [tilespmem:s9+$0x8ED0];
	v25 =	vmax.f32 v25, v42  }
0x2c0: {  	v0 =	vld [tilespmem:s9+$0x8CF0];
	v23 =	vmax.f32 v25, v44  }
0x2c1: {  	v1 =	vmax.f32 v1, v18;
	v18 =	vld [tilespmem:s9+$0x8EE0];
	v17 =	vmax.f32 v23, v45  }
0x2c2: {  	v25 =	vld [tilespmem:s9+$0x8E90];
	v17 =	vmax.f32 v17, v46  }
0x2c3: {  	v23 =	vld [tilespmem:s9+$0x8EA0];
	v17 =	vmax.f32 v17, v47  }
0x2c4: {  	v17 =	vmax.f32 v17, v50;
	v50 =	vld [tilespmem:s9+$0x8EF0]  }
0x2c5: {  	v17 =	vmax.f32 v17, v53;
	v53 =	vld [tilespmem:s9+$0x8F10]  }
0x2c6: {  	v51 =	vld [tilespmem:s9+$0x8DF0]  }
0x2c7: {  	v60 =	vld [tilespmem:s9+$0x8E40];
	v46, v47, _ =	vpop (xrf1)  }
0x2c8: {  	v52 =	vld [tilespmem:s9+$0x8E00];
	vm1 =	vge.f32 v48, v46  }
0x2c9: {  	v62 =	vld [tilespmem:s9+$0x8E60];
	v17 =	vmax.f32 v17, v56;
	v37 =	vmax.f32 v48, v46;
	v38 =	vsel vm1, v49, v47  }
0x2ca: {  	v0 =	vmax.f32 v1, v0;
	v61 =	vld [tilespmem:s9+$0x8E50];
	v1 =	vmax.f32 v17, v54;
	(xrf1) =	vsort.ascd.msk.f32 $0xffff, v37, v38  }
0x2cb: {  	v17 =	vld [tilespmem:s9+$0x8F00];
	v1 =	vmax.f32 v1, v51;
	(xrf1) =	vsort.ascd.msk.f32 $0xffff, v0, v13  }
0x2cc: {  	v0 =	vld [tilespmem:s9+$0x8F20];
	(xrf1) =	vsort.dscd.msk.f32 $0xffff, v1, v14  }
0x2cd: {  	v54 =	vmax.f32 v52, v57;
	v1 =	vld [tilespmem:s9+$0x8F30]  }
0x2ce: {  	v56 =	vld [tilespmem:s9+$0x8F50];
	v32 =	vmax.f32 v54, v58  }
0x2cf: {  	v63 =	vld [tilespmem:s9+$0x8E80];
	v32 =	vmax.f32 v32, v59  }
0x2d0: {  	v17 =	vmax.f32 v17, v53;
	v57 =	vld [tilespmem:s9+$0x8F60];
	v32 =	vmax.f32 v32, v60  }
0x2d1: {  	v32 =	vmax.f32 v32, v61;
	v0 =	vmax.f32 v17, v0;
	v17 =	vld [tilespmem:s9+$0x8F70]  }
0x2d2: {  	v32 =	vmax.f32 v32, v62;
	v0 =	vmax.f32 v0, v1;
	v1 =	vld [tilespmem:s9+$0x8F80]  }
0x2d3: {  	v58 =	vld [tilespmem:s9+$0x8F90];
	v26 =	vmax.f32 v32, v26;
	v0 =	vmax.f32 v0, v55  }
0x2d4: {  	v59 =	vld [tilespmem:s9+$0x8FA0];
	v26 =	vmax.f32 v26, v63;
	v0 =	vmax.f32 v0, v56  }
0x2d5: {  	v60 =	vld [tilespmem:s9+$0x8FB0];
	v25 =	vmax.f32 v26, v25;
	v0 =	vmax.f32 v0, v57  }
0x2d6: {  	v0 =	vmax.f32 v0, v17;
	v17 =	vld [tilespmem:s9+$0x8FC0]  }
0x2d7: {  	v23 =	vmax.f32 v25, v23;
	v0 =	vmax.f32 v0, v1;
	v1 =	vld [tilespmem:s9+$0x8FD0]  }
0x2d8: {  	v22 =	vmax.f32 v23, v22;
	v23 =	vld [tilespmem:s9+$0x8FE0];
	v0 =	vmax.f32 v0, v58;
	v25, v26, _ =	vpop (xrf1)  }
0x2d9: {  	v21 =	vmax.f32 v22, v21;
	v22 =	vld [tilespmem:s9+$0x8FF0];
	v0 =	vmax.f32 v0, v59;
	v62, v61, _ =	vpop (xrf1)  }
0x2da: {  	v21 =	vmax.f32 v21, v24;
	v0 =	vmax.f32 v0, v60;
	v24, v63, _ =	vpop (xrf1)  }
0x2db: {  	v18 =	vmax.f32 v21, v18;
	v0 =	vmax.f32 v0, v17;
	vm1 =	vge.f32 v62, v24  }
0x2dc: {  	v0 =	vmax.f32 v0, v1;
	v1 =	vmax.f32 v62, v24;
	v17 =	vsel vm1, v61, v63  }
0x2dd: {  	v18 =	vmax.f32 v18, v50;
	v0 =	vmax.f32 v0, v23;
	(xrf1) =	vsort.ascd.msk.f32 $0xffff, v1, v17  }
0x2de: {  	v0 =	vmax.f32 v0, v22;
	(xrf1) =	vsort.ascd.msk.f32 $0xffff, v18, v15  }
0x2df: {  	(xrf1) =	vsort.dscd.msk.f32 $0xffff, v0, v16;
	_ =	sdelay $0xb  }
0x2e0: {  	v0, v1, _ =	vpop (xrf1)  }
0x2e1: {  	v17, v18, _ =	vpop (xrf1)  }
0x2e2: {  	v21, v22, _ =	vpop (xrf1)  }
0x2e3: {  	vm1 =	vge.f32 v17, v21  }
0x2e4: {  	v17 =	vmax.f32 v17, v21;
	v18 =	vsel vm1, v18, v22  }
0x2e5: {  	(xrf1) =	vsort.dscd.msk.f32 $0xffff, v17, v18;
	_ =	sdelay $0xd  }
0x2e6: {  	v17, v18, _ =	vpop (xrf1)  }
0x2e7: {  	vm1 =	vge.f32 v0, v17  }
0x2e8: {  	v0 =	vmax.f32 v0, v17;
	v1 =	vsel vm1, v1, v18  }
0x2e9: {  	(xrf1) =	vsort.dscd.msk.f32 $0xffff, v0, v1;
	_ =	sdelay $0xd  }
0x2ea: {  	v0, v1, _ =	vpop (xrf1)  }
0x2eb: {  	vm1 =	vge.f32 v25, v0  }
0x2ec: {  	v0 =	vmax.f32 v25, v0;
	v1 =	vsel vm1, v26, v1  }
0x2ed: {  	(xrf1) =	vsort.dscd.msk.f32 $0xffff, v0, v1;
	_ =	sdelay $0xd  }
0x2ee: {  	v0, v1, _ =	vpop (xrf1)  }
0x2ef: {  	vm1 =	vge.f32 v30, v0  }
0x2f0: {  	v0 =	vmax.f32 v30, v0;
	v1 =	vsel vm1, v29, v1  }
0x2f1: {  	(xrf1) =	vsort.dscd.msk.f32 $0xffff, v0, v1;
	_ =	sdelay $0xd  }
0x2f2: {  	v17 =	vimm.s32 $0x1;
	_, v0, _ =	vpop (xrf1)  }
0x2f3: {  	v24 =	vimm.s32 $0x0;
	v1 =	vperm.xlane v0, v17  }
0x2f4: {  	v17 =	vperm.xlane v0, v24  }
0x2f5: {  	v18 =	vshll.u32 v1, $0x4  }
0x2f6: {  	v22 =	vor.u32 s9, v19;
	v21 =	vshll.u32 v17, $0x4;
	v18 =	vand.u32 $0xFFFFFF00, v18  }
0x2f7: {  	v21 =	vand.u32 $0xFFFFFF00, v21;
	v18 =	vadd.s32 v18, v22  }
0x2f8: {  	v1 =	vand.u32 $0xF, v1;
	v21 =	vadd.s32 v21, v22;
	v18 =	vand.u32 $0xFFFFFF80, v18  }
0x2f9: {  	v17 =	vand.u32 $0xF, v17;
	v21 =	vand.u32 $0xFFFFFF80, v21;
	v1 =	vor.u32 v18, v1  }
0x2fa: {  	v17 =	vor.u32 v21, v17;
	v1 =	vor.u32 v20, v1  }
0x2fb: {  	v17 =	vor.u32 v20, v17;
	_ =	sdelay $0x3  }
0x2fc: {  	v1 =	vld.idx.msk [tilespmem:v1+s1+$0x0], $0xffff  }
0x2fd: {  	v17 =	vld.idx.msk [tilespmem:v17+s1+$0x0], $0xffff;
	_ =	sdelay $0x3  }
0x2fe: {  	v1 =	vsub.f32 $0.0e+00, v1  }
0x2ff: {  	(xrf1) =	vsort.ascd.msk.f32 $0xffff, v17, v17  }
0x300: {  	v25 =	vimm.s32 $0x3;
	(xrf1) =	vsort.ascd.msk.f32 $0xffff, v1, v1  }
0x301: {  	v24 =	vimm.s32 $0x2;
	v1 =	vperm.xlane v0, v25  }
0x302: {  	v17 =	vperm.xlane v0, v24  }
0x303: {  	v18 =	vshll.u32 v1, $0x4  }
0x304: {  	v21 =	vshll.u32 v17, $0x4;
	v18 =	vand.u32 $0xFFFFFF00, v18  }
0x305: {  	v21 =	vand.u32 $0xFFFFFF00, v21;
	v18 =	vadd.s32 v18, v22  }
0x306: {  	v21 =	vadd.s32 v21, v22;
	v1 =	vand.u32 $0xF, v1;
	v18 =	vand.u32 $0xFFFFFF80, v18  }
0x307: {  	v17 =	vand.u32 $0xF, v17;
	v21 =	vand.u32 $0xFFFFFF80, v21;
	v1 =	vor.u32 v18, v1  }
0x308: {  	v17 =	vor.u32 v21, v17;
	v1 =	vor.u32 v20, v1  }
0x309: {  	v17 =	vor.u32 v20, v17;
	_ =	sdelay $0x3  }
0x30a: {  	v1 =	vld.idx.msk [tilespmem:v1+s1+$0x0], $0xffff;
	v18, _, _ =	vpop (xrf1)  }
0x30b: {  	v17 =	vld.idx.msk [tilespmem:v17+s1+$0x0], $0xffff;
	v21, _, _ =	vpop (xrf1)  }
0x30c: {  	v21 =	vsub.f32 $0.0e+00, v21;
	_ =	sdelay $0x1  }
0x30d: {  	v18 =	vmax.f32 v18, v21  }
0x30e: {  	v1 =	vsub.f32 $0.0e+00, v1;
	(xrf1) =	vsort.ascd.msk.f32 $0xffff, v18, v18  }
0x30f: {  	(xrf1) =	vsort.ascd.msk.f32 $0xffff, v17, v17  }
0x310: {  	(xrf1) =	vsort.ascd.msk.f32 $0xffff, v1, v1;
	_ =	sdelay $0xb  }
0x311: {  	v1, _, _ =	vpop (xrf1)  }
0x312: {  	v17, _, _ =	vpop (xrf1)  }
0x313: {  	v18, _, _ =	vpop (xrf1)  }
0x314: {  	v18 =	vsub.f32 $0.0e+00, v18;
	_ =	sdelay $0x1  }
0x315: {  	v17 =	vmax.f32 v17, v18  }
0x316: {  	v17 =	vsub.f32 $0.0e+00, v17;
	_ =	sdelay $0x1  }
0x317: {  	v24 =	vimm.s32 $0x5;
	(xrf1) =	vsort.ascd.msk.f32 $0xffff, v17, v17  }
0x318: {  	v23 =	vimm.s32 $0x4;
	v17 =	vperm.xlane v0, v24  }
0x319: {  	v18 =	vperm.xlane v0, v23  }
0x31a: {  	v21 =	vshll.u32 v17, $0x4  }
0x31b: {  	v23 =	vshll.u32 v18, $0x4;
	v21 =	vand.u32 $0xFFFFFF00, v21  }
0x31c: {  	v23 =	vand.u32 $0xFFFFFF00, v23;
	v21 =	vadd.s32 v21, v22  }
0x31d: {  	v23 =	vadd.s32 v23, v22;
	v17 =	vand.u32 $0xF, v17;
	v21 =	vand.u32 $0xFFFFFF80, v21  }
0x31e: {  	v18 =	vand.u32 $0xF, v18;
	v23 =	vand.u32 $0xFFFFFF80, v23;
	v17 =	vor.u32 v21, v17  }
0x31f: {  	v18 =	vor.u32 v23, v18;
	v17 =	vor.u32 v20, v17  }
0x320: {  	v18 =	vor.u32 v20, v18;
	_ =	sdelay $0x3  }
0x321: {  	v17 =	vld.idx.msk [tilespmem:v17+s1+$0x0], $0xffff  }
0x322: {  	v18 =	vld.idx.msk [tilespmem:v18+s1+$0x0], $0xffff;
	v21, _, _ =	vpop (xrf1)  }
0x323: {  	v21 =	vsub.f32 $0.0e+00, v21;
	_ =	sdelay $0x1  }
0x324: {  	v1 =	vmax.f32 v1, v21  }
0x325: {  	(xrf1) =	vsort.ascd.msk.f32 $0xffff, v1, v1;
	v1 =	vsub.f32 $0.0e+00, v17  }
0x326: {  	(xrf1) =	vsort.ascd.msk.f32 $0xffff, v18, v18  }
0x327: {  	v24 =	vimm.s32 $0x7;
	(xrf1) =	vsort.ascd.msk.f32 $0xffff, v1, v1  }
0x328: {  	v23 =	vimm.s32 $0x6;
	v1 =	vperm.xlane v0, v24  }
0x329: {  	v0 =	vperm.xlane v0, v23  }
0x32a: {  	v17 =	vshll.u32 v1, $0x4  }
0x32b: {  	v18 =	vshll.u32 v0, $0x4;
	v17 =	vand.u32 $0xFFFFFF00, v17  }
0x32c: {  	v18 =	vand.u32 $0xFFFFFF00, v18;
	v17 =	vadd.s32 v17, v22  }
0x32d: {  	v1 =	vand.u32 $0xF, v1;
	v18 =	vadd.s32 v18, v22;
	v17 =	vand.u32 $0xFFFFFF80, v17  }
0x32e: {  	v0 =	vand.u32 $0xF, v0;
	v18 =	vand.u32 $0xFFFFFF80, v18;
	v1 =	vor.u32 v17, v1  }
0x32f: {  	v0 =	vor.u32 v18, v0;
	v1 =	vor.u32 v20, v1  }
0x330: {  	v0 =	vor.u32 v20, v0;
	_ =	sdelay $0x2  }
0x331: {  	v17, _, _ =	vpop (xrf1)  }
0x332: {  	v1 =	vld.idx.msk [tilespmem:v1+s1+$0x0], $0xffff;
	v18, _, _ =	vpop (xrf1)  }
0x333: {  	v0 =	vld.idx.msk [tilespmem:v0+s1+$0x0], $0xffff;
	v21, _, _ =	vpop (xrf1)  }
0x334: {  	v21 =	vsub.f32 $0.0e+00, v21;
	_ =	sdelay $0x1  }
0x335: {  	v18 =	vmax.f32 v18, v21  }
0x336: {  	v1 =	vsub.f32 $0.0e+00, v1;
	(xrf1) =	vsort.ascd.msk.f32 $0xffff, v18, v18  }
0x337: {  	(xrf1) =	vsort.ascd.msk.f32 $0xffff, v0, v0  }
0x338: {  	(xrf1) =	vsort.ascd.msk.f32 $0xffff, v1, v1;
	_ =	sdelay $0xb  }
0x339: {  	v0, _, _ =	vpop (xrf1)  }
0x33a: {  	v1, _, _ =	vpop (xrf1)  }
0x33b: {  	v18, _, _ =	vpop (xrf1)  }
0x33c: {  	v18 =	vsub.f32 $0.0e+00, v18;
	_ =	sdelay $0x1  }
0x33d: {  	v1 =	vmax.f32 v1, v18  }
0x33e: {  	v1 =	vsub.f32 $0.0e+00, v1;
	_ =	sdelay $0x1  }
0x33f: {  	(xrf1) =	vsort.ascd.msk.f32 $0xffff, v1, v1;
	_ =	sdelay $0xd  }
0x340: {  	v1, _, _ =	vpop (xrf1)  }
0x341: {  	v1 =	vsub.f32 $0.0e+00, v1;
	_ =	sdelay $0x1  }
0x342: {  	v0 =	vmax.f32 v0, v1  }
0x343: {  	v0 =	vsub.f32 $0.0e+00, v0;
	_ =	sdelay $0x1  }
0x344: {  	(xrf1) =	vsort.ascd.msk.f32 $0xffff, v0, v0;
	_ =	sdelay $0xd  }
0x345: {  	v0, _, _ =	vpop (xrf1)  }
0x346: {  	v0 =	vsub.f32 $0.0e+00, v0;
	_ =	sdelay $0x1  }
0x347: {  	v0 =	vmax.f32 v17, v0  }
0x348: {  	v0 =	vsub.f32 $0.0e+00, v0;
	_ =	sdelay $0x1  }
0x349: {  	(xrf1) =	vsort.ascd.msk.f32 $0xffff, v0, v0;
	_ =	sdelay $0xd  }
0x34a: {  	v0, _, _ =	vpop (xrf1)  }
0x34b: {  	v0 =	vsub.f32 $0.0e+00, v0;
	_ =	sdelay $0x1  }
0x34c: {  	v0 =	vsub.f32 v0, v28  }
0x34d: {  	p0 =	sne.s32 s8, $0x7  }
.Ltmp1:
0x34e: {  	v0 =	vadd.f32 $2.000000030e-01, v0;
	(pc) =	sbr.rel @p0 .LBB2_5-.Ltmp1, $4  }
0x34f: {  	_ = 	snop  }
0x350: {  	v0 =	vmax.f32 v0, $0.0e+00  }
0x351: {  	v0 =	vnsel vm0, $0x0, v0  }
0x352: {  	s8 =	sadd.s32 $0x1, s8;
	v1 =	vimm.f32 $-Inf;
	v27 =	vadd.f32 v0, v27  }
0x353: {  	s21 =	sadd.s32 $0x1, s21  }
0x354: {  	p0 =	sne.s32 s21, $0x8  }
.Ltmp2:
0x355: {  	_ = 	snop;
	(pc) =	sbr.rel @p0 .LBB2_2-.Ltmp2, $1  }
0x356: {  	_ =	sdelay $0x3  }
0x357: {  	_ =	swait.ge [sflag:s19], $0x1000  }
0x358: {  	[sflag:s19] =	ssyncset.done $0x0  }
0x359: {  	[sflag:s19] =	ssyncadd.s32 $0xFFFFF000  }
0x35a: {  	_ =	swait.ge [sflag:s19], $0x1000  }
0x35b: {  	[sflag:s19] =	ssyncset.done $0x0  }
0x35c: {  	[sflag:s19] =	ssyncadd.s32 $0xFFFFF000  }
0x35d: {  	_ =	swait.ge [sflag:s19], $0x1000  }
0x35e: {  	[sflag:s19] =	ssyncset.done $0x0  }
0x35f: {  	[sflag:s19] =	ssyncadd.s32 $0xFFFFF000  }
0x360: {  	_ =	swait.ge [sflag:s19], $0x1000  }
0x361: {  	[sflag:s19] =	ssyncset.done $0x0  }
0x362: {  	[sflag:s19] =	ssyncadd.s32 $0xFFFFF000  }
0x363: {  	_ =	swait.ge [sflag:s19], $0x1000  }
0x364: {  	[sflag:s19] =	ssyncset.done $0x0  }
0x365: {  	[sflag:s19] =	ssyncadd.s32 $0xFFFFF000  }
0x366: {  	_ =	swait.ge [sflag:s19], $0x1000  }
0x367: {  	[sflag:s19] =	ssyncset.done $0x0  }
0x368: {  	[sflag:s19] =	ssyncadd.s32 $0xFFFFF000  }
0x369: {  	_ =	swait.ge [sflag:s19], $0x1000  }
0x36a: {  	[sflag:s19] =	ssyncset.done $0x0  }
0x36b: {  	[sflag:s19] =	ssyncadd.s32 $0xFFFFF000  }
0x36c: {  	_ =	swait.ge [sflag:s19], $0x1000  }
0x36d: {  	[sflag:s19] =	ssyncset.done $0x0  }
0x36e: {  	[sflag:s19] =	ssyncadd.s32 $0xFFFFF000  }
0x36f: {  	s8 =	simm.s32 $0x10000;
	s14 =	simm.s32 $0x3;
	s7 =	rddreg [dreg:$0xb];
	[tilespmem:$0x10000] =	vst v27  }
0x370: {  	[hbm4b:s7+s3] =	stream.linear.scatter [tilespmem:s8], [sflag:$0x3], $0x80, $0x38;
	[tilespmem:$0x10080] =	vst v63  }
0x371: {  	_ =	swait.ge [sflag:s14], $0x80  }
0x372: {  	s9 =	rddreg [dreg:$0xd]  }
0x373: {  	s21 =	rddreg [dreg:$0xc];
	s9 =	sadd.s32 $0x1, s9  }
0x374: {  	p0 =	sne.s32 s9, s21  }
.Ltmp3:
0x375: {  	_ = 	snop;
	(pc) =	sbr.rel @p0 .LBB2_1-.Ltmp3, $3  }
0x376: {  	_ =	sdelay $0x1  }
0x377: {  	[sflag:s14] =	ssyncset.done $0x0  }
0x378: {  	[sflag:s14] =	ssyncadd.s32 $0xFFFFFF80  }
0x379: {  	_ =	sfence.sel $0x180000  }
0x37a: {  	[bflag:$0x0] =	sbarrier.arrive $0xFFFF  }
0x37b: {  	_ =	strace $0x90000047  }
0x37c: {  	s0 =	stileid.u32;
	[bflag:$0x2] =	sbarrier.arrive $0xFFFF  }
0x37d: {  	p0 =	sne.s32 s0, $0x0;
	s0 =	rddreg [dreg:$0x2]  }
0x37e: {  	s0 =	sadd.s32 @!p0 $0x100000, s0  }
0x37f: {  	[sflag:s0] =	ssyncadd.tile.s32 @!p0 $0x1;
	_ =	shalt  }
.Lfunc_end2:
_tile_overlayer_lowered:
.L_overlay_start_2:
0x380: {  	(tag) =	ssettag $0x2  }
0x381: {  	s0 =	rddreg [dreg:$0x0];
	s2 =	stileid.u32  }
0x382: {  	s1 =	rddreg [dreg:$0x1];
	p0 =	sne.s32 s2, $0x0  }
0x383: {  	s3 =	rddreg [dreg:$0x2];
	[bflag:$0x3] =	sbarrier.arrive $0xFFFF;
	s2 =	simm.s32 @!p0 $0x1C03  }
0x384: {  	[timem:s3], [sflag:s2] =	dma.local @!p0 [hbm:s0], s1  }
0x385: {  	s0 =	simm.s32 @!p0 $0x3  }
0x386: {  	_ =	swait.ge @!p0 [sflag:s0], s1  }
0x387: {  	s1 =	ssub.s32 @!p0 $0x0, s1;
	[sflag:s0] =	ssyncset.done @!p0 $0x0  }
0x388: {  	[sflag:s0] =	ssyncadd.s32 @!p0 s1  }
0x389: {  	[bflag:$0x3] =	sbarrier.arrive $0xFFFF  }
0x38a: {  	_ =	shalt  }

</sc_bundles>
